<compile_context>
chip_gen: v7x
topology: tpu7x:2x2x1
jax: 0.10.2.dev20260603
libtpu: 0.0.44.dev20260713+nightly
codegen_flags: <defaults>
</compile_context>

<pallas_src>
import functools
import math

import jax
import jax.numpy as jnp
from jax import lax
from jax.experimental import pallas as pl
from jax.experimental.pallas import tpu as pltpu
from jax.experimental.pallas import tpu_sc as plsc

G = 16
S = 40
NPS = 40
N = G * S * NPS
D = 128
DH = D // 2
E = 409600
ON = G * NPS
EO = 10240
GS = G * S

NTILES = 16
EPT = E // NTILES
CH = 128
NCH = EPT // CH
ZROWS = N // NTILES


DQ = D // 4


def _sc_segsum(x4, src_r, dst_r, zrows):
    mesh = plsc.VectorSubcoreMesh(core_axis_name="c", subcore_axis_name="s")

    @functools.partial(
        pl.kernel,
        out_type=jax.ShapeDtypeStruct((N, D), jnp.float32),
        mesh=mesh,
        scratch_types=[
            pltpu.VMEM((NCH, CH), jnp.int32),
            pltpu.VMEM((NCH, CH), jnp.int32),
            pltpu.VMEM((CH, DQ), jnp.float32),
            pltpu.VMEM((CH, DQ), jnp.float32),
            pltpu.VMEM((CH, DQ), jnp.float32),
            pltpu.VMEM((CH, DQ), jnp.float32),
            pltpu.VMEM_SHARED((N, DQ), jnp.float32),
        ] + [pltpu.SemaphoreType.DMA] * 8,
        compiler_params=pltpu.CompilerParams(use_tc_tiling_on_sc=False),
    )
    def segsum(x4_hbm, src_hbm, dst_hbm, z_hbm, out_hbm,
               srcv, dstv, r0, r1, r2, r3,
               acc, g0, g1, g2, g3, s0, s1, s2, s3):
        bufs = (r0, r1, r2, r3)
        gsems = (g0, g1, g2, g3)
        ssems = (s0, s1, s2, s3)
        c = lax.axis_index("c")
        s = lax.axis_index("s")

        pltpu.sync_copy(src_hbm.at[s], srcv)
        pltpu.sync_copy(dst_hbm.at[s], dstv)

        @pl.loop(0, NCH)
        def _(j):
            @pl.loop(0, CH, step=16)
            def _(k):
                v = srcv[j, pl.ds(k, 16)]
                srcv[j, pl.ds(k, 16)] = v * 4 + 2 * c

        for p in range(2):
            pltpu.sync_copy(z_hbm, acc.at[pl.ds(s * ZROWS, ZROWS)])
            plsc.subcore_barrier()

            for b in range(4):
                pltpu.async_copy(x4_hbm.at[srcv.at[b]], bufs[b], gsems[b])

            @pl.loop(0, NCH, step=4)
            def _(j):
                cps = []
                for b in range(4):
                    pltpu.make_async_copy(
                        x4_hbm.at[srcv.at[j + b]], bufs[b], gsems[b]).wait()
                    cps.append(pltpu.async_copy(
                        bufs[b], acc.at[dstv.at[j + b]], ssems[b], add=True))
                for b in range(4):
                    cps[b].wait()

                    @pl.when(j + b + 4 < NCH)
                    def _(b=b):
                        pltpu.async_copy(x4_hbm.at[srcv.at[j + b + 4]],
                                         bufs[b], gsems[b])

            plsc.subcore_barrier()
            pltpu.sync_copy(
                acc.at[pl.ds(s * ZROWS, ZROWS)],
                out_hbm.at[pl.ds(s * ZROWS, ZROWS),
                           pl.ds((2 * c + p) * DQ, DQ)])

            if p == 0:
                plsc.subcore_barrier()

                @pl.loop(0, NCH)
                def _(j):
                    @pl.loop(0, CH, step=16)
                    def _(k):
                        srcv[j, pl.ds(k, 16)] = srcv[j, pl.ds(k, 16)] + 1

    return segsum(x4, src_r, dst_r, zrows)


GPB = 4
BR = GPB * S * NPS
NB = G // GPB


def _adj_kernel(s_ref, d_ref, adj_ref):
    i = pl.program_id(0)

    @pl.when(i == 0)
    def _():
        adj_ref[...] = jnp.zeros_like(adj_ref)

    cols = lax.broadcasted_iota(jnp.int32, (EO // 8, ON), 1)
    oh_s = (s_ref[0, 0, :][:, None] == cols).astype(jnp.bfloat16)
    oh_d = (d_ref[0, 0, :][:, None] == cols).astype(jnp.bfloat16)
    adj_ref[...] += lax.dot_general(
        oh_d, oh_s, (((0,), (0,)), ((), ())),
        preferred_element_type=jnp.float32)


def _build_adj(oe):
    src = oe[0].reshape(8, 1, EO // 8)
    dst = oe[1].reshape(8, 1, EO // 8)
    return pl.pallas_call(
        _adj_kernel,
        grid=(8,),
        in_specs=[
            pl.BlockSpec((1, 1, EO // 8), lambda i: (i, 0, 0)),
            pl.BlockSpec((1, 1, EO // 8), lambda i: (i, 0, 0)),
        ],
        out_specs=pl.BlockSpec((ON, ON), lambda i: (0, 0)),
        out_shape=jax.ShapeDtypeStruct((ON, ON), jnp.float32),
    )(src, dst)


def _xws_kernel(x_ref, w_ref, xw_ref, gsum_ref):
    xb = x_ref[...]
    xw_ref[...] = jnp.dot(xb, w_ref[...], preferred_element_type=jnp.float32)
    gsum_ref[...] = xb.reshape(GPB * S, NPS, D).sum(axis=1)


def _xws(x, w):
    return pl.pallas_call(
        _xws_kernel,
        grid=(NB,),
        in_specs=[
            pl.BlockSpec((BR, D), lambda g: (g, 0)),
            pl.BlockSpec((D, D), lambda g: (0, 0)),
        ],
        out_specs=[
            pl.BlockSpec((BR, D), lambda g: (g, 0)),
            pl.BlockSpec((GPB * S, D), lambda g: (g, 0)),
        ],
        out_shape=[
            jax.ShapeDtypeStruct((N, D), jnp.float32),
            jax.ShapeDtypeStruct((GS, D), jnp.float32),
        ],
    )(x, w)


def _t1_kernel(xw_ref, agg_ref, wn_ref, b_ref, t1_ref, ssum_ref, ssq_ref):
    g = pl.program_id(0)
    t1 = (xw_ref[...] + b_ref[...]
          + jnp.dot(agg_ref[...], wn_ref[...],
                    preferred_element_type=jnp.float32))
    t1_ref[...] = t1

    @pl.when(g == 0)
    def _():
        ssum_ref[...] = jnp.zeros_like(ssum_ref)
        ssq_ref[...] = jnp.zeros_like(ssq_ref)

    ssum_ref[...] += jnp.sum(t1, axis=0, keepdims=True)
    ssq_ref[...] += jnp.sum(t1 * t1, axis=0, keepdims=True)


def _t1(xw, agg, wn, b):
    return pl.pallas_call(
        _t1_kernel,
        grid=(NB,),
        in_specs=[
            pl.BlockSpec((BR, D), lambda g: (g, 0)),
            pl.BlockSpec((BR, D), lambda g: (g, 0)),
            pl.BlockSpec((D, D), lambda g: (0, 0)),
            pl.BlockSpec((1, D), lambda g: (0, 0)),
        ],
        out_specs=[
            pl.BlockSpec((BR, D), lambda g: (g, 0)),
            pl.BlockSpec((1, D), lambda g: (0, 0)),
            pl.BlockSpec((1, D), lambda g: (0, 0)),
        ],
        out_shape=[
            jax.ShapeDtypeStruct((N, D), jnp.float32),
            jax.ShapeDtypeStruct((1, D), jnp.float32),
            jax.ShapeDtypeStruct((1, D), jnp.float32),
        ],
    )(xw, agg, wn, b.reshape(1, D))


def _atten_kernel(gsum_ref, x_ref, adj_ref, wq_ref, wk_ref, bq_ref, bk_ref,
                  sws_ref, swn_ref, sb_ref, g2_ref, b2_ref,
                  h2_ref, heat_ref):
    gsf = gsum_ref[...] * (1.0 / NPS)
    q = jnp.dot(gsf, wq_ref[...], preferred_element_type=jnp.float32) + bq_ref[...]
    k = jnp.dot(gsf, wk_ref[...], preferred_element_type=jnp.float32) + bk_ref[...]
    scale = 1.0 / math.sqrt(float(D))
    qk = lax.dot_general(q, k, (((1,), (1,)), ((), ())),
                         preferred_element_type=jnp.float32)
    xa_parts = []
    for g in range(G):
        sc = lax.slice(qk, (g * S, g * S), ((g + 1) * S, (g + 1) * S)) * scale
        m = jnp.max(sc, axis=-1, keepdims=True)
        ex = jnp.exp(sc - m)
        a = ex / jnp.sum(ex, axis=-1, keepdims=True)
        if g == G - 1:
            heat_ref[...] = a
        xg = x_ref[pl.ds(g * S * NPS, S * NPS), :].reshape(S, NPS, D)
        xa_parts.append(jnp.sum(a[:, :, None] * xg, axis=0))
    xa = jnp.concatenate(xa_parts, axis=0)
    aggo = jnp.dot(adj_ref[...].astype(jnp.float32), xa,
                   preferred_element_type=jnp.float32)
    pre = (jnp.dot(xa, sws_ref[...], preferred_element_type=jnp.float32)
           + jnp.dot(aggo, swn_ref[...], preferred_element_type=jnp.float32)
           + sb_ref[...])
    mu = jnp.mean(pre, axis=0, keepdims=True)
    var = jnp.mean((pre - mu) * (pre - mu), axis=0, keepdims=True)
    h2_ref[...] = ((pre - mu) * lax.rsqrt(var + 1e-5) * g2_ref[...]
                   + b2_ref[...])


def _atten(gsum, x, adj, wq, wk, bq, bk, sws, swn, sb, g2, b2):
    full = lambda shape: pl.BlockSpec(shape, lambda: tuple(0 for _ in shape))
    return pl.pallas_call(
        _atten_kernel,
        in_specs=[
            full((GS, D)), full((N, D)), full((ON, ON)),
            full((D, D)), full((D, D)), full((1, D)), full((1, D)),
            full((D, D)), full((D, D)), full((1, D)),
            full((1, D)), full((1, D)),
        ],
        out_specs=[full((ON, D)), full((S, S))],
        out_shape=[
            jax.ShapeDtypeStruct((ON, D), jnp.float32),
            jax.ShapeDtypeStruct((S, S), jnp.float32),
        ],
    )(gsum, x, adj, wq, wk, bq.reshape(1, D), bk.reshape(1, D),
      sws, swn, sb.reshape(1, D), g2.reshape(1, D), b2.reshape(1, D))


def _combine_kernel(t1_ref, ssum_ref, ssq_ref, g_ref, b_ref, h2_ref,
                    x_ref, hsub_ref):
    mu = ssum_ref[...] * (1.0 / N)
    var = ssq_ref[...] * (1.0 / N) - mu * mu
    sc = lax.rsqrt(var + 1e-5) * g_ref[...]
    sh = b_ref[...] - mu * sc
    t1 = t1_ref[...].reshape(GPB, S, NPS, D)
    h2b = h2_ref[...].reshape(GPB, 1, NPS, D)
    xn = jnp.maximum(t1 * sc[0][None, None, None, :]
                     + sh[0][None, None, None, :] + h2b, 0.0)
    x_ref[...] = xn.reshape(BR, D)
    hsub_ref[...] = (xn.sum(axis=2) * (1.0 / NPS)).reshape(GPB * S, D)


def _combine(t1, ssum, ssq, g, b, h2):
    return pl.pallas_call(
        _combine_kernel,
        grid=(NB,),
        in_specs=[
            pl.BlockSpec((BR, D), lambda g: (g, 0)),
            pl.BlockSpec((1, D), lambda g: (0, 0)),
            pl.BlockSpec((1, D), lambda g: (0, 0)),
            pl.BlockSpec((1, D), lambda g: (0, 0)),
            pl.BlockSpec((1, D), lambda g: (0, 0)),
            pl.BlockSpec((GPB * NPS, D), lambda g: (g, 0)),
        ],
        out_specs=[
            pl.BlockSpec((BR, D), lambda g: (g, 0)),
            pl.BlockSpec((GPB * S, D), lambda g: (g, 0)),
        ],
        out_shape=[
            jax.ShapeDtypeStruct((N, D), jnp.float32),
            jax.ShapeDtypeStruct((GS, D), jnp.float32),
        ],
    )(t1, ssum, ssq, g.reshape(1, D), b.reshape(1, D), h2)


def _readout_kernel(hsub_ref, w1_ref, b1_ref, w2_ref, b2_ref, out_ref):
    hg = hsub_ref[...].reshape(G, S, D).mean(axis=1)
    h = jnp.maximum(
        jnp.dot(hg, w1_ref[...], preferred_element_type=jnp.float32)
        + b1_ref[...], 0.0)
    out_ref[...] = (jnp.dot(h, w2_ref[...], preferred_element_type=jnp.float32)
                    + b2_ref[...])


def _readout(hsub, w1, b1, w2, b2, nt):
    full = lambda shape: pl.BlockSpec(shape, lambda: tuple(0 for _ in shape))
    return pl.pallas_call(
        _readout_kernel,
        in_specs=[full((GS, D)), full((D, 2 * D)), full((1, 2 * D)),
                  full((2 * D, nt)), full((1, nt))],
        out_specs=full((G, nt)),
        out_shape=jax.ShapeDtypeStruct((G, nt), jnp.float32),
    )(hsub, w1, b1.reshape(1, 2 * D), w2, b2.reshape(1, nt))


def kernel(x, edge_index, original_edge_index, batch, num_subgraphs,
           num_nodes_per_subgraph, subgraph_batch, subgraph_node_idx,
           subgraph_idx_batch, gWs, gWn, gb, bn_g, bn_b, sWs, sWn, sb,
           bn2_g, bn2_b, aWq, aWk, abq, abk, W1, b1, W2, b2):
    L = gWs.shape[0]
    nt = W2.shape[1]
    src_r = edge_index[0].astype(jnp.int32).reshape(NTILES, NCH, CH)
    dst_r = edge_index[1].astype(jnp.int32).reshape(NTILES, NCH, CH)
    zrows = jnp.zeros((ZROWS, DQ), jnp.float32)
    adj = _build_adj(original_edge_index.astype(jnp.int32))

    heat = None
    hsub = None
    for i in range(L):
        agg = _sc_segsum(x.reshape(4 * N, DQ), src_r, dst_r, zrows)
        xw, gsum = _xws(x, gWs[i])
        t1, ssum, ssq = _t1(xw, agg, gWn[i], gb[i])
        h2, heat = _atten(gsum, x, adj, aWq[i], aWk[i], abq[i], abk[i],
                          sWs[i], sWn[i], sb[i], bn2_g[i], bn2_b[i])
        x, hsub = _combine(t1, ssum, ssq, bn_g[i], bn_b[i], h2)
    out = _readout(hsub, W1, b1, W2, b2, nt)
    return (out, heat)

# --- scband reference (transcript-rebuilt; emitter-appended) ---
"""Pipeline reference for scband-dssnetwork-atten-627065225444 (READ-ONLY COPY).

The authoritative reference and input builder live on the scoring server;
editing this copy changes nothing except your own understanding.
"""

import jax, jax.numpy as jnp
import numpy as np

G = 16          # graphs in batch
S = 40          # subgraphs per graph
NPS = 40        # nodes per subgraph (must equal S for DSS reshape)
N = G * S * NPS # total subgraph-nodes = 25600
D = 128         # in_dim == emb_dim
L = 2           # num_layers
T = 10          # num_tasks
E = 409600      # edges over subgraph-nodes
ON = G * NPS    # original nodes = 640
EO = 10240      # original edges


def setup_inputs(seed: int = 0):
    key = jax.random.key(seed)
    ks = jax.random.split(key, 16)
    def init(k, shp):
        return jax.random.normal(k, shp, jnp.float32) * 0.05
    inp = {}
    inp["x"] = jax.random.normal(ks[0], (N, D), jnp.float32)
    inp["edge_index"] = jax.random.randint(ks[1], (2, E), 0, N)
    inp["original_edge_index"] = jax.random.randint(ks[2], (2, EO), 0, ON)
    inp["batch"] = jnp.repeat(jnp.arange(G, dtype=jnp.int32), S * NPS)
    inp["num_subgraphs"] = jnp.full((G,), S, dtype=jnp.int32)
    inp["num_nodes_per_subgraph"] = jnp.full((G,), NPS, dtype=jnp.int32)
    inp["subgraph_batch"] = jnp.tile(jnp.repeat(jnp.arange(S, dtype=jnp.int32), NPS), G)
    inp["subgraph_node_idx"] = jnp.tile(jnp.arange(NPS, dtype=jnp.int32), G * S)
    inp["subgraph_idx_batch"] = jnp.repeat(jnp.arange(G, dtype=jnp.int32), S)
    # stacked per-layer parameters (in_dim == emb_dim so all layers share shapes)
    inp["gWs"] = init(ks[3], (L, D, D))
    inp["gWn"] = init(ks[4], (L, D, D))
    inp["gb"] = jnp.zeros((L, D), jnp.float32)
    inp["bn_g"] = jnp.ones((L, D), jnp.float32)
    inp["bn_b"] = jnp.zeros((L, D), jnp.float32)
    inp["sWs"] = init(ks[5], (L, D, D))
    inp["sWn"] = init(ks[6], (L, D, D))
    inp["sb"] = jnp.zeros((L, D), jnp.float32)
    inp["bn2_g"] = jnp.ones((L, D), jnp.float32)
    inp["bn2_b"] = jnp.zeros((L, D), jnp.float32)
    inp["aWq"] = init(ks[7], (L, D, D))
    inp["aWk"] = init(ks[8], (L, D, D))
    inp["abq"] = jnp.zeros((L, D), jnp.float32)
    inp["abk"] = jnp.zeros((L, D), jnp.float32)
    inp["W1"] = init(ks[9], (D, 2 * D))
    inp["b1"] = jnp.zeros((2 * D,), jnp.float32)
    inp["W2"] = init(ks[10], (2 * D, T))
    inp["b2"] = jnp.zeros((T,), jnp.float32)
    return inp


def _seg_mean(data, idx, K):
    s = jax.ops.segment_sum(data, idx, num_segments=K)
    c = jax.ops.segment_sum(jnp.ones((data.shape[0], 1), data.dtype), idx, num_segments=K)
    return s / jnp.clip(c, 1.0)


def _gconv(h, ei, Ws, Wn, b):
    agg = jax.ops.segment_sum(h[ei[0]], ei[1], num_segments=h.shape[0])
    return h @ Ws + agg @ Wn + b


def _bnorm(h, g, b):
    mu = h.mean(axis=0)
    v = h.var(axis=0)
    return (h - mu) / jnp.sqrt(v + 1e-5) * g + b


def reference(x, edge_index, original_edge_index, batch, num_subgraphs,
              num_nodes_per_subgraph, subgraph_batch, subgraph_node_idx,
              subgraph_idx_batch, gWs, gWn, gb, bn_g, bn_b, sWs, sWn, sb,
              bn2_g, bn2_b, aWq, aWk, abq, abk, W1, b1, W2, b2):
    z = jnp.zeros((1,), num_subgraphs.dtype)
    graph_offset_sg = jnp.concatenate([z, jnp.cumsum(num_subgraphs)])[batch]
    subgraph_idx = graph_offset_sg + subgraph_batch
    graph_offset_nd = jnp.concatenate([z, jnp.cumsum(num_nodes_per_subgraph)])[batch]
    node_idx = graph_offset_nd + subgraph_node_idx
    # block-diagonal attention mask over all subgraphs in the batch
    mask = jnp.where(subgraph_idx_batch[:, None] == subgraph_idx_batch[None, :], 0.0, -jnp.inf)
    heat = None
    for i in range(L):
        h1 = _bnorm(_gconv(x, edge_index, gWs[i], gWn[i], gb[i]), bn_g[i], bn_b[i])
        gsf = _seg_mean(x, subgraph_idx, G * S)  # [G*S, D] subgraph-pooled feats
        q = gsf @ aWq[i] + abq[i]
        k = gsf @ aWk[i] + abk[i]
        scores = q @ k.T / jnp.sqrt(jnp.float32(D)) + mask
        A = jax.nn.softmax(scores, axis=-1)  # [G*S, G*S], 1 head
        A_blocks = A.reshape(G, S, G, S)[jnp.arange(G), :, jnp.arange(G), :]  # [G,S,S]
        heat = A_blocks[-1]
        x_r = x.reshape(G, S, NPS, D)
        # result[g, m, d] = sum_s A[g, s, m] * x[g, s, m, d]
        x_atten = jnp.einsum('gsm,gsmd->gmd', A_blocks, x_r).reshape(G * NPS, D)
        h2 = _bnorm(_gconv(x_atten, original_edge_index, sWs[i], sWn[i], sb[i]), bn2_g[i], bn2_b[i])
        x = jax.nn.relu(h1 + h2[node_idx])
    h_subgraph = _seg_mean(x, subgraph_idx, G * S)
    h_graph = _seg_mean(h_subgraph, subgraph_idx_batch, G)
    out = jax.nn.relu(h_graph @ W1 + b1) @ W2 + b2
    return (out, heat)

if __name__ == "__main__":
    import jax
    _d = setup_inputs()
    print(jax.jit(kernel)(*tuple(_d.values())))

</pallas_src>

<mosaic_0001>
#map = affine_map<(d0, d1) -> (0, 0)>
#map1 = affine_map<(d0, d1) -> (0, 0, 0)>
module attributes {stable_mosaic.version = 14 : i64} {
  func.func @segsum(%arg0: i32, %arg1: i32, %arg2: memref<102400x32xf32, #tpu.memory_space<hbm>>, %arg3: memref<16x200x128xi32, #tpu.memory_space<hbm>>, %arg4: memref<16x200x128xi32, #tpu.memory_space<hbm>>, %arg5: memref<1600x32xf32, #tpu.memory_space<hbm>>, %arg6: memref<25600x128xf32, #tpu.memory_space<hbm>>, %arg7: memref<200x128xi32, #tpu.memory_space<vmem>>, %arg8: memref<200x128xi32, #tpu.memory_space<vmem>>, %arg9: memref<128x32xf32, #tpu.memory_space<vmem>>, %arg10: memref<128x32xf32, #tpu.memory_space<vmem>>, %arg11: memref<128x32xf32, #tpu.memory_space<vmem>>, %arg12: memref<128x32xf32, #tpu.memory_space<vmem>>, %arg13: memref<25600x32xf32, #tpu.memory_space<vmem_shared>>, %arg14: memref<!tpu.dma_semaphore, #tpu.memory_space<semaphore_mem>>, %arg15: memref<!tpu.dma_semaphore, #tpu.memory_space<semaphore_mem>>, %arg16: memref<!tpu.dma_semaphore, #tpu.memory_space<semaphore_mem>>, %arg17: memref<!tpu.dma_semaphore, #tpu.memory_space<semaphore_mem>>, %arg18: memref<!tpu.dma_semaphore, #tpu.memory_space<semaphore_mem>>, %arg19: memref<!tpu.dma_semaphore, #tpu.memory_space<semaphore_mem>>, %arg20: memref<!tpu.dma_semaphore, #tpu.memory_space<semaphore_mem>>, %arg21: memref<!tpu.dma_semaphore, #tpu.memory_space<semaphore_mem>>) attributes {dimension_semantics = [#tpu.dimension_semantics<core_parallel>, #tpu.dimension_semantics<subcore_parallel>], iteration_bounds = array<i64: 2, 16>, scalar_prefetch = 0 : i64, scratch_operands = 15 : i64, tpu.core_type = #tpu.core_type<sc_vector_subcore>, window_params = [{transform_indices = #map}, {transform_indices = #map1}, {transform_indices = #map1}, {transform_indices = #map}, {transform_indices = #map}]} {
    "tpu.region"() ({
      %run_scoped3A = tpu.sem_alloc : memref<!tpu.dma_semaphore, #tpu.memory_space<semaphore_mem>>
      %dma_start3A_100 = arith.constant 0 : i32
      %dma_start3A_101 = arith.constant 0 : i32
      %dma_start3A_102 = tpu.memref_slice %arg3[%arg1, %dma_start3A_100, %dma_start3A_101] : memref<16x200x128xi32, #tpu.memory_space<hbm>> -> memref<1x200x128xi32, #tpu.memory_space<hbm>>
      %dma_start3A_103 = tpu.memref_squeeze %dma_start3A_102 : memref<1x200x128xi32, #tpu.memory_space<hbm>> -> memref<200x128xi32, #tpu.memory_space<hbm>>
      %dma_start3A_104 = arith.constant 0 : i32
      %dma_start3A_105 = arith.constant 0 : i32
      %dma_start3A_106 = tpu.memref_slice %arg3[%arg1, %dma_start3A_104, %dma_start3A_105] : memref<16x200x128xi32, #tpu.memory_space<hbm>> -> memref<1x200x128xi32, #tpu.memory_space<hbm>>
      %dma_start3A_107 = tpu.memref_squeeze %dma_start3A_106 : memref<1x200x128xi32, #tpu.memory_space<hbm>> -> memref<200x128xi32, #tpu.memory_space<hbm>>
      tpu.enqueue_dma source(%dma_start3A_107 : memref<200x128xi32, #tpu.memory_space<hbm>>) target(%arg7 : memref<200x128xi32, #tpu.memory_space<vmem>>) target_semaphore(%run_scoped3A : memref<!tpu.dma_semaphore, #tpu.memory_space<semaphore_mem>>)
      %dma_wait3A = arith.constant 0 : i32
      %dma_wait3A_108 = arith.constant 0 : i32
      %dma_wait3A_109 = tpu.memref_slice %arg3[%arg1, %dma_wait3A, %dma_wait3A_108] : memref<16x200x128xi32, #tpu.memory_space<hbm>> -> memref<1x200x128xi32, #tpu.memory_space<hbm>>
      %dma_wait3A_110 = tpu.memref_squeeze %dma_wait3A_109 : memref<1x200x128xi32, #tpu.memory_space<hbm>> -> memref<200x128xi32, #tpu.memory_space<hbm>>
      %dma_wait3A_111 = arith.constant 0 : i32
      %dma_wait3A_112 = arith.constant 0 : i32
      %dma_wait3A_113 = tpu.memref_slice %arg3[%arg1, %dma_wait3A_111, %dma_wait3A_112] : memref<16x200x128xi32, #tpu.memory_space<hbm>> -> memref<1x200x128xi32, #tpu.memory_space<hbm>>
      %dma_wait3A_114 = tpu.memref_squeeze %dma_wait3A_113 : memref<1x200x128xi32, #tpu.memory_space<hbm>> -> memref<200x128xi32, #tpu.memory_space<hbm>>
      tpu.wait_dma2 semaphore(%run_scoped3A : memref<!tpu.dma_semaphore, #tpu.memory_space<semaphore_mem>>) src(%dma_wait3A_114 : memref<200x128xi32, #tpu.memory_space<hbm>>) dst(%arg7 : memref<200x128xi32, #tpu.memory_space<vmem>>)
      tpu.yield
    }) : () -> ()
    "tpu.region"() ({
      %run_scoped3A = tpu.sem_alloc : memref<!tpu.dma_semaphore, #tpu.memory_space<semaphore_mem>>
      %dma_start3A_100 = arith.constant 0 : i32
      %dma_start3A_101 = arith.constant 0 : i32
      %dma_start3A_102 = tpu.memref_slice %arg4[%arg1, %dma_start3A_100, %dma_start3A_101] : memref<16x200x128xi32, #tpu.memory_space<hbm>> -> memref<1x200x128xi32, #tpu.memory_space<hbm>>
      %dma_start3A_103 = tpu.memref_squeeze %dma_start3A_102 : memref<1x200x128xi32, #tpu.memory_space<hbm>> -> memref<200x128xi32, #tpu.memory_space<hbm>>
      %dma_start3A_104 = arith.constant 0 : i32
      %dma_start3A_105 = arith.constant 0 : i32
      %dma_start3A_106 = tpu.memref_slice %arg4[%arg1, %dma_start3A_104, %dma_start3A_105] : memref<16x200x128xi32, #tpu.memory_space<hbm>> -> memref<1x200x128xi32, #tpu.memory_space<hbm>>
      %dma_start3A_107 = tpu.memref_squeeze %dma_start3A_106 : memref<1x200x128xi32, #tpu.memory_space<hbm>> -> memref<200x128xi32, #tpu.memory_space<hbm>>
      tpu.enqueue_dma source(%dma_start3A_107 : memref<200x128xi32, #tpu.memory_space<hbm>>) target(%arg8 : memref<200x128xi32, #tpu.memory_space<vmem>>) target_semaphore(%run_scoped3A : memref<!tpu.dma_semaphore, #tpu.memory_space<semaphore_mem>>)
      %dma_wait3A = arith.constant 0 : i32
      %dma_wait3A_108 = arith.constant 0 : i32
      %dma_wait3A_109 = tpu.memref_slice %arg4[%arg1, %dma_wait3A, %dma_wait3A_108] : memref<16x200x128xi32, #tpu.memory_space<hbm>> -> memref<1x200x128xi32, #tpu.memory_space<hbm>>
      %dma_wait3A_110 = tpu.memref_squeeze %dma_wait3A_109 : memref<1x200x128xi32, #tpu.memory_space<hbm>> -> memref<200x128xi32, #tpu.memory_space<hbm>>
      %dma_wait3A_111 = arith.constant 0 : i32
      %dma_wait3A_112 = arith.constant 0 : i32
      %dma_wait3A_113 = tpu.memref_slice %arg4[%arg1, %dma_wait3A_111, %dma_wait3A_112] : memref<16x200x128xi32, #tpu.memory_space<hbm>> -> memref<1x200x128xi32, #tpu.memory_space<hbm>>
      %dma_wait3A_114 = tpu.memref_squeeze %dma_wait3A_113 : memref<1x200x128xi32, #tpu.memory_space<hbm>> -> memref<200x128xi32, #tpu.memory_space<hbm>>
      tpu.wait_dma2 semaphore(%run_scoped3A : memref<!tpu.dma_semaphore, #tpu.memory_space<semaphore_mem>>) src(%dma_wait3A_114 : memref<200x128xi32, #tpu.memory_space<hbm>>) dst(%arg8 : memref<200x128xi32, #tpu.memory_space<vmem>>)
      tpu.yield
    }) : () -> ()
    %scan3A = arith.constant 0 : i32
    %scan3A_0 = arith.constant 200 : i32
    %scan3A_1 = arith.addi %scan3A, %scan3A_0 : i32
    %scan3A_2 = arith.constant 1 : i32
    scf.for %scan3A_100 = %scan3A to %scan3A_1 step %scan3A_2  : i32 {
      %mul3A_101 = arith.constant 1 : i32
      %mul3A_102 = arith.muli %scan3A_100, %mul3A_101 : i32
      %add3A_103 = arith.constant 0 : i32
      %add3A_104 = arith.addi %add3A_103, %mul3A_102 : i32
      %scan3A_105 = arith.constant 0 : i32
      %scan3A_106 = arith.constant 8 : i32
      %scan3A_107 = arith.addi %scan3A_105, %scan3A_106 : i32
      %scan3A_108 = arith.constant 1 : i32
      scf.for %scan3A_110 = %scan3A_105 to %scan3A_107 step %scan3A_108  : i32 {
        %mul3A_111 = arith.constant 16 : i32
        %mul3A_112 = arith.muli %scan3A_110, %mul3A_111 : i32
        %add3A_113 = arith.constant 0 : i32
        %add3A_114 = arith.addi %add3A_113, %mul3A_112 : i32
        %get3A = arith.index_cast %add3A_104 : i32 to index
        %get3A_115 = arith.index_cast %add3A_114 : i32 to index
        %get3A_116 = tpu.vector_load %arg7[%get3A, %get3A_115] {strides = array<i32>} : memref<200x128xi32, #tpu.memory_space<vmem>>, vector<1x16xi32>,
        %get3A_117 = vector.shape_cast %get3A_116 : vector<1x16xi32> to vector<16xi32>
        %mul3A_118 = arith.constant 4 : i32
        %mul3A_119 = vector.broadcast %mul3A_118 : i32 to vector<16xi32>
        %mul3A_120 = arith.muli %get3A_117, %mul3A_119 : vector<16xi32>
        %mul3A_121 = arith.constant 2 : i32
        %mul3A_122 = arith.muli %mul3A_121, %arg0 : i32
        %add3A_123 = vector.broadcast %mul3A_122 : i32 to vector<16xi32>
        %add3A_124 = arith.addi %mul3A_120, %add3A_123 : vector<16xi32>
        %swap3A = arith.index_cast %add3A_104 : i32 to index
        %swap3A_125 = arith.index_cast %add3A_114 : i32 to index
        %swap3A_126 = tpu.vector_load %arg7[%swap3A, %swap3A_125] {strides = array<i32>} : memref<200x128xi32, #tpu.memory_space<vmem>>, vector<1x16xi32>,
        %swap3A_127 = vector.shape_cast %swap3A_126 : vector<1x16xi32> to vector<16xi32>
        %swap3A_128 = vector.shape_cast %add3A_124 : vector<16xi32> to vector<1x16xi32>
        tpu.vector_store %arg7[%swap3A, %swap3A_125], %swap3A_128 {strides = array<i32>} : memref<200x128xi32, #tpu.memory_space<vmem>>, vector<1x16xi32>,
      }
      %scan3A_109 = arith.constant 8 : i32
    }
    %scan3A_3 = arith.constant 200 : i32
    %mul3A = arith.constant 1600 : i32
    %mul3A_4 = arith.muli %arg1, %mul3A : i32
    "tpu.region"() ({
      %run_scoped3A = tpu.sem_alloc : memref<!tpu.dma_semaphore, #tpu.memory_space<semaphore_mem>>
      %dma_start3A_100 = arith.constant 0 : i32
      %dma_start3A_101 = tpu.memref_slice %arg13[%mul3A_4, %dma_start3A_100] : memref<25600x32xf32, #tpu.memory_space<vmem_shared>> -> memref<1600x32xf32, #tpu.memory_space<vmem_shared>>
      tpu.enqueue_dma source(%arg5 : memref<1600x32xf32, #tpu.memory_space<hbm>>) target(%dma_start3A_101 : memref<1600x32xf32, #tpu.memory_space<vmem_shared>>) target_semaphore(%run_scoped3A : memref<!tpu.dma_semaphore, #tpu.memory_space<semaphore_mem>>)
      %dma_wait3A = arith.constant 0 : i32
      %dma_wait3A_102 = tpu.memref_slice %arg13[%mul3A_4, %dma_wait3A] : memref<25600x32xf32, #tpu.memory_space<vmem_shared>> -> memref<1600x32xf32, #tpu.memory_space<vmem_shared>>
      tpu.wait_dma2 semaphore(%run_scoped3A : memref<!tpu.dma_semaphore, #tpu.memory_space<semaphore_mem>>) src(%arg5 : memref<1600x32xf32, #tpu.memory_space<hbm>>) dst(%dma_wait3A_102 : memref<1600x32xf32, #tpu.memory_space<vmem_shared>>)
      tpu.yield
    }) : () -> ()
    %barrier3A = arith.constant 0 : index
    tpu.barrier barrier_id(%barrier3A)
    %dma_start3A = arith.constant 0 : i32
    %dma_start3A_5 = arith.constant 0 : i32
    %dma_start3A_6 = tpu.memref_slice %arg7[%dma_start3A, %dma_start3A_5] : memref<200x128xi32, #tpu.memory_space<vmem>> -> memref<1x128xi32, #tpu.memory_space<vmem>>
    %dma_start3A_7 = tpu.memref_squeeze %dma_start3A_6 : memref<1x128xi32, #tpu.memory_space<vmem>> -> memref<128xi32, #tpu.memory_space<vmem>>
    %dma_start3A_8 = arith.constant 0 : i32
    %dma_start3A_9 = arith.constant 0 : i32
    %dma_start3A_10 = tpu.memref_slice %arg2[%dma_start3A_8, %dma_start3A_9] : memref<102400x32xf32, #tpu.memory_space<hbm>> -> memref<102400x32xf32, #tpu.memory_space<hbm>>
    tpu.enqueue_indirect_dma source(%dma_start3A_10 : memref<102400x32xf32, #tpu.memory_space<hbm>>) target(%arg9 : memref<128x32xf32, #tpu.memory_space<vmem>>) offsets(%dma_start3A_7 : memref<128xi32, #tpu.memory_space<vmem>>) semaphore(%arg14 : memref<!tpu.dma_semaphore, #tpu.memory_space<semaphore_mem>>)
    %dma_start3A_11 = arith.constant 1 : i32
    %dma_start3A_12 = arith.constant 0 : i32
    %dma_start3A_13 = tpu.memref_slice %arg7[%dma_start3A_11, %dma_start3A_12] : memref<200x128xi32, #tpu.memory_space<vmem>> -> memref<1x128xi32, #tpu.memory_space<vmem>>
    %dma_start3A_14 = tpu.memref_squeeze %dma_start3A_13 : memref<1x128xi32, #tpu.memory_space<vmem>> -> memref<128xi32, #tpu.memory_space<vmem>>
    %dma_start3A_15 = arith.constant 0 : i32
    %dma_start3A_16 = arith.constant 0 : i32
    %dma_start3A_17 = tpu.memref_slice %arg2[%dma_start3A_15, %dma_start3A_16] : memref<102400x32xf32, #tpu.memory_space<hbm>> -> memref<102400x32xf32, #tpu.memory_space<hbm>>
    tpu.enqueue_indirect_dma source(%dma_start3A_17 : memref<102400x32xf32, #tpu.memory_space<hbm>>) target(%arg10 : memref<128x32xf32, #tpu.memory_space<vmem>>) offsets(%dma_start3A_14 : memref<128xi32, #tpu.memory_space<vmem>>) semaphore(%arg15 : memref<!tpu.dma_semaphore, #tpu.memory_space<semaphore_mem>>)
    %dma_start3A_18 = arith.constant 2 : i32
    %dma_start3A_19 = arith.constant 0 : i32
    %dma_start3A_20 = tpu.memref_slice %arg7[%dma_start3A_18, %dma_start3A_19] : memref<200x128xi32, #tpu.memory_space<vmem>> -> memref<1x128xi32, #tpu.memory_space<vmem>>
    %dma_start3A_21 = tpu.memref_squeeze %dma_start3A_20 : memref<1x128xi32, #tpu.memory_space<vmem>> -> memref<128xi32, #tpu.memory_space<vmem>>
    %dma_start3A_22 = arith.constant 0 : i32
    %dma_start3A_23 = arith.constant 0 : i32
    %dma_start3A_24 = tpu.memref_slice %arg2[%dma_start3A_22, %dma_start3A_23] : memref<102400x32xf32, #tpu.memory_space<hbm>> -> memref<102400x32xf32, #tpu.memory_space<hbm>>
    tpu.enqueue_indirect_dma source(%dma_start3A_24 : memref<102400x32xf32, #tpu.memory_space<hbm>>) target(%arg11 : memref<128x32xf32, #tpu.memory_space<vmem>>) offsets(%dma_start3A_21 : memref<128xi32, #tpu.memory_space<vmem>>) semaphore(%arg16 : memref<!tpu.dma_semaphore, #tpu.memory_space<semaphore_mem>>)
    %dma_start3A_25 = arith.constant 3 : i32
    %dma_start3A_26 = arith.constant 0 : i32
    %dma_start3A_27 = tpu.memref_slice %arg7[%dma_start3A_25, %dma_start3A_26] : memref<200x128xi32, #tpu.memory_space<vmem>> -> memref<1x128xi32, #tpu.memory_space<vmem>>
    %dma_start3A_28 = tpu.memref_squeeze %dma_start3A_27 : memref<1x128xi32, #tpu.memory_space<vmem>> -> memref<128xi32, #tpu.memory_space<vmem>>
    %dma_start3A_29 = arith.constant 0 : i32
    %dma_start3A_30 = arith.constant 0 : i32
    %dma_start3A_31 = tpu.memref_slice %arg2[%dma_start3A_29, %dma_start3A_30] : memref<102400x32xf32, #tpu.memory_space<hbm>> -> memref<102400x32xf32, #tpu.memory_space<hbm>>
    tpu.enqueue_indirect_dma source(%dma_start3A_31 : memref<102400x32xf32, #tpu.memory_space<hbm>>) target(%arg12 : memref<128x32xf32, #tpu.memory_space<vmem>>) offsets(%dma_start3A_28 : memref<128xi32, #tpu.memory_space<vmem>>) semaphore(%arg17 : memref<!tpu.dma_semaphore, #tpu.memory_space<semaphore_mem>>)
    %scan3A_32 = arith.constant 0 : i32
    %scan3A_33 = arith.constant 50 : i32
    %scan3A_34 = arith.addi %scan3A_32, %scan3A_33 : i32
    %scan3A_35 = arith.constant 1 : i32
    scf.for %scan3A_100 = %scan3A_32 to %scan3A_34 step %scan3A_35  : i32 {
      %mul3A_101 = arith.constant 4 : i32
      %mul3A_102 = arith.muli %scan3A_100, %mul3A_101 : i32
      %add3A_103 = arith.constant 0 : i32
      %add3A_104 = arith.addi %add3A_103, %mul3A_102 : i32
      %add3A_105 = arith.constant 0 : i32
      %add3A_106 = arith.addi %add3A_104, %add3A_105 : i32
      %dma_wait3A = arith.constant 0 : i32
      %dma_wait3A_107 = tpu.memref_slice %arg7[%add3A_106, %dma_wait3A] : memref<200x128xi32, #tpu.memory_space<vmem>> -> memref<1x128xi32, #tpu.memory_space<vmem>>
      %dma_wait3A_108 = tpu.memref_squeeze %dma_wait3A_107 : memref<1x128xi32, #tpu.memory_space<vmem>> -> memref<128xi32, #tpu.memory_space<vmem>>
      %dma_wait3A_109 = arith.constant 0 : i32
      %dma_wait3A_110 = arith.constant 0 : i32
      %dma_wait3A_111 = tpu.memref_slice %arg2[%dma_wait3A_109, %dma_wait3A_110] : memref<102400x32xf32, #tpu.memory_space<hbm>> -> memref<102400x32xf32, #tpu.memory_space<hbm>>
      tpu.wait_indirect_dma semaphore(%arg14 : memref<!tpu.dma_semaphore, #tpu.memory_space<semaphore_mem>>) src(%dma_wait3A_111 : memref<102400x32xf32, #tpu.memory_space<hbm>>) dst(%arg9 : memref<128x32xf32, #tpu.memory_space<vmem>>)
      %add3A_112 = arith.constant 0 : i32
      %add3A_113 = arith.addi %add3A_104, %add3A_112 : i32
      %dma_start3A_114 = arith.constant 0 : i32
      %dma_start3A_115 = tpu.memref_slice %arg8[%add3A_113, %dma_start3A_114] : memref<200x128xi32, #tpu.memory_space<vmem>> -> memref<1x128xi32, #tpu.memory_space<vmem>>
      %dma_start3A_116 = tpu.memref_squeeze %dma_start3A_115 : memref<1x128xi32, #tpu.memory_space<vmem>> -> memref<128xi32, #tpu.memory_space<vmem>>
      %dma_start3A_117 = arith.constant 0 : i32
      %dma_start3A_118 = arith.constant 0 : i32
      %dma_start3A_119 = tpu.memref_slice %arg13[%dma_start3A_117, %dma_start3A_118] : memref<25600x32xf32, #tpu.memory_space<vmem_shared>> -> memref<25600x32xf32, #tpu.memory_space<vmem_shared>>
      tpu.enqueue_indirect_dma source(%arg9 : memref<128x32xf32, #tpu.memory_space<vmem>>) target(%dma_start3A_119 : memref<25600x32xf32, #tpu.memory_space<vmem_shared>>) offsets(%dma_start3A_116 : memref<128xi32, #tpu.memory_space<vmem>>) semaphore(%arg18 : memref<!tpu.dma_semaphore, #tpu.memory_space<semaphore_mem>>) {add = true}
      %add3A_120 = arith.constant 1 : i32
      %add3A_121 = arith.addi %add3A_104, %add3A_120 : i32
      %dma_wait3A_122 = arith.constant 0 : i32
      %dma_wait3A_123 = tpu.memref_slice %arg7[%add3A_121, %dma_wait3A_122] : memref<200x128xi32, #tpu.memory_space<vmem>> -> memref<1x128xi32, #tpu.memory_space<vmem>>
      %dma_wait3A_124 = tpu.memref_squeeze %dma_wait3A_123 : memref<1x128xi32, #tpu.memory_space<vmem>> -> memref<128xi32, #tpu.memory_space<vmem>>
      %dma_wait3A_125 = arith.constant 0 : i32
      %dma_wait3A_126 = arith.constant 0 : i32
      %dma_wait3A_127 = tpu.memref_slice %arg2[%dma_wait3A_125, %dma_wait3A_126] : memref<102400x32xf32, #tpu.memory_space<hbm>> -> memref<102400x32xf32, #tpu.memory_space<hbm>>
      tpu.wait_indirect_dma semaphore(%arg15 : memref<!tpu.dma_semaphore, #tpu.memory_space<semaphore_mem>>) src(%dma_wait3A_127 : memref<102400x32xf32, #tpu.memory_space<hbm>>) dst(%arg10 : memref<128x32xf32, #tpu.memory_space<vmem>>)
      %add3A_128 = arith.constant 1 : i32
      %add3A_129 = arith.addi %add3A_104, %add3A_128 : i32
      %dma_start3A_130 = arith.constant 0 : i32
      %dma_start3A_131 = tpu.memref_slice %arg8[%add3A_129, %dma_start3A_130] : memref<200x128xi32, #tpu.memory_space<vmem>> -> memref<1x128xi32, #tpu.memory_space<vmem>>
      %dma_start3A_132 = tpu.memref_squeeze %dma_start3A_131 : memref<1x128xi32, #tpu.memory_space<vmem>> -> memref<128xi32, #tpu.memory_space<vmem>>
      %dma_start3A_133 = arith.constant 0 : i32
      %dma_start3A_134 = arith.constant 0 : i32
      %dma_start3A_135 = tpu.memref_slice %arg13[%dma_start3A_133, %dma_start3A_134] : memref<25600x32xf32, #tpu.memory_space<vmem_shared>> -> memref<25600x32xf32, #tpu.memory_space<vmem_shared>>
      tpu.enqueue_indirect_dma source(%arg10 : memref<128x32xf32, #tpu.memory_space<vmem>>) target(%dma_start3A_135 : memref<25600x32xf32, #tpu.memory_space<vmem_shared>>) offsets(%dma_start3A_132 : memref<128xi32, #tpu.memory_space<vmem>>) semaphore(%arg19 : memref<!tpu.dma_semaphore, #tpu.memory_space<semaphore_mem>>) {add = true}
      %add3A_136 = arith.constant 2 : i32
      %add3A_137 = arith.addi %add3A_104, %add3A_136 : i32
      %dma_wait3A_138 = arith.constant 0 : i32
      %dma_wait3A_139 = tpu.memref_slice %arg7[%add3A_137, %dma_wait3A_138] : memref<200x128xi32, #tpu.memory_space<vmem>> -> memref<1x128xi32, #tpu.memory_space<vmem>>
      %dma_wait3A_140 = tpu.memref_squeeze %dma_wait3A_139 : memref<1x128xi32, #tpu.memory_space<vmem>> -> memref<128xi32, #tpu.memory_space<vmem>>
      %dma_wait3A_141 = arith.constant 0 : i32
      %dma_wait3A_142 = arith.constant 0 : i32
      %dma_wait3A_143 = tpu.memref_slice %arg2[%dma_wait3A_141, %dma_wait3A_142] : memref<102400x32xf32, #tpu.memory_space<hbm>> -> memref<102400x32xf32, #tpu.memory_space<hbm>>
      tpu.wait_indirect_dma semaphore(%arg16 : memref<!tpu.dma_semaphore, #tpu.memory_space<semaphore_mem>>) src(%dma_wait3A_143 : memref<102400x32xf32, #tpu.memory_space<hbm>>) dst(%arg11 : memref<128x32xf32, #tpu.memory_space<vmem>>)
      %add3A_144 = arith.constant 2 : i32
      %add3A_145 = arith.addi %add3A_104, %add3A_144 : i32
      %dma_start3A_146 = arith.constant 0 : i32
      %dma_start3A_147 = tpu.memref_slice %arg8[%add3A_145, %dma_start3A_146] : memref<200x128xi32, #tpu.memory_space<vmem>> -> memref<1x128xi32, #tpu.memory_space<vmem>>
      %dma_start3A_148 = tpu.memref_squeeze %dma_start3A_147 : memref<1x128xi32, #tpu.memory_space<vmem>> -> memref<128xi32, #tpu.memory_space<vmem>>
      %dma_start3A_149 = arith.constant 0 : i32
      %dma_start3A_150 = arith.constant 0 : i32
      %dma_start3A_151 = tpu.memref_slice %arg13[%dma_start3A_149, %dma_start3A_150] : memref<25600x32xf32, #tpu.memory_space<vmem_shared>> -> memref<25600x32xf32, #tpu.memory_space<vmem_shared>>
      tpu.enqueue_indirect_dma source(%arg11 : memref<128x32xf32, #tpu.memory_space<vmem>>) target(%dma_start3A_151 : memref<25600x32xf32, #tpu.memory_space<vmem_shared>>) offsets(%dma_start3A_148 : memref<128xi32, #tpu.memory_space<vmem>>) semaphore(%arg20 : memref<!tpu.dma_semaphore, #tpu.memory_space<semaphore_mem>>) {add = true}
      %add3A_152 = arith.constant 3 : i32
      %add3A_153 = arith.addi %add3A_104, %add3A_152 : i32
      %dma_wait3A_154 = arith.constant 0 : i32
      %dma_wait3A_155 = tpu.memref_slice %arg7[%add3A_153, %dma_wait3A_154] : memref<200x128xi32, #tpu.memory_space<vmem>> -> memref<1x128xi32, #tpu.memory_space<vmem>>
      %dma_wait3A_156 = tpu.memref_squeeze %dma_wait3A_155 : memref<1x128xi32, #tpu.memory_space<vmem>> -> memref<128xi32, #tpu.memory_space<vmem>>
      %dma_wait3A_157 = arith.constant 0 : i32
      %dma_wait3A_158 = arith.constant 0 : i32
      %dma_wait3A_159 = tpu.memref_slice %arg2[%dma_wait3A_157, %dma_wait3A_158] : memref<102400x32xf32, #tpu.memory_space<hbm>> -> memref<102400x32xf32, #tpu.memory_space<hbm>>
      tpu.wait_indirect_dma semaphore(%arg17 : memref<!tpu.dma_semaphore, #tpu.memory_space<semaphore_mem>>) src(%dma_wait3A_159 : memref<102400x32xf32, #tpu.memory_space<hbm>>) dst(%arg12 : memref<128x32xf32, #tpu.memory_space<vmem>>)
      %add3A_160 = arith.constant 3 : i32
      %add3A_161 = arith.addi %add3A_104, %add3A_160 : i32
      %dma_start3A_162 = arith.constant 0 : i32
      %dma_start3A_163 = tpu.memref_slice %arg8[%add3A_161, %dma_start3A_162] : memref<200x128xi32, #tpu.memory_space<vmem>> -> memref<1x128xi32, #tpu.memory_space<vmem>>
      %dma_start3A_164 = tpu.memref_squeeze %dma_start3A_163 : memref<1x128xi32, #tpu.memory_space<vmem>> -> memref<128xi32, #tpu.memory_space<vmem>>
      %dma_start3A_165 = arith.constant 0 : i32
      %dma_start3A_166 = arith.constant 0 : i32
      %dma_start3A_167 = tpu.memref_slice %arg13[%dma_start3A_165, %dma_start3A_166] : memref<25600x32xf32, #tpu.memory_space<vmem_shared>> -> memref<25600x32xf32, #tpu.memory_space<vmem_shared>>
      tpu.enqueue_indirect_dma source(%arg12 : memref<128x32xf32, #tpu.memory_space<vmem>>) target(%dma_start3A_167 : memref<25600x32xf32, #tpu.memory_space<vmem_shared>>) offsets(%dma_start3A_164 : memref<128xi32, #tpu.memory_space<vmem>>) semaphore(%arg21 : memref<!tpu.dma_semaphore, #tpu.memory_space<semaphore_mem>>) {add = true}
      %dma_wait3A_168 = arith.constant 0 : i32
      %dma_wait3A_169 = tpu.memref_slice %arg8[%add3A_113, %dma_wait3A_168] : memref<200x128xi32, #tpu.memory_space<vmem>> -> memref<1x128xi32, #tpu.memory_space<vmem>>
      %dma_wait3A_170 = tpu.memref_squeeze %dma_wait3A_169 : memref<1x128xi32, #tpu.memory_space<vmem>> -> memref<128xi32, #tpu.memory_space<vmem>>
      %dma_wait3A_171 = arith.constant 0 : i32
      %dma_wait3A_172 = arith.constant 0 : i32
      %dma_wait3A_173 = tpu.memref_slice %arg13[%dma_wait3A_171, %dma_wait3A_172] : memref<25600x32xf32, #tpu.memory_space<vmem_shared>> -> memref<25600x32xf32, #tpu.memory_space<vmem_shared>>
      tpu.wait_indirect_dma semaphore(%arg18 : memref<!tpu.dma_semaphore, #tpu.memory_space<semaphore_mem>>) src(%arg9 : memref<128x32xf32, #tpu.memory_space<vmem>>) dst(%dma_wait3A_173 : memref<25600x32xf32, #tpu.memory_space<vmem_shared>>)
      %add3A_174 = arith.constant 0 : i32
      %add3A_175 = arith.addi %add3A_104, %add3A_174 : i32
      %add3A_176 = arith.constant 4 : i32
      %add3A_177 = arith.addi %add3A_175, %add3A_176 : i32
      %lt3A = arith.constant 200 : i32
      %lt3A_178 = arith.cmpi slt, %add3A_177, %lt3A : i32
      %convert_element_type3A = arith.extui %lt3A_178 : i1 to i32
      %cond3A = arith.constant 0 : i32
      %cond3A_179 = arith.cmpi ne, %convert_element_type3A, %cond3A : i32
      scf.if %cond3A_179 {
        %add3A_225 = arith.constant 0 : i32
        %add3A_226 = arith.addi %add3A_104, %add3A_225 : i32
        %add3A_227 = arith.constant 4 : i32
        %add3A_228 = arith.addi %add3A_226, %add3A_227 : i32
        %dma_start3A_229 = arith.constant 0 : i32
        %dma_start3A_230 = tpu.memref_slice %arg7[%add3A_228, %dma_start3A_229] : memref<200x128xi32, #tpu.memory_space<vmem>> -> memref<1x128xi32, #tpu.memory_space<vmem>>
        %dma_start3A_231 = tpu.memref_squeeze %dma_start3A_230 : memref<1x128xi32, #tpu.memory_space<vmem>> -> memref<128xi32, #tpu.memory_space<vmem>>
        %dma_start3A_232 = arith.constant 0 : i32
        %dma_start3A_233 = arith.constant 0 : i32
        %dma_start3A_234 = tpu.memref_slice %arg2[%dma_start3A_232, %dma_start3A_233] : memref<102400x32xf32, #tpu.memory_space<hbm>> -> memref<102400x32xf32, #tpu.memory_space<hbm>>
        tpu.enqueue_indirect_dma source(%dma_start3A_234 : memref<102400x32xf32, #tpu.memory_space<hbm>>) target(%arg9 : memref<128x32xf32, #tpu.memory_space<vmem>>) offsets(%dma_start3A_231 : memref<128xi32, #tpu.memory_space<vmem>>) semaphore(%arg14 : memref<!tpu.dma_semaphore, #tpu.memory_space<semaphore_mem>>)
      } else {
      }
      %dma_wait3A_180 = arith.constant 0 : i32
      %dma_wait3A_181 = tpu.memref_slice %arg8[%add3A_129, %dma_wait3A_180] : memref<200x128xi32, #tpu.memory_space<vmem>> -> memref<1x128xi32, #tpu.memory_space<vmem>>
      %dma_wait3A_182 = tpu.memref_squeeze %dma_wait3A_181 : memref<1x128xi32, #tpu.memory_space<vmem>> -> memref<128xi32, #tpu.memory_space<vmem>>
      %dma_wait3A_183 = arith.constant 0 : i32
      %dma_wait3A_184 = arith.constant 0 : i32
      %dma_wait3A_185 = tpu.memref_slice %arg13[%dma_wait3A_183, %dma_wait3A_184] : memref<25600x32xf32, #tpu.memory_space<vmem_shared>> -> memref<25600x32xf32, #tpu.memory_space<vmem_shared>>
      tpu.wait_indirect_dma semaphore(%arg19 : memref<!tpu.dma_semaphore, #tpu.memory_space<semaphore_mem>>) src(%arg10 : memref<128x32xf32, #tpu.memory_space<vmem>>) dst(%dma_wait3A_185 : memref<25600x32xf32, #tpu.memory_space<vmem_shared>>)
      %add3A_186 = arith.constant 1 : i32
      %add3A_187 = arith.addi %add3A_104, %add3A_186 : i32
      %add3A_188 = arith.constant 4 : i32
      %add3A_189 = arith.addi %add3A_187, %add3A_188 : i32
      %lt3A_190 = arith.constant 200 : i32
      %lt3A_191 = arith.cmpi slt, %add3A_189, %lt3A_190 : i32
      %convert_element_type3A_192 = arith.extui %lt3A_191 : i1 to i32
      %cond3A_193 = arith.constant 0 : i32
      %cond3A_194 = arith.cmpi ne, %convert_element_type3A_192, %cond3A_193 : i32
      scf.if %cond3A_194 {
        %add3A_225 = arith.constant 1 : i32
        %add3A_226 = arith.addi %add3A_104, %add3A_225 : i32
        %add3A_227 = arith.constant 4 : i32
        %add3A_228 = arith.addi %add3A_226, %add3A_227 : i32
        %dma_start3A_229 = arith.constant 0 : i32
        %dma_start3A_230 = tpu.memref_slice %arg7[%add3A_228, %dma_start3A_229] : memref<200x128xi32, #tpu.memory_space<vmem>> -> memref<1x128xi32, #tpu.memory_space<vmem>>
        %dma_start3A_231 = tpu.memref_squeeze %dma_start3A_230 : memref<1x128xi32, #tpu.memory_space<vmem>> -> memref<128xi32, #tpu.memory_space<vmem>>
        %dma_start3A_232 = arith.constant 0 : i32
        %dma_start3A_233 = arith.constant 0 : i32
        %dma_start3A_234 = tpu.memref_slice %arg2[%dma_start3A_232, %dma_start3A_233] : memref<102400x32xf32, #tpu.memory_space<hbm>> -> memref<102400x32xf32, #tpu.memory_space<hbm>>
        tpu.enqueue_indirect_dma source(%dma_start3A_234 : memref<102400x32xf32, #tpu.memory_space<hbm>>) target(%arg10 : memref<128x32xf32, #tpu.memory_space<vmem>>) offsets(%dma_start3A_231 : memref<128xi32, #tpu.memory_space<vmem>>) semaphore(%arg15 : memref<!tpu.dma_semaphore, #tpu.memory_space<semaphore_mem>>)
      } else {
      }
      %dma_wait3A_195 = arith.constant 0 : i32
      %dma_wait3A_196 = tpu.memref_slice %arg8[%add3A_145, %dma_wait3A_195] : memref<200x128xi32, #tpu.memory_space<vmem>> -> memref<1x128xi32, #tpu.memory_space<vmem>>
      %dma_wait3A_197 = tpu.memref_squeeze %dma_wait3A_196 : memref<1x128xi32, #tpu.memory_space<vmem>> -> memref<128xi32, #tpu.memory_space<vmem>>
      %dma_wait3A_198 = arith.constant 0 : i32
      %dma_wait3A_199 = arith.constant 0 : i32
      %dma_wait3A_200 = tpu.memref_slice %arg13[%dma_wait3A_198, %dma_wait3A_199] : memref<25600x32xf32, #tpu.memory_space<vmem_shared>> -> memref<25600x32xf32, #tpu.memory_space<vmem_shared>>
      tpu.wait_indirect_dma semaphore(%arg20 : memref<!tpu.dma_semaphore, #tpu.memory_space<semaphore_mem>>) src(%arg11 : memref<128x32xf32, #tpu.memory_space<vmem>>) dst(%dma_wait3A_200 : memref<25600x32xf32, #tpu.memory_space<vmem_shared>>)
      %add3A_201 = arith.constant 2 : i32
      %add3A_202 = arith.addi %add3A_104, %add3A_201 : i32
      %add3A_203 = arith.constant 4 : i32
      %add3A_204 = arith.addi %add3A_202, %add3A_203 : i32
      %lt3A_205 = arith.constant 200 : i32
      %lt3A_206 = arith.cmpi slt, %add3A_204, %lt3A_205 : i32
      %convert_element_type3A_207 = arith.extui %lt3A_206 : i1 to i32
      %cond3A_208 = arith.constant 0 : i32
      %cond3A_209 = arith.cmpi ne, %convert_element_type3A_207, %cond3A_208 : i32
      scf.if %cond3A_209 {
        %add3A_225 = arith.constant 2 : i32
        %add3A_226 = arith.addi %add3A_104, %add3A_225 : i32
        %add3A_227 = arith.constant 4 : i32
        %add3A_228 = arith.addi %add3A_226, %add3A_227 : i32
        %dma_start3A_229 = arith.constant 0 : i32
        %dma_start3A_230 = tpu.memref_slice %arg7[%add3A_228, %dma_start3A_229] : memref<200x128xi32, #tpu.memory_space<vmem>> -> memref<1x128xi32, #tpu.memory_space<vmem>>
        %dma_start3A_231 = tpu.memref_squeeze %dma_start3A_230 : memref<1x128xi32, #tpu.memory_space<vmem>> -> memref<128xi32, #tpu.memory_space<vmem>>
        %dma_start3A_232 = arith.constant 0 : i32
        %dma_start3A_233 = arith.constant 0 : i32
        %dma_start3A_234 = tpu.memref_slice %arg2[%dma_start3A_232, %dma_start3A_233] : memref<102400x32xf32, #tpu.memory_space<hbm>> -> memref<102400x32xf32, #tpu.memory_space<hbm>>
        tpu.enqueue_indirect_dma source(%dma_start3A_234 : memref<102400x32xf32, #tpu.memory_space<hbm>>) target(%arg11 : memref<128x32xf32, #tpu.memory_space<vmem>>) offsets(%dma_start3A_231 : memref<128xi32, #tpu.memory_space<vmem>>) semaphore(%arg16 : memref<!tpu.dma_semaphore, #tpu.memory_space<semaphore_mem>>)
      } else {
      }
      %dma_wait3A_210 = arith.constant 0 : i32
      %dma_wait3A_211 = tpu.memref_slice %arg8[%add3A_161, %dma_wait3A_210] : memref<200x128xi32, #tpu.memory_space<vmem>> -> memref<1x128xi32, #tpu.memory_space<vmem>>
      %dma_wait3A_212 = tpu.memref_squeeze %dma_wait3A_211 : memref<1x128xi32, #tpu.memory_space<vmem>> -> memref<128xi32, #tpu.memory_space<vmem>>
      %dma_wait3A_213 = arith.constant 0 : i32
      %dma_wait3A_214 = arith.constant 0 : i32
      %dma_wait3A_215 = tpu.memref_slice %arg13[%dma_wait3A_213, %dma_wait3A_214] : memref<25600x32xf32, #tpu.memory_space<vmem_shared>> -> memref<25600x32xf32, #tpu.memory_space<vmem_shared>>
      tpu.wait_indirect_dma semaphore(%arg21 : memref<!tpu.dma_semaphore, #tpu.memory_space<semaphore_mem>>) src(%arg12 : memref<128x32xf32, #tpu.memory_space<vmem>>) dst(%dma_wait3A_215 : memref<25600x32xf32, #tpu.memory_space<vmem_shared>>)
      %add3A_216 = arith.constant 3 : i32
      %add3A_217 = arith.addi %add3A_104, %add3A_216 : i32
      %add3A_218 = arith.constant 4 : i32
      %add3A_219 = arith.addi %add3A_217, %add3A_218 : i32
      %lt3A_220 = arith.constant 200 : i32
      %lt3A_221 = arith.cmpi slt, %add3A_219, %lt3A_220 : i32
      %convert_element_type3A_222 = arith.extui %lt3A_221 : i1 to i32
      %cond3A_223 = arith.constant 0 : i32
      %cond3A_224 = arith.cmpi ne, %convert_element_type3A_222, %cond3A_223 : i32
      scf.if %cond3A_224 {
        %add3A_225 = arith.constant 3 : i32
        %add3A_226 = arith.addi %add3A_104, %add3A_225 : i32
        %add3A_227 = arith.constant 4 : i32
        %add3A_228 = arith.addi %add3A_226, %add3A_227 : i32
        %dma_start3A_229 = arith.constant 0 : i32
        %dma_start3A_230 = tpu.memref_slice %arg7[%add3A_228, %dma_start3A_229] : memref<200x128xi32, #tpu.memory_space<vmem>> -> memref<1x128xi32, #tpu.memory_space<vmem>>
        %dma_start3A_231 = tpu.memref_squeeze %dma_start3A_230 : memref<1x128xi32, #tpu.memory_space<vmem>> -> memref<128xi32, #tpu.memory_space<vmem>>
        %dma_start3A_232 = arith.constant 0 : i32
        %dma_start3A_233 = arith.constant 0 : i32
        %dma_start3A_234 = tpu.memref_slice %arg2[%dma_start3A_232, %dma_start3A_233] : memref<102400x32xf32, #tpu.memory_space<hbm>> -> memref<102400x32xf32, #tpu.memory_space<hbm>>
        tpu.enqueue_indirect_dma source(%dma_start3A_234 : memref<102400x32xf32, #tpu.memory_space<hbm>>) target(%arg12 : memref<128x32xf32, #tpu.memory_space<vmem>>) offsets(%dma_start3A_231 : memref<128xi32, #tpu.memory_space<vmem>>) semaphore(%arg17 : memref<!tpu.dma_semaphore, #tpu.memory_space<semaphore_mem>>)
      } else {
      }
    }
    %scan3A_36 = arith.constant 50 : i32
    %barrier3A_37 = arith.constant 0 : index
    tpu.barrier barrier_id(%barrier3A_37)
    %mul3A_38 = arith.constant 1600 : i32
    %mul3A_39 = arith.muli %arg1, %mul3A_38 : i32
    %mul3A_40 = arith.constant 1600 : i32
    %mul3A_41 = arith.muli %arg1, %mul3A_40 : i32
    %mul3A_42 = arith.constant 2 : i32
    %mul3A_43 = arith.muli %mul3A_42, %arg0 : i32
    %add3A = arith.constant 0 : i32
    %add3A_44 = arith.addi %mul3A_43, %add3A : i32
    %mul3A_45 = arith.constant 32 : i32
    %mul3A_46 = arith.muli %add3A_44, %mul3A_45 : i32
    "tpu.region"() ({
      %run_scoped3A = tpu.sem_alloc : memref<!tpu.dma_semaphore, #tpu.memory_space<semaphore_mem>>
      %dma_start3A_100 = tpu.memref_slice %arg6[%mul3A_41, %mul3A_46] : memref<25600x128xf32, #tpu.memory_space<hbm>> -> memref<1600x32xf32, #tpu.memory_space<hbm>>
      %dma_start3A_101 = arith.constant 0 : i32
      %dma_start3A_102 = tpu.memref_slice %arg13[%mul3A_39, %dma_start3A_101] : memref<25600x32xf32, #tpu.memory_space<vmem_shared>> -> memref<1600x32xf32, #tpu.memory_space<vmem_shared>>
      tpu.enqueue_dma source(%dma_start3A_102 : memref<1600x32xf32, #tpu.memory_space<vmem_shared>>) target(%dma_start3A_100 : memref<1600x32xf32, #tpu.memory_space<hbm>>) target_semaphore(%run_scoped3A : memref<!tpu.dma_semaphore, #tpu.memory_space<semaphore_mem>>)
      %dma_wait3A = tpu.memref_slice %arg6[%mul3A_41, %mul3A_46] : memref<25600x128xf32, #tpu.memory_space<hbm>> -> memref<1600x32xf32, #tpu.memory_space<hbm>>
      %dma_wait3A_103 = arith.constant 0 : i32
      %dma_wait3A_104 = tpu.memref_slice %arg13[%mul3A_39, %dma_wait3A_103] : memref<25600x32xf32, #tpu.memory_space<vmem_shared>> -> memref<1600x32xf32, #tpu.memory_space<vmem_shared>>
      tpu.wait_dma2 semaphore(%run_scoped3A : memref<!tpu.dma_semaphore, #tpu.memory_space<semaphore_mem>>) src(%dma_wait3A_104 : memref<1600x32xf32, #tpu.memory_space<vmem_shared>>) dst(%dma_wait3A : memref<1600x32xf32, #tpu.memory_space<hbm>>)
      tpu.yield
    }) : () -> ()
    %barrier3A_47 = arith.constant 0 : index
    tpu.barrier barrier_id(%barrier3A_47)
    %scan3A_48 = arith.constant 0 : i32
    %scan3A_49 = arith.constant 200 : i32
    %scan3A_50 = arith.addi %scan3A_48, %scan3A_49 : i32
    %scan3A_51 = arith.constant 1 : i32
    scf.for %scan3A_100 = %scan3A_48 to %scan3A_50 step %scan3A_51  : i32 {
      %mul3A_101 = arith.constant 1 : i32
      %mul3A_102 = arith.muli %scan3A_100, %mul3A_101 : i32
      %add3A_103 = arith.constant 0 : i32
      %add3A_104 = arith.addi %add3A_103, %mul3A_102 : i32
      %scan3A_105 = arith.constant 0 : i32
      %scan3A_106 = arith.constant 8 : i32
      %scan3A_107 = arith.addi %scan3A_105, %scan3A_106 : i32
      %scan3A_108 = arith.constant 1 : i32
      scf.for %scan3A_110 = %scan3A_105 to %scan3A_107 step %scan3A_108  : i32 {
        %mul3A_111 = arith.constant 16 : i32
        %mul3A_112 = arith.muli %scan3A_110, %mul3A_111 : i32
        %add3A_113 = arith.constant 0 : i32
        %add3A_114 = arith.addi %add3A_113, %mul3A_112 : i32
        %get3A = arith.index_cast %add3A_104 : i32 to index
        %get3A_115 = arith.index_cast %add3A_114 : i32 to index
        %get3A_116 = tpu.vector_load %arg7[%get3A, %get3A_115] {strides = array<i32>} : memref<200x128xi32, #tpu.memory_space<vmem>>, vector<1x16xi32>,
        %get3A_117 = vector.shape_cast %get3A_116 : vector<1x16xi32> to vector<16xi32>
        %add3A_118 = arith.constant 1 : i32
        %add3A_119 = vector.broadcast %add3A_118 : i32 to vector<16xi32>
        %add3A_120 = arith.addi %get3A_117, %add3A_119 : vector<16xi32>
        %swap3A = arith.index_cast %add3A_104 : i32 to index
        %swap3A_121 = arith.index_cast %add3A_114 : i32 to index
        %swap3A_122 = tpu.vector_load %arg7[%swap3A, %swap3A_121] {strides = array<i32>} : memref<200x128xi32, #tpu.memory_space<vmem>>, vector<1x16xi32>,
        %swap3A_123 = vector.shape_cast %swap3A_122 : vector<1x16xi32> to vector<16xi32>
        %swap3A_124 = vector.shape_cast %add3A_120 : vector<16xi32> to vector<1x16xi32>
        tpu.vector_store %arg7[%swap3A, %swap3A_121], %swap3A_124 {strides = array<i32>} : memref<200x128xi32, #tpu.memory_space<vmem>>, vector<1x16xi32>,
      }
      %scan3A_109 = arith.constant 8 : i32
    }
    %scan3A_52 = arith.constant 200 : i32
    %mul3A_53 = arith.constant 1600 : i32
    %mul3A_54 = arith.muli %arg1, %mul3A_53 : i32
    "tpu.region"() ({
      %run_scoped3A = tpu.sem_alloc : memref<!tpu.dma_semaphore, #tpu.memory_space<semaphore_mem>>
      %dma_start3A_100 = arith.constant 0 : i32
      %dma_start3A_101 = tpu.memref_slice %arg13[%mul3A_54, %dma_start3A_100] : memref<25600x32xf32, #tpu.memory_space<vmem_shared>> -> memref<1600x32xf32, #tpu.memory_space<vmem_shared>>
      tpu.enqueue_dma source(%arg5 : memref<1600x32xf32, #tpu.memory_space<hbm>>) target(%dma_start3A_101 : memref<1600x32xf32, #tpu.memory_space<vmem_shared>>) target_semaphore(%run_scoped3A : memref<!tpu.dma_semaphore, #tpu.memory_space<semaphore_mem>>)
      %dma_wait3A = arith.constant 0 : i32
      %dma_wait3A_102 = tpu.memref_slice %arg13[%mul3A_54, %dma_wait3A] : memref<25600x32xf32, #tpu.memory_space<vmem_shared>> -> memref<1600x32xf32, #tpu.memory_space<vmem_shared>>
      tpu.wait_dma2 semaphore(%run_scoped3A : memref<!tpu.dma_semaphore, #tpu.memory_space<semaphore_mem>>) src(%arg5 : memref<1600x32xf32, #tpu.memory_space<hbm>>) dst(%dma_wait3A_102 : memref<1600x32xf32, #tpu.memory_space<vmem_shared>>)
      tpu.yield
    }) : () -> ()
    %barrier3A_55 = arith.constant 0 : index
    tpu.barrier barrier_id(%barrier3A_55)
    %dma_start3A_56 = arith.constant 0 : i32
    %dma_start3A_57 = arith.constant 0 : i32
    %dma_start3A_58 = tpu.memref_slice %arg7[%dma_start3A_56, %dma_start3A_57] : memref<200x128xi32, #tpu.memory_space<vmem>> -> memref<1x128xi32, #tpu.memory_space<vmem>>
    %dma_start3A_59 = tpu.memref_squeeze %dma_start3A_58 : memref<1x128xi32, #tpu.memory_space<vmem>> -> memref<128xi32, #tpu.memory_space<vmem>>
    %dma_start3A_60 = arith.constant 0 : i32
    %dma_start3A_61 = arith.constant 0 : i32
    %dma_start3A_62 = tpu.memref_slice %arg2[%dma_start3A_60, %dma_start3A_61] : memref<102400x32xf32, #tpu.memory_space<hbm>> -> memref<102400x32xf32, #tpu.memory_space<hbm>>
    tpu.enqueue_indirect_dma source(%dma_start3A_62 : memref<102400x32xf32, #tpu.memory_space<hbm>>) target(%arg9 : memref<128x32xf32, #tpu.memory_space<vmem>>) offsets(%dma_start3A_59 : memref<128xi32, #tpu.memory_space<vmem>>) semaphore(%arg14 : memref<!tpu.dma_semaphore, #tpu.memory_space<semaphore_mem>>)
    %dma_start3A_63 = arith.constant 1 : i32
    %dma_start3A_64 = arith.constant 0 : i32
    %dma_start3A_65 = tpu.memref_slice %arg7[%dma_start3A_63, %dma_start3A_64] : memref<200x128xi32, #tpu.memory_space<vmem>> -> memref<1x128xi32, #tpu.memory_space<vmem>>
    %dma_start3A_66 = tpu.memref_squeeze %dma_start3A_65 : memref<1x128xi32, #tpu.memory_space<vmem>> -> memref<128xi32, #tpu.memory_space<vmem>>
    %dma_start3A_67 = arith.constant 0 : i32
    %dma_start3A_68 = arith.constant 0 : i32
    %dma_start3A_69 = tpu.memref_slice %arg2[%dma_start3A_67, %dma_start3A_68] : memref<102400x32xf32, #tpu.memory_space<hbm>> -> memref<102400x32xf32, #tpu.memory_space<hbm>>
    tpu.enqueue_indirect_dma source(%dma_start3A_69 : memref<102400x32xf32, #tpu.memory_space<hbm>>) target(%arg10 : memref<128x32xf32, #tpu.memory_space<vmem>>) offsets(%dma_start3A_66 : memref<128xi32, #tpu.memory_space<vmem>>) semaphore(%arg15 : memref<!tpu.dma_semaphore, #tpu.memory_space<semaphore_mem>>)
    %dma_start3A_70 = arith.constant 2 : i32
    %dma_start3A_71 = arith.constant 0 : i32
    %dma_start3A_72 = tpu.memref_slice %arg7[%dma_start3A_70, %dma_start3A_71] : memref<200x128xi32, #tpu.memory_space<vmem>> -> memref<1x128xi32, #tpu.memory_space<vmem>>
    %dma_start3A_73 = tpu.memref_squeeze %dma_start3A_72 : memref<1x128xi32, #tpu.memory_space<vmem>> -> memref<128xi32, #tpu.memory_space<vmem>>
    %dma_start3A_74 = arith.constant 0 : i32
    %dma_start3A_75 = arith.constant 0 : i32
    %dma_start3A_76 = tpu.memref_slice %arg2[%dma_start3A_74, %dma_start3A_75] : memref<102400x32xf32, #tpu.memory_space<hbm>> -> memref<102400x32xf32, #tpu.memory_space<hbm>>
    tpu.enqueue_indirect_dma source(%dma_start3A_76 : memref<102400x32xf32, #tpu.memory_space<hbm>>) target(%arg11 : memref<128x32xf32, #tpu.memory_space<vmem>>) offsets(%dma_start3A_73 : memref<128xi32, #tpu.memory_space<vmem>>) semaphore(%arg16 : memref<!tpu.dma_semaphore, #tpu.memory_space<semaphore_mem>>)
    %dma_start3A_77 = arith.constant 3 : i32
    %dma_start3A_78 = arith.constant 0 : i32
    %dma_start3A_79 = tpu.memref_slice %arg7[%dma_start3A_77, %dma_start3A_78] : memref<200x128xi32, #tpu.memory_space<vmem>> -> memref<1x128xi32, #tpu.memory_space<vmem>>
    %dma_start3A_80 = tpu.memref_squeeze %dma_start3A_79 : memref<1x128xi32, #tpu.memory_space<vmem>> -> memref<128xi32, #tpu.memory_space<vmem>>
    %dma_start3A_81 = arith.constant 0 : i32
    %dma_start3A_82 = arith.constant 0 : i32
    %dma_start3A_83 = tpu.memref_slice %arg2[%dma_start3A_81, %dma_start3A_82] : memref<102400x32xf32, #tpu.memory_space<hbm>> -> memref<102400x32xf32, #tpu.memory_space<hbm>>
    tpu.enqueue_indirect_dma source(%dma_start3A_83 : memref<102400x32xf32, #tpu.memory_space<hbm>>) target(%arg12 : memref<128x32xf32, #tpu.memory_space<vmem>>) offsets(%dma_start3A_80 : memref<128xi32, #tpu.memory_space<vmem>>) semaphore(%arg17 : memref<!tpu.dma_semaphore, #tpu.memory_space<semaphore_mem>>)
    %scan3A_84 = arith.constant 0 : i32
    %scan3A_85 = arith.constant 50 : i32
    %scan3A_86 = arith.addi %scan3A_84, %scan3A_85 : i32
    %scan3A_87 = arith.constant 1 : i32
    scf.for %scan3A_100 = %scan3A_84 to %scan3A_86 step %scan3A_87  : i32 {
      %mul3A_101 = arith.constant 4 : i32
      %mul3A_102 = arith.muli %scan3A_100, %mul3A_101 : i32
      %add3A_103 = arith.constant 0 : i32
      %add3A_104 = arith.addi %add3A_103, %mul3A_102 : i32
      %add3A_105 = arith.constant 0 : i32
      %add3A_106 = arith.addi %add3A_104, %add3A_105 : i32
      %dma_wait3A = arith.constant 0 : i32
      %dma_wait3A_107 = tpu.memref_slice %arg7[%add3A_106, %dma_wait3A] : memref<200x128xi32, #tpu.memory_space<vmem>> -> memref<1x128xi32, #tpu.memory_space<vmem>>
      %dma_wait3A_108 = tpu.memref_squeeze %dma_wait3A_107 : memref<1x128xi32, #tpu.memory_space<vmem>> -> memref<128xi32, #tpu.memory_space<vmem>>
      %dma_wait3A_109 = arith.constant 0 : i32
      %dma_wait3A_110 = arith.constant 0 : i32
      %dma_wait3A_111 = tpu.memref_slice %arg2[%dma_wait3A_109, %dma_wait3A_110] : memref<102400x32xf32, #tpu.memory_space<hbm>> -> memref<102400x32xf32, #tpu.memory_space<hbm>>
      tpu.wait_indirect_dma semaphore(%arg14 : memref<!tpu.dma_semaphore, #tpu.memory_space<semaphore_mem>>) src(%dma_wait3A_111 : memref<102400x32xf32, #tpu.memory_space<hbm>>) dst(%arg9 : memref<128x32xf32, #tpu.memory_space<vmem>>)
      %add3A_112 = arith.constant 0 : i32
      %add3A_113 = arith.addi %add3A_104, %add3A_112 : i32
      %dma_start3A_114 = arith.constant 0 : i32
      %dma_start3A_115 = tpu.memref_slice %arg8[%add3A_113, %dma_start3A_114] : memref<200x128xi32, #tpu.memory_space<vmem>> -> memref<1x128xi32, #tpu.memory_space<vmem>>
      %dma_start3A_116 = tpu.memref_squeeze %dma_start3A_115 : memref<1x128xi32, #tpu.memory_space<vmem>> -> memref<128xi32, #tpu.memory_space<vmem>>
      %dma_start3A_117 = arith.constant 0 : i32
      %dma_start3A_118 = arith.constant 0 : i32
      %dma_start3A_119 = tpu.memref_slice %arg13[%dma_start3A_117, %dma_start3A_118] : memref<25600x32xf32, #tpu.memory_space<vmem_shared>> -> memref<25600x32xf32, #tpu.memory_space<vmem_shared>>
      tpu.enqueue_indirect_dma source(%arg9 : memref<128x32xf32, #tpu.memory_space<vmem>>) target(%dma_start3A_119 : memref<25600x32xf32, #tpu.memory_space<vmem_shared>>) offsets(%dma_start3A_116 : memref<128xi32, #tpu.memory_space<vmem>>) semaphore(%arg18 : memref<!tpu.dma_semaphore, #tpu.memory_space<semaphore_mem>>) {add = true}
      %add3A_120 = arith.constant 1 : i32
      %add3A_121 = arith.addi %add3A_104, %add3A_120 : i32
      %dma_wait3A_122 = arith.constant 0 : i32
      %dma_wait3A_123 = tpu.memref_slice %arg7[%add3A_121, %dma_wait3A_122] : memref<200x128xi32, #tpu.memory_space<vmem>> -> memref<1x128xi32, #tpu.memory_space<vmem>>
      %dma_wait3A_124 = tpu.memref_squeeze %dma_wait3A_123 : memref<1x128xi32, #tpu.memory_space<vmem>> -> memref<128xi32, #tpu.memory_space<vmem>>
      %dma_wait3A_125 = arith.constant 0 : i32
      %dma_wait3A_126 = arith.constant 0 : i32
      %dma_wait3A_127 = tpu.memref_slice %arg2[%dma_wait3A_125, %dma_wait3A_126] : memref<102400x32xf32, #tpu.memory_space<hbm>> -> memref<102400x32xf32, #tpu.memory_space<hbm>>
      tpu.wait_indirect_dma semaphore(%arg15 : memref<!tpu.dma_semaphore, #tpu.memory_space<semaphore_mem>>) src(%dma_wait3A_127 : memref<102400x32xf32, #tpu.memory_space<hbm>>) dst(%arg10 : memref<128x32xf32, #tpu.memory_space<vmem>>)
      %add3A_128 = arith.constant 1 : i32
      %add3A_129 = arith.addi %add3A_104, %add3A_128 : i32
      %dma_start3A_130 = arith.constant 0 : i32
      %dma_start3A_131 = tpu.memref_slice %arg8[%add3A_129, %dma_start3A_130] : memref<200x128xi32, #tpu.memory_space<vmem>> -> memref<1x128xi32, #tpu.memory_space<vmem>>
      %dma_start3A_132 = tpu.memref_squeeze %dma_start3A_131 : memref<1x128xi32, #tpu.memory_space<vmem>> -> memref<128xi32, #tpu.memory_space<vmem>>
      %dma_start3A_133 = arith.constant 0 : i32
      %dma_start3A_134 = arith.constant 0 : i32
      %dma_start3A_135 = tpu.memref_slice %arg13[%dma_start3A_133, %dma_start3A_134] : memref<25600x32xf32, #tpu.memory_space<vmem_shared>> -> memref<25600x32xf32, #tpu.memory_space<vmem_shared>>
      tpu.enqueue_indirect_dma source(%arg10 : memref<128x32xf32, #tpu.memory_space<vmem>>) target(%dma_start3A_135 : memref<25600x32xf32, #tpu.memory_space<vmem_shared>>) offsets(%dma_start3A_132 : memref<128xi32, #tpu.memory_space<vmem>>) semaphore(%arg19 : memref<!tpu.dma_semaphore, #tpu.memory_space<semaphore_mem>>) {add = true}
      %add3A_136 = arith.constant 2 : i32
      %add3A_137 = arith.addi %add3A_104, %add3A_136 : i32
      %dma_wait3A_138 = arith.constant 0 : i32
      %dma_wait3A_139 = tpu.memref_slice %arg7[%add3A_137, %dma_wait3A_138] : memref<200x128xi32, #tpu.memory_space<vmem>> -> memref<1x128xi32, #tpu.memory_space<vmem>>
      %dma_wait3A_140 = tpu.memref_squeeze %dma_wait3A_139 : memref<1x128xi32, #tpu.memory_space<vmem>> -> memref<128xi32, #tpu.memory_space<vmem>>
      %dma_wait3A_141 = arith.constant 0 : i32
      %dma_wait3A_142 = arith.constant 0 : i32
      %dma_wait3A_143 = tpu.memref_slice %arg2[%dma_wait3A_141, %dma_wait3A_142] : memref<102400x32xf32, #tpu.memory_space<hbm>> -> memref<102400x32xf32, #tpu.memory_space<hbm>>
      tpu.wait_indirect_dma semaphore(%arg16 : memref<!tpu.dma_semaphore, #tpu.memory_space<semaphore_mem>>) src(%dma_wait3A_143 : memref<102400x32xf32, #tpu.memory_space<hbm>>) dst(%arg11 : memref<128x32xf32, #tpu.memory_space<vmem>>)
      %add3A_144 = arith.constant 2 : i32
      %add3A_145 = arith.addi %add3A_104, %add3A_144 : i32
      %dma_start3A_146 = arith.constant 0 : i32
      %dma_start3A_147 = tpu.memref_slice %arg8[%add3A_145, %dma_start3A_146] : memref<200x128xi32, #tpu.memory_space<vmem>> -> memref<1x128xi32, #tpu.memory_space<vmem>>
      %dma_start3A_148 = tpu.memref_squeeze %dma_start3A_147 : memref<1x128xi32, #tpu.memory_space<vmem>> -> memref<128xi32, #tpu.memory_space<vmem>>
      %dma_start3A_149 = arith.constant 0 : i32
      %dma_start3A_150 = arith.constant 0 : i32
      %dma_start3A_151 = tpu.memref_slice %arg13[%dma_start3A_149, %dma_start3A_150] : memref<25600x32xf32, #tpu.memory_space<vmem_shared>> -> memref<25600x32xf32, #tpu.memory_space<vmem_shared>>
      tpu.enqueue_indirect_dma source(%arg11 : memref<128x32xf32, #tpu.memory_space<vmem>>) target(%dma_start3A_151 : memref<25600x32xf32, #tpu.memory_space<vmem_shared>>) offsets(%dma_start3A_148 : memref<128xi32, #tpu.memory_space<vmem>>) semaphore(%arg20 : memref<!tpu.dma_semaphore, #tpu.memory_space<semaphore_mem>>) {add = true}
      %add3A_152 = arith.constant 3 : i32
      %add3A_153 = arith.addi %add3A_104, %add3A_152 : i32
      %dma_wait3A_154 = arith.constant 0 : i32
      %dma_wait3A_155 = tpu.memref_slice %arg7[%add3A_153, %dma_wait3A_154] : memref<200x128xi32, #tpu.memory_space<vmem>> -> memref<1x128xi32, #tpu.memory_space<vmem>>
      %dma_wait3A_156 = tpu.memref_squeeze %dma_wait3A_155 : memref<1x128xi32, #tpu.memory_space<vmem>> -> memref<128xi32, #tpu.memory_space<vmem>>
      %dma_wait3A_157 = arith.constant 0 : i32
      %dma_wait3A_158 = arith.constant 0 : i32
      %dma_wait3A_159 = tpu.memref_slice %arg2[%dma_wait3A_157, %dma_wait3A_158] : memref<102400x32xf32, #tpu.memory_space<hbm>> -> memref<102400x32xf32, #tpu.memory_space<hbm>>
      tpu.wait_indirect_dma semaphore(%arg17 : memref<!tpu.dma_semaphore, #tpu.memory_space<semaphore_mem>>) src(%dma_wait3A_159 : memref<102400x32xf32, #tpu.memory_space<hbm>>) dst(%arg12 : memref<128x32xf32, #tpu.memory_space<vmem>>)
      %add3A_160 = arith.constant 3 : i32
      %add3A_161 = arith.addi %add3A_104, %add3A_160 : i32
      %dma_start3A_162 = arith.constant 0 : i32
      %dma_start3A_163 = tpu.memref_slice %arg8[%add3A_161, %dma_start3A_162] : memref<200x128xi32, #tpu.memory_space<vmem>> -> memref<1x128xi32, #tpu.memory_space<vmem>>
      %dma_start3A_164 = tpu.memref_squeeze %dma_start3A_163 : memref<1x128xi32, #tpu.memory_space<vmem>> -> memref<128xi32, #tpu.memory_space<vmem>>
      %dma_start3A_165 = arith.constant 0 : i32
      %dma_start3A_166 = arith.constant 0 : i32
      %dma_start3A_167 = tpu.memref_slice %arg13[%dma_start3A_165, %dma_start3A_166] : memref<25600x32xf32, #tpu.memory_space<vmem_shared>> -> memref<25600x32xf32, #tpu.memory_space<vmem_shared>>
      tpu.enqueue_indirect_dma source(%arg12 : memref<128x32xf32, #tpu.memory_space<vmem>>) target(%dma_start3A_167 : memref<25600x32xf32, #tpu.memory_space<vmem_shared>>) offsets(%dma_start3A_164 : memref<128xi32, #tpu.memory_space<vmem>>) semaphore(%arg21 : memref<!tpu.dma_semaphore, #tpu.memory_space<semaphore_mem>>) {add = true}
      %dma_wait3A_168 = arith.constant 0 : i32
      %dma_wait3A_169 = tpu.memref_slice %arg8[%add3A_113, %dma_wait3A_168] : memref<200x128xi32, #tpu.memory_space<vmem>> -> memref<1x128xi32, #tpu.memory_space<vmem>>
      %dma_wait3A_170 = tpu.memref_squeeze %dma_wait3A_169 : memref<1x128xi32, #tpu.memory_space<vmem>> -> memref<128xi32, #tpu.memory_space<vmem>>
      %dma_wait3A_171 = arith.constant 0 : i32
      %dma_wait3A_172 = arith.constant 0 : i32
      %dma_wait3A_173 = tpu.memref_slice %arg13[%dma_wait3A_171, %dma_wait3A_172] : memref<25600x32xf32, #tpu.memory_space<vmem_shared>> -> memref<25600x32xf32, #tpu.memory_space<vmem_shared>>
      tpu.wait_indirect_dma semaphore(%arg18 : memref<!tpu.dma_semaphore, #tpu.memory_space<semaphore_mem>>) src(%arg9 : memref<128x32xf32, #tpu.memory_space<vmem>>) dst(%dma_wait3A_173 : memref<25600x32xf32, #tpu.memory_space<vmem_shared>>)
      %add3A_174 = arith.constant 0 : i32
      %add3A_175 = arith.addi %add3A_104, %add3A_174 : i32
      %add3A_176 = arith.constant 4 : i32
      %add3A_177 = arith.addi %add3A_175, %add3A_176 : i32
      %lt3A = arith.constant 200 : i32
      %lt3A_178 = arith.cmpi slt, %add3A_177, %lt3A : i32
      %convert_element_type3A = arith.extui %lt3A_178 : i1 to i32
      %cond3A = arith.constant 0 : i32
      %cond3A_179 = arith.cmpi ne, %convert_element_type3A, %cond3A : i32
      scf.if %cond3A_179 {
        %add3A_225 = arith.constant 0 : i32
        %add3A_226 = arith.addi %add3A_104, %add3A_225 : i32
        %add3A_227 = arith.constant 4 : i32
        %add3A_228 = arith.addi %add3A_226, %add3A_227 : i32
        %dma_start3A_229 = arith.constant 0 : i32
        %dma_start3A_230 = tpu.memref_slice %arg7[%add3A_228, %dma_start3A_229] : memref<200x128xi32, #tpu.memory_space<vmem>> -> memref<1x128xi32, #tpu.memory_space<vmem>>
        %dma_start3A_231 = tpu.memref_squeeze %dma_start3A_230 : memref<1x128xi32, #tpu.memory_space<vmem>> -> memref<128xi32, #tpu.memory_space<vmem>>
        %dma_start3A_232 = arith.constant 0 : i32
        %dma_start3A_233 = arith.constant 0 : i32
        %dma_start3A_234 = tpu.memref_slice %arg2[%dma_start3A_232, %dma_start3A_233] : memref<102400x32xf32, #tpu.memory_space<hbm>> -> memref<102400x32xf32, #tpu.memory_space<hbm>>
        tpu.enqueue_indirect_dma source(%dma_start3A_234 : memref<102400x32xf32, #tpu.memory_space<hbm>>) target(%arg9 : memref<128x32xf32, #tpu.memory_space<vmem>>) offsets(%dma_start3A_231 : memref<128xi32, #tpu.memory_space<vmem>>) semaphore(%arg14 : memref<!tpu.dma_semaphore, #tpu.memory_space<semaphore_mem>>)
      } else {
      }
      %dma_wait3A_180 = arith.constant 0 : i32
      %dma_wait3A_181 = tpu.memref_slice %arg8[%add3A_129, %dma_wait3A_180] : memref<200x128xi32, #tpu.memory_space<vmem>> -> memref<1x128xi32, #tpu.memory_space<vmem>>
      %dma_wait3A_182 = tpu.memref_squeeze %dma_wait3A_181 : memref<1x128xi32, #tpu.memory_space<vmem>> -> memref<128xi32, #tpu.memory_space<vmem>>
      %dma_wait3A_183 = arith.constant 0 : i32
      %dma_wait3A_184 = arith.constant 0 : i32
      %dma_wait3A_185 = tpu.memref_slice %arg13[%dma_wait3A_183, %dma_wait3A_184] : memref<25600x32xf32, #tpu.memory_space<vmem_shared>> -> memref<25600x32xf32, #tpu.memory_space<vmem_shared>>
      tpu.wait_indirect_dma semaphore(%arg19 : memref<!tpu.dma_semaphore, #tpu.memory_space<semaphore_mem>>) src(%arg10 : memref<128x32xf32, #tpu.memory_space<vmem>>) dst(%dma_wait3A_185 : memref<25600x32xf32, #tpu.memory_space<vmem_shared>>)
      %add3A_186 = arith.constant 1 : i32
      %add3A_187 = arith.addi %add3A_104, %add3A_186 : i32
      %add3A_188 = arith.constant 4 : i32
      %add3A_189 = arith.addi %add3A_187, %add3A_188 : i32
      %lt3A_190 = arith.constant 200 : i32
      %lt3A_191 = arith.cmpi slt, %add3A_189, %lt3A_190 : i32
      %convert_element_type3A_192 = arith.extui %lt3A_191 : i1 to i32
      %cond3A_193 = arith.constant 0 : i32
      %cond3A_194 = arith.cmpi ne, %convert_element_type3A_192, %cond3A_193 : i32
      scf.if %cond3A_194 {
        %add3A_225 = arith.constant 1 : i32
        %add3A_226 = arith.addi %add3A_104, %add3A_225 : i32
        %add3A_227 = arith.constant 4 : i32
        %add3A_228 = arith.addi %add3A_226, %add3A_227 : i32
        %dma_start3A_229 = arith.constant 0 : i32
        %dma_start3A_230 = tpu.memref_slice %arg7[%add3A_228, %dma_start3A_229] : memref<200x128xi32, #tpu.memory_space<vmem>> -> memref<1x128xi32, #tpu.memory_space<vmem>>
        %dma_start3A_231 = tpu.memref_squeeze %dma_start3A_230 : memref<1x128xi32, #tpu.memory_space<vmem>> -> memref<128xi32, #tpu.memory_space<vmem>>
        %dma_start3A_232 = arith.constant 0 : i32
        %dma_start3A_233 = arith.constant 0 : i32
        %dma_start3A_234 = tpu.memref_slice %arg2[%dma_start3A_232, %dma_start3A_233] : memref<102400x32xf32, #tpu.memory_space<hbm>> -> memref<102400x32xf32, #tpu.memory_space<hbm>>
        tpu.enqueue_indirect_dma source(%dma_start3A_234 : memref<102400x32xf32, #tpu.memory_space<hbm>>) target(%arg10 : memref<128x32xf32, #tpu.memory_space<vmem>>) offsets(%dma_start3A_231 : memref<128xi32, #tpu.memory_space<vmem>>) semaphore(%arg15 : memref<!tpu.dma_semaphore, #tpu.memory_space<semaphore_mem>>)
      } else {
      }
      %dma_wait3A_195 = arith.constant 0 : i32
      %dma_wait3A_196 = tpu.memref_slice %arg8[%add3A_145, %dma_wait3A_195] : memref<200x128xi32, #tpu.memory_space<vmem>> -> memref<1x128xi32, #tpu.memory_space<vmem>>
      %dma_wait3A_197 = tpu.memref_squeeze %dma_wait3A_196 : memref<1x128xi32, #tpu.memory_space<vmem>> -> memref<128xi32, #tpu.memory_space<vmem>>
      %dma_wait3A_198 = arith.constant 0 : i32
      %dma_wait3A_199 = arith.constant 0 : i32
      %dma_wait3A_200 = tpu.memref_slice %arg13[%dma_wait3A_198, %dma_wait3A_199] : memref<25600x32xf32, #tpu.memory_space<vmem_shared>> -> memref<25600x32xf32, #tpu.memory_space<vmem_shared>>
      tpu.wait_indirect_dma semaphore(%arg20 : memref<!tpu.dma_semaphore, #tpu.memory_space<semaphore_mem>>) src(%arg11 : memref<128x32xf32, #tpu.memory_space<vmem>>) dst(%dma_wait3A_200 : memref<25600x32xf32, #tpu.memory_space<vmem_shared>>)
      %add3A_201 = arith.constant 2 : i32
      %add3A_202 = arith.addi %add3A_104, %add3A_201 : i32
      %add3A_203 = arith.constant 4 : i32
      %add3A_204 = arith.addi %add3A_202, %add3A_203 : i32
      %lt3A_205 = arith.constant 200 : i32
      %lt3A_206 = arith.cmpi slt, %add3A_204, %lt3A_205 : i32
      %convert_element_type3A_207 = arith.extui %lt3A_206 : i1 to i32
      %cond3A_208 = arith.constant 0 : i32
      %cond3A_209 = arith.cmpi ne, %convert_element_type3A_207, %cond3A_208 : i32
      scf.if %cond3A_209 {
        %add3A_225 = arith.constant 2 : i32
        %add3A_226 = arith.addi %add3A_104, %add3A_225 : i32
        %add3A_227 = arith.constant 4 : i32
        %add3A_228 = arith.addi %add3A_226, %add3A_227 : i32
        %dma_start3A_229 = arith.constant 0 : i32
        %dma_start3A_230 = tpu.memref_slice %arg7[%add3A_228, %dma_start3A_229] : memref<200x128xi32, #tpu.memory_space<vmem>> -> memref<1x128xi32, #tpu.memory_space<vmem>>
        %dma_start3A_231 = tpu.memref_squeeze %dma_start3A_230 : memref<1x128xi32, #tpu.memory_space<vmem>> -> memref<128xi32, #tpu.memory_space<vmem>>
        %dma_start3A_232 = arith.constant 0 : i32
        %dma_start3A_233 = arith.constant 0 : i32
        %dma_start3A_234 = tpu.memref_slice %arg2[%dma_start3A_232, %dma_start3A_233] : memref<102400x32xf32, #tpu.memory_space<hbm>> -> memref<102400x32xf32, #tpu.memory_space<hbm>>
        tpu.enqueue_indirect_dma source(%dma_start3A_234 : memref<102400x32xf32, #tpu.memory_space<hbm>>) target(%arg11 : memref<128x32xf32, #tpu.memory_space<vmem>>) offsets(%dma_start3A_231 : memref<128xi32, #tpu.memory_space<vmem>>) semaphore(%arg16 : memref<!tpu.dma_semaphore, #tpu.memory_space<semaphore_mem>>)
      } else {
      }
      %dma_wait3A_210 = arith.constant 0 : i32
      %dma_wait3A_211 = tpu.memref_slice %arg8[%add3A_161, %dma_wait3A_210] : memref<200x128xi32, #tpu.memory_space<vmem>> -> memref<1x128xi32, #tpu.memory_space<vmem>>
      %dma_wait3A_212 = tpu.memref_squeeze %dma_wait3A_211 : memref<1x128xi32, #tpu.memory_space<vmem>> -> memref<128xi32, #tpu.memory_space<vmem>>
      %dma_wait3A_213 = arith.constant 0 : i32
      %dma_wait3A_214 = arith.constant 0 : i32
      %dma_wait3A_215 = tpu.memref_slice %arg13[%dma_wait3A_213, %dma_wait3A_214] : memref<25600x32xf32, #tpu.memory_space<vmem_shared>> -> memref<25600x32xf32, #tpu.memory_space<vmem_shared>>
      tpu.wait_indirect_dma semaphore(%arg21 : memref<!tpu.dma_semaphore, #tpu.memory_space<semaphore_mem>>) src(%arg12 : memref<128x32xf32, #tpu.memory_space<vmem>>) dst(%dma_wait3A_215 : memref<25600x32xf32, #tpu.memory_space<vmem_shared>>)
      %add3A_216 = arith.constant 3 : i32
      %add3A_217 = arith.addi %add3A_104, %add3A_216 : i32
      %add3A_218 = arith.constant 4 : i32
      %add3A_219 = arith.addi %add3A_217, %add3A_218 : i32
      %lt3A_220 = arith.constant 200 : i32
      %lt3A_221 = arith.cmpi slt, %add3A_219, %lt3A_220 : i32
      %convert_element_type3A_222 = arith.extui %lt3A_221 : i1 to i32
      %cond3A_223 = arith.constant 0 : i32
      %cond3A_224 = arith.cmpi ne, %convert_element_type3A_222, %cond3A_223 : i32
      scf.if %cond3A_224 {
        %add3A_225 = arith.constant 3 : i32
        %add3A_226 = arith.addi %add3A_104, %add3A_225 : i32
        %add3A_227 = arith.constant 4 : i32
        %add3A_228 = arith.addi %add3A_226, %add3A_227 : i32
        %dma_start3A_229 = arith.constant 0 : i32
        %dma_start3A_230 = tpu.memref_slice %arg7[%add3A_228, %dma_start3A_229] : memref<200x128xi32, #tpu.memory_space<vmem>> -> memref<1x128xi32, #tpu.memory_space<vmem>>
        %dma_start3A_231 = tpu.memref_squeeze %dma_start3A_230 : memref<1x128xi32, #tpu.memory_space<vmem>> -> memref<128xi32, #tpu.memory_space<vmem>>
        %dma_start3A_232 = arith.constant 0 : i32
        %dma_start3A_233 = arith.constant 0 : i32
        %dma_start3A_234 = tpu.memref_slice %arg2[%dma_start3A_232, %dma_start3A_233] : memref<102400x32xf32, #tpu.memory_space<hbm>> -> memref<102400x32xf32, #tpu.memory_space<hbm>>
        tpu.enqueue_indirect_dma source(%dma_start3A_234 : memref<102400x32xf32, #tpu.memory_space<hbm>>) target(%arg12 : memref<128x32xf32, #tpu.memory_space<vmem>>) offsets(%dma_start3A_231 : memref<128xi32, #tpu.memory_space<vmem>>) semaphore(%arg17 : memref<!tpu.dma_semaphore, #tpu.memory_space<semaphore_mem>>)
      } else {
      }
    }
    %scan3A_88 = arith.constant 50 : i32
    %barrier3A_89 = arith.constant 0 : index
    tpu.barrier barrier_id(%barrier3A_89)
    %mul3A_90 = arith.constant 1600 : i32
    %mul3A_91 = arith.muli %arg1, %mul3A_90 : i32
    %mul3A_92 = arith.constant 1600 : i32
    %mul3A_93 = arith.muli %arg1, %mul3A_92 : i32
    %mul3A_94 = arith.constant 2 : i32
    %mul3A_95 = arith.muli %mul3A_94, %arg0 : i32
    %add3A_96 = arith.constant 1 : i32
    %add3A_97 = arith.addi %mul3A_95, %add3A_96 : i32
    %mul3A_98 = arith.constant 32 : i32
    %mul3A_99 = arith.muli %add3A_97, %mul3A_98 : i32
    "tpu.region"() ({
      %run_scoped3A = tpu.sem_alloc : memref<!tpu.dma_semaphore, #tpu.memory_space<semaphore_mem>>
      %dma_start3A_100 = tpu.memref_slice %arg6[%mul3A_93, %mul3A_99] : memref<25600x128xf32, #tpu.memory_space<hbm>> -> memref<1600x32xf32, #tpu.memory_space<hbm>>
      %dma_start3A_101 = arith.constant 0 : i32
      %dma_start3A_102 = tpu.memref_slice %arg13[%mul3A_91, %dma_start3A_101] : memref<25600x32xf32, #tpu.memory_space<vmem_shared>> -> memref<1600x32xf32, #tpu.memory_space<vmem_shared>>
      tpu.enqueue_dma source(%dma_start3A_102 : memref<1600x32xf32, #tpu.memory_space<vmem_shared>>) target(%dma_start3A_100 : memref<1600x32xf32, #tpu.memory_space<hbm>>) target_semaphore(%run_scoped3A : memref<!tpu.dma_semaphore, #tpu.memory_space<semaphore_mem>>)
      %dma_wait3A = tpu.memref_slice %arg6[%mul3A_93, %mul3A_99] : memref<25600x128xf32, #tpu.memory_space<hbm>> -> memref<1600x32xf32, #tpu.memory_space<hbm>>
      %dma_wait3A_103 = arith.constant 0 : i32
      %dma_wait3A_104 = tpu.memref_slice %arg13[%mul3A_91, %dma_wait3A_103] : memref<25600x32xf32, #tpu.memory_space<vmem_shared>> -> memref<1600x32xf32, #tpu.memory_space<vmem_shared>>
      tpu.wait_dma2 semaphore(%run_scoped3A : memref<!tpu.dma_semaphore, #tpu.memory_space<semaphore_mem>>) src(%dma_wait3A_104 : memref<1600x32xf32, #tpu.memory_space<vmem_shared>>) dst(%dma_wait3A : memref<1600x32xf32, #tpu.memory_space<hbm>>)
      tpu.yield
    }) : () -> ()
    return
  }
}

#map = affine_map<(d0, d1) -> (0, 0)>
#map1 = affine_map<(d0, d1) -> (0, 0, 0)>
module attributes {stable_mosaic.version = 14 : i64} {
  func.func @segsum(%arg0: i32, %arg1: i32, %arg2: memref<102400x32xf32, #tpu.memory_space<hbm>>, %arg3: memref<16x200x128xi32, #tpu.memory_space<hbm>>, %arg4: memref<16x200x128xi32, #tpu.memory_space<hbm>>, %arg5: memref<1600x32xf32, #tpu.memory_space<hbm>>, %arg6: memref<25600x128xf32, #tpu.memory_space<hbm>>, %arg7: memref<200x128xi32, #tpu.memory_space<vmem>>, %arg8: memref<200x128xi32, #tpu.memory_space<vmem>>, %arg9: memref<128x32xf32, #tpu.memory_space<vmem>>, %arg10: memref<128x32xf32, #tpu.memory_space<vmem>>, %arg11: memref<128x32xf32, #tpu.memory_space<vmem>>, %arg12: memref<128x32xf32, #tpu.memory_space<vmem>>, %arg13: memref<25600x32xf32, #tpu.memory_space<vmem_shared>>, %arg14: memref<!tpu.dma_semaphore, #tpu.memory_space<semaphore_mem>>, %arg15: memref<!tpu.dma_semaphore, #tpu.memory_space<semaphore_mem>>, %arg16: memref<!tpu.dma_semaphore, #tpu.memory_space<semaphore_mem>>, %arg17: memref<!tpu.dma_semaphore, #tpu.memory_space<semaphore_mem>>, %arg18: memref<!tpu.dma_semaphore, #tpu.memory_space<semaphore_mem>>, %arg19: memref<!tpu.dma_semaphore, #tpu.memory_space<semaphore_mem>>, %arg20: memref<!tpu.dma_semaphore, #tpu.memory_space<semaphore_mem>>, %arg21: memref<!tpu.dma_semaphore, #tpu.memory_space<semaphore_mem>>) attributes {dimension_semantics = [#tpu.dimension_semantics<core_parallel>, #tpu.dimension_semantics<subcore_parallel>], iteration_bounds = array<i64: 2, 16>, scalar_prefetch = 0 : i64, scratch_operands = 15 : i64, tpu.core_type = #tpu.core_type<sc_vector_subcore>, window_params = [{transform_indices = #map}, {transform_indices = #map1}, {transform_indices = #map1}, {transform_indices = #map}, {transform_indices = #map}]} {
    "tpu.region"() ({
      %run_scoped3A = tpu.sem_alloc : memref<!tpu.dma_semaphore, #tpu.memory_space<semaphore_mem>>
      %dma_start3A_100 = arith.constant 0 : i32
      %dma_start3A_101 = arith.constant 0 : i32
      %dma_start3A_102 = tpu.memref_slice %arg3[%arg1, %dma_start3A_100, %dma_start3A_101] : memref<16x200x128xi32, #tpu.memory_space<hbm>> -> memref<1x200x128xi32, #tpu.memory_space<hbm>>
      %dma_start3A_103 = tpu.memref_squeeze %dma_start3A_102 : memref<1x200x128xi32, #tpu.memory_space<hbm>> -> memref<200x128xi32, #tpu.memory_space<hbm>>
      %dma_start3A_104 = arith.constant 0 : i32
      %dma_start3A_105 = arith.constant 0 : i32
      %dma_start3A_106 = tpu.memref_slice %arg3[%arg1, %dma_start3A_104, %dma_start3A_105] : memref<16x200x128xi32, #tpu.memory_space<hbm>> -> memref<1x200x128xi32, #tpu.memory_space<hbm>>
      %dma_start3A_107 = tpu.memref_squeeze %dma_start3A_106 : memref<1x200x128xi32, #tpu.memory_space<hbm>> -> memref<200x128xi32, #tpu.memory_space<hbm>>
      tpu.enqueue_dma source(%dma_start3A_107 : memref<200x128xi32, #tpu.memory_space<hbm>>) target(%arg7 : memref<200x128xi32, #tpu.memory_space<vmem>>) target_semaphore(%run_scoped3A : memref<!tpu.dma_semaphore, #tpu.memory_space<semaphore_mem>>)
      %dma_wait3A = arith.constant 0 : i32
      %dma_wait3A_108 = arith.constant 0 : i32
      %dma_wait3A_109 = tpu.memref_slice %arg3[%arg1, %dma_wait3A, %dma_wait3A_108] : memref<16x200x128xi32, #tpu.memory_space<hbm>> -> memref<1x200x128xi32, #tpu.memory_space<hbm>>
      %dma_wait3A_110 = tpu.memref_squeeze %dma_wait3A_109 : memref<1x200x128xi32, #tpu.memory_space<hbm>> -> memref<200x128xi32, #tpu.memory_space<hbm>>
      %dma_wait3A_111 = arith.constant 0 : i32
      %dma_wait3A_112 = arith.constant 0 : i32
      %dma_wait3A_113 = tpu.memref_slice %arg3[%arg1, %dma_wait3A_111, %dma_wait3A_112] : memref<16x200x128xi32, #tpu.memory_space<hbm>> -> memref<1x200x128xi32, #tpu.memory_space<hbm>>
      %dma_wait3A_114 = tpu.memref_squeeze %dma_wait3A_113 : memref<1x200x128xi32, #tpu.memory_space<hbm>> -> memref<200x128xi32, #tpu.memory_space<hbm>>
      tpu.wait_dma2 semaphore(%run_scoped3A : memref<!tpu.dma_semaphore, #tpu.memory_space<semaphore_mem>>) src(%dma_wait3A_114 : memref<200x128xi32, #tpu.memory_space<hbm>>) dst(%arg7 : memref<200x128xi32, #tpu.memory_space<vmem>>)
      tpu.yield
    }) : () -> ()
    "tpu.region"() ({
      %run_scoped3A = tpu.sem_alloc : memref<!tpu.dma_semaphore, #tpu.memory_space<semaphore_mem>>
      %dma_start3A_100 = arith.constant 0 : i32
      %dma_start3A_101 = arith.constant 0 : i32
      %dma_start3A_102 = tpu.memref_slice %arg4[%arg1, %dma_start3A_100, %dma_start3A_101] : memref<16x200x128xi32, #tpu.memory_space<hbm>> -> memref<1x200x128xi32, #tpu.memory_space<hbm>>
      %dma_start3A_103 = tpu.memref_squeeze %dma_start3A_102 : memref<1x200x128xi32, #tpu.memory_space<hbm>> -> memref<200x128xi32, #tpu.memory_space<hbm>>
      %dma_start3A_104 = arith.constant 0 : i32
      %dma_start3A_105 = arith.constant 0 : i32
      %dma_start3A_106 = tpu.memref_slice %arg4[%arg1, %dma_start3A_104, %dma_start3A_105] : memref<16x200x128xi32, #tpu.memory_space<hbm>> -> memref<1x200x128xi32, #tpu.memory_space<hbm>>
      %dma_start3A_107 = tpu.memref_squeeze %dma_start3A_106 : memref<1x200x128xi32, #tpu.memory_space<hbm>> -> memref<200x128xi32, #tpu.memory_space<hbm>>
      tpu.enqueue_dma source(%dma_start3A_107 : memref<200x128xi32, #tpu.memory_space<hbm>>) target(%arg8 : memref<200x128xi32, #tpu.memory_space<vmem>>) target_semaphore(%run_scoped3A : memref<!tpu.dma_semaphore, #tpu.memory_space<semaphore_mem>>)
      %dma_wait3A = arith.constant 0 : i32
      %dma_wait3A_108 = arith.constant 0 : i32
      %dma_wait3A_109 = tpu.memref_slice %arg4[%arg1, %dma_wait3A, %dma_wait3A_108] : memref<16x200x128xi32, #tpu.memory_space<hbm>> -> memref<1x200x128xi32, #tpu.memory_space<hbm>>
      %dma_wait3A_110 = tpu.memref_squeeze %dma_wait3A_109 : memref<1x200x128xi32, #tpu.memory_space<hbm>> -> memref<200x128xi32, #tpu.memory_space<hbm>>
      %dma_wait3A_111 = arith.constant 0 : i32
      %dma_wait3A_112 = arith.constant 0 : i32
      %dma_wait3A_113 = tpu.memref_slice %arg4[%arg1, %dma_wait3A_111, %dma_wait3A_112] : memref<16x200x128xi32, #tpu.memory_space<hbm>> -> memref<1x200x128xi32, #tpu.memory_space<hbm>>
      %dma_wait3A_114 = tpu.memref_squeeze %dma_wait3A_113 : memref<1x200x128xi32, #tpu.memory_space<hbm>> -> memref<200x128xi32, #tpu.memory_space<hbm>>
      tpu.wait_dma2 semaphore(%run_scoped3A : memref<!tpu.dma_semaphore, #tpu.memory_space<semaphore_mem>>) src(%dma_wait3A_114 : memref<200x128xi32, #tpu.memory_space<hbm>>) dst(%arg8 : memref<200x128xi32, #tpu.memory_space<vmem>>)
      tpu.yield
    }) : () -> ()
    %scan3A = arith.constant 0 : i32
    %scan3A_0 = arith.constant 200 : i32
    %scan3A_1 = arith.addi %scan3A, %scan3A_0 : i32
    %scan3A_2 = arith.constant 1 : i32
    scf.for %scan3A_100 = %scan3A to %scan3A_1 step %scan3A_2  : i32 {
      %mul3A_101 = arith.constant 1 : i32
      %mul3A_102 = arith.muli %scan3A_100, %mul3A_101 : i32
      %add3A_103 = arith.constant 0 : i32
      %add3A_104 = arith.addi %add3A_103, %mul3A_102 : i32
      %scan3A_105 = arith.constant 0 : i32
      %scan3A_106 = arith.constant 8 : i32
      %scan3A_107 = arith.addi %scan3A_105, %scan3A_106 : i32
      %scan3A_108 = arith.constant 1 : i32
      scf.for %scan3A_110 = %scan3A_105 to %scan3A_107 step %scan3A_108  : i32 {
        %mul3A_111 = arith.constant 16 : i32
        %mul3A_112 = arith.muli %scan3A_110, %mul3A_111 : i32
        %add3A_113 = arith.constant 0 : i32
        %add3A_114 = arith.addi %add3A_113, %mul3A_112 : i32
        %get3A = arith.index_cast %add3A_104 : i32 to index
        %get3A_115 = arith.index_cast %add3A_114 : i32 to index
        %get3A_116 = tpu.vector_load %arg7[%get3A, %get3A_115] {strides = array<i32>} : memref<200x128xi32, #tpu.memory_space<vmem>>, vector<1x16xi32>,
        %get3A_117 = vector.shape_cast %get3A_116 : vector<1x16xi32> to vector<16xi32>
        %mul3A_118 = arith.constant 4 : i32
        %mul3A_119 = vector.broadcast %mul3A_118 : i32 to vector<16xi32>
        %mul3A_120 = arith.muli %get3A_117, %mul3A_119 : vector<16xi32>
        %mul3A_121 = arith.constant 2 : i32
        %mul3A_122 = arith.muli %mul3A_121, %arg0 : i32
        %add3A_123 = vector.broadcast %mul3A_122 : i32 to vector<16xi32>
        %add3A_124 = arith.addi %mul3A_120, %add3A_123 : vector<16xi32>
        %swap3A = arith.index_cast %add3A_104 : i32 to index
        %swap3A_125 = arith.index_cast %add3A_114 : i32 to index
        %swap3A_126 = tpu.vector_load %arg7[%swap3A, %swap3A_125] {strides = array<i32>} : memref<200x128xi32, #tpu.memory_space<vmem>>, vector<1x16xi32>,
        %swap3A_127 = vector.shape_cast %swap3A_126 : vector<1x16xi32> to vector<16xi32>
        %swap3A_128 = vector.shape_cast %add3A_124 : vector<16xi32> to vector<1x16xi32>
        tpu.vector_store %arg7[%swap3A, %swap3A_125], %swap3A_128 {strides = array<i32>} : memref<200x128xi32, #tpu.memory_space<vmem>>, vector<1x16xi32>,
      }
      %scan3A_109 = arith.constant 8 : i32
    }
    %scan3A_3 = arith.constant 200 : i32
    %mul3A = arith.constant 1600 : i32
    %mul3A_4 = arith.muli %arg1, %mul3A : i32
    "tpu.region"() ({
      %run_scoped3A = tpu.sem_alloc : memref<!tpu.dma_semaphore, #tpu.memory_space<semaphore_mem>>
      %dma_start3A_100 = arith.constant 0 : i32
      %dma_start3A_101 = tpu.memref_slice %arg13[%mul3A_4, %dma_start3A_100] : memref<25600x32xf32, #tpu.memory_space<vmem_shared>> -> memref<1600x32xf32, #tpu.memory_space<vmem_shared>>
      tpu.enqueue_dma source(%arg5 : memref<1600x32xf32, #tpu.memory_space<hbm>>) target(%dma_start3A_101 : memref<1600x32xf32, #tpu.memory_space<vmem_shared>>) target_semaphore(%run_scoped3A : memref<!tpu.dma_semaphore, #tpu.memory_space<semaphore_mem>>)
      %dma_wait3A = arith.constant 0 : i32
      %dma_wait3A_102 = tpu.memref_slice %arg13[%mul3A_4, %dma_wait3A] : memref<25600x32xf32, #tpu.memory_space<vmem_shared>> -> memref<1600x32xf32, #tpu.memory_space<vmem_shared>>
      tpu.wait_dma2 semaphore(%run_scoped3A : memref<!tpu.dma_semaphore, #tpu.memory_space<semaphore_mem>>) src(%arg5 : memref<1600x32xf32, #tpu.memory_space<hbm>>) dst(%dma_wait3A_102 : memref<1600x32xf32, #tpu.memory_space<vmem_shared>>)
      tpu.yield
    }) : () -> ()
    %barrier3A = arith.constant 0 : index
    tpu.barrier barrier_id(%barrier3A)
    %dma_start3A = arith.constant 0 : i32
    %dma_start3A_5 = arith.constant 0 : i32
    %dma_start3A_6 = tpu.memref_slice %arg7[%dma_start3A, %dma_start3A_5] : memref<200x128xi32, #tpu.memory_space<vmem>> -> memref<1x128xi32, #tpu.memory_space<vmem>>
    %dma_start3A_7 = tpu.memref_squeeze %dma_start3A_6 : memref<1x128xi32, #tpu.memory_space<vmem>> -> memref<128xi32, #tpu.memory_space<vmem>>
    %dma_start3A_8 = arith.constant 0 : i32
    %dma_start3A_9 = arith.constant 0 : i32
    %dma_start3A_10 = tpu.memref_slice %arg2[%dma_start3A_8, %dma_start3A_9] : memref<102400x32xf32, #tpu.memory_space<hbm>> -> memref<102400x32xf32, #tpu.memory_space<hbm>>
    tpu.enqueue_indirect_dma source(%dma_start3A_10 : memref<102400x32xf32, #tpu.memory_space<hbm>>) target(%arg9 : memref<128x32xf32, #tpu.memory_space<vmem>>) offsets(%dma_start3A_7 : memref<128xi32, #tpu.memory_space<vmem>>) semaphore(%arg14 : memref<!tpu.dma_semaphore, #tpu.memory_space<semaphore_mem>>)
    %dma_start3A_11 = arith.constant 1 : i32
    %dma_start3A_12 = arith.constant 0 : i32
    %dma_start3A_13 = tpu.memref_slice %arg7[%dma_start3A_11, %dma_start3A_12] : memref<200x128xi32, #tpu.memory_space<vmem>> -> memref<1x128xi32, #tpu.memory_space<vmem>>
    %dma_start3A_14 = tpu.memref_squeeze %dma_start3A_13 : memref<1x128xi32, #tpu.memory_space<vmem>> -> memref<128xi32, #tpu.memory_space<vmem>>
    %dma_start3A_15 = arith.constant 0 : i32
    %dma_start3A_16 = arith.constant 0 : i32
    %dma_start3A_17 = tpu.memref_slice %arg2[%dma_start3A_15, %dma_start3A_16] : memref<102400x32xf32, #tpu.memory_space<hbm>> -> memref<102400x32xf32, #tpu.memory_space<hbm>>
    tpu.enqueue_indirect_dma source(%dma_start3A_17 : memref<102400x32xf32, #tpu.memory_space<hbm>>) target(%arg10 : memref<128x32xf32, #tpu.memory_space<vmem>>) offsets(%dma_start3A_14 : memref<128xi32, #tpu.memory_space<vmem>>) semaphore(%arg15 : memref<!tpu.dma_semaphore, #tpu.memory_space<semaphore_mem>>)
    %dma_start3A_18 = arith.constant 2 : i32
    %dma_start3A_19 = arith.constant 0 : i32
    %dma_start3A_20 = tpu.memref_slice %arg7[%dma_start3A_18, %dma_start3A_19] : memref<200x128xi32, #tpu.memory_space<vmem>> -> memref<1x128xi32, #tpu.memory_space<vmem>>
    %dma_start3A_21 = tpu.memref_squeeze %dma_start3A_20 : memref<1x128xi32, #tpu.memory_space<vmem>> -> memref<128xi32, #tpu.memory_space<vmem>>
    %dma_start3A_22 = arith.constant 0 : i32
    %dma_start3A_23 = arith.constant 0 : i32
    %dma_start3A_24 = tpu.memref_slice %arg2[%dma_start3A_22, %dma_start3A_23] : memref<102400x32xf32, #tpu.memory_space<hbm>> -> memref<102400x32xf32, #tpu.memory_space<hbm>>
    tpu.enqueue_indirect_dma source(%dma_start3A_24 : memref<102400x32xf32, #tpu.memory_space<hbm>>) target(%arg11 : memref<128x32xf32, #tpu.memory_space<vmem>>) offsets(%dma_start3A_21 : memref<128xi32, #tpu.memory_space<vmem>>) semaphore(%arg16 : memref<!tpu.dma_semaphore, #tpu.memory_space<semaphore_mem>>)
    %dma_start3A_25 = arith.constant 3 : i32
    %dma_start3A_26 = arith.constant 0 : i32
    %dma_start3A_27 = tpu.memref_slice %arg7[%dma_start3A_25, %dma_start3A_26] : memref<200x128xi32, #tpu.memory_space<vmem>> -> memref<1x128xi32, #tpu.memory_space<vmem>>
    %dma_start3A_28 = tpu.memref_squeeze %dma_start3A_27 : memref<1x128xi32, #tpu.memory_space<vmem>> -> memref<128xi32, #tpu.memory_space<vmem>>
    %dma_start3A_29 = arith.constant 0 : i32
    %dma_start3A_30 = arith.constant 0 : i32
    %dma_start3A_31 = tpu.memref_slice %arg2[%dma_start3A_29, %dma_start3A_30] : memref<102400x32xf32, #tpu.memory_space<hbm>> -> memref<102400x32xf32, #tpu.memory_space<hbm>>
    tpu.enqueue_indirect_dma source(%dma_start3A_31 : memref<102400x32xf32, #tpu.memory_space<hbm>>) target(%arg12 : memref<128x32xf32, #tpu.memory_space<vmem>>) offsets(%dma_start3A_28 : memref<128xi32, #tpu.memory_space<vmem>>) semaphore(%arg17 : memref<!tpu.dma_semaphore, #tpu.memory_space<semaphore_mem>>)
    %scan3A_32 = arith.constant 0 : i32
    %scan3A_33 = arith.constant 50 : i32
    %scan3A_34 = arith.addi %scan3A_32, %scan3A_33 : i32
    %scan3A_35 = arith.constant 1 : i32
    scf.for %scan3A_100 = %scan3A_32 to %scan3A_34 step %scan3A_35  : i32 {
      %mul3A_101 = arith.constant 4 : i32
      %mul3A_102 = arith.muli %scan3A_100, %mul3A_101 : i32
      %add3A_103 = arith.constant 0 : i32
      %add3A_104 = arith.addi %add3A_103, %mul3A_102 : i32
      %add3A_105 = arith.constant 0 : i32
      %add3A_106 = arith.addi %add3A_104, %add3A_105 : i32
      %dma_wait3A = arith.constant 0 : i32
      %dma_wait3A_107 = tpu.memref_slice %arg7[%add3A_106, %dma_wait3A] : memref<200x128xi32, #tpu.memory_space<vmem>> -> memref<1x128xi32, #tpu.memory_space<vmem>>
      %dma_wait3A_108 = tpu.memref_squeeze %dma_wait3A_107 : memref<1x128xi32, #tpu.memory_space<vmem>> -> memref<128xi32, #tpu.memory_space<vmem>>
      %dma_wait3A_109 = arith.constant 0 : i32
      %dma_wait3A_110 = arith.constant 0 : i32
      %dma_wait3A_111 = tpu.memref_slice %arg2[%dma_wait3A_109, %dma_wait3A_110] : memref<102400x32xf32, #tpu.memory_space<hbm>> -> memref<102400x32xf32, #tpu.memory_space<hbm>>
      tpu.wait_indirect_dma semaphore(%arg14 : memref<!tpu.dma_semaphore, #tpu.memory_space<semaphore_mem>>) src(%dma_wait3A_111 : memref<102400x32xf32, #tpu.memory_space<hbm>>) dst(%arg9 : memref<128x32xf32, #tpu.memory_space<vmem>>)
      %add3A_112 = arith.constant 0 : i32
      %add3A_113 = arith.addi %add3A_104, %add3A_112 : i32
      %dma_start3A_114 = arith.constant 0 : i32
      %dma_start3A_115 = tpu.memref_slice %arg8[%add3A_113, %dma_start3A_114] : memref<200x128xi32, #tpu.memory_space<vmem>> -> memref<1x128xi32, #tpu.memory_space<vmem>>
      %dma_start3A_116 = tpu.memref_squeeze %dma_start3A_115 : memref<1x128xi32, #tpu.memory_space<vmem>> -> memref<128xi32, #tpu.memory_space<vmem>>
      %dma_start3A_117 = arith.constant 0 : i32
      %dma_start3A_118 = arith.constant 0 : i32
      %dma_start3A_119 = tpu.memref_slice %arg13[%dma_start3A_117, %dma_start3A_118] : memref<25600x32xf32, #tpu.memory_space<vmem_shared>> -> memref<25600x32xf32, #tpu.memory_space<vmem_shared>>
      tpu.enqueue_indirect_dma source(%arg9 : memref<128x32xf32, #tpu.memory_space<vmem>>) target(%dma_start3A_119 : memref<25600x32xf32, #tpu.memory_space<vmem_shared>>) offsets(%dma_start3A_116 : memref<128xi32, #tpu.memory_space<vmem>>) semaphore(%arg18 : memref<!tpu.dma_semaphore, #tpu.memory_space<semaphore_mem>>) {add = true}
      %add3A_120 = arith.constant 1 : i32
      %add3A_121 = arith.addi %add3A_104, %add3A_120 : i32
      %dma_wait3A_122 = arith.constant 0 : i32
      %dma_wait3A_123 = tpu.memref_slice %arg7[%add3A_121, %dma_wait3A_122] : memref<200x128xi32, #tpu.memory_space<vmem>> -> memref<1x128xi32, #tpu.memory_space<vmem>>
      %dma_wait3A_124 = tpu.memref_squeeze %dma_wait3A_123 : memref<1x128xi32, #tpu.memory_space<vmem>> -> memref<128xi32, #tpu.memory_space<vmem>>
      %dma_wait3A_125 = arith.constant 0 : i32
      %dma_wait3A_126 = arith.constant 0 : i32
      %dma_wait3A_127 = tpu.memref_slice %arg2[%dma_wait3A_125, %dma_wait3A_126] : memref<102400x32xf32, #tpu.memory_space<hbm>> -> memref<102400x32xf32, #tpu.memory_space<hbm>>
      tpu.wait_indirect_dma semaphore(%arg15 : memref<!tpu.dma_semaphore, #tpu.memory_space<semaphore_mem>>) src(%dma_wait3A_127 : memref<102400x32xf32, #tpu.memory_space<hbm>>) dst(%arg10 : memref<128x32xf32, #tpu.memory_space<vmem>>)
      %add3A_128 = arith.constant 1 : i32
      %add3A_129 = arith.addi %add3A_104, %add3A_128 : i32
      %dma_start3A_130 = arith.constant 0 : i32
      %dma_start3A_131 = tpu.memref_slice %arg8[%add3A_129, %dma_start3A_130] : memref<200x128xi32, #tpu.memory_space<vmem>> -> memref<1x128xi32, #tpu.memory_space<vmem>>
      %dma_start3A_132 = tpu.memref_squeeze %dma_start3A_131 : memref<1x128xi32, #tpu.memory_space<vmem>> -> memref<128xi32, #tpu.memory_space<vmem>>
      %dma_start3A_133 = arith.constant 0 : i32
      %dma_start3A_134 = arith.constant 0 : i32
      %dma_start3A_135 = tpu.memref_slice %arg13[%dma_start3A_133, %dma_start3A_134] : memref<25600x32xf32, #tpu.memory_space<vmem_shared>> -> memref<25600x32xf32, #tpu.memory_space<vmem_shared>>
      tpu.enqueue_indirect_dma source(%arg10 : memref<128x32xf32, #tpu.memory_space<vmem>>) target(%dma_start3A_135 : memref<25600x32xf32, #tpu.memory_space<vmem_shared>>) offsets(%dma_start3A_132 : memref<128xi32, #tpu.memory_space<vmem>>) semaphore(%arg19 : memref<!tpu.dma_semaphore, #tpu.memory_space<semaphore_mem>>) {add = true}
      %add3A_136 = arith.constant 2 : i32
      %add3A_137 = arith.addi %add3A_104, %add3A_136 : i32
      %dma_wait3A_138 = arith.constant 0 : i32
      %dma_wait3A_139 = tpu.memref_slice %arg7[%add3A_137, %dma_wait3A_138] : memref<200x128xi32, #tpu.memory_space<vmem>> -> memref<1x128xi32, #tpu.memory_space<vmem>>
      %dma_wait3A_140 = tpu.memref_squeeze %dma_wait3A_139 : memref<1x128xi32, #tpu.memory_space<vmem>> -> memref<128xi32, #tpu.memory_space<vmem>>
      %dma_wait3A_141 = arith.constant 0 : i32
      %dma_wait3A_142 = arith.constant 0 : i32
      %dma_wait3A_143 = tpu.memref_slice %arg2[%dma_wait3A_141, %dma_wait3A_142] : memref<102400x32xf32, #tpu.memory_space<hbm>> -> memref<102400x32xf32, #tpu.memory_space<hbm>>
      tpu.wait_indirect_dma semaphore(%arg16 : memref<!tpu.dma_semaphore, #tpu.memory_space<semaphore_mem>>) src(%dma_wait3A_143 : memref<102400x32xf32, #tpu.memory_space<hbm>>) dst(%arg11 : memref<128x32xf32, #tpu.memory_space<vmem>>)
      %add3A_144 = arith.constant 2 : i32
      %add3A_145 = arith.addi %add3A_104, %add3A_144 : i32
      %dma_start3A_146 = arith.constant 0 : i32
      %dma_start3A_147 = tpu.memref_slice %arg8[%add3A_145, %dma_start3A_146] : memref<200x128xi32, #tpu.memory_space<vmem>> -> memref<1x128xi32, #tpu.memory_space<vmem>>
      %dma_start3A_148 = tpu.memref_squeeze %dma_start3A_147 : memref<1x128xi32, #tpu.memory_space<vmem>> -> memref<128xi32, #tpu.memory_space<vmem>>
      %dma_start3A_149 = arith.constant 0 : i32
      %dma_start3A_150 = arith.constant 0 : i32
      %dma_start3A_151 = tpu.memref_slice %arg13[%dma_start3A_149, %dma_start3A_150] : memref<25600x32xf32, #tpu.memory_space<vmem_shared>> -> memref<25600x32xf32, #tpu.memory_space<vmem_shared>>
      tpu.enqueue_indirect_dma source(%arg11 : memref<128x32xf32, #tpu.memory_space<vmem>>) target(%dma_start3A_151 : memref<25600x32xf32, #tpu.memory_space<vmem_shared>>) offsets(%dma_start3A_148 : memref<128xi32, #tpu.memory_space<vmem>>) semaphore(%arg20 : memref<!tpu.dma_semaphore, #tpu.memory_space<semaphore_mem>>) {add = true}
      %add3A_152 = arith.constant 3 : i32
      %add3A_153 = arith.addi %add3A_104, %add3A_152 : i32
      %dma_wait3A_154 = arith.constant 0 : i32
      %dma_wait3A_155 = tpu.memref_slice %arg7[%add3A_153, %dma_wait3A_154] : memref<200x128xi32, #tpu.memory_space<vmem>> -> memref<1x128xi32, #tpu.memory_space<vmem>>
      %dma_wait3A_156 = tpu.memref_squeeze %dma_wait3A_155 : memref<1x128xi32, #tpu.memory_space<vmem>> -> memref<128xi32, #tpu.memory_space<vmem>>
      %dma_wait3A_157 = arith.constant 0 : i32
      %dma_wait3A_158 = arith.constant 0 : i32
      %dma_wait3A_159 = tpu.memref_slice %arg2[%dma_wait3A_157, %dma_wait3A_158] : memref<102400x32xf32, #tpu.memory_space<hbm>> -> memref<102400x32xf32, #tpu.memory_space<hbm>>
      tpu.wait_indirect_dma semaphore(%arg17 : memref<!tpu.dma_semaphore, #tpu.memory_space<semaphore_mem>>) src(%dma_wait3A_159 : memref<102400x32xf32, #tpu.memory_space<hbm>>) dst(%arg12 : memref<128x32xf32, #tpu.memory_space<vmem>>)
      %add3A_160 = arith.constant 3 : i32
      %add3A_161 = arith.addi %add3A_104, %add3A_160 : i32
      %dma_start3A_162 = arith.constant 0 : i32
      %dma_start3A_163 = tpu.memref_slice %arg8[%add3A_161, %dma_start3A_162] : memref<200x128xi32, #tpu.memory_space<vmem>> -> memref<1x128xi32, #tpu.memory_space<vmem>>
      %dma_start3A_164 = tpu.memref_squeeze %dma_start3A_163 : memref<1x128xi32, #tpu.memory_space<vmem>> -> memref<128xi32, #tpu.memory_space<vmem>>
      %dma_start3A_165 = arith.constant 0 : i32
      %dma_start3A_166 = arith.constant 0 : i32
      %dma_start3A_167 = tpu.memref_slice %arg13[%dma_start3A_165, %dma_start3A_166] : memref<25600x32xf32, #tpu.memory_space<vmem_shared>> -> memref<25600x32xf32, #tpu.memory_space<vmem_shared>>
      tpu.enqueue_indirect_dma source(%arg12 : memref<128x32xf32, #tpu.memory_space<vmem>>) target(%dma_start3A_167 : memref<25600x32xf32, #tpu.memory_space<vmem_shared>>) offsets(%dma_start3A_164 : memref<128xi32, #tpu.memory_space<vmem>>) semaphore(%arg21 : memref<!tpu.dma_semaphore, #tpu.memory_space<semaphore_mem>>) {add = true}
      %dma_wait3A_168 = arith.constant 0 : i32
      %dma_wait3A_169 = tpu.memref_slice %arg8[%add3A_113, %dma_wait3A_168] : memref<200x128xi32, #tpu.memory_space<vmem>> -> memref<1x128xi32, #tpu.memory_space<vmem>>
      %dma_wait3A_170 = tpu.memref_squeeze %dma_wait3A_169 : memref<1x128xi32, #tpu.memory_space<vmem>> -> memref<128xi32, #tpu.memory_space<vmem>>
      %dma_wait3A_171 = arith.constant 0 : i32
      %dma_wait3A_172 = arith.constant 0 : i32
      %dma_wait3A_173 = tpu.memref_slice %arg13[%dma_wait3A_171, %dma_wait3A_172] : memref<25600x32xf32, #tpu.memory_space<vmem_shared>> -> memref<25600x32xf32, #tpu.memory_space<vmem_shared>>
      tpu.wait_indirect_dma semaphore(%arg18 : memref<!tpu.dma_semaphore, #tpu.memory_space<semaphore_mem>>) src(%arg9 : memref<128x32xf32, #tpu.memory_space<vmem>>) dst(%dma_wait3A_173 : memref<25600x32xf32, #tpu.memory_space<vmem_shared>>)
      %add3A_174 = arith.constant 0 : i32
      %add3A_175 = arith.addi %add3A_104, %add3A_174 : i32
      %add3A_176 = arith.constant 4 : i32
      %add3A_177 = arith.addi %add3A_175, %add3A_176 : i32
      %lt3A = arith.constant 200 : i32
      %lt3A_178 = arith.cmpi slt, %add3A_177, %lt3A : i32
      %convert_element_type3A = arith.extui %lt3A_178 : i1 to i32
      %cond3A = arith.constant 0 : i32
      %cond3A_179 = arith.cmpi ne, %convert_element_type3A, %cond3A : i32
      scf.if %cond3A_179 {
        %add3A_225 = arith.constant 0 : i32
        %add3A_226 = arith.addi %add3A_104, %add3A_225 : i32
        %add3A_227 = arith.constant 4 : i32
        %add3A_228 = arith.addi %add3A_226, %add3A_227 : i32
        %dma_start3A_229 = arith.constant 0 : i32
        %dma_start3A_230 = tpu.memref_slice %arg7[%add3A_228, %dma_start3A_229] : memref<200x128xi32, #tpu.memory_space<vmem>> -> memref<1x128xi32, #tpu.memory_space<vmem>>
        %dma_start3A_231 = tpu.memref_squeeze %dma_start3A_230 : memref<1x128xi32, #tpu.memory_space<vmem>> -> memref<128xi32, #tpu.memory_space<vmem>>
        %dma_start3A_232 = arith.constant 0 : i32
        %dma_start3A_233 = arith.constant 0 : i32
        %dma_start3A_234 = tpu.memref_slice %arg2[%dma_start3A_232, %dma_start3A_233] : memref<102400x32xf32, #tpu.memory_space<hbm>> -> memref<102400x32xf32, #tpu.memory_space<hbm>>
        tpu.enqueue_indirect_dma source(%dma_start3A_234 : memref<102400x32xf32, #tpu.memory_space<hbm>>) target(%arg9 : memref<128x32xf32, #tpu.memory_space<vmem>>) offsets(%dma_start3A_231 : memref<128xi32, #tpu.memory_space<vmem>>) semaphore(%arg14 : memref<!tpu.dma_semaphore, #tpu.memory_space<semaphore_mem>>)
      } else {
      }
      %dma_wait3A_180 = arith.constant 0 : i32
      %dma_wait3A_181 = tpu.memref_slice %arg8[%add3A_129, %dma_wait3A_180] : memref<200x128xi32, #tpu.memory_space<vmem>> -> memref<1x128xi32, #tpu.memory_space<vmem>>
      %dma_wait3A_182 = tpu.memref_squeeze %dma_wait3A_181 : memref<1x128xi32, #tpu.memory_space<vmem>> -> memref<128xi32, #tpu.memory_space<vmem>>
      %dma_wait3A_183 = arith.constant 0 : i32
      %dma_wait3A_184 = arith.constant 0 : i32
      %dma_wait3A_185 = tpu.memref_slice %arg13[%dma_wait3A_183, %dma_wait3A_184] : memref<25600x32xf32, #tpu.memory_space<vmem_shared>> -> memref<25600x32xf32, #tpu.memory_space<vmem_shared>>
      tpu.wait_indirect_dma semaphore(%arg19 : memref<!tpu.dma_semaphore, #tpu.memory_space<semaphore_mem>>) src(%arg10 : memref<128x32xf32, #tpu.memory_space<vmem>>) dst(%dma_wait3A_185 : memref<25600x32xf32, #tpu.memory_space<vmem_shared>>)
      %add3A_186 = arith.constant 1 : i32
      %add3A_187 = arith.addi %add3A_104, %add3A_186 : i32
      %add3A_188 = arith.constant 4 : i32
      %add3A_189 = arith.addi %add3A_187, %add3A_188 : i32
      %lt3A_190 = arith.constant 200 : i32
      %lt3A_191 = arith.cmpi slt, %add3A_189, %lt3A_190 : i32
      %convert_element_type3A_192 = arith.extui %lt3A_191 : i1 to i32
      %cond3A_193 = arith.constant 0 : i32
      %cond3A_194 = arith.cmpi ne, %convert_element_type3A_192, %cond3A_193 : i32
      scf.if %cond3A_194 {
        %add3A_225 = arith.constant 1 : i32
        %add3A_226 = arith.addi %add3A_104, %add3A_225 : i32
        %add3A_227 = arith.constant 4 : i32
        %add3A_228 = arith.addi %add3A_226, %add3A_227 : i32
        %dma_start3A_229 = arith.constant 0 : i32
        %dma_start3A_230 = tpu.memref_slice %arg7[%add3A_228, %dma_start3A_229] : memref<200x128xi32, #tpu.memory_space<vmem>> -> memref<1x128xi32, #tpu.memory_space<vmem>>
        %dma_start3A_231 = tpu.memref_squeeze %dma_start3A_230 : memref<1x128xi32, #tpu.memory_space<vmem>> -> memref<128xi32, #tpu.memory_space<vmem>>
        %dma_start3A_232 = arith.constant 0 : i32
        %dma_start3A_233 = arith.constant 0 : i32
        %dma_start3A_234 = tpu.memref_slice %arg2[%dma_start3A_232, %dma_start3A_233] : memref<102400x32xf32, #tpu.memory_space<hbm>> -> memref<102400x32xf32, #tpu.memory_space<hbm>>
        tpu.enqueue_indirect_dma source(%dma_start3A_234 : memref<102400x32xf32, #tpu.memory_space<hbm>>) target(%arg10 : memref<128x32xf32, #tpu.memory_space<vmem>>) offsets(%dma_start3A_231 : memref<128xi32, #tpu.memory_space<vmem>>) semaphore(%arg15 : memref<!tpu.dma_semaphore, #tpu.memory_space<semaphore_mem>>)
      } else {
      }
      %dma_wait3A_195 = arith.constant 0 : i32
      %dma_wait3A_196 = tpu.memref_slice %arg8[%add3A_145, %dma_wait3A_195] : memref<200x128xi32, #tpu.memory_space<vmem>> -> memref<1x128xi32, #tpu.memory_space<vmem>>
      %dma_wait3A_197 = tpu.memref_squeeze %dma_wait3A_196 : memref<1x128xi32, #tpu.memory_space<vmem>> -> memref<128xi32, #tpu.memory_space<vmem>>
      %dma_wait3A_198 = arith.constant 0 : i32
      %dma_wait3A_199 = arith.constant 0 : i32
      %dma_wait3A_200 = tpu.memref_slice %arg13[%dma_wait3A_198, %dma_wait3A_199] : memref<25600x32xf32, #tpu.memory_space<vmem_shared>> -> memref<25600x32xf32, #tpu.memory_space<vmem_shared>>
      tpu.wait_indirect_dma semaphore(%arg20 : memref<!tpu.dma_semaphore, #tpu.memory_space<semaphore_mem>>) src(%arg11 : memref<128x32xf32, #tpu.memory_space<vmem>>) dst(%dma_wait3A_200 : memref<25600x32xf32, #tpu.memory_space<vmem_shared>>)
      %add3A_201 = arith.constant 2 : i32
      %add3A_202 = arith.addi %add3A_104, %add3A_201 : i32
      %add3A_203 = arith.constant 4 : i32
      %add3A_204 = arith.addi %add3A_202, %add3A_203 : i32
      %lt3A_205 = arith.constant 200 : i32
      %lt3A_206 = arith.cmpi slt, %add3A_204, %lt3A_205 : i32
      %convert_element_type3A_207 = arith.extui %lt3A_206 : i1 to i32
      %cond3A_208 = arith.constant 0 : i32
      %cond3A_209 = arith.cmpi ne, %convert_element_type3A_207, %cond3A_208 : i32
      scf.if %cond3A_209 {
        %add3A_225 = arith.constant 2 : i32
        %add3A_226 = arith.addi %add3A_104, %add3A_225 : i32
        %add3A_227 = arith.constant 4 : i32
        %add3A_228 = arith.addi %add3A_226, %add3A_227 : i32
        %dma_start3A_229 = arith.constant 0 : i32
        %dma_start3A_230 = tpu.memref_slice %arg7[%add3A_228, %dma_start3A_229] : memref<200x128xi32, #tpu.memory_space<vmem>> -> memref<1x128xi32, #tpu.memory_space<vmem>>
        %dma_start3A_231 = tpu.memref_squeeze %dma_start3A_230 : memref<1x128xi32, #tpu.memory_space<vmem>> -> memref<128xi32, #tpu.memory_space<vmem>>
        %dma_start3A_232 = arith.constant 0 : i32
        %dma_start3A_233 = arith.constant 0 : i32
        %dma_start3A_234 = tpu.memref_slice %arg2[%dma_start3A_232, %dma_start3A_233] : memref<102400x32xf32, #tpu.memory_space<hbm>> -> memref<102400x32xf32, #tpu.memory_space<hbm>>
        tpu.enqueue_indirect_dma source(%dma_start3A_234 : memref<102400x32xf32, #tpu.memory_space<hbm>>) target(%arg11 : memref<128x32xf32, #tpu.memory_space<vmem>>) offsets(%dma_start3A_231 : memref<128xi32, #tpu.memory_space<vmem>>) semaphore(%arg16 : memref<!tpu.dma_semaphore, #tpu.memory_space<semaphore_mem>>)
      } else {
      }
      %dma_wait3A_210 = arith.constant 0 : i32
      %dma_wait3A_211 = tpu.memref_slice %arg8[%add3A_161, %dma_wait3A_210] : memref<200x128xi32, #tpu.memory_space<vmem>> -> memref<1x128xi32, #tpu.memory_space<vmem>>
      %dma_wait3A_212 = tpu.memref_squeeze %dma_wait3A_211 : memref<1x128xi32, #tpu.memory_space<vmem>> -> memref<128xi32, #tpu.memory_space<vmem>>
      %dma_wait3A_213 = arith.constant 0 : i32
      %dma_wait3A_214 = arith.constant 0 : i32
      %dma_wait3A_215 = tpu.memref_slice %arg13[%dma_wait3A_213, %dma_wait3A_214] : memref<25600x32xf32, #tpu.memory_space<vmem_shared>> -> memref<25600x32xf32, #tpu.memory_space<vmem_shared>>
      tpu.wait_indirect_dma semaphore(%arg21 : memref<!tpu.dma_semaphore, #tpu.memory_space<semaphore_mem>>) src(%arg12 : memref<128x32xf32, #tpu.memory_space<vmem>>) dst(%dma_wait3A_215 : memref<25600x32xf32, #tpu.memory_space<vmem_shared>>)
      %add3A_216 = arith.constant 3 : i32
      %add3A_217 = arith.addi %add3A_104, %add3A_216 : i32
      %add3A_218 = arith.constant 4 : i32
      %add3A_219 = arith.addi %add3A_217, %add3A_218 : i32
      %lt3A_220 = arith.constant 200 : i32
      %lt3A_221 = arith.cmpi slt, %add3A_219, %lt3A_220 : i32
      %convert_element_type3A_222 = arith.extui %lt3A_221 : i1 to i32
      %cond3A_223 = arith.constant 0 : i32
      %cond3A_224 = arith.cmpi ne, %convert_element_type3A_222, %cond3A_223 : i32
      scf.if %cond3A_224 {
        %add3A_225 = arith.constant 3 : i32
        %add3A_226 = arith.addi %add3A_104, %add3A_225 : i32
        %add3A_227 = arith.constant 4 : i32
        %add3A_228 = arith.addi %add3A_226, %add3A_227 : i32
        %dma_start3A_229 = arith.constant 0 : i32
        %dma_start3A_230 = tpu.memref_slice %arg7[%add3A_228, %dma_start3A_229] : memref<200x128xi32, #tpu.memory_space<vmem>> -> memref<1x128xi32, #tpu.memory_space<vmem>>
        %dma_start3A_231 = tpu.memref_squeeze %dma_start3A_230 : memref<1x128xi32, #tpu.memory_space<vmem>> -> memref<128xi32, #tpu.memory_space<vmem>>
        %dma_start3A_232 = arith.constant 0 : i32
        %dma_start3A_233 = arith.constant 0 : i32
        %dma_start3A_234 = tpu.memref_slice %arg2[%dma_start3A_232, %dma_start3A_233] : memref<102400x32xf32, #tpu.memory_space<hbm>> -> memref<102400x32xf32, #tpu.memory_space<hbm>>
        tpu.enqueue_indirect_dma source(%dma_start3A_234 : memref<102400x32xf32, #tpu.memory_space<hbm>>) target(%arg12 : memref<128x32xf32, #tpu.memory_space<vmem>>) offsets(%dma_start3A_231 : memref<128xi32, #tpu.memory_space<vmem>>) semaphore(%arg17 : memref<!tpu.dma_semaphore, #tpu.memory_space<semaphore_mem>>)
      } else {
      }
    }
    %scan3A_36 = arith.constant 50 : i32
    %barrier3A_37 = arith.constant 0 : index
    tpu.barrier barrier_id(%barrier3A_37)
    %mul3A_38 = arith.constant 1600 : i32
    %mul3A_39 = arith.muli %arg1, %mul3A_38 : i32
    %mul3A_40 = arith.constant 1600 : i32
    %mul3A_41 = arith.muli %arg1, %mul3A_40 : i32
    %mul3A_42 = arith.constant 2 : i32
    %mul3A_43 = arith.muli %mul3A_42, %arg0 : i32
    %add3A = arith.constant 0 : i32
    %add3A_44 = arith.addi %mul3A_43, %add3A : i32
    %mul3A_45 = arith.constant 32 : i32
    %mul3A_46 = arith.muli %add3A_44, %mul3A_45 : i32
    "tpu.region"() ({
      %run_scoped3A = tpu.sem_alloc : memref<!tpu.dma_semaphore, #tpu.memory_space<semaphore_mem>>
      %dma_start3A_100 = tpu.memref_slice %arg6[%mul3A_41, %mul3A_46] : memref<25600x128xf32, #tpu.memory_space<hbm>> -> memref<1600x32xf32, #tpu.memory_space<hbm>>
      %dma_start3A_101 = arith.constant 0 : i32
      %dma_start3A_102 = tpu.memref_slice %arg13[%mul3A_39, %dma_start3A_101] : memref<25600x32xf32, #tpu.memory_space<vmem_shared>> -> memref<1600x32xf32, #tpu.memory_space<vmem_shared>>
      tpu.enqueue_dma source(%dma_start3A_102 : memref<1600x32xf32, #tpu.memory_space<vmem_shared>>) target(%dma_start3A_100 : memref<1600x32xf32, #tpu.memory_space<hbm>>) target_semaphore(%run_scoped3A : memref<!tpu.dma_semaphore, #tpu.memory_space<semaphore_mem>>)
      %dma_wait3A = tpu.memref_slice %arg6[%mul3A_41, %mul3A_46] : memref<25600x128xf32, #tpu.memory_space<hbm>> -> memref<1600x32xf32, #tpu.memory_space<hbm>>
      %dma_wait3A_103 = arith.constant 0 : i32
      %dma_wait3A_104 = tpu.memref_slice %arg13[%mul3A_39, %dma_wait3A_103] : memref<25600x32xf32, #tpu.memory_space<vmem_shared>> -> memref<1600x32xf32, #tpu.memory_space<vmem_shared>>
      tpu.wait_dma2 semaphore(%run_scoped3A : memref<!tpu.dma_semaphore, #tpu.memory_space<semaphore_mem>>) src(%dma_wait3A_104 : memref<1600x32xf32, #tpu.memory_space<vmem_shared>>) dst(%dma_wait3A : memref<1600x32xf32, #tpu.memory_space<hbm>>)
      tpu.yield
    }) : () -> ()
    %barrier3A_47 = arith.constant 0 : index
    tpu.barrier barrier_id(%barrier3A_47)
    %scan3A_48 = arith.constant 0 : i32
    %scan3A_49 = arith.constant 200 : i32
    %scan3A_50 = arith.addi %scan3A_48, %scan3A_49 : i32
    %scan3A_51 = arith.constant 1 : i32
    scf.for %scan3A_100 = %scan3A_48 to %scan3A_50 step %scan3A_51  : i32 {
      %mul3A_101 = arith.constant 1 : i32
      %mul3A_102 = arith.muli %scan3A_100, %mul3A_101 : i32
      %add3A_103 = arith.constant 0 : i32
      %add3A_104 = arith.addi %add3A_103, %mul3A_102 : i32
      %scan3A_105 = arith.constant 0 : i32
      %scan3A_106 = arith.constant 8 : i32
      %scan3A_107 = arith.addi %scan3A_105, %scan3A_106 : i32
      %scan3A_108 = arith.constant 1 : i32
      scf.for %scan3A_110 = %scan3A_105 to %scan3A_107 step %scan3A_108  : i32 {
        %mul3A_111 = arith.constant 16 : i32
        %mul3A_112 = arith.muli %scan3A_110, %mul3A_111 : i32
        %add3A_113 = arith.constant 0 : i32
        %add3A_114 = arith.addi %add3A_113, %mul3A_112 : i32
        %get3A = arith.index_cast %add3A_104 : i32 to index
        %get3A_115 = arith.index_cast %add3A_114 : i32 to index
        %get3A_116 = tpu.vector_load %arg7[%get3A, %get3A_115] {strides = array<i32>} : memref<200x128xi32, #tpu.memory_space<vmem>>, vector<1x16xi32>,
        %get3A_117 = vector.shape_cast %get3A_116 : vector<1x16xi32> to vector<16xi32>
        %add3A_118 = arith.constant 1 : i32
        %add3A_119 = vector.broadcast %add3A_118 : i32 to vector<16xi32>
        %add3A_120 = arith.addi %get3A_117, %add3A_119 : vector<16xi32>
        %swap3A = arith.index_cast %add3A_104 : i32 to index
        %swap3A_121 = arith.index_cast %add3A_114 : i32 to index
        %swap3A_122 = tpu.vector_load %arg7[%swap3A, %swap3A_121] {strides = array<i32>} : memref<200x128xi32, #tpu.memory_space<vmem>>, vector<1x16xi32>,
        %swap3A_123 = vector.shape_cast %swap3A_122 : vector<1x16xi32> to vector<16xi32>
        %swap3A_124 = vector.shape_cast %add3A_120 : vector<16xi32> to vector<1x16xi32>
        tpu.vector_store %arg7[%swap3A, %swap3A_121], %swap3A_124 {strides = array<i32>} : memref<200x128xi32, #tpu.memory_space<vmem>>, vector<1x16xi32>,
      }
      %scan3A_109 = arith.constant 8 : i32
    }
    %scan3A_52 = arith.constant 200 : i32
    %mul3A_53 = arith.constant 1600 : i32
    %mul3A_54 = arith.muli %arg1, %mul3A_53 : i32
    "tpu.region"() ({
      %run_scoped3A = tpu.sem_alloc : memref<!tpu.dma_semaphore, #tpu.memory_space<semaphore_mem>>
      %dma_start3A_100 = arith.constant 0 : i32
      %dma_start3A_101 = tpu.memref_slice %arg13[%mul3A_54, %dma_start3A_100] : memref<25600x32xf32, #tpu.memory_space<vmem_shared>> -> memref<1600x32xf32, #tpu.memory_space<vmem_shared>>
      tpu.enqueue_dma source(%arg5 : memref<1600x32xf32, #tpu.memory_space<hbm>>) target(%dma_start3A_101 : memref<1600x32xf32, #tpu.memory_space<vmem_shared>>) target_semaphore(%run_scoped3A : memref<!tpu.dma_semaphore, #tpu.memory_space<semaphore_mem>>)
      %dma_wait3A = arith.constant 0 : i32
      %dma_wait3A_102 = tpu.memref_slice %arg13[%mul3A_54, %dma_wait3A] : memref<25600x32xf32, #tpu.memory_space<vmem_shared>> -> memref<1600x32xf32, #tpu.memory_space<vmem_shared>>
      tpu.wait_dma2 semaphore(%run_scoped3A : memref<!tpu.dma_semaphore, #tpu.memory_space<semaphore_mem>>) src(%arg5 : memref<1600x32xf32, #tpu.memory_space<hbm>>) dst(%dma_wait3A_102 : memref<1600x32xf32, #tpu.memory_space<vmem_shared>>)
      tpu.yield
    }) : () -> ()
    %barrier3A_55 = arith.constant 0 : index
    tpu.barrier barrier_id(%barrier3A_55)
    %dma_start3A_56 = arith.constant 0 : i32
    %dma_start3A_57 = arith.constant 0 : i32
    %dma_start3A_58 = tpu.memref_slice %arg7[%dma_start3A_56, %dma_start3A_57] : memref<200x128xi32, #tpu.memory_space<vmem>> -> memref<1x128xi32, #tpu.memory_space<vmem>>
    %dma_start3A_59 = tpu.memref_squeeze %dma_start3A_58 : memref<1x128xi32, #tpu.memory_space<vmem>> -> memref<128xi32, #tpu.memory_space<vmem>>
    %dma_start3A_60 = arith.constant 0 : i32
    %dma_start3A_61 = arith.constant 0 : i32
    %dma_start3A_62 = tpu.memref_slice %arg2[%dma_start3A_60, %dma_start3A_61] : memref<102400x32xf32, #tpu.memory_space<hbm>> -> memref<102400x32xf32, #tpu.memory_space<hbm>>
    tpu.enqueue_indirect_dma source(%dma_start3A_62 : memref<102400x32xf32, #tpu.memory_space<hbm>>) target(%arg9 : memref<128x32xf32, #tpu.memory_space<vmem>>) offsets(%dma_start3A_59 : memref<128xi32, #tpu.memory_space<vmem>>) semaphore(%arg14 : memref<!tpu.dma_semaphore, #tpu.memory_space<semaphore_mem>>)
    %dma_start3A_63 = arith.constant 1 : i32
    %dma_start3A_64 = arith.constant 0 : i32
    %dma_start3A_65 = tpu.memref_slice %arg7[%dma_start3A_63, %dma_start3A_64] : memref<200x128xi32, #tpu.memory_space<vmem>> -> memref<1x128xi32, #tpu.memory_space<vmem>>
    %dma_start3A_66 = tpu.memref_squeeze %dma_start3A_65 : memref<1x128xi32, #tpu.memory_space<vmem>> -> memref<128xi32, #tpu.memory_space<vmem>>
    %dma_start3A_67 = arith.constant 0 : i32
    %dma_start3A_68 = arith.constant 0 : i32
    %dma_start3A_69 = tpu.memref_slice %arg2[%dma_start3A_67, %dma_start3A_68] : memref<102400x32xf32, #tpu.memory_space<hbm>> -> memref<102400x32xf32, #tpu.memory_space<hbm>>
    tpu.enqueue_indirect_dma source(%dma_start3A_69 : memref<102400x32xf32, #tpu.memory_space<hbm>>) target(%arg10 : memref<128x32xf32, #tpu.memory_space<vmem>>) offsets(%dma_start3A_66 : memref<128xi32, #tpu.memory_space<vmem>>) semaphore(%arg15 : memref<!tpu.dma_semaphore, #tpu.memory_space<semaphore_mem>>)
    %dma_start3A_70 = arith.constant 2 : i32
    %dma_start3A_71 = arith.constant 0 : i32
    %dma_start3A_72 = tpu.memref_slice %arg7[%dma_start3A_70, %dma_start3A_71] : memref<200x128xi32, #tpu.memory_space<vmem>> -> memref<1x128xi32, #tpu.memory_space<vmem>>
    %dma_start3A_73 = tpu.memref_squeeze %dma_start3A_72 : memref<1x128xi32, #tpu.memory_space<vmem>> -> memref<128xi32, #tpu.memory_space<vmem>>
    %dma_start3A_74 = arith.constant 0 : i32
    %dma_start3A_75 = arith.constant 0 : i32
    %dma_start3A_76 = tpu.memref_slice %arg2[%dma_start3A_74, %dma_start3A_75] : memref<102400x32xf32, #tpu.memory_space<hbm>> -> memref<102400x32xf32, #tpu.memory_space<hbm>>
    tpu.enqueue_indirect_dma source(%dma_start3A_76 : memref<102400x32xf32, #tpu.memory_space<hbm>>) target(%arg11 : memref<128x32xf32, #tpu.memory_space<vmem>>) offsets(%dma_start3A_73 : memref<128xi32, #tpu.memory_space<vmem>>) semaphore(%arg16 : memref<!tpu.dma_semaphore, #tpu.memory_space<semaphore_mem>>)
    %dma_start3A_77 = arith.constant 3 : i32
    %dma_start3A_78 = arith.constant 0 : i32
    %dma_start3A_79 = tpu.memref_slice %arg7[%dma_start3A_77, %dma_start3A_78] : memref<200x128xi32, #tpu.memory_space<vmem>> -> memref<1x128xi32, #tpu.memory_space<vmem>>
    %dma_start3A_80 = tpu.memref_squeeze %dma_start3A_79 : memref<1x128xi32, #tpu.memory_space<vmem>> -> memref<128xi32, #tpu.memory_space<vmem>>
    %dma_start3A_81 = arith.constant 0 : i32
    %dma_start3A_82 = arith.constant 0 : i32
    %dma_start3A_83 = tpu.memref_slice %arg2[%dma_start3A_81, %dma_start3A_82] : memref<102400x32xf32, #tpu.memory_space<hbm>> -> memref<102400x32xf32, #tpu.memory_space<hbm>>
    tpu.enqueue_indirect_dma source(%dma_start3A_83 : memref<102400x32xf32, #tpu.memory_space<hbm>>) target(%arg12 : memref<128x32xf32, #tpu.memory_space<vmem>>) offsets(%dma_start3A_80 : memref<128xi32, #tpu.memory_space<vmem>>) semaphore(%arg17 : memref<!tpu.dma_semaphore, #tpu.memory_space<semaphore_mem>>)
    %scan3A_84 = arith.constant 0 : i32
    %scan3A_85 = arith.constant 50 : i32
    %scan3A_86 = arith.addi %scan3A_84, %scan3A_85 : i32
    %scan3A_87 = arith.constant 1 : i32
    scf.for %scan3A_100 = %scan3A_84 to %scan3A_86 step %scan3A_87  : i32 {
      %mul3A_101 = arith.constant 4 : i32
      %mul3A_102 = arith.muli %scan3A_100, %mul3A_101 : i32
      %add3A_103 = arith.constant 0 : i32
      %add3A_104 = arith.addi %add3A_103, %mul3A_102 : i32
      %add3A_105 = arith.constant 0 : i32
      %add3A_106 = arith.addi %add3A_104, %add3A_105 : i32
      %dma_wait3A = arith.constant 0 : i32
      %dma_wait3A_107 = tpu.memref_slice %arg7[%add3A_106, %dma_wait3A] : memref<200x128xi32, #tpu.memory_space<vmem>> -> memref<1x128xi32, #tpu.memory_space<vmem>>
      %dma_wait3A_108 = tpu.memref_squeeze %dma_wait3A_107 : memref<1x128xi32, #tpu.memory_space<vmem>> -> memref<128xi32, #tpu.memory_space<vmem>>
      %dma_wait3A_109 = arith.constant 0 : i32
      %dma_wait3A_110 = arith.constant 0 : i32
      %dma_wait3A_111 = tpu.memref_slice %arg2[%dma_wait3A_109, %dma_wait3A_110] : memref<102400x32xf32, #tpu.memory_space<hbm>> -> memref<102400x32xf32, #tpu.memory_space<hbm>>
      tpu.wait_indirect_dma semaphore(%arg14 : memref<!tpu.dma_semaphore, #tpu.memory_space<semaphore_mem>>) src(%dma_wait3A_111 : memref<102400x32xf32, #tpu.memory_space<hbm>>) dst(%arg9 : memref<128x32xf32, #tpu.memory_space<vmem>>)
      %add3A_112 = arith.constant 0 : i32
      %add3A_113 = arith.addi %add3A_104, %add3A_112 : i32
      %dma_start3A_114 = arith.constant 0 : i32
      %dma_start3A_115 = tpu.memref_slice %arg8[%add3A_113, %dma_start3A_114] : memref<200x128xi32, #tpu.memory_space<vmem>> -> memref<1x128xi32, #tpu.memory_space<vmem>>
      %dma_start3A_116 = tpu.memref_squeeze %dma_start3A_115 : memref<1x128xi32, #tpu.memory_space<vmem>> -> memref<128xi32, #tpu.memory_space<vmem>>
      %dma_start3A_117 = arith.constant 0 : i32
      %dma_start3A_118 = arith.constant 0 : i32
      %dma_start3A_119 = tpu.memref_slice %arg13[%dma_start3A_117, %dma_start3A_118] : memref<25600x32xf32, #tpu.memory_space<vmem_shared>> -> memref<25600x32xf32, #tpu.memory_space<vmem_shared>>
      tpu.enqueue_indirect_dma source(%arg9 : memref<128x32xf32, #tpu.memory_space<vmem>>) target(%dma_start3A_119 : memref<25600x32xf32, #tpu.memory_space<vmem_shared>>) offsets(%dma_start3A_116 : memref<128xi32, #tpu.memory_space<vmem>>) semaphore(%arg18 : memref<!tpu.dma_semaphore, #tpu.memory_space<semaphore_mem>>) {add = true}
      %add3A_120 = arith.constant 1 : i32
      %add3A_121 = arith.addi %add3A_104, %add3A_120 : i32
      %dma_wait3A_122 = arith.constant 0 : i32
      %dma_wait3A_123 = tpu.memref_slice %arg7[%add3A_121, %dma_wait3A_122] : memref<200x128xi32, #tpu.memory_space<vmem>> -> memref<1x128xi32, #tpu.memory_space<vmem>>
      %dma_wait3A_124 = tpu.memref_squeeze %dma_wait3A_123 : memref<1x128xi32, #tpu.memory_space<vmem>> -> memref<128xi32, #tpu.memory_space<vmem>>
      %dma_wait3A_125 = arith.constant 0 : i32
      %dma_wait3A_126 = arith.constant 0 : i32
      %dma_wait3A_127 = tpu.memref_slice %arg2[%dma_wait3A_125, %dma_wait3A_126] : memref<102400x32xf32, #tpu.memory_space<hbm>> -> memref<102400x32xf32, #tpu.memory_space<hbm>>
      tpu.wait_indirect_dma semaphore(%arg15 : memref<!tpu.dma_semaphore, #tpu.memory_space<semaphore_mem>>) src(%dma_wait3A_127 : memref<102400x32xf32, #tpu.memory_space<hbm>>) dst(%arg10 : memref<128x32xf32, #tpu.memory_space<vmem>>)
      %add3A_128 = arith.constant 1 : i32
      %add3A_129 = arith.addi %add3A_104, %add3A_128 : i32
      %dma_start3A_130 = arith.constant 0 : i32
      %dma_start3A_131 = tpu.memref_slice %arg8[%add3A_129, %dma_start3A_130] : memref<200x128xi32, #tpu.memory_space<vmem>> -> memref<1x128xi32, #tpu.memory_space<vmem>>
      %dma_start3A_132 = tpu.memref_squeeze %dma_start3A_131 : memref<1x128xi32, #tpu.memory_space<vmem>> -> memref<128xi32, #tpu.memory_space<vmem>>
      %dma_start3A_133 = arith.constant 0 : i32
      %dma_start3A_134 = arith.constant 0 : i32
      %dma_start3A_135 = tpu.memref_slice %arg13[%dma_start3A_133, %dma_start3A_134] : memref<25600x32xf32, #tpu.memory_space<vmem_shared>> -> memref<25600x32xf32, #tpu.memory_space<vmem_shared>>
      tpu.enqueue_indirect_dma source(%arg10 : memref<128x32xf32, #tpu.memory_space<vmem>>) target(%dma_start3A_135 : memref<25600x32xf32, #tpu.memory_space<vmem_shared>>) offsets(%dma_start3A_132 : memref<128xi32, #tpu.memory_space<vmem>>) semaphore(%arg19 : memref<!tpu.dma_semaphore, #tpu.memory_space<semaphore_mem>>) {add = true}
      %add3A_136 = arith.constant 2 : i32
      %add3A_137 = arith.addi %add3A_104, %add3A_136 : i32
      %dma_wait3A_138 = arith.constant 0 : i32
      %dma_wait3A_139 = tpu.memref_slice %arg7[%add3A_137, %dma_wait3A_138] : memref<200x128xi32, #tpu.memory_space<vmem>> -> memref<1x128xi32, #tpu.memory_space<vmem>>
      %dma_wait3A_140 = tpu.memref_squeeze %dma_wait3A_139 : memref<1x128xi32, #tpu.memory_space<vmem>> -> memref<128xi32, #tpu.memory_space<vmem>>
      %dma_wait3A_141 = arith.constant 0 : i32
      %dma_wait3A_142 = arith.constant 0 : i32
      %dma_wait3A_143 = tpu.memref_slice %arg2[%dma_wait3A_141, %dma_wait3A_142] : memref<102400x32xf32, #tpu.memory_space<hbm>> -> memref<102400x32xf32, #tpu.memory_space<hbm>>
      tpu.wait_indirect_dma semaphore(%arg16 : memref<!tpu.dma_semaphore, #tpu.memory_space<semaphore_mem>>) src(%dma_wait3A_143 : memref<102400x32xf32, #tpu.memory_space<hbm>>) dst(%arg11 : memref<128x32xf32, #tpu.memory_space<vmem>>)
      %add3A_144 = arith.constant 2 : i32
      %add3A_145 = arith.addi %add3A_104, %add3A_144 : i32
      %dma_start3A_146 = arith.constant 0 : i32
      %dma_start3A_147 = tpu.memref_slice %arg8[%add3A_145, %dma_start3A_146] : memref<200x128xi32, #tpu.memory_space<vmem>> -> memref<1x128xi32, #tpu.memory_space<vmem>>
      %dma_start3A_148 = tpu.memref_squeeze %dma_start3A_147 : memref<1x128xi32, #tpu.memory_space<vmem>> -> memref<128xi32, #tpu.memory_space<vmem>>
      %dma_start3A_149 = arith.constant 0 : i32
      %dma_start3A_150 = arith.constant 0 : i32
      %dma_start3A_151 = tpu.memref_slice %arg13[%dma_start3A_149, %dma_start3A_150] : memref<25600x32xf32, #tpu.memory_space<vmem_shared>> -> memref<25600x32xf32, #tpu.memory_space<vmem_shared>>
      tpu.enqueue_indirect_dma source(%arg11 : memref<128x32xf32, #tpu.memory_space<vmem>>) target(%dma_start3A_151 : memref<25600x32xf32, #tpu.memory_space<vmem_shared>>) offsets(%dma_start3A_148 : memref<128xi32, #tpu.memory_space<vmem>>) semaphore(%arg20 : memref<!tpu.dma_semaphore, #tpu.memory_space<semaphore_mem>>) {add = true}
      %add3A_152 = arith.constant 3 : i32
      %add3A_153 = arith.addi %add3A_104, %add3A_152 : i32
      %dma_wait3A_154 = arith.constant 0 : i32
      %dma_wait3A_155 = tpu.memref_slice %arg7[%add3A_153, %dma_wait3A_154] : memref<200x128xi32, #tpu.memory_space<vmem>> -> memref<1x128xi32, #tpu.memory_space<vmem>>
      %dma_wait3A_156 = tpu.memref_squeeze %dma_wait3A_155 : memref<1x128xi32, #tpu.memory_space<vmem>> -> memref<128xi32, #tpu.memory_space<vmem>>
      %dma_wait3A_157 = arith.constant 0 : i32
      %dma_wait3A_158 = arith.constant 0 : i32
      %dma_wait3A_159 = tpu.memref_slice %arg2[%dma_wait3A_157, %dma_wait3A_158] : memref<102400x32xf32, #tpu.memory_space<hbm>> -> memref<102400x32xf32, #tpu.memory_space<hbm>>
      tpu.wait_indirect_dma semaphore(%arg17 : memref<!tpu.dma_semaphore, #tpu.memory_space<semaphore_mem>>) src(%dma_wait3A_159 : memref<102400x32xf32, #tpu.memory_space<hbm>>) dst(%arg12 : memref<128x32xf32, #tpu.memory_space<vmem>>)
      %add3A_160 = arith.constant 3 : i32
      %add3A_161 = arith.addi %add3A_104, %add3A_160 : i32
      %dma_start3A_162 = arith.constant 0 : i32
      %dma_start3A_163 = tpu.memref_slice %arg8[%add3A_161, %dma_start3A_162] : memref<200x128xi32, #tpu.memory_space<vmem>> -> memref<1x128xi32, #tpu.memory_space<vmem>>
      %dma_start3A_164 = tpu.memref_squeeze %dma_start3A_163 : memref<1x128xi32, #tpu.memory_space<vmem>> -> memref<128xi32, #tpu.memory_space<vmem>>
      %dma_start3A_165 = arith.constant 0 : i32
      %dma_start3A_166 = arith.constant 0 : i32
      %dma_start3A_167 = tpu.memref_slice %arg13[%dma_start3A_165, %dma_start3A_166] : memref<25600x32xf32, #tpu.memory_space<vmem_shared>> -> memref<25600x32xf32, #tpu.memory_space<vmem_shared>>
      tpu.enqueue_indirect_dma source(%arg12 : memref<128x32xf32, #tpu.memory_space<vmem>>) target(%dma_start3A_167 : memref<25600x32xf32, #tpu.memory_space<vmem_shared>>) offsets(%dma_start3A_164 : memref<128xi32, #tpu.memory_space<vmem>>) semaphore(%arg21 : memref<!tpu.dma_semaphore, #tpu.memory_space<semaphore_mem>>) {add = true}
      %dma_wait3A_168 = arith.constant 0 : i32
      %dma_wait3A_169 = tpu.memref_slice %arg8[%add3A_113, %dma_wait3A_168] : memref<200x128xi32, #tpu.memory_space<vmem>> -> memref<1x128xi32, #tpu.memory_space<vmem>>
      %dma_wait3A_170 = tpu.memref_squeeze %dma_wait3A_169 : memref<1x128xi32, #tpu.memory_space<vmem>> -> memref<128xi32, #tpu.memory_space<vmem>>
      %dma_wait3A_171 = arith.constant 0 : i32
      %dma_wait3A_172 = arith.constant 0 : i32
      %dma_wait3A_173 = tpu.memref_slice %arg13[%dma_wait3A_171, %dma_wait3A_172] : memref<25600x32xf32, #tpu.memory_space<vmem_shared>> -> memref<25600x32xf32, #tpu.memory_space<vmem_shared>>
      tpu.wait_indirect_dma semaphore(%arg18 : memref<!tpu.dma_semaphore, #tpu.memory_space<semaphore_mem>>) src(%arg9 : memref<128x32xf32, #tpu.memory_space<vmem>>) dst(%dma_wait3A_173 : memref<25600x32xf32, #tpu.memory_space<vmem_shared>>)
      %add3A_174 = arith.constant 0 : i32
      %add3A_175 = arith.addi %add3A_104, %add3A_174 : i32
      %add3A_176 = arith.constant 4 : i32
      %add3A_177 = arith.addi %add3A_175, %add3A_176 : i32
      %lt3A = arith.constant 200 : i32
      %lt3A_178 = arith.cmpi slt, %add3A_177, %lt3A : i32
      %convert_element_type3A = arith.extui %lt3A_178 : i1 to i32
      %cond3A = arith.constant 0 : i32
      %cond3A_179 = arith.cmpi ne, %convert_element_type3A, %cond3A : i32
      scf.if %cond3A_179 {
        %add3A_225 = arith.constant 0 : i32
        %add3A_226 = arith.addi %add3A_104, %add3A_225 : i32
        %add3A_227 = arith.constant 4 : i32
        %add3A_228 = arith.addi %add3A_226, %add3A_227 : i32
        %dma_start3A_229 = arith.constant 0 : i32
        %dma_start3A_230 = tpu.memref_slice %arg7[%add3A_228, %dma_start3A_229] : memref<200x128xi32, #tpu.memory_space<vmem>> -> memref<1x128xi32, #tpu.memory_space<vmem>>
        %dma_start3A_231 = tpu.memref_squeeze %dma_start3A_230 : memref<1x128xi32, #tpu.memory_space<vmem>> -> memref<128xi32, #tpu.memory_space<vmem>>
        %dma_start3A_232 = arith.constant 0 : i32
        %dma_start3A_233 = arith.constant 0 : i32
        %dma_start3A_234 = tpu.memref_slice %arg2[%dma_start3A_232, %dma_start3A_233] : memref<102400x32xf32, #tpu.memory_space<hbm>> -> memref<102400x32xf32, #tpu.memory_space<hbm>>
        tpu.enqueue_indirect_dma source(%dma_start3A_234 : memref<102400x32xf32, #tpu.memory_space<hbm>>) target(%arg9 : memref<128x32xf32, #tpu.memory_space<vmem>>) offsets(%dma_start3A_231 : memref<128xi32, #tpu.memory_space<vmem>>) semaphore(%arg14 : memref<!tpu.dma_semaphore, #tpu.memory_space<semaphore_mem>>)
      } else {
      }
      %dma_wait3A_180 = arith.constant 0 : i32
      %dma_wait3A_181 = tpu.memref_slice %arg8[%add3A_129, %dma_wait3A_180] : memref<200x128xi32, #tpu.memory_space<vmem>> -> memref<1x128xi32, #tpu.memory_space<vmem>>
      %dma_wait3A_182 = tpu.memref_squeeze %dma_wait3A_181 : memref<1x128xi32, #tpu.memory_space<vmem>> -> memref<128xi32, #tpu.memory_space<vmem>>
      %dma_wait3A_183 = arith.constant 0 : i32
      %dma_wait3A_184 = arith.constant 0 : i32
      %dma_wait3A_185 = tpu.memref_slice %arg13[%dma_wait3A_183, %dma_wait3A_184] : memref<25600x32xf32, #tpu.memory_space<vmem_shared>> -> memref<25600x32xf32, #tpu.memory_space<vmem_shared>>
      tpu.wait_indirect_dma semaphore(%arg19 : memref<!tpu.dma_semaphore, #tpu.memory_space<semaphore_mem>>) src(%arg10 : memref<128x32xf32, #tpu.memory_space<vmem>>) dst(%dma_wait3A_185 : memref<25600x32xf32, #tpu.memory_space<vmem_shared>>)
      %add3A_186 = arith.constant 1 : i32
      %add3A_187 = arith.addi %add3A_104, %add3A_186 : i32
      %add3A_188 = arith.constant 4 : i32
      %add3A_189 = arith.addi %add3A_187, %add3A_188 : i32
      %lt3A_190 = arith.constant 200 : i32
      %lt3A_191 = arith.cmpi slt, %add3A_189, %lt3A_190 : i32
      %convert_element_type3A_192 = arith.extui %lt3A_191 : i1 to i32
      %cond3A_193 = arith.constant 0 : i32
      %cond3A_194 = arith.cmpi ne, %convert_element_type3A_192, %cond3A_193 : i32
      scf.if %cond3A_194 {
        %add3A_225 = arith.constant 1 : i32
        %add3A_226 = arith.addi %add3A_104, %add3A_225 : i32
        %add3A_227 = arith.constant 4 : i32
        %add3A_228 = arith.addi %add3A_226, %add3A_227 : i32
        %dma_start3A_229 = arith.constant 0 : i32
        %dma_start3A_230 = tpu.memref_slice %arg7[%add3A_228, %dma_start3A_229] : memref<200x128xi32, #tpu.memory_space<vmem>> -> memref<1x128xi32, #tpu.memory_space<vmem>>
        %dma_start3A_231 = tpu.memref_squeeze %dma_start3A_230 : memref<1x128xi32, #tpu.memory_space<vmem>> -> memref<128xi32, #tpu.memory_space<vmem>>
        %dma_start3A_232 = arith.constant 0 : i32
        %dma_start3A_233 = arith.constant 0 : i32
        %dma_start3A_234 = tpu.memref_slice %arg2[%dma_start3A_232, %dma_start3A_233] : memref<102400x32xf32, #tpu.memory_space<hbm>> -> memref<102400x32xf32, #tpu.memory_space<hbm>>
        tpu.enqueue_indirect_dma source(%dma_start3A_234 : memref<102400x32xf32, #tpu.memory_space<hbm>>) target(%arg10 : memref<128x32xf32, #tpu.memory_space<vmem>>) offsets(%dma_start3A_231 : memref<128xi32, #tpu.memory_space<vmem>>) semaphore(%arg15 : memref<!tpu.dma_semaphore, #tpu.memory_space<semaphore_mem>>)
      } else {
      }
      %dma_wait3A_195 = arith.constant 0 : i32
      %dma_wait3A_196 = tpu.memref_slice %arg8[%add3A_145, %dma_wait3A_195] : memref<200x128xi32, #tpu.memory_space<vmem>> -> memref<1x128xi32, #tpu.memory_space<vmem>>
      %dma_wait3A_197 = tpu.memref_squeeze %dma_wait3A_196 : memref<1x128xi32, #tpu.memory_space<vmem>> -> memref<128xi32, #tpu.memory_space<vmem>>
      %dma_wait3A_198 = arith.constant 0 : i32
      %dma_wait3A_199 = arith.constant 0 : i32
      %dma_wait3A_200 = tpu.memref_slice %arg13[%dma_wait3A_198, %dma_wait3A_199] : memref<25600x32xf32, #tpu.memory_space<vmem_shared>> -> memref<25600x32xf32, #tpu.memory_space<vmem_shared>>
      tpu.wait_indirect_dma semaphore(%arg20 : memref<!tpu.dma_semaphore, #tpu.memory_space<semaphore_mem>>) src(%arg11 : memref<128x32xf32, #tpu.memory_space<vmem>>) dst(%dma_wait3A_200 : memref<25600x32xf32, #tpu.memory_space<vmem_shared>>)
      %add3A_201 = arith.constant 2 : i32
      %add3A_202 = arith.addi %add3A_104, %add3A_201 : i32
      %add3A_203 = arith.constant 4 : i32
      %add3A_204 = arith.addi %add3A_202, %add3A_203 : i32
      %lt3A_205 = arith.constant 200 : i32
      %lt3A_206 = arith.cmpi slt, %add3A_204, %lt3A_205 : i32
      %convert_element_type3A_207 = arith.extui %lt3A_206 : i1 to i32
      %cond3A_208 = arith.constant 0 : i32
      %cond3A_209 = arith.cmpi ne, %convert_element_type3A_207, %cond3A_208 : i32
      scf.if %cond3A_209 {
        %add3A_225 = arith.constant 2 : i32
        %add3A_226 = arith.addi %add3A_104, %add3A_225 : i32
        %add3A_227 = arith.constant 4 : i32
        %add3A_228 = arith.addi %add3A_226, %add3A_227 : i32
        %dma_start3A_229 = arith.constant 0 : i32
        %dma_start3A_230 = tpu.memref_slice %arg7[%add3A_228, %dma_start3A_229] : memref<200x128xi32, #tpu.memory_space<vmem>> -> memref<1x128xi32, #tpu.memory_space<vmem>>
        %dma_start3A_231 = tpu.memref_squeeze %dma_start3A_230 : memref<1x128xi32, #tpu.memory_space<vmem>> -> memref<128xi32, #tpu.memory_space<vmem>>
        %dma_start3A_232 = arith.constant 0 : i32
        %dma_start3A_233 = arith.constant 0 : i32
        %dma_start3A_234 = tpu.memref_slice %arg2[%dma_start3A_232, %dma_start3A_233] : memref<102400x32xf32, #tpu.memory_space<hbm>> -> memref<102400x32xf32, #tpu.memory_space<hbm>>
        tpu.enqueue_indirect_dma source(%dma_start3A_234 : memref<102400x32xf32, #tpu.memory_space<hbm>>) target(%arg11 : memref<128x32xf32, #tpu.memory_space<vmem>>) offsets(%dma_start3A_231 : memref<128xi32, #tpu.memory_space<vmem>>) semaphore(%arg16 : memref<!tpu.dma_semaphore, #tpu.memory_space<semaphore_mem>>)
      } else {
      }
      %dma_wait3A_210 = arith.constant 0 : i32
      %dma_wait3A_211 = tpu.memref_slice %arg8[%add3A_161, %dma_wait3A_210] : memref<200x128xi32, #tpu.memory_space<vmem>> -> memref<1x128xi32, #tpu.memory_space<vmem>>
      %dma_wait3A_212 = tpu.memref_squeeze %dma_wait3A_211 : memref<1x128xi32, #tpu.memory_space<vmem>> -> memref<128xi32, #tpu.memory_space<vmem>>
      %dma_wait3A_213 = arith.constant 0 : i32
      %dma_wait3A_214 = arith.constant 0 : i32
      %dma_wait3A_215 = tpu.memref_slice %arg13[%dma_wait3A_213, %dma_wait3A_214] : memref<25600x32xf32, #tpu.memory_space<vmem_shared>> -> memref<25600x32xf32, #tpu.memory_space<vmem_shared>>
      tpu.wait_indirect_dma semaphore(%arg21 : memref<!tpu.dma_semaphore, #tpu.memory_space<semaphore_mem>>) src(%arg12 : memref<128x32xf32, #tpu.memory_space<vmem>>) dst(%dma_wait3A_215 : memref<25600x32xf32, #tpu.memory_space<vmem_shared>>)
      %add3A_216 = arith.constant 3 : i32
      %add3A_217 = arith.addi %add3A_104, %add3A_216 : i32
      %add3A_218 = arith.constant 4 : i32
      %add3A_219 = arith.addi %add3A_217, %add3A_218 : i32
      %lt3A_220 = arith.constant 200 : i32
      %lt3A_221 = arith.cmpi slt, %add3A_219, %lt3A_220 : i32
      %convert_element_type3A_222 = arith.extui %lt3A_221 : i1 to i32
      %cond3A_223 = arith.constant 0 : i32
      %cond3A_224 = arith.cmpi ne, %convert_element_type3A_222, %cond3A_223 : i32
      scf.if %cond3A_224 {
        %add3A_225 = arith.constant 3 : i32
        %add3A_226 = arith.addi %add3A_104, %add3A_225 : i32
        %add3A_227 = arith.constant 4 : i32
        %add3A_228 = arith.addi %add3A_226, %add3A_227 : i32
        %dma_start3A_229 = arith.constant 0 : i32
        %dma_start3A_230 = tpu.memref_slice %arg7[%add3A_228, %dma_start3A_229] : memref<200x128xi32, #tpu.memory_space<vmem>> -> memref<1x128xi32, #tpu.memory_space<vmem>>
        %dma_start3A_231 = tpu.memref_squeeze %dma_start3A_230 : memref<1x128xi32, #tpu.memory_space<vmem>> -> memref<128xi32, #tpu.memory_space<vmem>>
        %dma_start3A_232 = arith.constant 0 : i32
        %dma_start3A_233 = arith.constant 0 : i32
        %dma_start3A_234 = tpu.memref_slice %arg2[%dma_start3A_232, %dma_start3A_233] : memref<102400x32xf32, #tpu.memory_space<hbm>> -> memref<102400x32xf32, #tpu.memory_space<hbm>>
        tpu.enqueue_indirect_dma source(%dma_start3A_234 : memref<102400x32xf32, #tpu.memory_space<hbm>>) target(%arg12 : memref<128x32xf32, #tpu.memory_space<vmem>>) offsets(%dma_start3A_231 : memref<128xi32, #tpu.memory_space<vmem>>) semaphore(%arg17 : memref<!tpu.dma_semaphore, #tpu.memory_space<semaphore_mem>>)
      } else {
      }
    }
    %scan3A_88 = arith.constant 50 : i32
    %barrier3A_89 = arith.constant 0 : index
    tpu.barrier barrier_id(%barrier3A_89)
    %mul3A_90 = arith.constant 1600 : i32
    %mul3A_91 = arith.muli %arg1, %mul3A_90 : i32
    %mul3A_92 = arith.constant 1600 : i32
    %mul3A_93 = arith.muli %arg1, %mul3A_92 : i32
    %mul3A_94 = arith.constant 2 : i32
    %mul3A_95 = arith.muli %mul3A_94, %arg0 : i32
    %add3A_96 = arith.constant 1 : i32
    %add3A_97 = arith.addi %mul3A_95, %add3A_96 : i32
    %mul3A_98 = arith.constant 32 : i32
    %mul3A_99 = arith.muli %add3A_97, %mul3A_98 : i32
    "tpu.region"() ({
      %run_scoped3A = tpu.sem_alloc : memref<!tpu.dma_semaphore, #tpu.memory_space<semaphore_mem>>
      %dma_start3A_100 = tpu.memref_slice %arg6[%mul3A_93, %mul3A_99] : memref<25600x128xf32, #tpu.memory_space<hbm>> -> memref<1600x32xf32, #tpu.memory_space<hbm>>
      %dma_start3A_101 = arith.constant 0 : i32
      %dma_start3A_102 = tpu.memref_slice %arg13[%mul3A_91, %dma_start3A_101] : memref<25600x32xf32, #tpu.memory_space<vmem_shared>> -> memref<1600x32xf32, #tpu.memory_space<vmem_shared>>
      tpu.enqueue_dma source(%dma_start3A_102 : memref<1600x32xf32, #tpu.memory_space<vmem_shared>>) target(%dma_start3A_100 : memref<1600x32xf32, #tpu.memory_space<hbm>>) target_semaphore(%run_scoped3A : memref<!tpu.dma_semaphore, #tpu.memory_space<semaphore_mem>>)
      %dma_wait3A = tpu.memref_slice %arg6[%mul3A_93, %mul3A_99] : memref<25600x128xf32, #tpu.memory_space<hbm>> -> memref<1600x32xf32, #tpu.memory_space<hbm>>
      %dma_wait3A_103 = arith.constant 0 : i32
      %dma_wait3A_104 = tpu.memref_slice %arg13[%mul3A_91, %dma_wait3A_103] : memref<25600x32xf32, #tpu.memory_space<vmem_shared>> -> memref<1600x32xf32, #tpu.memory_space<vmem_shared>>
      tpu.wait_dma2 semaphore(%run_scoped3A : memref<!tpu.dma_semaphore, #tpu.memory_space<semaphore_mem>>) src(%dma_wait3A_104 : memref<1600x32xf32, #tpu.memory_space<vmem_shared>>) dst(%dma_wait3A : memref<1600x32xf32, #tpu.memory_space<hbm>>)
      tpu.yield
    }) : () -> ()
    return
  }
}

module attributes {stable_mosaic.version = 14 : i64} {
  func.func @_xws_kernel(%arg0: i32, %arg1: memref<6400x128xf32, #tpu.memory_space<vmem>>, %arg2: memref<128x128xf32, #tpu.memory_space<vmem>>, %arg3: memref<6400x128xf32, #tpu.memory_space<vmem>>, %arg4: memref<160x128xf32, #tpu.memory_space<vmem>>) attributes {dimension_semantics = [#tpu.dimension_semantics<arbitrary>], iteration_bounds = array<i64: 4>, scalar_prefetch = 0 : i64, scratch_operands = 0 : i64, tpu.core_type = #tpu.core_type<tc>, window_params = [{transform_indices = @transform_0, window_bounds = array<i64: 6400, 128>}, {pipeline_mode = #tpu.pipeline_mode<synchronous>, transform_indices = @transform_1, window_bounds = array<i64: 128, 128>}, {transform_indices = @transform_2, window_bounds = array<i64: 6400, 128>}, {transform_indices = @transform_3, window_bounds = array<i64: 160, 128>}]} {
    %get3A = arith.constant 0 : index
    %get3A_0 = arith.constant 0 : index
    %get3A_1 = vector.load %arg1[%get3A, %get3A_0] : memref<6400x128xf32, #tpu.memory_space<vmem>>, vector<6400x128xf32>
    %get3A_2 = arith.constant 0 : index
    %get3A_3 = arith.constant 0 : index
    %get3A_4 = vector.load %arg2[%get3A_2, %get3A_3] : memref<128x128xf32, #tpu.memory_space<vmem>>, vector<128x128xf32>
    %dot_general3A = arith.constant dense<0.000000e+00> : vector<6400x128xf32>
    %dot_general3A_5 = tpu.matmul %get3A_1, %get3A_4, %dot_general3A {dimension_numbers = #tpu.dot_dimension_numbers<[1], [0], [0], [1], [0, 0, 1, 1], [], []>, transpose_lhs_hint = false} : vector<6400x128xf32>, vector<128x128xf32>, vector<6400x128xf32> -> vector<6400x128xf32>
    %swap3A = arith.constant 0 : index
    %swap3A_6 = arith.constant 0 : index
    %swap3A_7 = vector.load %arg3[%swap3A, %swap3A_6] : memref<6400x128xf32, #tpu.memory_space<vmem>>, vector<6400x128xf32>
    tpu.vector_store %arg3[%swap3A, %swap3A_6], %dot_general3A_5 {strides = array<i32>} : memref<6400x128xf32, #tpu.memory_space<vmem>>, vector<6400x128xf32>,
    %reshape3A = vector.shape_cast %get3A_1 : vector<6400x128xf32> to vector<160x40x128xf32>
    %reduce_sum3A = arith.constant dense<0.000000e+00> : vector<160x128xf32>
    %reduce_sum3A_8 = vector.multi_reduction <add>, %reshape3A, %reduce_sum3A [1] : vector<160x40x128xf32> to vector<160x128xf32>
    %swap3A_9 = arith.constant 0 : index
    %swap3A_10 = arith.constant 0 : index
    %swap3A_11 = vector.load %arg4[%swap3A_9, %swap3A_10] : memref<160x128xf32, #tpu.memory_space<vmem>>, vector<160x128xf32>
    tpu.vector_store %arg4[%swap3A_9, %swap3A_10], %reduce_sum3A_8 {strides = array<i32>} : memref<160x128xf32, #tpu.memory_space<vmem>>, vector<160x128xf32>,
    return
  }
  func.func @transform_0(%arg0: i32) -> (i32, i32) {
    %c0_i32 = arith.constant 0 : i32
    %c0_i32_0 = arith.constant 0 : i32
    return %arg0, %c0_i32 : i32, i32
  }
  func.func @transform_1(%arg0: i32) -> (i32, i32) {
    %c0_i32 = arith.constant 0 : i32
    %c0_i32_0 = arith.constant 0 : i32
    %c0_i32_1 = arith.constant 0 : i32
    return %c0_i32, %c0_i32_0 : i32, i32
  }
  func.func @transform_2(%arg0: i32) -> (i32, i32) {
    %c0_i32 = arith.constant 0 : i32
    %c0_i32_0 = arith.constant 0 : i32
    return %arg0, %c0_i32 : i32, i32
  }
  func.func @transform_3(%arg0: i32) -> (i32, i32) {
    %c0_i32 = arith.constant 0 : i32
    %c0_i32_0 = arith.constant 0 : i32
    return %arg0, %c0_i32 : i32, i32
  }
}

module attributes {stable_mosaic.version = 14 : i64} {
  func.func @_adj_kernel(%arg0: i32, %arg1: memref<1x1x1280xi32, #tpu.memory_space<vmem>>, %arg2: memref<1x1x1280xi32, #tpu.memory_space<vmem>>, %arg3: memref<640x640xf32, #tpu.memory_space<vmem>>) attributes {dimension_semantics = [#tpu.dimension_semantics<arbitrary>], iteration_bounds = array<i64: 8>, scalar_prefetch = 0 : i64, scratch_operands = 0 : i64, tpu.core_type = #tpu.core_type<tc>, window_params = [{transform_indices = @transform_0, window_bounds = array<i64: 1, 1, 1280>}, {transform_indices = @transform_1, window_bounds = array<i64: 1, 1, 1280>}, {pipeline_mode = #tpu.pipeline_mode<synchronous>, transform_indices = @transform_2, window_bounds = array<i64: 640, 640>}]} {
    %eq3A = arith.constant 0 : i32
    %eq3A_0 = arith.cmpi eq, %arg0, %eq3A : i32
    %convert_element_type3A = arith.extui %eq3A_0 : i1 to i32
    %cond3A = arith.constant 0 : i32
    %cond3A_1 = arith.cmpi ne, %convert_element_type3A, %cond3A : i32
    scf.if %cond3A_1 {
      %broadcast_in_dim3A_28 = arith.constant 0.000000e+00 : f32
      %broadcast_in_dim3A_29 = vector.broadcast %broadcast_in_dim3A_28 : f32 to vector<640x640xf32>
      %swap3A_30 = arith.constant 0 : index
      %swap3A_31 = arith.constant 0 : index
      %swap3A_32 = vector.load %arg3[%swap3A_30, %swap3A_31] : memref<640x640xf32, #tpu.memory_space<vmem>>, vector<640x640xf32>
      tpu.vector_store %arg3[%swap3A_30, %swap3A_31], %broadcast_in_dim3A_29 {strides = array<i32>} : memref<640x640xf32, #tpu.memory_space<vmem>>, vector<640x640xf32>,
    } else {
    }
    %iota3A = tpu.iota {dimensions = array<i32: 1>} : vector<1280x640xi32>
    %get3A = arith.constant 0 : index
    %get3A_2 = arith.constant 0 : index
    %get3A_3 = arith.constant 0 : index
    %get3A_4 = vector.load %arg1[%get3A, %get3A_2, %get3A_3] : memref<1x1x1280xi32, #tpu.memory_space<vmem>>, vector<1x1x1280xi32>
    %get3A_5 = vector.shape_cast %get3A_4 : vector<1x1x1280xi32> to vector<1280xi32>
    %broadcast_in_dim3A = vector.shape_cast %get3A_5 : vector<1280xi32> to vector<1280x1xi32>
    %eq3A_6 = vector.broadcast %broadcast_in_dim3A : vector<1280x1xi32> to vector<1280x640xi32>
    %eq3A_7 = arith.cmpi eq, %eq3A_6, %iota3A : vector<1280x640xi32>
    %convert_element_type3A_8 = arith.extui %eq3A_7 : vector<1280x640xi1> to vector<1280x640xi32>
    %convert_element_type3A_9 = arith.sitofp %convert_element_type3A_8 : vector<1280x640xi32> to vector<1280x640xf32>
    %convert_element_type3A_10 = arith.truncf %convert_element_type3A_9 : vector<1280x640xf32> to vector<1280x640xbf16>
    %get3A_11 = arith.constant 0 : index
    %get3A_12 = arith.constant 0 : index
    %get3A_13 = arith.constant 0 : index
    %get3A_14 = vector.load %arg2[%get3A_11, %get3A_12, %get3A_13] : memref<1x1x1280xi32, #tpu.memory_space<vmem>>, vector<1x1x1280xi32>
    %get3A_15 = vector.shape_cast %get3A_14 : vector<1x1x1280xi32> to vector<1280xi32>
    %broadcast_in_dim3A_16 = vector.shape_cast %get3A_15 : vector<1280xi32> to vector<1280x1xi32>
    %eq3A_17 = vector.broadcast %broadcast_in_dim3A_16 : vector<1280x1xi32> to vector<1280x640xi32>
    %eq3A_18 = arith.cmpi eq, %eq3A_17, %iota3A : vector<1280x640xi32>
    %convert_element_type3A_19 = arith.extui %eq3A_18 : vector<1280x640xi1> to vector<1280x640xi32>
    %convert_element_type3A_20 = arith.sitofp %convert_element_type3A_19 : vector<1280x640xi32> to vector<1280x640xf32>
    %convert_element_type3A_21 = arith.truncf %convert_element_type3A_20 : vector<1280x640xf32> to vector<1280x640xbf16>
    %get3A_22 = arith.constant 0 : index
    %get3A_23 = arith.constant 0 : index
    %get3A_24 = vector.load %arg3[%get3A_22, %get3A_23] : memref<640x640xf32, #tpu.memory_space<vmem>>, vector<640x640xf32>
    %dot_general3A = arith.constant dense<0.000000e+00> : vector<640x640xf32>
    %dot_general3A_25 = tpu.matmul %convert_element_type3A_21, %convert_element_type3A_10, %dot_general3A {dimension_numbers = #tpu.dot_dimension_numbers<[0], [0], [1], [1], [0, 1, 1, 1], [], []>, transpose_lhs_hint = false} : vector<1280x640xbf16>, vector<1280x640xbf16>, vector<640x640xf32> -> vector<640x640xf32>
    %add3A = arith.addf %get3A_24, %dot_general3A_25 : vector<640x640xf32>
    %swap3A = arith.constant 0 : index
    %swap3A_26 = arith.constant 0 : index
    %swap3A_27 = vector.load %arg3[%swap3A, %swap3A_26] : memref<640x640xf32, #tpu.memory_space<vmem>>, vector<640x640xf32>
    tpu.vector_store %arg3[%swap3A, %swap3A_26], %add3A {strides = array<i32>} : memref<640x640xf32, #tpu.memory_space<vmem>>, vector<640x640xf32>,
    return
  }
  func.func @transform_0(%arg0: i32) -> (i32, i32, i32) {
    %c0_i32 = arith.constant 0 : i32
    %c0_i32_0 = arith.constant 0 : i32
    %c0_i32_1 = arith.constant 0 : i32
    return %arg0, %c0_i32, %c0_i32_0 : i32, i32, i32
  }
  func.func @transform_1(%arg0: i32) -> (i32, i32, i32) {
    %c0_i32 = arith.constant 0 : i32
    %c0_i32_0 = arith.constant 0 : i32
    %c0_i32_1 = arith.constant 0 : i32
    return %arg0, %c0_i32, %c0_i32_0 : i32, i32, i32
  }
  func.func @transform_2(%arg0: i32) -> (i32, i32) {
    %c0_i32 = arith.constant 0 : i32
    %c0_i32_0 = arith.constant 0 : i32
    %c0_i32_1 = arith.constant 0 : i32
    return %c0_i32, %c0_i32_0 : i32, i32
  }
}

module attributes {stable_mosaic.version = 14 : i64} {
  func.func @_atten_kernel(%arg0: memref<640x128xf32, #tpu.memory_space<vmem>>, %arg1: memref<25600x128xf32, #tpu.memory_space<vmem>>, %arg2: memref<640x640xf32, #tpu.memory_space<vmem>>, %arg3: memref<128x128xf32, #tpu.memory_space<vmem>>, %arg4: memref<128x128xf32, #tpu.memory_space<vmem>>, %arg5: memref<1x128xf32, #tpu.memory_space<vmem>>, %arg6: memref<1x128xf32, #tpu.memory_space<vmem>>, %arg7: memref<128x128xf32, #tpu.memory_space<vmem>>, %arg8: memref<128x128xf32, #tpu.memory_space<vmem>>, %arg9: memref<1x128xf32, #tpu.memory_space<vmem>>, %arg10: memref<1x128xf32, #tpu.memory_space<vmem>>, %arg11: memref<1x128xf32, #tpu.memory_space<vmem>>, %arg12: memref<640x128xf32, #tpu.memory_space<vmem>>, %arg13: memref<40x40xf32, #tpu.memory_space<vmem>>) attributes {dimension_semantics = [], scalar_prefetch = 0 : i64, scratch_operands = 0 : i64, tpu.core_type = #tpu.core_type<tc>} {
    %get3A = arith.constant 0 : index
    %get3A_0 = arith.constant 0 : index
    %get3A_1 = vector.load %arg0[%get3A, %get3A_0] : memref<640x128xf32, #tpu.memory_space<vmem>>, vector<640x128xf32>
    %mul3A = arith.constant 2.500000e-02 : f32
    %mul3A_2 = vector.broadcast %mul3A : f32 to vector<640x128xf32>
    %mul3A_3 = arith.mulf %get3A_1, %mul3A_2 : vector<640x128xf32>
    %get3A_4 = arith.constant 0 : index
    %get3A_5 = arith.constant 0 : index
    %get3A_6 = vector.load %arg3[%get3A_4, %get3A_5] : memref<128x128xf32, #tpu.memory_space<vmem>>, vector<128x128xf32>
    %dot_general3A = arith.constant dense<0.000000e+00> : vector<640x128xf32>
    %dot_general3A_7 = tpu.matmul %mul3A_3, %get3A_6, %dot_general3A {dimension_numbers = #tpu.dot_dimension_numbers<[1], [0], [0], [1], [0, 0, 1, 1], [], []>, transpose_lhs_hint = false} : vector<640x128xf32>, vector<128x128xf32>, vector<640x128xf32> -> vector<640x128xf32>
    %get3A_8 = arith.constant 0 : index
    %get3A_9 = arith.constant 0 : index
    %get3A_10 = vector.load %arg5[%get3A_8, %get3A_9] : memref<1x128xf32, #tpu.memory_space<vmem>>, vector<1x128xf32>
    %add3A = vector.broadcast %get3A_10 : vector<1x128xf32> to vector<640x128xf32>
    %add3A_11 = arith.addf %dot_general3A_7, %add3A : vector<640x128xf32>
    %get3A_12 = arith.constant 0 : index
    %get3A_13 = arith.constant 0 : index
    %get3A_14 = vector.load %arg4[%get3A_12, %get3A_13] : memref<128x128xf32, #tpu.memory_space<vmem>>, vector<128x128xf32>
    %dot_general3A_15 = arith.constant dense<0.000000e+00> : vector<640x128xf32>
    %dot_general3A_16 = tpu.matmul %mul3A_3, %get3A_14, %dot_general3A_15 {dimension_numbers = #tpu.dot_dimension_numbers<[1], [0], [0], [1], [0, 0, 1, 1], [], []>, transpose_lhs_hint = false} : vector<640x128xf32>, vector<128x128xf32>, vector<640x128xf32> -> vector<640x128xf32>
    %get3A_17 = arith.constant 0 : index
    %get3A_18 = arith.constant 0 : index
    %get3A_19 = vector.load %arg6[%get3A_17, %get3A_18] : memref<1x128xf32, #tpu.memory_space<vmem>>, vector<1x128xf32>
    %add3A_20 = vector.broadcast %get3A_19 : vector<1x128xf32> to vector<640x128xf32>
    %add3A_21 = arith.addf %dot_general3A_16, %add3A_20 : vector<640x128xf32>
    %dot_general3A_22 = arith.constant dense<0.000000e+00> : vector<640x640xf32>
    %dot_general3A_23 = tpu.matmul %add3A_11, %add3A_21, %dot_general3A_22 {dimension_numbers = #tpu.dot_dimension_numbers<[1], [1], [0], [0], [0, 0, 1, 0], [], []>, transpose_lhs_hint = false} : vector<640x128xf32>, vector<640x128xf32>, vector<640x640xf32> -> vector<640x640xf32>
    %slice3A = vector.extract_strided_slice %dot_general3A_23 {offsets = [0, 0], sizes = [40, 40], strides = [1, 1]} : vector<640x640xf32> to vector<40x40xf32>
    %mul3A_24 = arith.constant 0.0883883461 : f32
    %mul3A_25 = vector.broadcast %mul3A_24 : f32 to vector<40x40xf32>
    %mul3A_26 = arith.mulf %slice3A, %mul3A_25 : vector<40x40xf32>
    %reduce_max3A = arith.constant dense<0xFF800000> : vector<40xf32>
    %reduce_max3A_27 = vector.multi_reduction <maximumf>, %mul3A_26, %reduce_max3A [1] : vector<40x40xf32> to vector<40xf32>
    %broadcast_in_dim3A = vector.shape_cast %reduce_max3A_27 : vector<40xf32> to vector<40x1xf32>
    %sub3A = vector.broadcast %broadcast_in_dim3A : vector<40x1xf32> to vector<40x40xf32>
    %sub3A_28 = arith.subf %mul3A_26, %sub3A : vector<40x40xf32>
    %exp3A = math.exp %sub3A_28 : vector<40x40xf32>
    %reduce_sum3A = arith.constant dense<0.000000e+00> : vector<40xf32>
    %reduce_sum3A_29 = vector.multi_reduction <add>, %exp3A, %reduce_sum3A [1] : vector<40x40xf32> to vector<40xf32>
    %broadcast_in_dim3A_30 = vector.shape_cast %reduce_sum3A_29 : vector<40xf32> to vector<40x1xf32>
    %div3A = vector.broadcast %broadcast_in_dim3A_30 : vector<40x1xf32> to vector<40x40xf32>
    %div3A_31 = arith.divf %exp3A, %div3A : vector<40x40xf32>
    %get3A_32 = arith.constant 0 : index
    %get3A_33 = arith.constant 0 : index
    %get3A_34 = vector.load %arg1[%get3A_32, %get3A_33] : memref<25600x128xf32, #tpu.memory_space<vmem>>, vector<1600x128xf32>
    %reshape3A = vector.shape_cast %get3A_34 : vector<1600x128xf32> to vector<40x40x128xf32>
    %broadcast_in_dim3A_35 = vector.shape_cast %div3A_31 : vector<40x40xf32> to vector<40x40x1xf32>
    %mul3A_36 = vector.broadcast %broadcast_in_dim3A_35 : vector<40x40x1xf32> to vector<40x40x128xf32>
    %mul3A_37 = arith.mulf %mul3A_36, %reshape3A : vector<40x40x128xf32>
    %reduce_sum3A_38 = arith.constant dense<0.000000e+00> : vector<40x128xf32>
    %reduce_sum3A_39 = vector.multi_reduction <add>, %mul3A_37, %reduce_sum3A_38 [0] : vector<40x40x128xf32> to vector<40x128xf32>
    %slice3A_40 = vector.extract_strided_slice %dot_general3A_23 {offsets = [40, 40], sizes = [40, 40], strides = [1, 1]} : vector<640x640xf32> to vector<40x40xf32>
    %mul3A_41 = arith.constant 0.0883883461 : f32
    %mul3A_42 = vector.broadcast %mul3A_41 : f32 to vector<40x40xf32>
    %mul3A_43 = arith.mulf %slice3A_40, %mul3A_42 : vector<40x40xf32>
    %reduce_max3A_44 = arith.constant dense<0xFF800000> : vector<40xf32>
    %reduce_max3A_45 = vector.multi_reduction <maximumf>, %mul3A_43, %reduce_max3A_44 [1] : vector<40x40xf32> to vector<40xf32>
    %broadcast_in_dim3A_46 = vector.shape_cast %reduce_max3A_45 : vector<40xf32> to vector<40x1xf32>
    %sub3A_47 = vector.broadcast %broadcast_in_dim3A_46 : vector<40x1xf32> to vector<40x40xf32>
    %sub3A_48 = arith.subf %mul3A_43, %sub3A_47 : vector<40x40xf32>
    %exp3A_49 = math.exp %sub3A_48 : vector<40x40xf32>
    %reduce_sum3A_50 = arith.constant dense<0.000000e+00> : vector<40xf32>
    %reduce_sum3A_51 = vector.multi_reduction <add>, %exp3A_49, %reduce_sum3A_50 [1] : vector<40x40xf32> to vector<40xf32>
    %broadcast_in_dim3A_52 = vector.shape_cast %reduce_sum3A_51 : vector<40xf32> to vector<40x1xf32>
    %div3A_53 = vector.broadcast %broadcast_in_dim3A_52 : vector<40x1xf32> to vector<40x40xf32>
    %div3A_54 = arith.divf %exp3A_49, %div3A_53 : vector<40x40xf32>
    %get3A_55 = arith.constant 1600 : index
    %get3A_56 = arith.constant 0 : index
    %get3A_57 = vector.load %arg1[%get3A_55, %get3A_56] : memref<25600x128xf32, #tpu.memory_space<vmem>>, vector<1600x128xf32>
    %reshape3A_58 = vector.shape_cast %get3A_57 : vector<1600x128xf32> to vector<40x40x128xf32>
    %broadcast_in_dim3A_59 = vector.shape_cast %div3A_54 : vector<40x40xf32> to vector<40x40x1xf32>
    %mul3A_60 = vector.broadcast %broadcast_in_dim3A_59 : vector<40x40x1xf32> to vector<40x40x128xf32>
    %mul3A_61 = arith.mulf %mul3A_60, %reshape3A_58 : vector<40x40x128xf32>
    %reduce_sum3A_62 = arith.constant dense<0.000000e+00> : vector<40x128xf32>
    %reduce_sum3A_63 = vector.multi_reduction <add>, %mul3A_61, %reduce_sum3A_62 [0] : vector<40x40x128xf32> to vector<40x128xf32>
    %slice3A_64 = vector.extract_strided_slice %dot_general3A_23 {offsets = [80, 80], sizes = [40, 40], strides = [1, 1]} : vector<640x640xf32> to vector<40x40xf32>
    %mul3A_65 = arith.constant 0.0883883461 : f32
    %mul3A_66 = vector.broadcast %mul3A_65 : f32 to vector<40x40xf32>
    %mul3A_67 = arith.mulf %slice3A_64, %mul3A_66 : vector<40x40xf32>
    %reduce_max3A_68 = arith.constant dense<0xFF800000> : vector<40xf32>
    %reduce_max3A_69 = vector.multi_reduction <maximumf>, %mul3A_67, %reduce_max3A_68 [1] : vector<40x40xf32> to vector<40xf32>
    %broadcast_in_dim3A_70 = vector.shape_cast %reduce_max3A_69 : vector<40xf32> to vector<40x1xf32>
    %sub3A_71 = vector.broadcast %broadcast_in_dim3A_70 : vector<40x1xf32> to vector<40x40xf32>
    %sub3A_72 = arith.subf %mul3A_67, %sub3A_71 : vector<40x40xf32>
    %exp3A_73 = math.exp %sub3A_72 : vector<40x40xf32>
    %reduce_sum3A_74 = arith.constant dense<0.000000e+00> : vector<40xf32>
    %reduce_sum3A_75 = vector.multi_reduction <add>, %exp3A_73, %reduce_sum3A_74 [1] : vector<40x40xf32> to vector<40xf32>
    %broadcast_in_dim3A_76 = vector.shape_cast %reduce_sum3A_75 : vector<40xf32> to vector<40x1xf32>
    %div3A_77 = vector.broadcast %broadcast_in_dim3A_76 : vector<40x1xf32> to vector<40x40xf32>
    %div3A_78 = arith.divf %exp3A_73, %div3A_77 : vector<40x40xf32>
    %get3A_79 = arith.constant 3200 : index
    %get3A_80 = arith.constant 0 : index
    %get3A_81 = vector.load %arg1[%get3A_79, %get3A_80] : memref<25600x128xf32, #tpu.memory_space<vmem>>, vector<1600x128xf32>
    %reshape3A_82 = vector.shape_cast %get3A_81 : vector<1600x128xf32> to vector<40x40x128xf32>
    %broadcast_in_dim3A_83 = vector.shape_cast %div3A_78 : vector<40x40xf32> to vector<40x40x1xf32>
    %mul3A_84 = vector.broadcast %broadcast_in_dim3A_83 : vector<40x40x1xf32> to vector<40x40x128xf32>
    %mul3A_85 = arith.mulf %mul3A_84, %reshape3A_82 : vector<40x40x128xf32>
    %reduce_sum3A_86 = arith.constant dense<0.000000e+00> : vector<40x128xf32>
    %reduce_sum3A_87 = vector.multi_reduction <add>, %mul3A_85, %reduce_sum3A_86 [0] : vector<40x40x128xf32> to vector<40x128xf32>
    %slice3A_88 = vector.extract_strided_slice %dot_general3A_23 {offsets = [120, 120], sizes = [40, 40], strides = [1, 1]} : vector<640x640xf32> to vector<40x40xf32>
    %mul3A_89 = arith.constant 0.0883883461 : f32
    %mul3A_90 = vector.broadcast %mul3A_89 : f32 to vector<40x40xf32>
    %mul3A_91 = arith.mulf %slice3A_88, %mul3A_90 : vector<40x40xf32>
    %reduce_max3A_92 = arith.constant dense<0xFF800000> : vector<40xf32>
    %reduce_max3A_93 = vector.multi_reduction <maximumf>, %mul3A_91, %reduce_max3A_92 [1] : vector<40x40xf32> to vector<40xf32>
    %broadcast_in_dim3A_94 = vector.shape_cast %reduce_max3A_93 : vector<40xf32> to vector<40x1xf32>
    %sub3A_95 = vector.broadcast %broadcast_in_dim3A_94 : vector<40x1xf32> to vector<40x40xf32>
    %sub3A_96 = arith.subf %mul3A_91, %sub3A_95 : vector<40x40xf32>
    %exp3A_97 = math.exp %sub3A_96 : vector<40x40xf32>
    %reduce_sum3A_98 = arith.constant dense<0.000000e+00> : vector<40xf32>
    %reduce_sum3A_99 = vector.multi_reduction <add>, %exp3A_97, %reduce_sum3A_98 [1] : vector<40x40xf32> to vector<40xf32>
    %broadcast_in_dim3A_100 = vector.shape_cast %reduce_sum3A_99 : vector<40xf32> to vector<40x1xf32>
    %div3A_101 = vector.broadcast %broadcast_in_dim3A_100 : vector<40x1xf32> to vector<40x40xf32>
    %div3A_102 = arith.divf %exp3A_97, %div3A_101 : vector<40x40xf32>
    %get3A_103 = arith.constant 4800 : index
    %get3A_104 = arith.constant 0 : index
    %get3A_105 = vector.load %arg1[%get3A_103, %get3A_104] : memref<25600x128xf32, #tpu.memory_space<vmem>>, vector<1600x128xf32>
    %reshape3A_106 = vector.shape_cast %get3A_105 : vector<1600x128xf32> to vector<40x40x128xf32>
    %broadcast_in_dim3A_107 = vector.shape_cast %div3A_102 : vector<40x40xf32> to vector<40x40x1xf32>
    %mul3A_108 = vector.broadcast %broadcast_in_dim3A_107 : vector<40x40x1xf32> to vector<40x40x128xf32>
    %mul3A_109 = arith.mulf %mul3A_108, %reshape3A_106 : vector<40x40x128xf32>
    %reduce_sum3A_110 = arith.constant dense<0.000000e+00> : vector<40x128xf32>
    %reduce_sum3A_111 = vector.multi_reduction <add>, %mul3A_109, %reduce_sum3A_110 [0] : vector<40x40x128xf32> to vector<40x128xf32>
    %slice3A_112 = vector.extract_strided_slice %dot_general3A_23 {offsets = [160, 160], sizes = [40, 40], strides = [1, 1]} : vector<640x640xf32> to vector<40x40xf32>
    %mul3A_113 = arith.constant 0.0883883461 : f32
    %mul3A_114 = vector.broadcast %mul3A_113 : f32 to vector<40x40xf32>
    %mul3A_115 = arith.mulf %slice3A_112, %mul3A_114 : vector<40x40xf32>
    %reduce_max3A_116 = arith.constant dense<0xFF800000> : vector<40xf32>
    %reduce_max3A_117 = vector.multi_reduction <maximumf>, %mul3A_115, %reduce_max3A_116 [1] : vector<40x40xf32> to vector<40xf32>
    %broadcast_in_dim3A_118 = vector.shape_cast %reduce_max3A_117 : vector<40xf32> to vector<40x1xf32>
    %sub3A_119 = vector.broadcast %broadcast_in_dim3A_118 : vector<40x1xf32> to vector<40x40xf32>
    %sub3A_120 = arith.subf %mul3A_115, %sub3A_119 : vector<40x40xf32>
    %exp3A_121 = math.exp %sub3A_120 : vector<40x40xf32>
    %reduce_sum3A_122 = arith.constant dense<0.000000e+00> : vector<40xf32>
    %reduce_sum3A_123 = vector.multi_reduction <add>, %exp3A_121, %reduce_sum3A_122 [1] : vector<40x40xf32> to vector<40xf32>
    %broadcast_in_dim3A_124 = vector.shape_cast %reduce_sum3A_123 : vector<40xf32> to vector<40x1xf32>
    %div3A_125 = vector.broadcast %broadcast_in_dim3A_124 : vector<40x1xf32> to vector<40x40xf32>
    %div3A_126 = arith.divf %exp3A_121, %div3A_125 : vector<40x40xf32>
    %get3A_127 = arith.constant 6400 : index
    %get3A_128 = arith.constant 0 : index
    %get3A_129 = vector.load %arg1[%get3A_127, %get3A_128] : memref<25600x128xf32, #tpu.memory_space<vmem>>, vector<1600x128xf32>
    %reshape3A_130 = vector.shape_cast %get3A_129 : vector<1600x128xf32> to vector<40x40x128xf32>
    %broadcast_in_dim3A_131 = vector.shape_cast %div3A_126 : vector<40x40xf32> to vector<40x40x1xf32>
    %mul3A_132 = vector.broadcast %broadcast_in_dim3A_131 : vector<40x40x1xf32> to vector<40x40x128xf32>
    %mul3A_133 = arith.mulf %mul3A_132, %reshape3A_130 : vector<40x40x128xf32>
    %reduce_sum3A_134 = arith.constant dense<0.000000e+00> : vector<40x128xf32>
    %reduce_sum3A_135 = vector.multi_reduction <add>, %mul3A_133, %reduce_sum3A_134 [0] : vector<40x40x128xf32> to vector<40x128xf32>
    %slice3A_136 = vector.extract_strided_slice %dot_general3A_23 {offsets = [200, 200], sizes = [40, 40], strides = [1, 1]} : vector<640x640xf32> to vector<40x40xf32>
    %mul3A_137 = arith.constant 0.0883883461 : f32
    %mul3A_138 = vector.broadcast %mul3A_137 : f32 to vector<40x40xf32>
    %mul3A_139 = arith.mulf %slice3A_136, %mul3A_138 : vector<40x40xf32>
    %reduce_max3A_140 = arith.constant dense<0xFF800000> : vector<40xf32>
    %reduce_max3A_141 = vector.multi_reduction <maximumf>, %mul3A_139, %reduce_max3A_140 [1] : vector<40x40xf32> to vector<40xf32>
    %broadcast_in_dim3A_142 = vector.shape_cast %reduce_max3A_141 : vector<40xf32> to vector<40x1xf32>
    %sub3A_143 = vector.broadcast %broadcast_in_dim3A_142 : vector<40x1xf32> to vector<40x40xf32>
    %sub3A_144 = arith.subf %mul3A_139, %sub3A_143 : vector<40x40xf32>
    %exp3A_145 = math.exp %sub3A_144 : vector<40x40xf32>
    %reduce_sum3A_146 = arith.constant dense<0.000000e+00> : vector<40xf32>
    %reduce_sum3A_147 = vector.multi_reduction <add>, %exp3A_145, %reduce_sum3A_146 [1] : vector<40x40xf32> to vector<40xf32>
    %broadcast_in_dim3A_148 = vector.shape_cast %reduce_sum3A_147 : vector<40xf32> to vector<40x1xf32>
    %div3A_149 = vector.broadcast %broadcast_in_dim3A_148 : vector<40x1xf32> to vector<40x40xf32>
    %div3A_150 = arith.divf %exp3A_145, %div3A_149 : vector<40x40xf32>
    %get3A_151 = arith.constant 8000 : index
    %get3A_152 = arith.constant 0 : index
    %get3A_153 = vector.load %arg1[%get3A_151, %get3A_152] : memref<25600x128xf32, #tpu.memory_space<vmem>>, vector<1600x128xf32>
    %reshape3A_154 = vector.shape_cast %get3A_153 : vector<1600x128xf32> to vector<40x40x128xf32>
    %broadcast_in_dim3A_155 = vector.shape_cast %div3A_150 : vector<40x40xf32> to vector<40x40x1xf32>
    %mul3A_156 = vector.broadcast %broadcast_in_dim3A_155 : vector<40x40x1xf32> to vector<40x40x128xf32>
    %mul3A_157 = arith.mulf %mul3A_156, %reshape3A_154 : vector<40x40x128xf32>
    %reduce_sum3A_158 = arith.constant dense<0.000000e+00> : vector<40x128xf32>
    %reduce_sum3A_159 = vector.multi_reduction <add>, %mul3A_157, %reduce_sum3A_158 [0] : vector<40x40x128xf32> to vector<40x128xf32>
    %slice3A_160 = vector.extract_strided_slice %dot_general3A_23 {offsets = [240, 240], sizes = [40, 40], strides = [1, 1]} : vector<640x640xf32> to vector<40x40xf32>
    %mul3A_161 = arith.constant 0.0883883461 : f32
    %mul3A_162 = vector.broadcast %mul3A_161 : f32 to vector<40x40xf32>
    %mul3A_163 = arith.mulf %slice3A_160, %mul3A_162 : vector<40x40xf32>
    %reduce_max3A_164 = arith.constant dense<0xFF800000> : vector<40xf32>
    %reduce_max3A_165 = vector.multi_reduction <maximumf>, %mul3A_163, %reduce_max3A_164 [1] : vector<40x40xf32> to vector<40xf32>
    %broadcast_in_dim3A_166 = vector.shape_cast %reduce_max3A_165 : vector<40xf32> to vector<40x1xf32>
    %sub3A_167 = vector.broadcast %broadcast_in_dim3A_166 : vector<40x1xf32> to vector<40x40xf32>
    %sub3A_168 = arith.subf %mul3A_163, %sub3A_167 : vector<40x40xf32>
    %exp3A_169 = math.exp %sub3A_168 : vector<40x40xf32>
    %reduce_sum3A_170 = arith.constant dense<0.000000e+00> : vector<40xf32>
    %reduce_sum3A_171 = vector.multi_reduction <add>, %exp3A_169, %reduce_sum3A_170 [1] : vector<40x40xf32> to vector<40xf32>
    %broadcast_in_dim3A_172 = vector.shape_cast %reduce_sum3A_171 : vector<40xf32> to vector<40x1xf32>
    %div3A_173 = vector.broadcast %broadcast_in_dim3A_172 : vector<40x1xf32> to vector<40x40xf32>
    %div3A_174 = arith.divf %exp3A_169, %div3A_173 : vector<40x40xf32>
    %get3A_175 = arith.constant 9600 : index
    %get3A_176 = arith.constant 0 : index
    %get3A_177 = vector.load %arg1[%get3A_175, %get3A_176] : memref<25600x128xf32, #tpu.memory_space<vmem>>, vector<1600x128xf32>
    %reshape3A_178 = vector.shape_cast %get3A_177 : vector<1600x128xf32> to vector<40x40x128xf32>
    %broadcast_in_dim3A_179 = vector.shape_cast %div3A_174 : vector<40x40xf32> to vector<40x40x1xf32>
    %mul3A_180 = vector.broadcast %broadcast_in_dim3A_179 : vector<40x40x1xf32> to vector<40x40x128xf32>
    %mul3A_181 = arith.mulf %mul3A_180, %reshape3A_178 : vector<40x40x128xf32>
    %reduce_sum3A_182 = arith.constant dense<0.000000e+00> : vector<40x128xf32>
    %reduce_sum3A_183 = vector.multi_reduction <add>, %mul3A_181, %reduce_sum3A_182 [0] : vector<40x40x128xf32> to vector<40x128xf32>
    %slice3A_184 = vector.extract_strided_slice %dot_general3A_23 {offsets = [280, 280], sizes = [40, 40], strides = [1, 1]} : vector<640x640xf32> to vector<40x40xf32>
    %mul3A_185 = arith.constant 0.0883883461 : f32
    %mul3A_186 = vector.broadcast %mul3A_185 : f32 to vector<40x40xf32>
    %mul3A_187 = arith.mulf %slice3A_184, %mul3A_186 : vector<40x40xf32>
    %reduce_max3A_188 = arith.constant dense<0xFF800000> : vector<40xf32>
    %reduce_max3A_189 = vector.multi_reduction <maximumf>, %mul3A_187, %reduce_max3A_188 [1] : vector<40x40xf32> to vector<40xf32>
    %broadcast_in_dim3A_190 = vector.shape_cast %reduce_max3A_189 : vector<40xf32> to vector<40x1xf32>
    %sub3A_191 = vector.broadcast %broadcast_in_dim3A_190 : vector<40x1xf32> to vector<40x40xf32>
    %sub3A_192 = arith.subf %mul3A_187, %sub3A_191 : vector<40x40xf32>
    %exp3A_193 = math.exp %sub3A_192 : vector<40x40xf32>
    %reduce_sum3A_194 = arith.constant dense<0.000000e+00> : vector<40xf32>
    %reduce_sum3A_195 = vector.multi_reduction <add>, %exp3A_193, %reduce_sum3A_194 [1] : vector<40x40xf32> to vector<40xf32>
    %broadcast_in_dim3A_196 = vector.shape_cast %reduce_sum3A_195 : vector<40xf32> to vector<40x1xf32>
    %div3A_197 = vector.broadcast %broadcast_in_dim3A_196 : vector<40x1xf32> to vector<40x40xf32>
    %div3A_198 = arith.divf %exp3A_193, %div3A_197 : vector<40x40xf32>
    %get3A_199 = arith.constant 11200 : index
    %get3A_200 = arith.constant 0 : index
    %get3A_201 = vector.load %arg1[%get3A_199, %get3A_200] : memref<25600x128xf32, #tpu.memory_space<vmem>>, vector<1600x128xf32>
    %reshape3A_202 = vector.shape_cast %get3A_201 : vector<1600x128xf32> to vector<40x40x128xf32>
    %broadcast_in_dim3A_203 = vector.shape_cast %div3A_198 : vector<40x40xf32> to vector<40x40x1xf32>
    %mul3A_204 = vector.broadcast %broadcast_in_dim3A_203 : vector<40x40x1xf32> to vector<40x40x128xf32>
    %mul3A_205 = arith.mulf %mul3A_204, %reshape3A_202 : vector<40x40x128xf32>
    %reduce_sum3A_206 = arith.constant dense<0.000000e+00> : vector<40x128xf32>
    %reduce_sum3A_207 = vector.multi_reduction <add>, %mul3A_205, %reduce_sum3A_206 [0] : vector<40x40x128xf32> to vector<40x128xf32>
    %slice3A_208 = vector.extract_strided_slice %dot_general3A_23 {offsets = [320, 320], sizes = [40, 40], strides = [1, 1]} : vector<640x640xf32> to vector<40x40xf32>
    %mul3A_209 = arith.constant 0.0883883461 : f32
    %mul3A_210 = vector.broadcast %mul3A_209 : f32 to vector<40x40xf32>
    %mul3A_211 = arith.mulf %slice3A_208, %mul3A_210 : vector<40x40xf32>
    %reduce_max3A_212 = arith.constant dense<0xFF800000> : vector<40xf32>
    %reduce_max3A_213 = vector.multi_reduction <maximumf>, %mul3A_211, %reduce_max3A_212 [1] : vector<40x40xf32> to vector<40xf32>
    %broadcast_in_dim3A_214 = vector.shape_cast %reduce_max3A_213 : vector<40xf32> to vector<40x1xf32>
    %sub3A_215 = vector.broadcast %broadcast_in_dim3A_214 : vector<40x1xf32> to vector<40x40xf32>
    %sub3A_216 = arith.subf %mul3A_211, %sub3A_215 : vector<40x40xf32>
    %exp3A_217 = math.exp %sub3A_216 : vector<40x40xf32>
    %reduce_sum3A_218 = arith.constant dense<0.000000e+00> : vector<40xf32>
    %reduce_sum3A_219 = vector.multi_reduction <add>, %exp3A_217, %reduce_sum3A_218 [1] : vector<40x40xf32> to vector<40xf32>
    %broadcast_in_dim3A_220 = vector.shape_cast %reduce_sum3A_219 : vector<40xf32> to vector<40x1xf32>
    %div3A_221 = vector.broadcast %broadcast_in_dim3A_220 : vector<40x1xf32> to vector<40x40xf32>
    %div3A_222 = arith.divf %exp3A_217, %div3A_221 : vector<40x40xf32>
    %get3A_223 = arith.constant 12800 : index
    %get3A_224 = arith.constant 0 : index
    %get3A_225 = vector.load %arg1[%get3A_223, %get3A_224] : memref<25600x128xf32, #tpu.memory_space<vmem>>, vector<1600x128xf32>
    %reshape3A_226 = vector.shape_cast %get3A_225 : vector<1600x128xf32> to vector<40x40x128xf32>
    %broadcast_in_dim3A_227 = vector.shape_cast %div3A_222 : vector<40x40xf32> to vector<40x40x1xf32>
    %mul3A_228 = vector.broadcast %broadcast_in_dim3A_227 : vector<40x40x1xf32> to vector<40x40x128xf32>
    %mul3A_229 = arith.mulf %mul3A_228, %reshape3A_226 : vector<40x40x128xf32>
    %reduce_sum3A_230 = arith.constant dense<0.000000e+00> : vector<40x128xf32>
    %reduce_sum3A_231 = vector.multi_reduction <add>, %mul3A_229, %reduce_sum3A_230 [0] : vector<40x40x128xf32> to vector<40x128xf32>
    %slice3A_232 = vector.extract_strided_slice %dot_general3A_23 {offsets = [360, 360], sizes = [40, 40], strides = [1, 1]} : vector<640x640xf32> to vector<40x40xf32>
    %mul3A_233 = arith.constant 0.0883883461 : f32
    %mul3A_234 = vector.broadcast %mul3A_233 : f32 to vector<40x40xf32>
    %mul3A_235 = arith.mulf %slice3A_232, %mul3A_234 : vector<40x40xf32>
    %reduce_max3A_236 = arith.constant dense<0xFF800000> : vector<40xf32>
    %reduce_max3A_237 = vector.multi_reduction <maximumf>, %mul3A_235, %reduce_max3A_236 [1] : vector<40x40xf32> to vector<40xf32>
    %broadcast_in_dim3A_238 = vector.shape_cast %reduce_max3A_237 : vector<40xf32> to vector<40x1xf32>
    %sub3A_239 = vector.broadcast %broadcast_in_dim3A_238 : vector<40x1xf32> to vector<40x40xf32>
    %sub3A_240 = arith.subf %mul3A_235, %sub3A_239 : vector<40x40xf32>
    %exp3A_241 = math.exp %sub3A_240 : vector<40x40xf32>
    %reduce_sum3A_242 = arith.constant dense<0.000000e+00> : vector<40xf32>
    %reduce_sum3A_243 = vector.multi_reduction <add>, %exp3A_241, %reduce_sum3A_242 [1] : vector<40x40xf32> to vector<40xf32>
    %broadcast_in_dim3A_244 = vector.shape_cast %reduce_sum3A_243 : vector<40xf32> to vector<40x1xf32>
    %div3A_245 = vector.broadcast %broadcast_in_dim3A_244 : vector<40x1xf32> to vector<40x40xf32>
    %div3A_246 = arith.divf %exp3A_241, %div3A_245 : vector<40x40xf32>
    %get3A_247 = arith.constant 14400 : index
    %get3A_248 = arith.constant 0 : index
    %get3A_249 = vector.load %arg1[%get3A_247, %get3A_248] : memref<25600x128xf32, #tpu.memory_space<vmem>>, vector<1600x128xf32>
    %reshape3A_250 = vector.shape_cast %get3A_249 : vector<1600x128xf32> to vector<40x40x128xf32>
    %broadcast_in_dim3A_251 = vector.shape_cast %div3A_246 : vector<40x40xf32> to vector<40x40x1xf32>
    %mul3A_252 = vector.broadcast %broadcast_in_dim3A_251 : vector<40x40x1xf32> to vector<40x40x128xf32>
    %mul3A_253 = arith.mulf %mul3A_252, %reshape3A_250 : vector<40x40x128xf32>
    %reduce_sum3A_254 = arith.constant dense<0.000000e+00> : vector<40x128xf32>
    %reduce_sum3A_255 = vector.multi_reduction <add>, %mul3A_253, %reduce_sum3A_254 [0] : vector<40x40x128xf32> to vector<40x128xf32>
    %slice3A_256 = vector.extract_strided_slice %dot_general3A_23 {offsets = [400, 400], sizes = [40, 40], strides = [1, 1]} : vector<640x640xf32> to vector<40x40xf32>
    %mul3A_257 = arith.constant 0.0883883461 : f32
    %mul3A_258 = vector.broadcast %mul3A_257 : f32 to vector<40x40xf32>
    %mul3A_259 = arith.mulf %slice3A_256, %mul3A_258 : vector<40x40xf32>
    %reduce_max3A_260 = arith.constant dense<0xFF800000> : vector<40xf32>
    %reduce_max3A_261 = vector.multi_reduction <maximumf>, %mul3A_259, %reduce_max3A_260 [1] : vector<40x40xf32> to vector<40xf32>
    %broadcast_in_dim3A_262 = vector.shape_cast %reduce_max3A_261 : vector<40xf32> to vector<40x1xf32>
    %sub3A_263 = vector.broadcast %broadcast_in_dim3A_262 : vector<40x1xf32> to vector<40x40xf32>
    %sub3A_264 = arith.subf %mul3A_259, %sub3A_263 : vector<40x40xf32>
    %exp3A_265 = math.exp %sub3A_264 : vector<40x40xf32>
    %reduce_sum3A_266 = arith.constant dense<0.000000e+00> : vector<40xf32>
    %reduce_sum3A_267 = vector.multi_reduction <add>, %exp3A_265, %reduce_sum3A_266 [1] : vector<40x40xf32> to vector<40xf32>
    %broadcast_in_dim3A_268 = vector.shape_cast %reduce_sum3A_267 : vector<40xf32> to vector<40x1xf32>
    %div3A_269 = vector.broadcast %broadcast_in_dim3A_268 : vector<40x1xf32> to vector<40x40xf32>
    %div3A_270 = arith.divf %exp3A_265, %div3A_269 : vector<40x40xf32>
    %get3A_271 = arith.constant 16000 : index
    %get3A_272 = arith.constant 0 : index
    %get3A_273 = vector.load %arg1[%get3A_271, %get3A_272] : memref<25600x128xf32, #tpu.memory_space<vmem>>, vector<1600x128xf32>
    %reshape3A_274 = vector.shape_cast %get3A_273 : vector<1600x128xf32> to vector<40x40x128xf32>
    %broadcast_in_dim3A_275 = vector.shape_cast %div3A_270 : vector<40x40xf32> to vector<40x40x1xf32>
    %mul3A_276 = vector.broadcast %broadcast_in_dim3A_275 : vector<40x40x1xf32> to vector<40x40x128xf32>
    %mul3A_277 = arith.mulf %mul3A_276, %reshape3A_274 : vector<40x40x128xf32>
    %reduce_sum3A_278 = arith.constant dense<0.000000e+00> : vector<40x128xf32>
    %reduce_sum3A_279 = vector.multi_reduction <add>, %mul3A_277, %reduce_sum3A_278 [0] : vector<40x40x128xf32> to vector<40x128xf32>
    %slice3A_280 = vector.extract_strided_slice %dot_general3A_23 {offsets = [440, 440], sizes = [40, 40], strides = [1, 1]} : vector<640x640xf32> to vector<40x40xf32>
    %mul3A_281 = arith.constant 0.0883883461 : f32
    %mul3A_282 = vector.broadcast %mul3A_281 : f32 to vector<40x40xf32>
    %mul3A_283 = arith.mulf %slice3A_280, %mul3A_282 : vector<40x40xf32>
    %reduce_max3A_284 = arith.constant dense<0xFF800000> : vector<40xf32>
    %reduce_max3A_285 = vector.multi_reduction <maximumf>, %mul3A_283, %reduce_max3A_284 [1] : vector<40x40xf32> to vector<40xf32>
    %broadcast_in_dim3A_286 = vector.shape_cast %reduce_max3A_285 : vector<40xf32> to vector<40x1xf32>
    %sub3A_287 = vector.broadcast %broadcast_in_dim3A_286 : vector<40x1xf32> to vector<40x40xf32>
    %sub3A_288 = arith.subf %mul3A_283, %sub3A_287 : vector<40x40xf32>
    %exp3A_289 = math.exp %sub3A_288 : vector<40x40xf32>
    %reduce_sum3A_290 = arith.constant dense<0.000000e+00> : vector<40xf32>
    %reduce_sum3A_291 = vector.multi_reduction <add>, %exp3A_289, %reduce_sum3A_290 [1] : vector<40x40xf32> to vector<40xf32>
    %broadcast_in_dim3A_292 = vector.shape_cast %reduce_sum3A_291 : vector<40xf32> to vector<40x1xf32>
    %div3A_293 = vector.broadcast %broadcast_in_dim3A_292 : vector<40x1xf32> to vector<40x40xf32>
    %div3A_294 = arith.divf %exp3A_289, %div3A_293 : vector<40x40xf32>
    %get3A_295 = arith.constant 17600 : index
    %get3A_296 = arith.constant 0 : index
    %get3A_297 = vector.load %arg1[%get3A_295, %get3A_296] : memref<25600x128xf32, #tpu.memory_space<vmem>>, vector<1600x128xf32>
    %reshape3A_298 = vector.shape_cast %get3A_297 : vector<1600x128xf32> to vector<40x40x128xf32>
    %broadcast_in_dim3A_299 = vector.shape_cast %div3A_294 : vector<40x40xf32> to vector<40x40x1xf32>
    %mul3A_300 = vector.broadcast %broadcast_in_dim3A_299 : vector<40x40x1xf32> to vector<40x40x128xf32>
    %mul3A_301 = arith.mulf %mul3A_300, %reshape3A_298 : vector<40x40x128xf32>
    %reduce_sum3A_302 = arith.constant dense<0.000000e+00> : vector<40x128xf32>
    %reduce_sum3A_303 = vector.multi_reduction <add>, %mul3A_301, %reduce_sum3A_302 [0] : vector<40x40x128xf32> to vector<40x128xf32>
    %slice3A_304 = vector.extract_strided_slice %dot_general3A_23 {offsets = [480, 480], sizes = [40, 40], strides = [1, 1]} : vector<640x640xf32> to vector<40x40xf32>
    %mul3A_305 = arith.constant 0.0883883461 : f32
    %mul3A_306 = vector.broadcast %mul3A_305 : f32 to vector<40x40xf32>
    %mul3A_307 = arith.mulf %slice3A_304, %mul3A_306 : vector<40x40xf32>
    %reduce_max3A_308 = arith.constant dense<0xFF800000> : vector<40xf32>
    %reduce_max3A_309 = vector.multi_reduction <maximumf>, %mul3A_307, %reduce_max3A_308 [1] : vector<40x40xf32> to vector<40xf32>
    %broadcast_in_dim3A_310 = vector.shape_cast %reduce_max3A_309 : vector<40xf32> to vector<40x1xf32>
    %sub3A_311 = vector.broadcast %broadcast_in_dim3A_310 : vector<40x1xf32> to vector<40x40xf32>
    %sub3A_312 = arith.subf %mul3A_307, %sub3A_311 : vector<40x40xf32>
    %exp3A_313 = math.exp %sub3A_312 : vector<40x40xf32>
    %reduce_sum3A_314 = arith.constant dense<0.000000e+00> : vector<40xf32>
    %reduce_sum3A_315 = vector.multi_reduction <add>, %exp3A_313, %reduce_sum3A_314 [1] : vector<40x40xf32> to vector<40xf32>
    %broadcast_in_dim3A_316 = vector.shape_cast %reduce_sum3A_315 : vector<40xf32> to vector<40x1xf32>
    %div3A_317 = vector.broadcast %broadcast_in_dim3A_316 : vector<40x1xf32> to vector<40x40xf32>
    %div3A_318 = arith.divf %exp3A_313, %div3A_317 : vector<40x40xf32>
    %get3A_319 = arith.constant 19200 : index
    %get3A_320 = arith.constant 0 : index
    %get3A_321 = vector.load %arg1[%get3A_319, %get3A_320] : memref<25600x128xf32, #tpu.memory_space<vmem>>, vector<1600x128xf32>
    %reshape3A_322 = vector.shape_cast %get3A_321 : vector<1600x128xf32> to vector<40x40x128xf32>
    %broadcast_in_dim3A_323 = vector.shape_cast %div3A_318 : vector<40x40xf32> to vector<40x40x1xf32>
    %mul3A_324 = vector.broadcast %broadcast_in_dim3A_323 : vector<40x40x1xf32> to vector<40x40x128xf32>
    %mul3A_325 = arith.mulf %mul3A_324, %reshape3A_322 : vector<40x40x128xf32>
    %reduce_sum3A_326 = arith.constant dense<0.000000e+00> : vector<40x128xf32>
    %reduce_sum3A_327 = vector.multi_reduction <add>, %mul3A_325, %reduce_sum3A_326 [0] : vector<40x40x128xf32> to vector<40x128xf32>
    %slice3A_328 = vector.extract_strided_slice %dot_general3A_23 {offsets = [520, 520], sizes = [40, 40], strides = [1, 1]} : vector<640x640xf32> to vector<40x40xf32>
    %mul3A_329 = arith.constant 0.0883883461 : f32
    %mul3A_330 = vector.broadcast %mul3A_329 : f32 to vector<40x40xf32>
    %mul3A_331 = arith.mulf %slice3A_328, %mul3A_330 : vector<40x40xf32>
    %reduce_max3A_332 = arith.constant dense<0xFF800000> : vector<40xf32>
    %reduce_max3A_333 = vector.multi_reduction <maximumf>, %mul3A_331, %reduce_max3A_332 [1] : vector<40x40xf32> to vector<40xf32>
    %broadcast_in_dim3A_334 = vector.shape_cast %reduce_max3A_333 : vector<40xf32> to vector<40x1xf32>
    %sub3A_335 = vector.broadcast %broadcast_in_dim3A_334 : vector<40x1xf32> to vector<40x40xf32>
    %sub3A_336 = arith.subf %mul3A_331, %sub3A_335 : vector<40x40xf32>
    %exp3A_337 = math.exp %sub3A_336 : vector<40x40xf32>
    %reduce_sum3A_338 = arith.constant dense<0.000000e+00> : vector<40xf32>
    %reduce_sum3A_339 = vector.multi_reduction <add>, %exp3A_337, %reduce_sum3A_338 [1] : vector<40x40xf32> to vector<40xf32>
    %broadcast_in_dim3A_340 = vector.shape_cast %reduce_sum3A_339 : vector<40xf32> to vector<40x1xf32>
    %div3A_341 = vector.broadcast %broadcast_in_dim3A_340 : vector<40x1xf32> to vector<40x40xf32>
    %div3A_342 = arith.divf %exp3A_337, %div3A_341 : vector<40x40xf32>
    %get3A_343 = arith.constant 20800 : index
    %get3A_344 = arith.constant 0 : index
    %get3A_345 = vector.load %arg1[%get3A_343, %get3A_344] : memref<25600x128xf32, #tpu.memory_space<vmem>>, vector<1600x128xf32>
    %reshape3A_346 = vector.shape_cast %get3A_345 : vector<1600x128xf32> to vector<40x40x128xf32>
    %broadcast_in_dim3A_347 = vector.shape_cast %div3A_342 : vector<40x40xf32> to vector<40x40x1xf32>
    %mul3A_348 = vector.broadcast %broadcast_in_dim3A_347 : vector<40x40x1xf32> to vector<40x40x128xf32>
    %mul3A_349 = arith.mulf %mul3A_348, %reshape3A_346 : vector<40x40x128xf32>
    %reduce_sum3A_350 = arith.constant dense<0.000000e+00> : vector<40x128xf32>
    %reduce_sum3A_351 = vector.multi_reduction <add>, %mul3A_349, %reduce_sum3A_350 [0] : vector<40x40x128xf32> to vector<40x128xf32>
    %slice3A_352 = vector.extract_strided_slice %dot_general3A_23 {offsets = [560, 560], sizes = [40, 40], strides = [1, 1]} : vector<640x640xf32> to vector<40x40xf32>
    %mul3A_353 = arith.constant 0.0883883461 : f32
    %mul3A_354 = vector.broadcast %mul3A_353 : f32 to vector<40x40xf32>
    %mul3A_355 = arith.mulf %slice3A_352, %mul3A_354 : vector<40x40xf32>
    %reduce_max3A_356 = arith.constant dense<0xFF800000> : vector<40xf32>
    %reduce_max3A_357 = vector.multi_reduction <maximumf>, %mul3A_355, %reduce_max3A_356 [1] : vector<40x40xf32> to vector<40xf32>
    %broadcast_in_dim3A_358 = vector.shape_cast %reduce_max3A_357 : vector<40xf32> to vector<40x1xf32>
    %sub3A_359 = vector.broadcast %broadcast_in_dim3A_358 : vector<40x1xf32> to vector<40x40xf32>
    %sub3A_360 = arith.subf %mul3A_355, %sub3A_359 : vector<40x40xf32>
    %exp3A_361 = math.exp %sub3A_360 : vector<40x40xf32>
    %reduce_sum3A_362 = arith.constant dense<0.000000e+00> : vector<40xf32>
    %reduce_sum3A_363 = vector.multi_reduction <add>, %exp3A_361, %reduce_sum3A_362 [1] : vector<40x40xf32> to vector<40xf32>
    %broadcast_in_dim3A_364 = vector.shape_cast %reduce_sum3A_363 : vector<40xf32> to vector<40x1xf32>
    %div3A_365 = vector.broadcast %broadcast_in_dim3A_364 : vector<40x1xf32> to vector<40x40xf32>
    %div3A_366 = arith.divf %exp3A_361, %div3A_365 : vector<40x40xf32>
    %get3A_367 = arith.constant 22400 : index
    %get3A_368 = arith.constant 0 : index
    %get3A_369 = vector.load %arg1[%get3A_367, %get3A_368] : memref<25600x128xf32, #tpu.memory_space<vmem>>, vector<1600x128xf32>
    %reshape3A_370 = vector.shape_cast %get3A_369 : vector<1600x128xf32> to vector<40x40x128xf32>
    %broadcast_in_dim3A_371 = vector.shape_cast %div3A_366 : vector<40x40xf32> to vector<40x40x1xf32>
    %mul3A_372 = vector.broadcast %broadcast_in_dim3A_371 : vector<40x40x1xf32> to vector<40x40x128xf32>
    %mul3A_373 = arith.mulf %mul3A_372, %reshape3A_370 : vector<40x40x128xf32>
    %reduce_sum3A_374 = arith.constant dense<0.000000e+00> : vector<40x128xf32>
    %reduce_sum3A_375 = vector.multi_reduction <add>, %mul3A_373, %reduce_sum3A_374 [0] : vector<40x40x128xf32> to vector<40x128xf32>
    %slice3A_376 = vector.extract_strided_slice %dot_general3A_23 {offsets = [600, 600], sizes = [40, 40], strides = [1, 1]} : vector<640x640xf32> to vector<40x40xf32>
    %mul3A_377 = arith.constant 0.0883883461 : f32
    %mul3A_378 = vector.broadcast %mul3A_377 : f32 to vector<40x40xf32>
    %mul3A_379 = arith.mulf %slice3A_376, %mul3A_378 : vector<40x40xf32>
    %reduce_max3A_380 = arith.constant dense<0xFF800000> : vector<40xf32>
    %reduce_max3A_381 = vector.multi_reduction <maximumf>, %mul3A_379, %reduce_max3A_380 [1] : vector<40x40xf32> to vector<40xf32>
    %broadcast_in_dim3A_382 = vector.shape_cast %reduce_max3A_381 : vector<40xf32> to vector<40x1xf32>
    %sub3A_383 = vector.broadcast %broadcast_in_dim3A_382 : vector<40x1xf32> to vector<40x40xf32>
    %sub3A_384 = arith.subf %mul3A_379, %sub3A_383 : vector<40x40xf32>
    %exp3A_385 = math.exp %sub3A_384 : vector<40x40xf32>
    %reduce_sum3A_386 = arith.constant dense<0.000000e+00> : vector<40xf32>
    %reduce_sum3A_387 = vector.multi_reduction <add>, %exp3A_385, %reduce_sum3A_386 [1] : vector<40x40xf32> to vector<40xf32>
    %broadcast_in_dim3A_388 = vector.shape_cast %reduce_sum3A_387 : vector<40xf32> to vector<40x1xf32>
    %div3A_389 = vector.broadcast %broadcast_in_dim3A_388 : vector<40x1xf32> to vector<40x40xf32>
    %div3A_390 = arith.divf %exp3A_385, %div3A_389 : vector<40x40xf32>
    %swap3A = arith.constant 0 : index
    %swap3A_391 = arith.constant 0 : index
    %swap3A_392 = vector.load %arg13[%swap3A, %swap3A_391] : memref<40x40xf32, #tpu.memory_space<vmem>>, vector<40x40xf32>
    tpu.vector_store %arg13[%swap3A, %swap3A_391], %div3A_390 {strides = array<i32>} : memref<40x40xf32, #tpu.memory_space<vmem>>, vector<40x40xf32>,
    %get3A_393 = arith.constant 24000 : index
    %get3A_394 = arith.constant 0 : index
    %get3A_395 = vector.load %arg1[%get3A_393, %get3A_394] : memref<25600x128xf32, #tpu.memory_space<vmem>>, vector<1600x128xf32>
    %reshape3A_396 = vector.shape_cast %get3A_395 : vector<1600x128xf32> to vector<40x40x128xf32>
    %broadcast_in_dim3A_397 = vector.shape_cast %div3A_390 : vector<40x40xf32> to vector<40x40x1xf32>
    %mul3A_398 = vector.broadcast %broadcast_in_dim3A_397 : vector<40x40x1xf32> to vector<40x40x128xf32>
    %mul3A_399 = arith.mulf %mul3A_398, %reshape3A_396 : vector<40x40x128xf32>
    %reduce_sum3A_400 = arith.constant dense<0.000000e+00> : vector<40x128xf32>
    %reduce_sum3A_401 = vector.multi_reduction <add>, %mul3A_399, %reduce_sum3A_400 [0] : vector<40x40x128xf32> to vector<40x128xf32>
    %concatenate3A = tpu.concatenate %reduce_sum3A_39, %reduce_sum3A_63, %reduce_sum3A_87, %reduce_sum3A_111, %reduce_sum3A_135, %reduce_sum3A_159, %reduce_sum3A_183, %reduce_sum3A_207, %reduce_sum3A_231, %reduce_sum3A_255, %reduce_sum3A_279, %reduce_sum3A_303, %reduce_sum3A_327, %reduce_sum3A_351, %reduce_sum3A_375, %reduce_sum3A_401 in 0 : vector<40x128xf32>, vector<40x128xf32>, vector<40x128xf32>, vector<40x128xf32>, vector<40x128xf32>, vector<40x128xf32>, vector<40x128xf32>, vector<40x128xf32>, vector<40x128xf32>, vector<40x128xf32>, vector<40x128xf32>, vector<40x128xf32>, vector<40x128xf32>, vector<40x128xf32>, vector<40x128xf32>, vector<40x128xf32> -> vector<640x128xf32>
    %get3A_402 = arith.constant 0 : index
    %get3A_403 = arith.constant 0 : index
    %get3A_404 = vector.load %arg2[%get3A_402, %get3A_403] : memref<640x640xf32, #tpu.memory_space<vmem>>, vector<640x640xf32>
    %dot_general3A_405 = arith.constant dense<0.000000e+00> : vector<640x128xf32>
    %dot_general3A_406 = tpu.matmul %get3A_404, %concatenate3A, %dot_general3A_405 {dimension_numbers = #tpu.dot_dimension_numbers<[1], [0], [0], [1], [0, 0, 1, 1], [], []>, transpose_lhs_hint = false} : vector<640x640xf32>, vector<640x128xf32>, vector<640x128xf32> -> vector<640x128xf32>
    %get3A_407 = arith.constant 0 : index
    %get3A_408 = arith.constant 0 : index
    %get3A_409 = vector.load %arg7[%get3A_407, %get3A_408] : memref<128x128xf32, #tpu.memory_space<vmem>>, vector<128x128xf32>
    %dot_general3A_410 = arith.constant dense<0.000000e+00> : vector<640x128xf32>
    %dot_general3A_411 = tpu.matmul %concatenate3A, %get3A_409, %dot_general3A_410 {dimension_numbers = #tpu.dot_dimension_numbers<[1], [0], [0], [1], [0, 0, 1, 1], [], []>, transpose_lhs_hint = false} : vector<640x128xf32>, vector<128x128xf32>, vector<640x128xf32> -> vector<640x128xf32>
    %get3A_412 = arith.constant 0 : index
    %get3A_413 = arith.constant 0 : index
    %get3A_414 = vector.load %arg8[%get3A_412, %get3A_413] : memref<128x128xf32, #tpu.memory_space<vmem>>, vector<128x128xf32>
    %dot_general3A_415 = arith.constant dense<0.000000e+00> : vector<640x128xf32>
    %dot_general3A_416 = tpu.matmul %dot_general3A_406, %get3A_414, %dot_general3A_415 {dimension_numbers = #tpu.dot_dimension_numbers<[1], [0], [0], [1], [0, 0, 1, 1], [], []>, transpose_lhs_hint = false} : vector<640x128xf32>, vector<128x128xf32>, vector<640x128xf32> -> vector<640x128xf32>
    %add3A_417 = arith.addf %dot_general3A_411, %dot_general3A_416 : vector<640x128xf32>
    %get3A_418 = arith.constant 0 : index
    %get3A_419 = arith.constant 0 : index
    %get3A_420 = vector.load %arg9[%get3A_418, %get3A_419] : memref<1x128xf32, #tpu.memory_space<vmem>>, vector<1x128xf32>
    %add3A_421 = vector.broadcast %get3A_420 : vector<1x128xf32> to vector<640x128xf32>
    %add3A_422 = arith.addf %add3A_417, %add3A_421 : vector<640x128xf32>
    %reduce_sum3A_423 = arith.constant dense<0.000000e+00> : vector<128xf32>
    %reduce_sum3A_424 = vector.multi_reduction <add>, %add3A_422, %reduce_sum3A_423 [0] : vector<640x128xf32> to vector<128xf32>
    %broadcast_in_dim3A_425 = vector.shape_cast %reduce_sum3A_424 : vector<128xf32> to vector<1x128xf32>
    %div3A_426 = arith.constant 6.400000e+02 : f32
    %div3A_427 = vector.broadcast %div3A_426 : f32 to vector<1x128xf32>
    %div3A_428 = arith.divf %broadcast_in_dim3A_425, %div3A_427 : vector<1x128xf32>
    %sub3A_429 = vector.broadcast %div3A_428 : vector<1x128xf32> to vector<640x128xf32>
    %sub3A_430 = arith.subf %add3A_422, %sub3A_429 : vector<640x128xf32>
    %sub3A_431 = vector.broadcast %div3A_428 : vector<1x128xf32> to vector<640x128xf32>
    %sub3A_432 = arith.subf %add3A_422, %sub3A_431 : vector<640x128xf32>
    %mul3A_433 = arith.mulf %sub3A_430, %sub3A_432 : vector<640x128xf32>
    %reduce_sum3A_434 = arith.constant dense<0.000000e+00> : vector<128xf32>
    %reduce_sum3A_435 = vector.multi_reduction <add>, %mul3A_433, %reduce_sum3A_434 [0] : vector<640x128xf32> to vector<128xf32>
    %broadcast_in_dim3A_436 = vector.shape_cast %reduce_sum3A_435 : vector<128xf32> to vector<1x128xf32>
    %div3A_437 = arith.constant 6.400000e+02 : f32
    %div3A_438 = vector.broadcast %div3A_437 : f32 to vector<1x128xf32>
    %div3A_439 = arith.divf %broadcast_in_dim3A_436, %div3A_438 : vector<1x128xf32>
    %sub3A_440 = vector.broadcast %div3A_428 : vector<1x128xf32> to vector<640x128xf32>
    %sub3A_441 = arith.subf %add3A_422, %sub3A_440 : vector<640x128xf32>
    %add3A_442 = arith.constant 9.99999974E-6 : f32
    %add3A_443 = vector.broadcast %add3A_442 : f32 to vector<1x128xf32>
    %add3A_444 = arith.addf %div3A_439, %add3A_443 : vector<1x128xf32>
    %rsqrt3A = math.rsqrt %add3A_444 : vector<1x128xf32>
    %mul3A_445 = vector.broadcast %rsqrt3A : vector<1x128xf32> to vector<640x128xf32>
    %mul3A_446 = arith.mulf %sub3A_441, %mul3A_445 : vector<640x128xf32>
    %get3A_447 = arith.constant 0 : index
    %get3A_448 = arith.constant 0 : index
    %get3A_449 = vector.load %arg10[%get3A_447, %get3A_448] : memref<1x128xf32, #tpu.memory_space<vmem>>, vector<1x128xf32>
    %mul3A_450 = vector.broadcast %get3A_449 : vector<1x128xf32> to vector<640x128xf32>
    %mul3A_451 = arith.mulf %mul3A_446, %mul3A_450 : vector<640x128xf32>
    %get3A_452 = arith.constant 0 : index
    %get3A_453 = arith.constant 0 : index
    %get3A_454 = vector.load %arg11[%get3A_452, %get3A_453] : memref<1x128xf32, #tpu.memory_space<vmem>>, vector<1x128xf32>
    %add3A_455 = vector.broadcast %get3A_454 : vector<1x128xf32> to vector<640x128xf32>
    %add3A_456 = arith.addf %mul3A_451, %add3A_455 : vector<640x128xf32>
    %swap3A_457 = arith.constant 0 : index
    %swap3A_458 = arith.constant 0 : index
    %swap3A_459 = vector.load %arg12[%swap3A_457, %swap3A_458] : memref<640x128xf32, #tpu.memory_space<vmem>>, vector<640x128xf32>
    tpu.vector_store %arg12[%swap3A_457, %swap3A_458], %add3A_456 {strides = array<i32>} : memref<640x128xf32, #tpu.memory_space<vmem>>, vector<640x128xf32>,
    return
  }
}

module attributes {stable_mosaic.version = 14 : i64} {
  func.func @_t1_kernel(%arg0: i32, %arg1: memref<6400x128xf32, #tpu.memory_space<vmem>>, %arg2: memref<6400x128xf32, #tpu.memory_space<vmem>>, %arg3: memref<128x128xf32, #tpu.memory_space<vmem>>, %arg4: memref<1x128xf32, #tpu.memory_space<vmem>>, %arg5: memref<6400x128xf32, #tpu.memory_space<vmem>>, %arg6: memref<1x128xf32, #tpu.memory_space<vmem>>, %arg7: memref<1x128xf32, #tpu.memory_space<vmem>>) attributes {dimension_semantics = [#tpu.dimension_semantics<arbitrary>], iteration_bounds = array<i64: 4>, scalar_prefetch = 0 : i64, scratch_operands = 0 : i64, tpu.core_type = #tpu.core_type<tc>, window_params = [{transform_indices = @transform_0, window_bounds = array<i64: 6400, 128>}, {transform_indices = @transform_1, window_bounds = array<i64: 6400, 128>}, {pipeline_mode = #tpu.pipeline_mode<synchronous>, transform_indices = @transform_2, window_bounds = array<i64: 128, 128>}, {pipeline_mode = #tpu.pipeline_mode<synchronous>, transform_indices = @transform_3, window_bounds = array<i64: 1, 128>}, {transform_indices = @transform_4, window_bounds = array<i64: 6400, 128>}, {pipeline_mode = #tpu.pipeline_mode<synchronous>, transform_indices = @transform_5, window_bounds = array<i64: 1, 128>}, {pipeline_mode = #tpu.pipeline_mode<synchronous>, transform_indices = @transform_6, window_bounds = array<i64: 1, 128>}]} {
    %get3A = arith.constant 0 : index
    %get3A_0 = arith.constant 0 : index
    %get3A_1 = vector.load %arg1[%get3A, %get3A_0] : memref<6400x128xf32, #tpu.memory_space<vmem>>, vector<6400x128xf32>
    %get3A_2 = arith.constant 0 : index
    %get3A_3 = arith.constant 0 : index
    %get3A_4 = vector.load %arg4[%get3A_2, %get3A_3] : memref<1x128xf32, #tpu.memory_space<vmem>>, vector<1x128xf32>
    %add3A = vector.broadcast %get3A_4 : vector<1x128xf32> to vector<6400x128xf32>
    %add3A_5 = arith.addf %get3A_1, %add3A : vector<6400x128xf32>
    %get3A_6 = arith.constant 0 : index
    %get3A_7 = arith.constant 0 : index
    %get3A_8 = vector.load %arg2[%get3A_6, %get3A_7] : memref<6400x128xf32, #tpu.memory_space<vmem>>, vector<6400x128xf32>
    %get3A_9 = arith.constant 0 : index
    %get3A_10 = arith.constant 0 : index
    %get3A_11 = vector.load %arg3[%get3A_9, %get3A_10] : memref<128x128xf32, #tpu.memory_space<vmem>>, vector<128x128xf32>
    %dot_general3A = arith.constant dense<0.000000e+00> : vector<6400x128xf32>
    %dot_general3A_12 = tpu.matmul %get3A_8, %get3A_11, %dot_general3A {dimension_numbers = #tpu.dot_dimension_numbers<[1], [0], [0], [1], [0, 0, 1, 1], [], []>, transpose_lhs_hint = false} : vector<6400x128xf32>, vector<128x128xf32>, vector<6400x128xf32> -> vector<6400x128xf32>
    %add3A_13 = arith.addf %add3A_5, %dot_general3A_12 : vector<6400x128xf32>
    %swap3A = arith.constant 0 : index
    %swap3A_14 = arith.constant 0 : index
    %swap3A_15 = vector.load %arg5[%swap3A, %swap3A_14] : memref<6400x128xf32, #tpu.memory_space<vmem>>, vector<6400x128xf32>
    tpu.vector_store %arg5[%swap3A, %swap3A_14], %add3A_13 {strides = array<i32>} : memref<6400x128xf32, #tpu.memory_space<vmem>>, vector<6400x128xf32>,
    %eq3A = arith.constant 0 : i32
    %eq3A_16 = arith.cmpi eq, %arg0, %eq3A : i32
    %convert_element_type3A = arith.extui %eq3A_16 : i1 to i32
    %cond3A = arith.constant 0 : i32
    %cond3A_17 = arith.cmpi ne, %convert_element_type3A, %cond3A : i32
    scf.if %cond3A_17 {
      %broadcast_in_dim3A_36 = arith.constant 0.000000e+00 : f32
      %broadcast_in_dim3A_37 = vector.broadcast %broadcast_in_dim3A_36 : f32 to vector<1x128xf32>
      %swap3A_38 = arith.constant 0 : index
      %swap3A_39 = arith.constant 0 : index
      %swap3A_40 = vector.load %arg6[%swap3A_38, %swap3A_39] : memref<1x128xf32, #tpu.memory_space<vmem>>, vector<1x128xf32>
      tpu.vector_store %arg6[%swap3A_38, %swap3A_39], %broadcast_in_dim3A_37 {strides = array<i32>} : memref<1x128xf32, #tpu.memory_space<vmem>>, vector<1x128xf32>,
      %broadcast_in_dim3A_41 = arith.constant 0.000000e+00 : f32
      %broadcast_in_dim3A_42 = vector.broadcast %broadcast_in_dim3A_41 : f32 to vector<1x128xf32>
      %swap3A_43 = arith.constant 0 : index
      %swap3A_44 = arith.constant 0 : index
      %swap3A_45 = vector.load %arg7[%swap3A_43, %swap3A_44] : memref<1x128xf32, #tpu.memory_space<vmem>>, vector<1x128xf32>
      tpu.vector_store %arg7[%swap3A_43, %swap3A_44], %broadcast_in_dim3A_42 {strides = array<i32>} : memref<1x128xf32, #tpu.memory_space<vmem>>, vector<1x128xf32>,
    } else {
    }
    %get3A_18 = arith.constant 0 : index
    %get3A_19 = arith.constant 0 : index
    %get3A_20 = vector.load %arg6[%get3A_18, %get3A_19] : memref<1x128xf32, #tpu.memory_space<vmem>>, vector<1x128xf32>
    %reduce_sum3A = arith.constant dense<0.000000e+00> : vector<128xf32>
    %reduce_sum3A_21 = vector.multi_reduction <add>, %add3A_13, %reduce_sum3A [0] : vector<6400x128xf32> to vector<128xf32>
    %broadcast_in_dim3A = vector.shape_cast %reduce_sum3A_21 : vector<128xf32> to vector<1x128xf32>
    %add3A_22 = arith.addf %get3A_20, %broadcast_in_dim3A : vector<1x128xf32>
    %swap3A_23 = arith.constant 0 : index
    %swap3A_24 = arith.constant 0 : index
    %swap3A_25 = vector.load %arg6[%swap3A_23, %swap3A_24] : memref<1x128xf32, #tpu.memory_space<vmem>>, vector<1x128xf32>
    tpu.vector_store %arg6[%swap3A_23, %swap3A_24], %add3A_22 {strides = array<i32>} : memref<1x128xf32, #tpu.memory_space<vmem>>, vector<1x128xf32>,
    %get3A_26 = arith.constant 0 : index
    %get3A_27 = arith.constant 0 : index
    %get3A_28 = vector.load %arg7[%get3A_26, %get3A_27] : memref<1x128xf32, #tpu.memory_space<vmem>>, vector<1x128xf32>
    %mul3A = arith.mulf %add3A_13, %add3A_13 : vector<6400x128xf32>
    %reduce_sum3A_29 = arith.constant dense<0.000000e+00> : vector<128xf32>
    %reduce_sum3A_30 = vector.multi_reduction <add>, %mul3A, %reduce_sum3A_29 [0] : vector<6400x128xf32> to vector<128xf32>
    %broadcast_in_dim3A_31 = vector.shape_cast %reduce_sum3A_30 : vector<128xf32> to vector<1x128xf32>
    %add3A_32 = arith.addf %get3A_28, %broadcast_in_dim3A_31 : vector<1x128xf32>
    %swap3A_33 = arith.constant 0 : index
    %swap3A_34 = arith.constant 0 : index
    %swap3A_35 = vector.load %arg7[%swap3A_33, %swap3A_34] : memref<1x128xf32, #tpu.memory_space<vmem>>, vector<1x128xf32>
    tpu.vector_store %arg7[%swap3A_33, %swap3A_34], %add3A_32 {strides = array<i32>} : memref<1x128xf32, #tpu.memory_space<vmem>>, vector<1x128xf32>,
    return
  }
  func.func @transform_0(%arg0: i32) -> (i32, i32) {
    %c0_i32 = arith.constant 0 : i32
    %c0_i32_0 = arith.constant 0 : i32
    return %arg0, %c0_i32 : i32, i32
  }
  func.func @transform_1(%arg0: i32) -> (i32, i32) {
    %c0_i32 = arith.constant 0 : i32
    %c0_i32_0 = arith.constant 0 : i32
    return %arg0, %c0_i32 : i32, i32
  }
  func.func @transform_2(%arg0: i32) -> (i32, i32) {
    %c0_i32 = arith.constant 0 : i32
    %c0_i32_0 = arith.constant 0 : i32
    %c0_i32_1 = arith.constant 0 : i32
    return %c0_i32, %c0_i32_0 : i32, i32
  }
  func.func @transform_3(%arg0: i32) -> (i32, i32) {
    %c0_i32 = arith.constant 0 : i32
    %c0_i32_0 = arith.constant 0 : i32
    %c0_i32_1 = arith.constant 0 : i32
    return %c0_i32, %c0_i32_0 : i32, i32
  }
  func.func @transform_4(%arg0: i32) -> (i32, i32) {
    %c0_i32 = arith.constant 0 : i32
    %c0_i32_0 = arith.constant 0 : i32
    return %arg0, %c0_i32 : i32, i32
  }
  func.func @transform_5(%arg0: i32) -> (i32, i32) {
    %c0_i32 = arith.constant 0 : i32
    %c0_i32_0 = arith.constant 0 : i32
    %c0_i32_1 = arith.constant 0 : i32
    return %c0_i32, %c0_i32_0 : i32, i32
  }
  func.func @transform_6(%arg0: i32) -> (i32, i32) {
    %c0_i32 = arith.constant 0 : i32
    %c0_i32_0 = arith.constant 0 : i32
    %c0_i32_1 = arith.constant 0 : i32
    return %c0_i32, %c0_i32_0 : i32, i32
  }
}

module attributes {stable_mosaic.version = 14 : i64} {
  func.func @_combine_kernel(%arg0: i32, %arg1: memref<6400x128xf32, #tpu.memory_space<vmem>>, %arg2: memref<1x128xf32, #tpu.memory_space<vmem>>, %arg3: memref<1x128xf32, #tpu.memory_space<vmem>>, %arg4: memref<1x128xf32, #tpu.memory_space<vmem>>, %arg5: memref<1x128xf32, #tpu.memory_space<vmem>>, %arg6: memref<160x128xf32, #tpu.memory_space<vmem>>, %arg7: memref<6400x128xf32, #tpu.memory_space<vmem>>, %arg8: memref<160x128xf32, #tpu.memory_space<vmem>>) attributes {dimension_semantics = [#tpu.dimension_semantics<arbitrary>], iteration_bounds = array<i64: 4>, scalar_prefetch = 0 : i64, scratch_operands = 0 : i64, tpu.core_type = #tpu.core_type<tc>, window_params = [{transform_indices = @transform_0, window_bounds = array<i64: 6400, 128>}, {pipeline_mode = #tpu.pipeline_mode<synchronous>, transform_indices = @transform_1, window_bounds = array<i64: 1, 128>}, {pipeline_mode = #tpu.pipeline_mode<synchronous>, transform_indices = @transform_2, window_bounds = array<i64: 1, 128>}, {pipeline_mode = #tpu.pipeline_mode<synchronous>, transform_indices = @transform_3, window_bounds = array<i64: 1, 128>}, {pipeline_mode = #tpu.pipeline_mode<synchronous>, transform_indices = @transform_4, window_bounds = array<i64: 1, 128>}, {transform_indices = @transform_5, window_bounds = array<i64: 160, 128>}, {transform_indices = @transform_6, window_bounds = array<i64: 6400, 128>}, {transform_indices = @transform_7, window_bounds = array<i64: 160, 128>}]} {
    %get3A = arith.constant 0 : index
    %get3A_0 = arith.constant 0 : index
    %get3A_1 = vector.load %arg2[%get3A, %get3A_0] : memref<1x128xf32, #tpu.memory_space<vmem>>, vector<1x128xf32>
    %mul3A = arith.constant 3.906250e-05 : f32
    %mul3A_2 = vector.broadcast %mul3A : f32 to vector<1x128xf32>
    %mul3A_3 = arith.mulf %get3A_1, %mul3A_2 : vector<1x128xf32>
    %get3A_4 = arith.constant 0 : index
    %get3A_5 = arith.constant 0 : index
    %get3A_6 = vector.load %arg3[%get3A_4, %get3A_5] : memref<1x128xf32, #tpu.memory_space<vmem>>, vector<1x128xf32>
    %mul3A_7 = arith.constant 3.906250e-05 : f32
    %mul3A_8 = vector.broadcast %mul3A_7 : f32 to vector<1x128xf32>
    %mul3A_9 = arith.mulf %get3A_6, %mul3A_8 : vector<1x128xf32>
    %mul3A_10 = arith.mulf %mul3A_3, %mul3A_3 : vector<1x128xf32>
    %sub3A = arith.subf %mul3A_9, %mul3A_10 : vector<1x128xf32>
    %add3A = arith.constant 9.99999974E-6 : f32
    %add3A_11 = vector.broadcast %add3A : f32 to vector<1x128xf32>
    %add3A_12 = arith.addf %sub3A, %add3A_11 : vector<1x128xf32>
    %rsqrt3A = math.rsqrt %add3A_12 : vector<1x128xf32>
    %get3A_13 = arith.constant 0 : index
    %get3A_14 = arith.constant 0 : index
    %get3A_15 = vector.load %arg4[%get3A_13, %get3A_14] : memref<1x128xf32, #tpu.memory_space<vmem>>, vector<1x128xf32>
    %mul3A_16 = arith.mulf %rsqrt3A, %get3A_15 : vector<1x128xf32>
    %get3A_17 = arith.constant 0 : index
    %get3A_18 = arith.constant 0 : index
    %get3A_19 = vector.load %arg5[%get3A_17, %get3A_18] : memref<1x128xf32, #tpu.memory_space<vmem>>, vector<1x128xf32>
    %mul3A_20 = arith.mulf %mul3A_3, %mul3A_16 : vector<1x128xf32>
    %sub3A_21 = arith.subf %get3A_19, %mul3A_20 : vector<1x128xf32>
    %get3A_22 = arith.constant 0 : index
    %get3A_23 = arith.constant 0 : index
    %get3A_24 = vector.load %arg1[%get3A_22, %get3A_23] : memref<6400x128xf32, #tpu.memory_space<vmem>>, vector<6400x128xf32>
    %reshape3A = vector.shape_cast %get3A_24 : vector<6400x128xf32> to vector<4x40x40x128xf32>
    %get3A_25 = arith.constant 0 : index
    %get3A_26 = arith.constant 0 : index
    %get3A_27 = vector.load %arg6[%get3A_25, %get3A_26] : memref<160x128xf32, #tpu.memory_space<vmem>>, vector<160x128xf32>
    %reshape3A_28 = vector.shape_cast %get3A_27 : vector<160x128xf32> to vector<4x1x40x128xf32>
    %squeeze3A = vector.shape_cast %mul3A_16 : vector<1x128xf32> to vector<128xf32>
    %broadcast_in_dim3A = vector.shape_cast %squeeze3A : vector<128xf32> to vector<1x1x1x128xf32>
    %mul3A_29 = vector.broadcast %broadcast_in_dim3A : vector<1x1x1x128xf32> to vector<4x40x40x128xf32>
    %mul3A_30 = arith.mulf %reshape3A, %mul3A_29 : vector<4x40x40x128xf32>
    %squeeze3A_31 = vector.shape_cast %sub3A_21 : vector<1x128xf32> to vector<128xf32>
    %broadcast_in_dim3A_32 = vector.shape_cast %squeeze3A_31 : vector<128xf32> to vector<1x1x1x128xf32>
    %add3A_33 = vector.broadcast %broadcast_in_dim3A_32 : vector<1x1x1x128xf32> to vector<4x40x40x128xf32>
    %add3A_34 = arith.addf %mul3A_30, %add3A_33 : vector<4x40x40x128xf32>
    %add3A_35 = vector.broadcast %reshape3A_28 : vector<4x1x40x128xf32> to vector<4x40x40x128xf32>
    %add3A_36 = arith.addf %add3A_34, %add3A_35 : vector<4x40x40x128xf32>
    %max3A = arith.constant 0.000000e+00 : f32
    %max3A_37 = vector.broadcast %max3A : f32 to vector<4x40x40x128xf32>
    %max3A_38 = arith.maximumf %add3A_36, %max3A_37 : vector<4x40x40x128xf32>
    %reshape3A_39 = vector.shape_cast %max3A_38 : vector<4x40x40x128xf32> to vector<6400x128xf32>
    %swap3A = arith.constant 0 : index
    %swap3A_40 = arith.constant 0 : index
    %swap3A_41 = vector.load %arg7[%swap3A, %swap3A_40] : memref<6400x128xf32, #tpu.memory_space<vmem>>, vector<6400x128xf32>
    tpu.vector_store %arg7[%swap3A, %swap3A_40], %reshape3A_39 {strides = array<i32>} : memref<6400x128xf32, #tpu.memory_space<vmem>>, vector<6400x128xf32>,
    %reduce_sum3A = arith.constant dense<0.000000e+00> : vector<4x40x128xf32>
    %reduce_sum3A_42 = vector.multi_reduction <add>, %max3A_38, %reduce_sum3A [2] : vector<4x40x40x128xf32> to vector<4x40x128xf32>
    %mul3A_43 = arith.constant 2.500000e-02 : f32
    %mul3A_44 = vector.broadcast %mul3A_43 : f32 to vector<4x40x128xf32>
    %mul3A_45 = arith.mulf %reduce_sum3A_42, %mul3A_44 : vector<4x40x128xf32>
    %reshape3A_46 = vector.shape_cast %mul3A_45 : vector<4x40x128xf32> to vector<160x128xf32>
    %swap3A_47 = arith.constant 0 : index
    %swap3A_48 = arith.constant 0 : index
    %swap3A_49 = vector.load %arg8[%swap3A_47, %swap3A_48] : memref<160x128xf32, #tpu.memory_space<vmem>>, vector<160x128xf32>
    tpu.vector_store %arg8[%swap3A_47, %swap3A_48], %reshape3A_46 {strides = array<i32>} : memref<160x128xf32, #tpu.memory_space<vmem>>, vector<160x128xf32>,
    return
  }
  func.func @transform_0(%arg0: i32) -> (i32, i32) {
    %c0_i32 = arith.constant 0 : i32
    %c0_i32_0 = arith.constant 0 : i32
    return %arg0, %c0_i32 : i32, i32
  }
  func.func @transform_1(%arg0: i32) -> (i32, i32) {
    %c0_i32 = arith.constant 0 : i32
    %c0_i32_0 = arith.constant 0 : i32
    %c0_i32_1 = arith.constant 0 : i32
    return %c0_i32, %c0_i32_0 : i32, i32
  }
  func.func @transform_2(%arg0: i32) -> (i32, i32) {
    %c0_i32 = arith.constant 0 : i32
    %c0_i32_0 = arith.constant 0 : i32
    %c0_i32_1 = arith.constant 0 : i32
    return %c0_i32, %c0_i32_0 : i32, i32
  }
  func.func @transform_3(%arg0: i32) -> (i32, i32) {
    %c0_i32 = arith.constant 0 : i32
    %c0_i32_0 = arith.constant 0 : i32
    %c0_i32_1 = arith.constant 0 : i32
    return %c0_i32, %c0_i32_0 : i32, i32
  }
  func.func @transform_4(%arg0: i32) -> (i32, i32) {
    %c0_i32 = arith.constant 0 : i32
    %c0_i32_0 = arith.constant 0 : i32
    %c0_i32_1 = arith.constant 0 : i32
    return %c0_i32, %c0_i32_0 : i32, i32
  }
  func.func @transform_5(%arg0: i32) -> (i32, i32) {
    %c0_i32 = arith.constant 0 : i32
    %c0_i32_0 = arith.constant 0 : i32
    return %arg0, %c0_i32 : i32, i32
  }
  func.func @transform_6(%arg0: i32) -> (i32, i32) {
    %c0_i32 = arith.constant 0 : i32
    %c0_i32_0 = arith.constant 0 : i32
    return %arg0, %c0_i32 : i32, i32
  }
  func.func @transform_7(%arg0: i32) -> (i32, i32) {
    %c0_i32 = arith.constant 0 : i32
    %c0_i32_0 = arith.constant 0 : i32
    return %arg0, %c0_i32 : i32, i32
  }
}

module attributes {stable_mosaic.version = 14 : i64} {
  func.func @_atten_kernel(%arg0: memref<640x128xf32, #tpu.memory_space<vmem>>, %arg1: memref<25600x128xf32, #tpu.memory_space<vmem>>, %arg2: memref<640x640xf32, #tpu.memory_space<vmem>>, %arg3: memref<128x128xf32, #tpu.memory_space<vmem>>, %arg4: memref<128x128xf32, #tpu.memory_space<vmem>>, %arg5: memref<1x128xf32, #tpu.memory_space<vmem>>, %arg6: memref<1x128xf32, #tpu.memory_space<vmem>>, %arg7: memref<128x128xf32, #tpu.memory_space<vmem>>, %arg8: memref<128x128xf32, #tpu.memory_space<vmem>>, %arg9: memref<1x128xf32, #tpu.memory_space<vmem>>, %arg10: memref<1x128xf32, #tpu.memory_space<vmem>>, %arg11: memref<1x128xf32, #tpu.memory_space<vmem>>, %arg12: memref<640x128xf32, #tpu.memory_space<vmem>>, %arg13: memref<40x40xf32, #tpu.memory_space<vmem>>) attributes {dimension_semantics = [], scalar_prefetch = 0 : i64, scratch_operands = 0 : i64, tpu.core_type = #tpu.core_type<tc>} {
    %get3A = arith.constant 0 : index
    %get3A_0 = arith.constant 0 : index
    %get3A_1 = vector.load %arg0[%get3A, %get3A_0] : memref<640x128xf32, #tpu.memory_space<vmem>>, vector<640x128xf32>
    %mul3A = arith.constant 2.500000e-02 : f32
    %mul3A_2 = vector.broadcast %mul3A : f32 to vector<640x128xf32>
    %mul3A_3 = arith.mulf %get3A_1, %mul3A_2 : vector<640x128xf32>
    %get3A_4 = arith.constant 0 : index
    %get3A_5 = arith.constant 0 : index
    %get3A_6 = vector.load %arg3[%get3A_4, %get3A_5] : memref<128x128xf32, #tpu.memory_space<vmem>>, vector<128x128xf32>
    %dot_general3A = arith.constant dense<0.000000e+00> : vector<640x128xf32>
    %dot_general3A_7 = tpu.matmul %mul3A_3, %get3A_6, %dot_general3A {dimension_numbers = #tpu.dot_dimension_numbers<[1], [0], [0], [1], [0, 0, 1, 1], [], []>, transpose_lhs_hint = false} : vector<640x128xf32>, vector<128x128xf32>, vector<640x128xf32> -> vector<640x128xf32>
    %get3A_8 = arith.constant 0 : index
    %get3A_9 = arith.constant 0 : index
    %get3A_10 = vector.load %arg5[%get3A_8, %get3A_9] : memref<1x128xf32, #tpu.memory_space<vmem>>, vector<1x128xf32>
    %add3A = vector.broadcast %get3A_10 : vector<1x128xf32> to vector<640x128xf32>
    %add3A_11 = arith.addf %dot_general3A_7, %add3A : vector<640x128xf32>
    %get3A_12 = arith.constant 0 : index
    %get3A_13 = arith.constant 0 : index
    %get3A_14 = vector.load %arg4[%get3A_12, %get3A_13] : memref<128x128xf32, #tpu.memory_space<vmem>>, vector<128x128xf32>
    %dot_general3A_15 = arith.constant dense<0.000000e+00> : vector<640x128xf32>
    %dot_general3A_16 = tpu.matmul %mul3A_3, %get3A_14, %dot_general3A_15 {dimension_numbers = #tpu.dot_dimension_numbers<[1], [0], [0], [1], [0, 0, 1, 1], [], []>, transpose_lhs_hint = false} : vector<640x128xf32>, vector<128x128xf32>, vector<640x128xf32> -> vector<640x128xf32>
    %get3A_17 = arith.constant 0 : index
    %get3A_18 = arith.constant 0 : index
    %get3A_19 = vector.load %arg6[%get3A_17, %get3A_18] : memref<1x128xf32, #tpu.memory_space<vmem>>, vector<1x128xf32>
    %add3A_20 = vector.broadcast %get3A_19 : vector<1x128xf32> to vector<640x128xf32>
    %add3A_21 = arith.addf %dot_general3A_16, %add3A_20 : vector<640x128xf32>
    %dot_general3A_22 = arith.constant dense<0.000000e+00> : vector<640x640xf32>
    %dot_general3A_23 = tpu.matmul %add3A_11, %add3A_21, %dot_general3A_22 {dimension_numbers = #tpu.dot_dimension_numbers<[1], [1], [0], [0], [0, 0, 1, 0], [], []>, transpose_lhs_hint = false} : vector<640x128xf32>, vector<640x128xf32>, vector<640x640xf32> -> vector<640x640xf32>
    %slice3A = vector.extract_strided_slice %dot_general3A_23 {offsets = [0, 0], sizes = [40, 40], strides = [1, 1]} : vector<640x640xf32> to vector<40x40xf32>
    %mul3A_24 = arith.constant 0.0883883461 : f32
    %mul3A_25 = vector.broadcast %mul3A_24 : f32 to vector<40x40xf32>
    %mul3A_26 = arith.mulf %slice3A, %mul3A_25 : vector<40x40xf32>
    %reduce_max3A = arith.constant dense<0xFF800000> : vector<40xf32>
    %reduce_max3A_27 = vector.multi_reduction <maximumf>, %mul3A_26, %reduce_max3A [1] : vector<40x40xf32> to vector<40xf32>
    %broadcast_in_dim3A = vector.shape_cast %reduce_max3A_27 : vector<40xf32> to vector<40x1xf32>
    %sub3A = vector.broadcast %broadcast_in_dim3A : vector<40x1xf32> to vector<40x40xf32>
    %sub3A_28 = arith.subf %mul3A_26, %sub3A : vector<40x40xf32>
    %exp3A = math.exp %sub3A_28 : vector<40x40xf32>
    %reduce_sum3A = arith.constant dense<0.000000e+00> : vector<40xf32>
    %reduce_sum3A_29 = vector.multi_reduction <add>, %exp3A, %reduce_sum3A [1] : vector<40x40xf32> to vector<40xf32>
    %broadcast_in_dim3A_30 = vector.shape_cast %reduce_sum3A_29 : vector<40xf32> to vector<40x1xf32>
    %div3A = vector.broadcast %broadcast_in_dim3A_30 : vector<40x1xf32> to vector<40x40xf32>
    %div3A_31 = arith.divf %exp3A, %div3A : vector<40x40xf32>
    %get3A_32 = arith.constant 0 : index
    %get3A_33 = arith.constant 0 : index
    %get3A_34 = vector.load %arg1[%get3A_32, %get3A_33] : memref<25600x128xf32, #tpu.memory_space<vmem>>, vector<1600x128xf32>
    %reshape3A = vector.shape_cast %get3A_34 : vector<1600x128xf32> to vector<40x40x128xf32>
    %broadcast_in_dim3A_35 = vector.shape_cast %div3A_31 : vector<40x40xf32> to vector<40x40x1xf32>
    %mul3A_36 = vector.broadcast %broadcast_in_dim3A_35 : vector<40x40x1xf32> to vector<40x40x128xf32>
    %mul3A_37 = arith.mulf %mul3A_36, %reshape3A : vector<40x40x128xf32>
    %reduce_sum3A_38 = arith.constant dense<0.000000e+00> : vector<40x128xf32>
    %reduce_sum3A_39 = vector.multi_reduction <add>, %mul3A_37, %reduce_sum3A_38 [0] : vector<40x40x128xf32> to vector<40x128xf32>
    %slice3A_40 = vector.extract_strided_slice %dot_general3A_23 {offsets = [40, 40], sizes = [40, 40], strides = [1, 1]} : vector<640x640xf32> to vector<40x40xf32>
    %mul3A_41 = arith.constant 0.0883883461 : f32
    %mul3A_42 = vector.broadcast %mul3A_41 : f32 to vector<40x40xf32>
    %mul3A_43 = arith.mulf %slice3A_40, %mul3A_42 : vector<40x40xf32>
    %reduce_max3A_44 = arith.constant dense<0xFF800000> : vector<40xf32>
    %reduce_max3A_45 = vector.multi_reduction <maximumf>, %mul3A_43, %reduce_max3A_44 [1] : vector<40x40xf32> to vector<40xf32>
    %broadcast_in_dim3A_46 = vector.shape_cast %reduce_max3A_45 : vector<40xf32> to vector<40x1xf32>
    %sub3A_47 = vector.broadcast %broadcast_in_dim3A_46 : vector<40x1xf32> to vector<40x40xf32>
    %sub3A_48 = arith.subf %mul3A_43, %sub3A_47 : vector<40x40xf32>
    %exp3A_49 = math.exp %sub3A_48 : vector<40x40xf32>
    %reduce_sum3A_50 = arith.constant dense<0.000000e+00> : vector<40xf32>
    %reduce_sum3A_51 = vector.multi_reduction <add>, %exp3A_49, %reduce_sum3A_50 [1] : vector<40x40xf32> to vector<40xf32>
    %broadcast_in_dim3A_52 = vector.shape_cast %reduce_sum3A_51 : vector<40xf32> to vector<40x1xf32>
    %div3A_53 = vector.broadcast %broadcast_in_dim3A_52 : vector<40x1xf32> to vector<40x40xf32>
    %div3A_54 = arith.divf %exp3A_49, %div3A_53 : vector<40x40xf32>
    %get3A_55 = arith.constant 1600 : index
    %get3A_56 = arith.constant 0 : index
    %get3A_57 = vector.load %arg1[%get3A_55, %get3A_56] : memref<25600x128xf32, #tpu.memory_space<vmem>>, vector<1600x128xf32>
    %reshape3A_58 = vector.shape_cast %get3A_57 : vector<1600x128xf32> to vector<40x40x128xf32>
    %broadcast_in_dim3A_59 = vector.shape_cast %div3A_54 : vector<40x40xf32> to vector<40x40x1xf32>
    %mul3A_60 = vector.broadcast %broadcast_in_dim3A_59 : vector<40x40x1xf32> to vector<40x40x128xf32>
    %mul3A_61 = arith.mulf %mul3A_60, %reshape3A_58 : vector<40x40x128xf32>
    %reduce_sum3A_62 = arith.constant dense<0.000000e+00> : vector<40x128xf32>
    %reduce_sum3A_63 = vector.multi_reduction <add>, %mul3A_61, %reduce_sum3A_62 [0] : vector<40x40x128xf32> to vector<40x128xf32>
    %slice3A_64 = vector.extract_strided_slice %dot_general3A_23 {offsets = [80, 80], sizes = [40, 40], strides = [1, 1]} : vector<640x640xf32> to vector<40x40xf32>
    %mul3A_65 = arith.constant 0.0883883461 : f32
    %mul3A_66 = vector.broadcast %mul3A_65 : f32 to vector<40x40xf32>
    %mul3A_67 = arith.mulf %slice3A_64, %mul3A_66 : vector<40x40xf32>
    %reduce_max3A_68 = arith.constant dense<0xFF800000> : vector<40xf32>
    %reduce_max3A_69 = vector.multi_reduction <maximumf>, %mul3A_67, %reduce_max3A_68 [1] : vector<40x40xf32> to vector<40xf32>
    %broadcast_in_dim3A_70 = vector.shape_cast %reduce_max3A_69 : vector<40xf32> to vector<40x1xf32>
    %sub3A_71 = vector.broadcast %broadcast_in_dim3A_70 : vector<40x1xf32> to vector<40x40xf32>
    %sub3A_72 = arith.subf %mul3A_67, %sub3A_71 : vector<40x40xf32>
    %exp3A_73 = math.exp %sub3A_72 : vector<40x40xf32>
    %reduce_sum3A_74 = arith.constant dense<0.000000e+00> : vector<40xf32>
    %reduce_sum3A_75 = vector.multi_reduction <add>, %exp3A_73, %reduce_sum3A_74 [1] : vector<40x40xf32> to vector<40xf32>
    %broadcast_in_dim3A_76 = vector.shape_cast %reduce_sum3A_75 : vector<40xf32> to vector<40x1xf32>
    %div3A_77 = vector.broadcast %broadcast_in_dim3A_76 : vector<40x1xf32> to vector<40x40xf32>
    %div3A_78 = arith.divf %exp3A_73, %div3A_77 : vector<40x40xf32>
    %get3A_79 = arith.constant 3200 : index
    %get3A_80 = arith.constant 0 : index
    %get3A_81 = vector.load %arg1[%get3A_79, %get3A_80] : memref<25600x128xf32, #tpu.memory_space<vmem>>, vector<1600x128xf32>
    %reshape3A_82 = vector.shape_cast %get3A_81 : vector<1600x128xf32> to vector<40x40x128xf32>
    %broadcast_in_dim3A_83 = vector.shape_cast %div3A_78 : vector<40x40xf32> to vector<40x40x1xf32>
    %mul3A_84 = vector.broadcast %broadcast_in_dim3A_83 : vector<40x40x1xf32> to vector<40x40x128xf32>
    %mul3A_85 = arith.mulf %mul3A_84, %reshape3A_82 : vector<40x40x128xf32>
    %reduce_sum3A_86 = arith.constant dense<0.000000e+00> : vector<40x128xf32>
    %reduce_sum3A_87 = vector.multi_reduction <add>, %mul3A_85, %reduce_sum3A_86 [0] : vector<40x40x128xf32> to vector<40x128xf32>
    %slice3A_88 = vector.extract_strided_slice %dot_general3A_23 {offsets = [120, 120], sizes = [40, 40], strides = [1, 1]} : vector<640x640xf32> to vector<40x40xf32>
    %mul3A_89 = arith.constant 0.0883883461 : f32
    %mul3A_90 = vector.broadcast %mul3A_89 : f32 to vector<40x40xf32>
    %mul3A_91 = arith.mulf %slice3A_88, %mul3A_90 : vector<40x40xf32>
    %reduce_max3A_92 = arith.constant dense<0xFF800000> : vector<40xf32>
    %reduce_max3A_93 = vector.multi_reduction <maximumf>, %mul3A_91, %reduce_max3A_92 [1] : vector<40x40xf32> to vector<40xf32>
    %broadcast_in_dim3A_94 = vector.shape_cast %reduce_max3A_93 : vector<40xf32> to vector<40x1xf32>
    %sub3A_95 = vector.broadcast %broadcast_in_dim3A_94 : vector<40x1xf32> to vector<40x40xf32>
    %sub3A_96 = arith.subf %mul3A_91, %sub3A_95 : vector<40x40xf32>
    %exp3A_97 = math.exp %sub3A_96 : vector<40x40xf32>
    %reduce_sum3A_98 = arith.constant dense<0.000000e+00> : vector<40xf32>
    %reduce_sum3A_99 = vector.multi_reduction <add>, %exp3A_97, %reduce_sum3A_98 [1] : vector<40x40xf32> to vector<40xf32>
    %broadcast_in_dim3A_100 = vector.shape_cast %reduce_sum3A_99 : vector<40xf32> to vector<40x1xf32>
    %div3A_101 = vector.broadcast %broadcast_in_dim3A_100 : vector<40x1xf32> to vector<40x40xf32>
    %div3A_102 = arith.divf %exp3A_97, %div3A_101 : vector<40x40xf32>
    %get3A_103 = arith.constant 4800 : index
    %get3A_104 = arith.constant 0 : index
    %get3A_105 = vector.load %arg1[%get3A_103, %get3A_104] : memref<25600x128xf32, #tpu.memory_space<vmem>>, vector<1600x128xf32>
    %reshape3A_106 = vector.shape_cast %get3A_105 : vector<1600x128xf32> to vector<40x40x128xf32>
    %broadcast_in_dim3A_107 = vector.shape_cast %div3A_102 : vector<40x40xf32> to vector<40x40x1xf32>
    %mul3A_108 = vector.broadcast %broadcast_in_dim3A_107 : vector<40x40x1xf32> to vector<40x40x128xf32>
    %mul3A_109 = arith.mulf %mul3A_108, %reshape3A_106 : vector<40x40x128xf32>
    %reduce_sum3A_110 = arith.constant dense<0.000000e+00> : vector<40x128xf32>
    %reduce_sum3A_111 = vector.multi_reduction <add>, %mul3A_109, %reduce_sum3A_110 [0] : vector<40x40x128xf32> to vector<40x128xf32>
    %slice3A_112 = vector.extract_strided_slice %dot_general3A_23 {offsets = [160, 160], sizes = [40, 40], strides = [1, 1]} : vector<640x640xf32> to vector<40x40xf32>
    %mul3A_113 = arith.constant 0.0883883461 : f32
    %mul3A_114 = vector.broadcast %mul3A_113 : f32 to vector<40x40xf32>
    %mul3A_115 = arith.mulf %slice3A_112, %mul3A_114 : vector<40x40xf32>
    %reduce_max3A_116 = arith.constant dense<0xFF800000> : vector<40xf32>
    %reduce_max3A_117 = vector.multi_reduction <maximumf>, %mul3A_115, %reduce_max3A_116 [1] : vector<40x40xf32> to vector<40xf32>
    %broadcast_in_dim3A_118 = vector.shape_cast %reduce_max3A_117 : vector<40xf32> to vector<40x1xf32>
    %sub3A_119 = vector.broadcast %broadcast_in_dim3A_118 : vector<40x1xf32> to vector<40x40xf32>
    %sub3A_120 = arith.subf %mul3A_115, %sub3A_119 : vector<40x40xf32>
    %exp3A_121 = math.exp %sub3A_120 : vector<40x40xf32>
    %reduce_sum3A_122 = arith.constant dense<0.000000e+00> : vector<40xf32>
    %reduce_sum3A_123 = vector.multi_reduction <add>, %exp3A_121, %reduce_sum3A_122 [1] : vector<40x40xf32> to vector<40xf32>
    %broadcast_in_dim3A_124 = vector.shape_cast %reduce_sum3A_123 : vector<40xf32> to vector<40x1xf32>
    %div3A_125 = vector.broadcast %broadcast_in_dim3A_124 : vector<40x1xf32> to vector<40x40xf32>
    %div3A_126 = arith.divf %exp3A_121, %div3A_125 : vector<40x40xf32>
    %get3A_127 = arith.constant 6400 : index
    %get3A_128 = arith.constant 0 : index
    %get3A_129 = vector.load %arg1[%get3A_127, %get3A_128] : memref<25600x128xf32, #tpu.memory_space<vmem>>, vector<1600x128xf32>
    %reshape3A_130 = vector.shape_cast %get3A_129 : vector<1600x128xf32> to vector<40x40x128xf32>
    %broadcast_in_dim3A_131 = vector.shape_cast %div3A_126 : vector<40x40xf32> to vector<40x40x1xf32>
    %mul3A_132 = vector.broadcast %broadcast_in_dim3A_131 : vector<40x40x1xf32> to vector<40x40x128xf32>
    %mul3A_133 = arith.mulf %mul3A_132, %reshape3A_130 : vector<40x40x128xf32>
    %reduce_sum3A_134 = arith.constant dense<0.000000e+00> : vector<40x128xf32>
    %reduce_sum3A_135 = vector.multi_reduction <add>, %mul3A_133, %reduce_sum3A_134 [0] : vector<40x40x128xf32> to vector<40x128xf32>
    %slice3A_136 = vector.extract_strided_slice %dot_general3A_23 {offsets = [200, 200], sizes = [40, 40], strides = [1, 1]} : vector<640x640xf32> to vector<40x40xf32>
    %mul3A_137 = arith.constant 0.0883883461 : f32
    %mul3A_138 = vector.broadcast %mul3A_137 : f32 to vector<40x40xf32>
    %mul3A_139 = arith.mulf %slice3A_136, %mul3A_138 : vector<40x40xf32>
    %reduce_max3A_140 = arith.constant dense<0xFF800000> : vector<40xf32>
    %reduce_max3A_141 = vector.multi_reduction <maximumf>, %mul3A_139, %reduce_max3A_140 [1] : vector<40x40xf32> to vector<40xf32>
    %broadcast_in_dim3A_142 = vector.shape_cast %reduce_max3A_141 : vector<40xf32> to vector<40x1xf32>
    %sub3A_143 = vector.broadcast %broadcast_in_dim3A_142 : vector<40x1xf32> to vector<40x40xf32>
    %sub3A_144 = arith.subf %mul3A_139, %sub3A_143 : vector<40x40xf32>
    %exp3A_145 = math.exp %sub3A_144 : vector<40x40xf32>
    %reduce_sum3A_146 = arith.constant dense<0.000000e+00> : vector<40xf32>
    %reduce_sum3A_147 = vector.multi_reduction <add>, %exp3A_145, %reduce_sum3A_146 [1] : vector<40x40xf32> to vector<40xf32>
    %broadcast_in_dim3A_148 = vector.shape_cast %reduce_sum3A_147 : vector<40xf32> to vector<40x1xf32>
    %div3A_149 = vector.broadcast %broadcast_in_dim3A_148 : vector<40x1xf32> to vector<40x40xf32>
    %div3A_150 = arith.divf %exp3A_145, %div3A_149 : vector<40x40xf32>
    %get3A_151 = arith.constant 8000 : index
    %get3A_152 = arith.constant 0 : index
    %get3A_153 = vector.load %arg1[%get3A_151, %get3A_152] : memref<25600x128xf32, #tpu.memory_space<vmem>>, vector<1600x128xf32>
    %reshape3A_154 = vector.shape_cast %get3A_153 : vector<1600x128xf32> to vector<40x40x128xf32>
    %broadcast_in_dim3A_155 = vector.shape_cast %div3A_150 : vector<40x40xf32> to vector<40x40x1xf32>
    %mul3A_156 = vector.broadcast %broadcast_in_dim3A_155 : vector<40x40x1xf32> to vector<40x40x128xf32>
    %mul3A_157 = arith.mulf %mul3A_156, %reshape3A_154 : vector<40x40x128xf32>
    %reduce_sum3A_158 = arith.constant dense<0.000000e+00> : vector<40x128xf32>
    %reduce_sum3A_159 = vector.multi_reduction <add>, %mul3A_157, %reduce_sum3A_158 [0] : vector<40x40x128xf32> to vector<40x128xf32>
    %slice3A_160 = vector.extract_strided_slice %dot_general3A_23 {offsets = [240, 240], sizes = [40, 40], strides = [1, 1]} : vector<640x640xf32> to vector<40x40xf32>
    %mul3A_161 = arith.constant 0.0883883461 : f32
    %mul3A_162 = vector.broadcast %mul3A_161 : f32 to vector<40x40xf32>
    %mul3A_163 = arith.mulf %slice3A_160, %mul3A_162 : vector<40x40xf32>
    %reduce_max3A_164 = arith.constant dense<0xFF800000> : vector<40xf32>
    %reduce_max3A_165 = vector.multi_reduction <maximumf>, %mul3A_163, %reduce_max3A_164 [1] : vector<40x40xf32> to vector<40xf32>
    %broadcast_in_dim3A_166 = vector.shape_cast %reduce_max3A_165 : vector<40xf32> to vector<40x1xf32>
    %sub3A_167 = vector.broadcast %broadcast_in_dim3A_166 : vector<40x1xf32> to vector<40x40xf32>
    %sub3A_168 = arith.subf %mul3A_163, %sub3A_167 : vector<40x40xf32>
    %exp3A_169 = math.exp %sub3A_168 : vector<40x40xf32>
    %reduce_sum3A_170 = arith.constant dense<0.000000e+00> : vector<40xf32>
    %reduce_sum3A_171 = vector.multi_reduction <add>, %exp3A_169, %reduce_sum3A_170 [1] : vector<40x40xf32> to vector<40xf32>
    %broadcast_in_dim3A_172 = vector.shape_cast %reduce_sum3A_171 : vector<40xf32> to vector<40x1xf32>
    %div3A_173 = vector.broadcast %broadcast_in_dim3A_172 : vector<40x1xf32> to vector<40x40xf32>
    %div3A_174 = arith.divf %exp3A_169, %div3A_173 : vector<40x40xf32>
    %get3A_175 = arith.constant 9600 : index
    %get3A_176 = arith.constant 0 : index
    %get3A_177 = vector.load %arg1[%get3A_175, %get3A_176] : memref<25600x128xf32, #tpu.memory_space<vmem>>, vector<1600x128xf32>
    %reshape3A_178 = vector.shape_cast %get3A_177 : vector<1600x128xf32> to vector<40x40x128xf32>
    %broadcast_in_dim3A_179 = vector.shape_cast %div3A_174 : vector<40x40xf32> to vector<40x40x1xf32>
    %mul3A_180 = vector.broadcast %broadcast_in_dim3A_179 : vector<40x40x1xf32> to vector<40x40x128xf32>
    %mul3A_181 = arith.mulf %mul3A_180, %reshape3A_178 : vector<40x40x128xf32>
    %reduce_sum3A_182 = arith.constant dense<0.000000e+00> : vector<40x128xf32>
    %reduce_sum3A_183 = vector.multi_reduction <add>, %mul3A_181, %reduce_sum3A_182 [0] : vector<40x40x128xf32> to vector<40x128xf32>
    %slice3A_184 = vector.extract_strided_slice %dot_general3A_23 {offsets = [280, 280], sizes = [40, 40], strides = [1, 1]} : vector<640x640xf32> to vector<40x40xf32>
    %mul3A_185 = arith.constant 0.0883883461 : f32
    %mul3A_186 = vector.broadcast %mul3A_185 : f32 to vector<40x40xf32>
    %mul3A_187 = arith.mulf %slice3A_184, %mul3A_186 : vector<40x40xf32>
    %reduce_max3A_188 = arith.constant dense<0xFF800000> : vector<40xf32>
    %reduce_max3A_189 = vector.multi_reduction <maximumf>, %mul3A_187, %reduce_max3A_188 [1] : vector<40x40xf32> to vector<40xf32>
    %broadcast_in_dim3A_190 = vector.shape_cast %reduce_max3A_189 : vector<40xf32> to vector<40x1xf32>
    %sub3A_191 = vector.broadcast %broadcast_in_dim3A_190 : vector<40x1xf32> to vector<40x40xf32>
    %sub3A_192 = arith.subf %mul3A_187, %sub3A_191 : vector<40x40xf32>
    %exp3A_193 = math.exp %sub3A_192 : vector<40x40xf32>
    %reduce_sum3A_194 = arith.constant dense<0.000000e+00> : vector<40xf32>
    %reduce_sum3A_195 = vector.multi_reduction <add>, %exp3A_193, %reduce_sum3A_194 [1] : vector<40x40xf32> to vector<40xf32>
    %broadcast_in_dim3A_196 = vector.shape_cast %reduce_sum3A_195 : vector<40xf32> to vector<40x1xf32>
    %div3A_197 = vector.broadcast %broadcast_in_dim3A_196 : vector<40x1xf32> to vector<40x40xf32>
    %div3A_198 = arith.divf %exp3A_193, %div3A_197 : vector<40x40xf32>
    %get3A_199 = arith.constant 11200 : index
    %get3A_200 = arith.constant 0 : index
    %get3A_201 = vector.load %arg1[%get3A_199, %get3A_200] : memref<25600x128xf32, #tpu.memory_space<vmem>>, vector<1600x128xf32>
    %reshape3A_202 = vector.shape_cast %get3A_201 : vector<1600x128xf32> to vector<40x40x128xf32>
    %broadcast_in_dim3A_203 = vector.shape_cast %div3A_198 : vector<40x40xf32> to vector<40x40x1xf32>
    %mul3A_204 = vector.broadcast %broadcast_in_dim3A_203 : vector<40x40x1xf32> to vector<40x40x128xf32>
    %mul3A_205 = arith.mulf %mul3A_204, %reshape3A_202 : vector<40x40x128xf32>
    %reduce_sum3A_206 = arith.constant dense<0.000000e+00> : vector<40x128xf32>
    %reduce_sum3A_207 = vector.multi_reduction <add>, %mul3A_205, %reduce_sum3A_206 [0] : vector<40x40x128xf32> to vector<40x128xf32>
    %slice3A_208 = vector.extract_strided_slice %dot_general3A_23 {offsets = [320, 320], sizes = [40, 40], strides = [1, 1]} : vector<640x640xf32> to vector<40x40xf32>
    %mul3A_209 = arith.constant 0.0883883461 : f32
    %mul3A_210 = vector.broadcast %mul3A_209 : f32 to vector<40x40xf32>
    %mul3A_211 = arith.mulf %slice3A_208, %mul3A_210 : vector<40x40xf32>
    %reduce_max3A_212 = arith.constant dense<0xFF800000> : vector<40xf32>
    %reduce_max3A_213 = vector.multi_reduction <maximumf>, %mul3A_211, %reduce_max3A_212 [1] : vector<40x40xf32> to vector<40xf32>
    %broadcast_in_dim3A_214 = vector.shape_cast %reduce_max3A_213 : vector<40xf32> to vector<40x1xf32>
    %sub3A_215 = vector.broadcast %broadcast_in_dim3A_214 : vector<40x1xf32> to vector<40x40xf32>
    %sub3A_216 = arith.subf %mul3A_211, %sub3A_215 : vector<40x40xf32>
    %exp3A_217 = math.exp %sub3A_216 : vector<40x40xf32>
    %reduce_sum3A_218 = arith.constant dense<0.000000e+00> : vector<40xf32>
    %reduce_sum3A_219 = vector.multi_reduction <add>, %exp3A_217, %reduce_sum3A_218 [1] : vector<40x40xf32> to vector<40xf32>
    %broadcast_in_dim3A_220 = vector.shape_cast %reduce_sum3A_219 : vector<40xf32> to vector<40x1xf32>
    %div3A_221 = vector.broadcast %broadcast_in_dim3A_220 : vector<40x1xf32> to vector<40x40xf32>
    %div3A_222 = arith.divf %exp3A_217, %div3A_221 : vector<40x40xf32>
    %get3A_223 = arith.constant 12800 : index
    %get3A_224 = arith.constant 0 : index
    %get3A_225 = vector.load %arg1[%get3A_223, %get3A_224] : memref<25600x128xf32, #tpu.memory_space<vmem>>, vector<1600x128xf32>
    %reshape3A_226 = vector.shape_cast %get3A_225 : vector<1600x128xf32> to vector<40x40x128xf32>
    %broadcast_in_dim3A_227 = vector.shape_cast %div3A_222 : vector<40x40xf32> to vector<40x40x1xf32>
    %mul3A_228 = vector.broadcast %broadcast_in_dim3A_227 : vector<40x40x1xf32> to vector<40x40x128xf32>
    %mul3A_229 = arith.mulf %mul3A_228, %reshape3A_226 : vector<40x40x128xf32>
    %reduce_sum3A_230 = arith.constant dense<0.000000e+00> : vector<40x128xf32>
    %reduce_sum3A_231 = vector.multi_reduction <add>, %mul3A_229, %reduce_sum3A_230 [0] : vector<40x40x128xf32> to vector<40x128xf32>
    %slice3A_232 = vector.extract_strided_slice %dot_general3A_23 {offsets = [360, 360], sizes = [40, 40], strides = [1, 1]} : vector<640x640xf32> to vector<40x40xf32>
    %mul3A_233 = arith.constant 0.0883883461 : f32
    %mul3A_234 = vector.broadcast %mul3A_233 : f32 to vector<40x40xf32>
    %mul3A_235 = arith.mulf %slice3A_232, %mul3A_234 : vector<40x40xf32>
    %reduce_max3A_236 = arith.constant dense<0xFF800000> : vector<40xf32>
    %reduce_max3A_237 = vector.multi_reduction <maximumf>, %mul3A_235, %reduce_max3A_236 [1] : vector<40x40xf32> to vector<40xf32>
    %broadcast_in_dim3A_238 = vector.shape_cast %reduce_max3A_237 : vector<40xf32> to vector<40x1xf32>
    %sub3A_239 = vector.broadcast %broadcast_in_dim3A_238 : vector<40x1xf32> to vector<40x40xf32>
    %sub3A_240 = arith.subf %mul3A_235, %sub3A_239 : vector<40x40xf32>
    %exp3A_241 = math.exp %sub3A_240 : vector<40x40xf32>
    %reduce_sum3A_242 = arith.constant dense<0.000000e+00> : vector<40xf32>
    %reduce_sum3A_243 = vector.multi_reduction <add>, %exp3A_241, %reduce_sum3A_242 [1] : vector<40x40xf32> to vector<40xf32>
    %broadcast_in_dim3A_244 = vector.shape_cast %reduce_sum3A_243 : vector<40xf32> to vector<40x1xf32>
    %div3A_245 = vector.broadcast %broadcast_in_dim3A_244 : vector<40x1xf32> to vector<40x40xf32>
    %div3A_246 = arith.divf %exp3A_241, %div3A_245 : vector<40x40xf32>
    %get3A_247 = arith.constant 14400 : index
    %get3A_248 = arith.constant 0 : index
    %get3A_249 = vector.load %arg1[%get3A_247, %get3A_248] : memref<25600x128xf32, #tpu.memory_space<vmem>>, vector<1600x128xf32>
    %reshape3A_250 = vector.shape_cast %get3A_249 : vector<1600x128xf32> to vector<40x40x128xf32>
    %broadcast_in_dim3A_251 = vector.shape_cast %div3A_246 : vector<40x40xf32> to vector<40x40x1xf32>
    %mul3A_252 = vector.broadcast %broadcast_in_dim3A_251 : vector<40x40x1xf32> to vector<40x40x128xf32>
    %mul3A_253 = arith.mulf %mul3A_252, %reshape3A_250 : vector<40x40x128xf32>
    %reduce_sum3A_254 = arith.constant dense<0.000000e+00> : vector<40x128xf32>
    %reduce_sum3A_255 = vector.multi_reduction <add>, %mul3A_253, %reduce_sum3A_254 [0] : vector<40x40x128xf32> to vector<40x128xf32>
    %slice3A_256 = vector.extract_strided_slice %dot_general3A_23 {offsets = [400, 400], sizes = [40, 40], strides = [1, 1]} : vector<640x640xf32> to vector<40x40xf32>
    %mul3A_257 = arith.constant 0.0883883461 : f32
    %mul3A_258 = vector.broadcast %mul3A_257 : f32 to vector<40x40xf32>
    %mul3A_259 = arith.mulf %slice3A_256, %mul3A_258 : vector<40x40xf32>
    %reduce_max3A_260 = arith.constant dense<0xFF800000> : vector<40xf32>
    %reduce_max3A_261 = vector.multi_reduction <maximumf>, %mul3A_259, %reduce_max3A_260 [1] : vector<40x40xf32> to vector<40xf32>
    %broadcast_in_dim3A_262 = vector.shape_cast %reduce_max3A_261 : vector<40xf32> to vector<40x1xf32>
    %sub3A_263 = vector.broadcast %broadcast_in_dim3A_262 : vector<40x1xf32> to vector<40x40xf32>
    %sub3A_264 = arith.subf %mul3A_259, %sub3A_263 : vector<40x40xf32>
    %exp3A_265 = math.exp %sub3A_264 : vector<40x40xf32>
    %reduce_sum3A_266 = arith.constant dense<0.000000e+00> : vector<40xf32>
    %reduce_sum3A_267 = vector.multi_reduction <add>, %exp3A_265, %reduce_sum3A_266 [1] : vector<40x40xf32> to vector<40xf32>
    %broadcast_in_dim3A_268 = vector.shape_cast %reduce_sum3A_267 : vector<40xf32> to vector<40x1xf32>
    %div3A_269 = vector.broadcast %broadcast_in_dim3A_268 : vector<40x1xf32> to vector<40x40xf32>
    %div3A_270 = arith.divf %exp3A_265, %div3A_269 : vector<40x40xf32>
    %get3A_271 = arith.constant 16000 : index
    %get3A_272 = arith.constant 0 : index
    %get3A_273 = vector.load %arg1[%get3A_271, %get3A_272] : memref<25600x128xf32, #tpu.memory_space<vmem>>, vector<1600x128xf32>
    %reshape3A_274 = vector.shape_cast %get3A_273 : vector<1600x128xf32> to vector<40x40x128xf32>
    %broadcast_in_dim3A_275 = vector.shape_cast %div3A_270 : vector<40x40xf32> to vector<40x40x1xf32>
    %mul3A_276 = vector.broadcast %broadcast_in_dim3A_275 : vector<40x40x1xf32> to vector<40x40x128xf32>
    %mul3A_277 = arith.mulf %mul3A_276, %reshape3A_274 : vector<40x40x128xf32>
    %reduce_sum3A_278 = arith.constant dense<0.000000e+00> : vector<40x128xf32>
    %reduce_sum3A_279 = vector.multi_reduction <add>, %mul3A_277, %reduce_sum3A_278 [0] : vector<40x40x128xf32> to vector<40x128xf32>
    %slice3A_280 = vector.extract_strided_slice %dot_general3A_23 {offsets = [440, 440], sizes = [40, 40], strides = [1, 1]} : vector<640x640xf32> to vector<40x40xf32>
    %mul3A_281 = arith.constant 0.0883883461 : f32
    %mul3A_282 = vector.broadcast %mul3A_281 : f32 to vector<40x40xf32>
    %mul3A_283 = arith.mulf %slice3A_280, %mul3A_282 : vector<40x40xf32>
    %reduce_max3A_284 = arith.constant dense<0xFF800000> : vector<40xf32>
    %reduce_max3A_285 = vector.multi_reduction <maximumf>, %mul3A_283, %reduce_max3A_284 [1] : vector<40x40xf32> to vector<40xf32>
    %broadcast_in_dim3A_286 = vector.shape_cast %reduce_max3A_285 : vector<40xf32> to vector<40x1xf32>
    %sub3A_287 = vector.broadcast %broadcast_in_dim3A_286 : vector<40x1xf32> to vector<40x40xf32>
    %sub3A_288 = arith.subf %mul3A_283, %sub3A_287 : vector<40x40xf32>
    %exp3A_289 = math.exp %sub3A_288 : vector<40x40xf32>
    %reduce_sum3A_290 = arith.constant dense<0.000000e+00> : vector<40xf32>
    %reduce_sum3A_291 = vector.multi_reduction <add>, %exp3A_289, %reduce_sum3A_290 [1] : vector<40x40xf32> to vector<40xf32>
    %broadcast_in_dim3A_292 = vector.shape_cast %reduce_sum3A_291 : vector<40xf32> to vector<40x1xf32>
    %div3A_293 = vector.broadcast %broadcast_in_dim3A_292 : vector<40x1xf32> to vector<40x40xf32>
    %div3A_294 = arith.divf %exp3A_289, %div3A_293 : vector<40x40xf32>
    %get3A_295 = arith.constant 17600 : index
    %get3A_296 = arith.constant 0 : index
    %get3A_297 = vector.load %arg1[%get3A_295, %get3A_296] : memref<25600x128xf32, #tpu.memory_space<vmem>>, vector<1600x128xf32>
    %reshape3A_298 = vector.shape_cast %get3A_297 : vector<1600x128xf32> to vector<40x40x128xf32>
    %broadcast_in_dim3A_299 = vector.shape_cast %div3A_294 : vector<40x40xf32> to vector<40x40x1xf32>
    %mul3A_300 = vector.broadcast %broadcast_in_dim3A_299 : vector<40x40x1xf32> to vector<40x40x128xf32>
    %mul3A_301 = arith.mulf %mul3A_300, %reshape3A_298 : vector<40x40x128xf32>
    %reduce_sum3A_302 = arith.constant dense<0.000000e+00> : vector<40x128xf32>
    %reduce_sum3A_303 = vector.multi_reduction <add>, %mul3A_301, %reduce_sum3A_302 [0] : vector<40x40x128xf32> to vector<40x128xf32>
    %slice3A_304 = vector.extract_strided_slice %dot_general3A_23 {offsets = [480, 480], sizes = [40, 40], strides = [1, 1]} : vector<640x640xf32> to vector<40x40xf32>
    %mul3A_305 = arith.constant 0.0883883461 : f32
    %mul3A_306 = vector.broadcast %mul3A_305 : f32 to vector<40x40xf32>
    %mul3A_307 = arith.mulf %slice3A_304, %mul3A_306 : vector<40x40xf32>
    %reduce_max3A_308 = arith.constant dense<0xFF800000> : vector<40xf32>
    %reduce_max3A_309 = vector.multi_reduction <maximumf>, %mul3A_307, %reduce_max3A_308 [1] : vector<40x40xf32> to vector<40xf32>
    %broadcast_in_dim3A_310 = vector.shape_cast %reduce_max3A_309 : vector<40xf32> to vector<40x1xf32>
    %sub3A_311 = vector.broadcast %broadcast_in_dim3A_310 : vector<40x1xf32> to vector<40x40xf32>
    %sub3A_312 = arith.subf %mul3A_307, %sub3A_311 : vector<40x40xf32>
    %exp3A_313 = math.exp %sub3A_312 : vector<40x40xf32>
    %reduce_sum3A_314 = arith.constant dense<0.000000e+00> : vector<40xf32>
    %reduce_sum3A_315 = vector.multi_reduction <add>, %exp3A_313, %reduce_sum3A_314 [1] : vector<40x40xf32> to vector<40xf32>
    %broadcast_in_dim3A_316 = vector.shape_cast %reduce_sum3A_315 : vector<40xf32> to vector<40x1xf32>
    %div3A_317 = vector.broadcast %broadcast_in_dim3A_316 : vector<40x1xf32> to vector<40x40xf32>
    %div3A_318 = arith.divf %exp3A_313, %div3A_317 : vector<40x40xf32>
    %get3A_319 = arith.constant 19200 : index
    %get3A_320 = arith.constant 0 : index
    %get3A_321 = vector.load %arg1[%get3A_319, %get3A_320] : memref<25600x128xf32, #tpu.memory_space<vmem>>, vector<1600x128xf32>
    %reshape3A_322 = vector.shape_cast %get3A_321 : vector<1600x128xf32> to vector<40x40x128xf32>
    %broadcast_in_dim3A_323 = vector.shape_cast %div3A_318 : vector<40x40xf32> to vector<40x40x1xf32>
    %mul3A_324 = vector.broadcast %broadcast_in_dim3A_323 : vector<40x40x1xf32> to vector<40x40x128xf32>
    %mul3A_325 = arith.mulf %mul3A_324, %reshape3A_322 : vector<40x40x128xf32>
    %reduce_sum3A_326 = arith.constant dense<0.000000e+00> : vector<40x128xf32>
    %reduce_sum3A_327 = vector.multi_reduction <add>, %mul3A_325, %reduce_sum3A_326 [0] : vector<40x40x128xf32> to vector<40x128xf32>
    %slice3A_328 = vector.extract_strided_slice %dot_general3A_23 {offsets = [520, 520], sizes = [40, 40], strides = [1, 1]} : vector<640x640xf32> to vector<40x40xf32>
    %mul3A_329 = arith.constant 0.0883883461 : f32
    %mul3A_330 = vector.broadcast %mul3A_329 : f32 to vector<40x40xf32>
    %mul3A_331 = arith.mulf %slice3A_328, %mul3A_330 : vector<40x40xf32>
    %reduce_max3A_332 = arith.constant dense<0xFF800000> : vector<40xf32>
    %reduce_max3A_333 = vector.multi_reduction <maximumf>, %mul3A_331, %reduce_max3A_332 [1] : vector<40x40xf32> to vector<40xf32>
    %broadcast_in_dim3A_334 = vector.shape_cast %reduce_max3A_333 : vector<40xf32> to vector<40x1xf32>
    %sub3A_335 = vector.broadcast %broadcast_in_dim3A_334 : vector<40x1xf32> to vector<40x40xf32>
    %sub3A_336 = arith.subf %mul3A_331, %sub3A_335 : vector<40x40xf32>
    %exp3A_337 = math.exp %sub3A_336 : vector<40x40xf32>
    %reduce_sum3A_338 = arith.constant dense<0.000000e+00> : vector<40xf32>
    %reduce_sum3A_339 = vector.multi_reduction <add>, %exp3A_337, %reduce_sum3A_338 [1] : vector<40x40xf32> to vector<40xf32>
    %broadcast_in_dim3A_340 = vector.shape_cast %reduce_sum3A_339 : vector<40xf32> to vector<40x1xf32>
    %div3A_341 = vector.broadcast %broadcast_in_dim3A_340 : vector<40x1xf32> to vector<40x40xf32>
    %div3A_342 = arith.divf %exp3A_337, %div3A_341 : vector<40x40xf32>
    %get3A_343 = arith.constant 20800 : index
    %get3A_344 = arith.constant 0 : index
    %get3A_345 = vector.load %arg1[%get3A_343, %get3A_344] : memref<25600x128xf32, #tpu.memory_space<vmem>>, vector<1600x128xf32>
    %reshape3A_346 = vector.shape_cast %get3A_345 : vector<1600x128xf32> to vector<40x40x128xf32>
    %broadcast_in_dim3A_347 = vector.shape_cast %div3A_342 : vector<40x40xf32> to vector<40x40x1xf32>
    %mul3A_348 = vector.broadcast %broadcast_in_dim3A_347 : vector<40x40x1xf32> to vector<40x40x128xf32>
    %mul3A_349 = arith.mulf %mul3A_348, %reshape3A_346 : vector<40x40x128xf32>
    %reduce_sum3A_350 = arith.constant dense<0.000000e+00> : vector<40x128xf32>
    %reduce_sum3A_351 = vector.multi_reduction <add>, %mul3A_349, %reduce_sum3A_350 [0] : vector<40x40x128xf32> to vector<40x128xf32>
    %slice3A_352 = vector.extract_strided_slice %dot_general3A_23 {offsets = [560, 560], sizes = [40, 40], strides = [1, 1]} : vector<640x640xf32> to vector<40x40xf32>
    %mul3A_353 = arith.constant 0.0883883461 : f32
    %mul3A_354 = vector.broadcast %mul3A_353 : f32 to vector<40x40xf32>
    %mul3A_355 = arith.mulf %slice3A_352, %mul3A_354 : vector<40x40xf32>
    %reduce_max3A_356 = arith.constant dense<0xFF800000> : vector<40xf32>
    %reduce_max3A_357 = vector.multi_reduction <maximumf>, %mul3A_355, %reduce_max3A_356 [1] : vector<40x40xf32> to vector<40xf32>
    %broadcast_in_dim3A_358 = vector.shape_cast %reduce_max3A_357 : vector<40xf32> to vector<40x1xf32>
    %sub3A_359 = vector.broadcast %broadcast_in_dim3A_358 : vector<40x1xf32> to vector<40x40xf32>
    %sub3A_360 = arith.subf %mul3A_355, %sub3A_359 : vector<40x40xf32>
    %exp3A_361 = math.exp %sub3A_360 : vector<40x40xf32>
    %reduce_sum3A_362 = arith.constant dense<0.000000e+00> : vector<40xf32>
    %reduce_sum3A_363 = vector.multi_reduction <add>, %exp3A_361, %reduce_sum3A_362 [1] : vector<40x40xf32> to vector<40xf32>
    %broadcast_in_dim3A_364 = vector.shape_cast %reduce_sum3A_363 : vector<40xf32> to vector<40x1xf32>
    %div3A_365 = vector.broadcast %broadcast_in_dim3A_364 : vector<40x1xf32> to vector<40x40xf32>
    %div3A_366 = arith.divf %exp3A_361, %div3A_365 : vector<40x40xf32>
    %get3A_367 = arith.constant 22400 : index
    %get3A_368 = arith.constant 0 : index
    %get3A_369 = vector.load %arg1[%get3A_367, %get3A_368] : memref<25600x128xf32, #tpu.memory_space<vmem>>, vector<1600x128xf32>
    %reshape3A_370 = vector.shape_cast %get3A_369 : vector<1600x128xf32> to vector<40x40x128xf32>
    %broadcast_in_dim3A_371 = vector.shape_cast %div3A_366 : vector<40x40xf32> to vector<40x40x1xf32>
    %mul3A_372 = vector.broadcast %broadcast_in_dim3A_371 : vector<40x40x1xf32> to vector<40x40x128xf32>
    %mul3A_373 = arith.mulf %mul3A_372, %reshape3A_370 : vector<40x40x128xf32>
    %reduce_sum3A_374 = arith.constant dense<0.000000e+00> : vector<40x128xf32>
    %reduce_sum3A_375 = vector.multi_reduction <add>, %mul3A_373, %reduce_sum3A_374 [0] : vector<40x40x128xf32> to vector<40x128xf32>
    %slice3A_376 = vector.extract_strided_slice %dot_general3A_23 {offsets = [600, 600], sizes = [40, 40], strides = [1, 1]} : vector<640x640xf32> to vector<40x40xf32>
    %mul3A_377 = arith.constant 0.0883883461 : f32
    %mul3A_378 = vector.broadcast %mul3A_377 : f32 to vector<40x40xf32>
    %mul3A_379 = arith.mulf %slice3A_376, %mul3A_378 : vector<40x40xf32>
    %reduce_max3A_380 = arith.constant dense<0xFF800000> : vector<40xf32>
    %reduce_max3A_381 = vector.multi_reduction <maximumf>, %mul3A_379, %reduce_max3A_380 [1] : vector<40x40xf32> to vector<40xf32>
    %broadcast_in_dim3A_382 = vector.shape_cast %reduce_max3A_381 : vector<40xf32> to vector<40x1xf32>
    %sub3A_383 = vector.broadcast %broadcast_in_dim3A_382 : vector<40x1xf32> to vector<40x40xf32>
    %sub3A_384 = arith.subf %mul3A_379, %sub3A_383 : vector<40x40xf32>
    %exp3A_385 = math.exp %sub3A_384 : vector<40x40xf32>
    %reduce_sum3A_386 = arith.constant dense<0.000000e+00> : vector<40xf32>
    %reduce_sum3A_387 = vector.multi_reduction <add>, %exp3A_385, %reduce_sum3A_386 [1] : vector<40x40xf32> to vector<40xf32>
    %broadcast_in_dim3A_388 = vector.shape_cast %reduce_sum3A_387 : vector<40xf32> to vector<40x1xf32>
    %div3A_389 = vector.broadcast %broadcast_in_dim3A_388 : vector<40x1xf32> to vector<40x40xf32>
    %div3A_390 = arith.divf %exp3A_385, %div3A_389 : vector<40x40xf32>
    %swap3A = arith.constant 0 : index
    %swap3A_391 = arith.constant 0 : index
    %swap3A_392 = vector.load %arg13[%swap3A, %swap3A_391] : memref<40x40xf32, #tpu.memory_space<vmem>>, vector<40x40xf32>
    tpu.vector_store %arg13[%swap3A, %swap3A_391], %div3A_390 {strides = array<i32>} : memref<40x40xf32, #tpu.memory_space<vmem>>, vector<40x40xf32>,
    %get3A_393 = arith.constant 24000 : index
    %get3A_394 = arith.constant 0 : index
    %get3A_395 = vector.load %arg1[%get3A_393, %get3A_394] : memref<25600x128xf32, #tpu.memory_space<vmem>>, vector<1600x128xf32>
    %reshape3A_396 = vector.shape_cast %get3A_395 : vector<1600x128xf32> to vector<40x40x128xf32>
    %broadcast_in_dim3A_397 = vector.shape_cast %div3A_390 : vector<40x40xf32> to vector<40x40x1xf32>
    %mul3A_398 = vector.broadcast %broadcast_in_dim3A_397 : vector<40x40x1xf32> to vector<40x40x128xf32>
    %mul3A_399 = arith.mulf %mul3A_398, %reshape3A_396 : vector<40x40x128xf32>
    %reduce_sum3A_400 = arith.constant dense<0.000000e+00> : vector<40x128xf32>
    %reduce_sum3A_401 = vector.multi_reduction <add>, %mul3A_399, %reduce_sum3A_400 [0] : vector<40x40x128xf32> to vector<40x128xf32>
    %concatenate3A = tpu.concatenate %reduce_sum3A_39, %reduce_sum3A_63, %reduce_sum3A_87, %reduce_sum3A_111, %reduce_sum3A_135, %reduce_sum3A_159, %reduce_sum3A_183, %reduce_sum3A_207, %reduce_sum3A_231, %reduce_sum3A_255, %reduce_sum3A_279, %reduce_sum3A_303, %reduce_sum3A_327, %reduce_sum3A_351, %reduce_sum3A_375, %reduce_sum3A_401 in 0 : vector<40x128xf32>, vector<40x128xf32>, vector<40x128xf32>, vector<40x128xf32>, vector<40x128xf32>, vector<40x128xf32>, vector<40x128xf32>, vector<40x128xf32>, vector<40x128xf32>, vector<40x128xf32>, vector<40x128xf32>, vector<40x128xf32>, vector<40x128xf32>, vector<40x128xf32>, vector<40x128xf32>, vector<40x128xf32> -> vector<640x128xf32>
    %get3A_402 = arith.constant 0 : index
    %get3A_403 = arith.constant 0 : index
    %get3A_404 = vector.load %arg2[%get3A_402, %get3A_403] : memref<640x640xf32, #tpu.memory_space<vmem>>, vector<640x640xf32>
    %dot_general3A_405 = arith.constant dense<0.000000e+00> : vector<640x128xf32>
    %dot_general3A_406 = tpu.matmul %get3A_404, %concatenate3A, %dot_general3A_405 {dimension_numbers = #tpu.dot_dimension_numbers<[1], [0], [0], [1], [0, 0, 1, 1], [], []>, transpose_lhs_hint = false} : vector<640x640xf32>, vector<640x128xf32>, vector<640x128xf32> -> vector<640x128xf32>
    %get3A_407 = arith.constant 0 : index
    %get3A_408 = arith.constant 0 : index
    %get3A_409 = vector.load %arg7[%get3A_407, %get3A_408] : memref<128x128xf32, #tpu.memory_space<vmem>>, vector<128x128xf32>
    %dot_general3A_410 = arith.constant dense<0.000000e+00> : vector<640x128xf32>
    %dot_general3A_411 = tpu.matmul %concatenate3A, %get3A_409, %dot_general3A_410 {dimension_numbers = #tpu.dot_dimension_numbers<[1], [0], [0], [1], [0, 0, 1, 1], [], []>, transpose_lhs_hint = false} : vector<640x128xf32>, vector<128x128xf32>, vector<640x128xf32> -> vector<640x128xf32>
    %get3A_412 = arith.constant 0 : index
    %get3A_413 = arith.constant 0 : index
    %get3A_414 = vector.load %arg8[%get3A_412, %get3A_413] : memref<128x128xf32, #tpu.memory_space<vmem>>, vector<128x128xf32>
    %dot_general3A_415 = arith.constant dense<0.000000e+00> : vector<640x128xf32>
    %dot_general3A_416 = tpu.matmul %dot_general3A_406, %get3A_414, %dot_general3A_415 {dimension_numbers = #tpu.dot_dimension_numbers<[1], [0], [0], [1], [0, 0, 1, 1], [], []>, transpose_lhs_hint = false} : vector<640x128xf32>, vector<128x128xf32>, vector<640x128xf32> -> vector<640x128xf32>
    %add3A_417 = arith.addf %dot_general3A_411, %dot_general3A_416 : vector<640x128xf32>
    %get3A_418 = arith.constant 0 : index
    %get3A_419 = arith.constant 0 : index
    %get3A_420 = vector.load %arg9[%get3A_418, %get3A_419] : memref<1x128xf32, #tpu.memory_space<vmem>>, vector<1x128xf32>
    %add3A_421 = vector.broadcast %get3A_420 : vector<1x128xf32> to vector<640x128xf32>
    %add3A_422 = arith.addf %add3A_417, %add3A_421 : vector<640x128xf32>
    %reduce_sum3A_423 = arith.constant dense<0.000000e+00> : vector<128xf32>
    %reduce_sum3A_424 = vector.multi_reduction <add>, %add3A_422, %reduce_sum3A_423 [0] : vector<640x128xf32> to vector<128xf32>
    %broadcast_in_dim3A_425 = vector.shape_cast %reduce_sum3A_424 : vector<128xf32> to vector<1x128xf32>
    %div3A_426 = arith.constant 6.400000e+02 : f32
    %div3A_427 = vector.broadcast %div3A_426 : f32 to vector<1x128xf32>
    %div3A_428 = arith.divf %broadcast_in_dim3A_425, %div3A_427 : vector<1x128xf32>
    %sub3A_429 = vector.broadcast %div3A_428 : vector<1x128xf32> to vector<640x128xf32>
    %sub3A_430 = arith.subf %add3A_422, %sub3A_429 : vector<640x128xf32>
    %sub3A_431 = vector.broadcast %div3A_428 : vector<1x128xf32> to vector<640x128xf32>
    %sub3A_432 = arith.subf %add3A_422, %sub3A_431 : vector<640x128xf32>
    %mul3A_433 = arith.mulf %sub3A_430, %sub3A_432 : vector<640x128xf32>
    %reduce_sum3A_434 = arith.constant dense<0.000000e+00> : vector<128xf32>
    %reduce_sum3A_435 = vector.multi_reduction <add>, %mul3A_433, %reduce_sum3A_434 [0] : vector<640x128xf32> to vector<128xf32>
    %broadcast_in_dim3A_436 = vector.shape_cast %reduce_sum3A_435 : vector<128xf32> to vector<1x128xf32>
    %div3A_437 = arith.constant 6.400000e+02 : f32
    %div3A_438 = vector.broadcast %div3A_437 : f32 to vector<1x128xf32>
    %div3A_439 = arith.divf %broadcast_in_dim3A_436, %div3A_438 : vector<1x128xf32>
    %sub3A_440 = vector.broadcast %div3A_428 : vector<1x128xf32> to vector<640x128xf32>
    %sub3A_441 = arith.subf %add3A_422, %sub3A_440 : vector<640x128xf32>
    %add3A_442 = arith.constant 9.99999974E-6 : f32
    %add3A_443 = vector.broadcast %add3A_442 : f32 to vector<1x128xf32>
    %add3A_444 = arith.addf %div3A_439, %add3A_443 : vector<1x128xf32>
    %rsqrt3A = math.rsqrt %add3A_444 : vector<1x128xf32>
    %mul3A_445 = vector.broadcast %rsqrt3A : vector<1x128xf32> to vector<640x128xf32>
    %mul3A_446 = arith.mulf %sub3A_441, %mul3A_445 : vector<640x128xf32>
    %get3A_447 = arith.constant 0 : index
    %get3A_448 = arith.constant 0 : index
    %get3A_449 = vector.load %arg10[%get3A_447, %get3A_448] : memref<1x128xf32, #tpu.memory_space<vmem>>, vector<1x128xf32>
    %mul3A_450 = vector.broadcast %get3A_449 : vector<1x128xf32> to vector<640x128xf32>
    %mul3A_451 = arith.mulf %mul3A_446, %mul3A_450 : vector<640x128xf32>
    %get3A_452 = arith.constant 0 : index
    %get3A_453 = arith.constant 0 : index
    %get3A_454 = vector.load %arg11[%get3A_452, %get3A_453] : memref<1x128xf32, #tpu.memory_space<vmem>>, vector<1x128xf32>
    %add3A_455 = vector.broadcast %get3A_454 : vector<1x128xf32> to vector<640x128xf32>
    %add3A_456 = arith.addf %mul3A_451, %add3A_455 : vector<640x128xf32>
    %swap3A_457 = arith.constant 0 : index
    %swap3A_458 = arith.constant 0 : index
    %swap3A_459 = vector.load %arg12[%swap3A_457, %swap3A_458] : memref<640x128xf32, #tpu.memory_space<vmem>>, vector<640x128xf32>
    tpu.vector_store %arg12[%swap3A_457, %swap3A_458], %add3A_456 {strides = array<i32>} : memref<640x128xf32, #tpu.memory_space<vmem>>, vector<640x128xf32>,
    return
  }
}

module attributes {stable_mosaic.version = 14 : i64} {
  func.func @_combine_kernel(%arg0: i32, %arg1: memref<6400x128xf32, #tpu.memory_space<vmem>>, %arg2: memref<1x128xf32, #tpu.memory_space<vmem>>, %arg3: memref<1x128xf32, #tpu.memory_space<vmem>>, %arg4: memref<1x128xf32, #tpu.memory_space<vmem>>, %arg5: memref<1x128xf32, #tpu.memory_space<vmem>>, %arg6: memref<160x128xf32, #tpu.memory_space<vmem>>, %arg7: memref<6400x128xf32, #tpu.memory_space<vmem>>, %arg8: memref<160x128xf32, #tpu.memory_space<vmem>>) attributes {dimension_semantics = [#tpu.dimension_semantics<arbitrary>], iteration_bounds = array<i64: 4>, scalar_prefetch = 0 : i64, scratch_operands = 0 : i64, tpu.core_type = #tpu.core_type<tc>, window_params = [{transform_indices = @transform_0, window_bounds = array<i64: 6400, 128>}, {pipeline_mode = #tpu.pipeline_mode<synchronous>, transform_indices = @transform_1, window_bounds = array<i64: 1, 128>}, {pipeline_mode = #tpu.pipeline_mode<synchronous>, transform_indices = @transform_2, window_bounds = array<i64: 1, 128>}, {pipeline_mode = #tpu.pipeline_mode<synchronous>, transform_indices = @transform_3, window_bounds = array<i64: 1, 128>}, {pipeline_mode = #tpu.pipeline_mode<synchronous>, transform_indices = @transform_4, window_bounds = array<i64: 1, 128>}, {transform_indices = @transform_5, window_bounds = array<i64: 160, 128>}, {transform_indices = @transform_6, window_bounds = array<i64: 6400, 128>}, {transform_indices = @transform_7, window_bounds = array<i64: 160, 128>}]} {
    %get3A = arith.constant 0 : index
    %get3A_0 = arith.constant 0 : index
    %get3A_1 = vector.load %arg2[%get3A, %get3A_0] : memref<1x128xf32, #tpu.memory_space<vmem>>, vector<1x128xf32>
    %mul3A = arith.constant 3.906250e-05 : f32
    %mul3A_2 = vector.broadcast %mul3A : f32 to vector<1x128xf32>
    %mul3A_3 = arith.mulf %get3A_1, %mul3A_2 : vector<1x128xf32>
    %get3A_4 = arith.constant 0 : index
    %get3A_5 = arith.constant 0 : index
    %get3A_6 = vector.load %arg3[%get3A_4, %get3A_5] : memref<1x128xf32, #tpu.memory_space<vmem>>, vector<1x128xf32>
    %mul3A_7 = arith.constant 3.906250e-05 : f32
    %mul3A_8 = vector.broadcast %mul3A_7 : f32 to vector<1x128xf32>
    %mul3A_9 = arith.mulf %get3A_6, %mul3A_8 : vector<1x128xf32>
    %mul3A_10 = arith.mulf %mul3A_3, %mul3A_3 : vector<1x128xf32>
    %sub3A = arith.subf %mul3A_9, %mul3A_10 : vector<1x128xf32>
    %add3A = arith.constant 9.99999974E-6 : f32
    %add3A_11 = vector.broadcast %add3A : f32 to vector<1x128xf32>
    %add3A_12 = arith.addf %sub3A, %add3A_11 : vector<1x128xf32>
    %rsqrt3A = math.rsqrt %add3A_12 : vector<1x128xf32>
    %get3A_13 = arith.constant 0 : index
    %get3A_14 = arith.constant 0 : index
    %get3A_15 = vector.load %arg4[%get3A_13, %get3A_14] : memref<1x128xf32, #tpu.memory_space<vmem>>, vector<1x128xf32>
    %mul3A_16 = arith.mulf %rsqrt3A, %get3A_15 : vector<1x128xf32>
    %get3A_17 = arith.constant 0 : index
    %get3A_18 = arith.constant 0 : index
    %get3A_19 = vector.load %arg5[%get3A_17, %get3A_18] : memref<1x128xf32, #tpu.memory_space<vmem>>, vector<1x128xf32>
    %mul3A_20 = arith.mulf %mul3A_3, %mul3A_16 : vector<1x128xf32>
    %sub3A_21 = arith.subf %get3A_19, %mul3A_20 : vector<1x128xf32>
    %get3A_22 = arith.constant 0 : index
    %get3A_23 = arith.constant 0 : index
    %get3A_24 = vector.load %arg1[%get3A_22, %get3A_23] : memref<6400x128xf32, #tpu.memory_space<vmem>>, vector<6400x128xf32>
    %reshape3A = vector.shape_cast %get3A_24 : vector<6400x128xf32> to vector<4x40x40x128xf32>
    %get3A_25 = arith.constant 0 : index
    %get3A_26 = arith.constant 0 : index
    %get3A_27 = vector.load %arg6[%get3A_25, %get3A_26] : memref<160x128xf32, #tpu.memory_space<vmem>>, vector<160x128xf32>
    %reshape3A_28 = vector.shape_cast %get3A_27 : vector<160x128xf32> to vector<4x1x40x128xf32>
    %squeeze3A = vector.shape_cast %mul3A_16 : vector<1x128xf32> to vector<128xf32>
    %broadcast_in_dim3A = vector.shape_cast %squeeze3A : vector<128xf32> to vector<1x1x1x128xf32>
    %mul3A_29 = vector.broadcast %broadcast_in_dim3A : vector<1x1x1x128xf32> to vector<4x40x40x128xf32>
    %mul3A_30 = arith.mulf %reshape3A, %mul3A_29 : vector<4x40x40x128xf32>
    %squeeze3A_31 = vector.shape_cast %sub3A_21 : vector<1x128xf32> to vector<128xf32>
    %broadcast_in_dim3A_32 = vector.shape_cast %squeeze3A_31 : vector<128xf32> to vector<1x1x1x128xf32>
    %add3A_33 = vector.broadcast %broadcast_in_dim3A_32 : vector<1x1x1x128xf32> to vector<4x40x40x128xf32>
    %add3A_34 = arith.addf %mul3A_30, %add3A_33 : vector<4x40x40x128xf32>
    %add3A_35 = vector.broadcast %reshape3A_28 : vector<4x1x40x128xf32> to vector<4x40x40x128xf32>
    %add3A_36 = arith.addf %add3A_34, %add3A_35 : vector<4x40x40x128xf32>
    %max3A = arith.constant 0.000000e+00 : f32
    %max3A_37 = vector.broadcast %max3A : f32 to vector<4x40x40x128xf32>
    %max3A_38 = arith.maximumf %add3A_36, %max3A_37 : vector<4x40x40x128xf32>
    %reshape3A_39 = vector.shape_cast %max3A_38 : vector<4x40x40x128xf32> to vector<6400x128xf32>
    %swap3A = arith.constant 0 : index
    %swap3A_40 = arith.constant 0 : index
    %swap3A_41 = vector.load %arg7[%swap3A, %swap3A_40] : memref<6400x128xf32, #tpu.memory_space<vmem>>, vector<6400x128xf32>
    tpu.vector_store %arg7[%swap3A, %swap3A_40], %reshape3A_39 {strides = array<i32>} : memref<6400x128xf32, #tpu.memory_space<vmem>>, vector<6400x128xf32>,
    %reduce_sum3A = arith.constant dense<0.000000e+00> : vector<4x40x128xf32>
    %reduce_sum3A_42 = vector.multi_reduction <add>, %max3A_38, %reduce_sum3A [2] : vector<4x40x40x128xf32> to vector<4x40x128xf32>
    %mul3A_43 = arith.constant 2.500000e-02 : f32
    %mul3A_44 = vector.broadcast %mul3A_43 : f32 to vector<4x40x128xf32>
    %mul3A_45 = arith.mulf %reduce_sum3A_42, %mul3A_44 : vector<4x40x128xf32>
    %reshape3A_46 = vector.shape_cast %mul3A_45 : vector<4x40x128xf32> to vector<160x128xf32>
    %swap3A_47 = arith.constant 0 : index
    %swap3A_48 = arith.constant 0 : index
    %swap3A_49 = vector.load %arg8[%swap3A_47, %swap3A_48] : memref<160x128xf32, #tpu.memory_space<vmem>>, vector<160x128xf32>
    tpu.vector_store %arg8[%swap3A_47, %swap3A_48], %reshape3A_46 {strides = array<i32>} : memref<160x128xf32, #tpu.memory_space<vmem>>, vector<160x128xf32>,
    return
  }
  func.func @transform_0(%arg0: i32) -> (i32, i32) {
    %c0_i32 = arith.constant 0 : i32
    %c0_i32_0 = arith.constant 0 : i32
    return %arg0, %c0_i32 : i32, i32
  }
  func.func @transform_1(%arg0: i32) -> (i32, i32) {
    %c0_i32 = arith.constant 0 : i32
    %c0_i32_0 = arith.constant 0 : i32
    %c0_i32_1 = arith.constant 0 : i32
    return %c0_i32, %c0_i32_0 : i32, i32
  }
  func.func @transform_2(%arg0: i32) -> (i32, i32) {
    %c0_i32 = arith.constant 0 : i32
    %c0_i32_0 = arith.constant 0 : i32
    %c0_i32_1 = arith.constant 0 : i32
    return %c0_i32, %c0_i32_0 : i32, i32
  }
  func.func @transform_3(%arg0: i32) -> (i32, i32) {
    %c0_i32 = arith.constant 0 : i32
    %c0_i32_0 = arith.constant 0 : i32
    %c0_i32_1 = arith.constant 0 : i32
    return %c0_i32, %c0_i32_0 : i32, i32
  }
  func.func @transform_4(%arg0: i32) -> (i32, i32) {
    %c0_i32 = arith.constant 0 : i32
    %c0_i32_0 = arith.constant 0 : i32
    %c0_i32_1 = arith.constant 0 : i32
    return %c0_i32, %c0_i32_0 : i32, i32
  }
  func.func @transform_5(%arg0: i32) -> (i32, i32) {
    %c0_i32 = arith.constant 0 : i32
    %c0_i32_0 = arith.constant 0 : i32
    return %arg0, %c0_i32 : i32, i32
  }
  func.func @transform_6(%arg0: i32) -> (i32, i32) {
    %c0_i32 = arith.constant 0 : i32
    %c0_i32_0 = arith.constant 0 : i32
    return %arg0, %c0_i32 : i32, i32
  }
  func.func @transform_7(%arg0: i32) -> (i32, i32) {
    %c0_i32 = arith.constant 0 : i32
    %c0_i32_0 = arith.constant 0 : i32
    return %arg0, %c0_i32 : i32, i32
  }
}

module attributes {stable_mosaic.version = 14 : i64} {
  func.func @_readout_kernel(%arg0: memref<640x128xf32, #tpu.memory_space<vmem>>, %arg1: memref<128x256xf32, #tpu.memory_space<vmem>>, %arg2: memref<1x256xf32, #tpu.memory_space<vmem>>, %arg3: memref<256x10xf32, #tpu.memory_space<vmem>>, %arg4: memref<1x10xf32, #tpu.memory_space<vmem>>, %arg5: memref<16x10xf32, #tpu.memory_space<vmem>>) attributes {dimension_semantics = [], scalar_prefetch = 0 : i64, scratch_operands = 0 : i64, tpu.core_type = #tpu.core_type<tc>} {
    %get3A = arith.constant 0 : index
    %get3A_0 = arith.constant 0 : index
    %get3A_1 = vector.load %arg0[%get3A, %get3A_0] : memref<640x128xf32, #tpu.memory_space<vmem>>, vector<640x128xf32>
    %reshape3A = vector.shape_cast %get3A_1 : vector<640x128xf32> to vector<16x40x128xf32>
    %reduce_sum3A = arith.constant dense<0.000000e+00> : vector<16x128xf32>
    %reduce_sum3A_2 = vector.multi_reduction <add>, %reshape3A, %reduce_sum3A [1] : vector<16x40x128xf32> to vector<16x128xf32>
    %div3A = arith.constant 4.000000e+01 : f32
    %div3A_3 = vector.broadcast %div3A : f32 to vector<16x128xf32>
    %div3A_4 = arith.divf %reduce_sum3A_2, %div3A_3 : vector<16x128xf32>
    %get3A_5 = arith.constant 0 : index
    %get3A_6 = arith.constant 0 : index
    %get3A_7 = vector.load %arg1[%get3A_5, %get3A_6] : memref<128x256xf32, #tpu.memory_space<vmem>>, vector<128x256xf32>
    %dot_general3A = arith.constant dense<0.000000e+00> : vector<16x256xf32>
    %dot_general3A_8 = tpu.matmul %div3A_4, %get3A_7, %dot_general3A {dimension_numbers = #tpu.dot_dimension_numbers<[1], [0], [0], [1], [0, 0, 1, 1], [], []>, transpose_lhs_hint = false} : vector<16x128xf32>, vector<128x256xf32>, vector<16x256xf32> -> vector<16x256xf32>
    %get3A_9 = arith.constant 0 : index
    %get3A_10 = arith.constant 0 : index
    %get3A_11 = vector.load %arg2[%get3A_9, %get3A_10] : memref<1x256xf32, #tpu.memory_space<vmem>>, vector<1x256xf32>
    %add3A = vector.broadcast %get3A_11 : vector<1x256xf32> to vector<16x256xf32>
    %add3A_12 = arith.addf %dot_general3A_8, %add3A : vector<16x256xf32>
    %max3A = arith.constant 0.000000e+00 : f32
    %max3A_13 = vector.broadcast %max3A : f32 to vector<16x256xf32>
    %max3A_14 = arith.maximumf %add3A_12, %max3A_13 : vector<16x256xf32>
    %get3A_15 = arith.constant 0 : index
    %get3A_16 = arith.constant 0 : index
    %get3A_17 = vector.load %arg3[%get3A_15, %get3A_16] : memref<256x10xf32, #tpu.memory_space<vmem>>, vector<256x10xf32>
    %dot_general3A_18 = arith.constant dense<0.000000e+00> : vector<16x10xf32>
    %dot_general3A_19 = tpu.matmul %max3A_14, %get3A_17, %dot_general3A_18 {dimension_numbers = #tpu.dot_dimension_numbers<[1], [0], [0], [1], [0, 0, 1, 1], [], []>, transpose_lhs_hint = false} : vector<16x256xf32>, vector<256x10xf32>, vector<16x10xf32> -> vector<16x10xf32>
    %get3A_20 = arith.constant 0 : index
    %get3A_21 = arith.constant 0 : index
    %get3A_22 = vector.load %arg4[%get3A_20, %get3A_21] : memref<1x10xf32, #tpu.memory_space<vmem>>, vector<1x10xf32>
    %add3A_23 = vector.broadcast %get3A_22 : vector<1x10xf32> to vector<16x10xf32>
    %add3A_24 = arith.addf %dot_general3A_19, %add3A_23 : vector<16x10xf32>
    %swap3A = arith.constant 0 : index
    %swap3A_25 = arith.constant 0 : index
    %swap3A_26 = vector.load %arg5[%swap3A, %swap3A_25] : memref<16x10xf32, #tpu.memory_space<vmem>>, vector<16x10xf32>
    tpu.vector_store %arg5[%swap3A, %swap3A_25], %add3A_24 {strides = array<i32>} : memref<16x10xf32, #tpu.memory_space<vmem>>, vector<16x10xf32>,
    return
  }
}

</mosaic_0001>

<sc_bundles>
// kernel: kernel.14.cloned.1.call-start
scs
__scs_entry_jumppad:
0x0: {  	(pc) =	sbr.rel $0x88, $3  }
0x1: {  	(tag) =	ssettag $0x0;
	lr =	simm.s32 $0x1  }
0x2: {  	[smem:$0x3F8C] =	sst lr;
	_ =	strace $0xD0000000  }
0x3: {  	_ = 	snop  }
0x4: {  	_ = 	snop  }
0x5: {  	_ = 	snop  }
0x6: {  	_ = 	snop  }
0x7: {  	_ = 	snop  }
__scs_overlays_trampoline_lowered:
0x8: {  	[smem:$0x3F9B] =	sst s0  }
0x9: {  	[smem:$0x3F9C] =	sst s1  }
0xa: {  	[smem:$0x3F9D] =	sst s2  }
0xb: {  	[smem:$0x3F9E] =	sst s3  }
0xc: {  	[smem:$0x3F9F] =	sst s4  }
0xd: {  	[smem:$0x3FA0] =	sst s5  }
0xe: {  	[smem:$0x3FA1] =	sst s6  }
0xf: {  	[smem:$0x3FA2] =	sst s7  }
0x10: {  	[smem:$0x3FA3] =	sst s8  }
0x11: {  	[smem:$0x3FA4] =	sst s9;
	s0 =	simm.s32 @!p0 $0x0  }
0x12: {  	s1 =	sld [smem:$0x3F8A];
	s0 =	simm.s32 @p0 $0x1  }
0x13: {  	[smem:$0x3FA5] =	sst s0;
	s0 =	simm.s32 @!p1 $0x0  }
0x14: {  	s2 =	sld [smem:$0x3F89];
	s0 =	simm.s32 @p1 $0x1  }
0x15: {  	[smem:$0x3FA6] =	sst s0;
	s0 =	simm.s32 @!p2 $0x0  }
0x16: {  	s3 =	sld [smem:$0x3FDB];
	s0 =	simm.s32 @p2 $0x1  }
0x17: {  	s4 =	simm.s32 $0x1BF5;
	[smem:$0x3FA8] =	sst s0  }
0x18: {  	s0 =	sld [smem:$0x3F8B];
	_ =	swait.ge [sflag:s4], $0x0  }
0x19: {  	s7 =	sld [smem:$0x3F8C]  }
0x1a: {  	s8 =	sadd.s32 $0xFFFFE003, lr  }
0x1b: {  	s9 =	sadd.s32 $0xFFFFFEF7, lr;
	s5 =	simm.s32 $0xFFFFFFFF;
	p2 =	slt.u32 s8, $0xFFFFF086  }
0x1c: {  	p1 =	slt.u32 s9, $0xF7A;
	s5 =	simm.s32 @!p2 $0x0  }
0x1d: {  	s5 =	simm.s32 @p1 $0x1;
	p0 =	seq.s32 s7, s2  }
0x1e: {  	s7 =	smul.u32 @!p0 $0xF7A, s2;
	p2 =	seq.s32 @!p0 s5, $0x0  }
0x1f: {  	s9 =	smul.u32 $0xF7A, s1;
	s8 =	simm.s32 @!p0 $0x1BF5;
	p2 =	por !p2, p0  }
0x20: {  	[sflag:s8] =	ssyncset.s32 @!p0 $0xFFFFF086;
	s6 =	sadd.s32 @!p0 s3, s7;
	s7 =	simm.s32 @!p0 $0x108  }
0x21: {  	s3 =	sadd.s32 s3, s9;
	s6 =	sadd.s32 @!p0 $0x88, s6;
	s7 =	simm.s32 @p2 $0x1082  }
0x22: {  	[simem:s7], [sflag:s8] =	dma.local @!p0 [hbm:s6], $0xF7A  }
0x23: {  	s9 =	sor.u32 $0xD0000000, s2;
	s6 =	simm.s32 $0x108;
	_ =	swait.ge @!p0 [sflag:s8], $0x0  }
0x24: {  	s3 =	sadd.s32 $0x88, s3;
	s6 =	simm.s32 @!p1 $0x1082;
	[sflag:s4] =	ssyncset.s32 $0xFFFFF086  }
0x25: {  	[simem:s6], [sflag:s4] =	dma.local [hbm:s3], $0xF7A  }
0x26: {  	[smem:$0x3F8C] =	sst s1;
	(tag) =	ssettag s2;
	_ =	strace s9  }
0x27: {  	s1 =	sld [smem:$0x3F9C]  }
0x28: {  	s2 =	sld [smem:$0x3F9D]  }
0x29: {  	s4 =	sld [smem:$0x3F9F]  }
0x2a: {  	p0 =	seq.s32 s5, $0x0;
	s5 =	sld [smem:$0x3FA0]  }
0x2b: {  	s6 =	sld [smem:$0x3FA1]  }
0x2c: {  	s7 =	sld [smem:$0x3FA2]  }
0x2d: {  	s3 =	simm.s32 $0x108;
	s8 =	sld [smem:$0x3FA3]  }
0x2e: {  	s3 =	simm.s32 @!p0 $0x1082;
	s9 =	sld [smem:$0x3FA4]  }
0x2f: {  	lr =	sadd.s32 s0, s3;
	s0 =	sld [smem:$0x3F9B]  }
0x30: {  	s3 =	sld [smem:$0x3F9E]  }
0x31: {  	[smem:$0x3FA7] =	sst s10  }
0x32: {  	s10 =	sld [smem:$0x3FA5];
	_ =	sdelay $0x3  }
0x33: {  	p0 =	seq.s32 s10, $0x1;
	s10 =	sld [smem:$0x3FA7];
	_ =	sdelay $0x3  }
0x34: {  	[smem:$0x3FA7] =	sst s10  }
0x35: {  	s10 =	sld [smem:$0x3FA6];
	_ =	sdelay $0x3  }
0x36: {  	p1 =	seq.s32 s10, $0x1;
	s10 =	sld [smem:$0x3FA7];
	_ =	sdelay $0x3  }
0x37: {  	[smem:$0x3FA7] =	sst s10  }
0x38: {  	s10 =	sld [smem:$0x3FA8]  }
0x39: {  	_ = 	snop;
	(pc) =	sbr.ind lr, $3  }
0x3a: {  	_ = 	snop  }
0x3b: {  	_ = 	snop  }
0x3c: {  	p2 =	seq.s32 s10, $0x1;
	s10 =	sld [smem:$0x3FA7]  }
0x3d: {  	_ =	shalt  }
0x3e: {  	_ =	shalt  }
0x3f: {  	_ =	shalt  }
0x40: {  	_ =	shalt  }
0x41: {  	_ =	shalt  }
0x42: {  	_ =	shalt  }
0x43: {  	_ =	shalt  }
0x44: {  	_ =	shalt  }
0x45: {  	_ =	shalt  }
0x46: {  	_ =	shalt  }
0x47: {  	_ =	shalt  }
0x48: {  	_ =	shalt  }
0x49: {  	_ =	shalt  }
0x4a: {  	_ =	shalt  }
0x4b: {  	_ =	shalt  }
0x4c: {  	_ =	shalt  }
0x4d: {  	_ =	shalt  }
0x4e: {  	_ =	shalt  }
0x4f: {  	_ =	shalt  }
0x50: {  	_ =	shalt  }
0x51: {  	_ =	shalt  }
0x52: {  	_ =	shalt  }
0x53: {  	_ =	shalt  }
0x54: {  	_ =	shalt  }
0x55: {  	_ =	shalt  }
0x56: {  	_ =	shalt  }
0x57: {  	_ =	shalt  }
0x58: {  	_ =	shalt  }
0x59: {  	_ =	shalt  }
0x5a: {  	_ =	shalt  }
0x5b: {  	_ =	shalt  }
0x5c: {  	_ =	shalt  }
0x5d: {  	_ =	shalt  }
0x5e: {  	_ =	shalt  }
0x5f: {  	_ =	shalt  }
0x60: {  	_ =	shalt  }
0x61: {  	_ =	shalt  }
0x62: {  	_ =	shalt  }
0x63: {  	_ =	shalt  }
0x64: {  	_ =	shalt  }
0x65: {  	_ =	shalt  }
0x66: {  	_ =	shalt  }
0x67: {  	_ =	shalt  }
0x68: {  	_ =	shalt  }
0x69: {  	_ =	shalt  }
0x6a: {  	_ =	shalt  }
0x6b: {  	_ =	shalt  }
0x6c: {  	_ =	shalt  }
0x6d: {  	_ =	shalt  }
0x6e: {  	_ =	shalt  }
0x6f: {  	_ =	shalt  }
0x70: {  	_ =	shalt  }
0x71: {  	_ =	shalt  }
0x72: {  	_ =	shalt  }
0x73: {  	_ =	shalt  }
0x74: {  	_ =	shalt  }
0x75: {  	_ =	shalt  }
0x76: {  	_ =	shalt  }
0x77: {  	_ =	shalt  }
0x78: {  	_ =	shalt  }
0x79: {  	_ =	shalt  }
0x7a: {  	_ =	shalt  }
0x7b: {  	_ =	shalt  }
0x7c: {  	_ =	shalt  }
0x7d: {  	_ =	shalt  }
0x7e: {  	_ =	shalt  }
0x7f: {  	_ =	shalt  }
0x80: {  	_ =	shalt  }
0x81: {  	_ =	shalt  }
0x82: {  	_ =	shalt  }
0x83: {  	_ =	shalt  }
0x84: {  	_ =	shalt  }
0x85: {  	_ =	shalt  }
0x86: {  	_ =	shalt  }
0x87: {  	_ =	shalt  }
.Lfunc_end0:
.L_simem_size_0:
called_computation_lowered:
.L_overlay_start_0:
0x88: {  	s2 =	sld [smem:$0x3FD9]  }
0x89: {  	s3 =	sld [smem:$0x3FFE];
	_ =	sdelay $0x1  }
0x8a: {  	s1 =	srdreg.scid  }
0x8b: {  	s0 =	sand.u32 $0x1, s1  }
0x8c: {  	s17 =	sshll.u32 s0, $0xA;
	s2 =	sadd.s32 s3, s2  }
0x8d: {  	s2 =	sadd.s32 s2, s17  }
0x8e: {  	[smem:$0x3FB3] =	sst s2  }
0x8f: {  	_ = 	snop  }
0x90: {  	s2 =	sld [smem:$0x3FC9];
	(tm) =	ssettm $0x1  }
0x91: {  	s18 =	sld [smem:$0x3FFB];
	_ =	sdelay $0x3  }
0x92: {  	_ =	strace s18  }
0x93: {  	s3 =	sld [smem:$0x3FFC];
	_ =	sdelay $0x3  }
0x94: {  	_ =	strace s3  }
0x95: {  	s3 =	sld [smem:$0x3FFD];
	_ =	sdelay $0x3  }
0x96: {  	_ =	strace s3  }
0x97: {  	_ =	strace $0x8FFFFFFF  }
0x98: {  	s19 =	sld [smem:$0x3FDB];
	_ =	sdelay $0x1  }
0x99: {  	s4 =	simm.s32 $_scs_section_size  }
0x9a: {  	s5 =	simm.s32 $_size__tile_overlayer_lowered;
	s6 =	simm.s32 $_tile_overlayer_lowered  }
0x9b: {  	s22 =	simm.s32 $0x1BFF;
	s21 =	sshll.u32 s6, $0x1;
	s3 =	sadd.s32 s4, s19  }
0x9c: {  	s7 =	simm.s32 $0x0;
	s20 =	sshll.u32 s5, $0x1;
	s5 =	sadd.s32 s21, s3  }
0x9d: {  	[timem:s7], [sflag:s22] =	dma.local [hbm:s5], s20  }
0x9e: {  	_ =	swait.ge [sflag:s22], s20  }
0x9f: {  	s4 =	ssub.s32 $0x0, s20;
	[sflag:s22] =	ssyncset.done $0x0  }
0xa0: {  	[sflag:s22] =	ssyncadd.s32 s4;
	_ =	sdelay $0x1  }
0xa1: {  	s23 =	simm.s32 $0x1B8B  }
0xa2: {  	_ =	swait.ge [sflag:s23], $0x1  }
0xa3: {  	[sflag:s23] =	ssyncset.done $0x0  }
0xa4: {  	s25 =	simm.s32 $0x1B8E;
	s24 =	sld [smem:$0x3FFE];
	[sflag:s23] =	ssyncadd.s32 $0xFFFFFFFF  }
0xa5: {  	s26 =	simm.s32 $execute0_lowered;
	[smem:$0x3FD2] =	sst s25  }
0xa6: {  	s5 =	sshll.u32 s26, $0x1;
	_ =	strace $0x80000046;
	[dreg:$0x1] =	wrdreg $0xFFFFFFFF  }
0xa7: {  	s28 =	simm.s32 $_size_execute0_lowered;
	s3 =	sadd.s32 s3, s5;
	[dreg:$0x0] =	wrdreg $0x0  }
0xa8: {  	s5 =	sshll.u32 s28, $0x1;
	[dreg:$0x2] =	wrdreg s3  }
0xa9: {  	[dreg:$0x3] =	wrdreg s5  }
0xaa: {  	[dreg:$0x4] =	wrdreg $0xC0  }
0xab: {  	_ =	task [dreg:s7], $0x5FFFF  }
0xac: {  	[dreg:$0x1] =	wrdreg $0xFFFFFFFF  }
0xad: {  	[dreg:$0x0] =	wrdreg $0x60  }
0xae: {  	[dreg:$0x2] =	wrdreg s2  }
0xaf: {  	[dreg:$0x3] =	wrdreg s24  }
0xb0: {  	[dreg:$0x4] =	wrdreg $0x108000  }
0xb1: {  	[dreg:$0x5] =	wrdreg $0x9  }
0xb2: {  	_ =	task.clear_ibuf [dreg:s7], $0x6FFFF;
	_ =	strace $0x90000046  }
0xb3: {  	s29 =	simm.s32 $0x9;
	_ =	strace $0x80000048  }
0xb4: {  	_ =	swait.ge [sflag:s29], $0x1  }
0xb5: {  	[sflag:s29] =	ssyncadd.s32 $0xFFFFFFFF  }
0xb6: {  	_ =	strace $0x90000048  }
0xb7: {  	_ =	sfence  }
0xb8: {  	s30 =	sld [smem:$0x0];
	_ =	sdelay $0x2  }
0xb9: {  	s31 =	sshll.u32 s1, $0xD;
	s1 =	sshrl.u32 s1, $0x2  }
0xba: {  	s3 =	sand.u32 $0x4000, s31;
	s1 =	sadd.s32 s1, s30  }
0xbb: {  	s0 =	sor.u32 s3, s0;
	s1 =	sshll.u32 s1, $0x11  }
0xbc: {  	s0 =	sor.u32 s1, s0  }
0xbd: {  	s0 =	sadd.s32 $0x8F2B, s0  }
0xbe: {  	[sflag:s0] =	ssyncadd.remote.s32 $0x1  }
0xbf: {  	_ =	sfence.sel $0xFFFF  }
0xc0: {  	[dreg:$0x0] =	wrdreg $0xFFFFFFFF;
	(pc) =	sbr.abs _section_cstart, $3  }
0xc1: {  	[dreg:$0x1] =	wrdreg $0xFFFFFFFF  }
0xc2: {  	_ =	task.clear_ibuf [dreg:s7], $0x2FFFF;
	_ =	strace $0x9FFFFFFF  }
0xc3: {  	(tm) =	ssettm $0x7FFFFFFF  }
tec
execute0_lowered:
.L_overlay_start_1:
0x0: {  	(tag) =	ssettag $0x1  }
0x1: {  	s2 =	rddreg [dreg:$0x0]  }
0x2: {  	s0 =	rddreg [dreg:$0x1]  }
0x3: {  	s3 =	rddreg [dreg:$0x2]  }
0x4: {  	s12 =	stileid.u32;
	s5 =	simm.s32 $0x0;
	s4 =	srdreg.scid  }
0x5: {  	s11 =	simm.s32 $0x9;
	s15 =	simm.s32 $0x80;
	s16 =	simm.s32 $0xC800  }
0x6: {  	s17 =	simm.s32 $0xD800;
	s18 =	simm.s32 $0x100;
	s19 =	simm.s32 $0xE800  }
0x7: {  	s20 =	simm.s32 $0x180;
	s28 =	simm.s32 $0x6;
	s29 =	simm.s32 $0x7  }
0x8: {  	s30 =	simm.s32 $0x8;
	s31 =	simm.s32 $0xC600;
	s1 =	smul.u32 $0xC80, s12  }
0x9: {  	[smem:$0x7FF] =	sst s5;
	s4 =	sand.u32 $0x1, s4;
	s6 =	smul.u32 $0x32000, s12  }
0xa: {  	s5 =	sadd.s32 $0x20E00, s0;
	s26 =	sshll.u32 s12, $0x6;
	s12 =	simm.s32 $0xC780  }
0xb: {  	_ =	strace $0x80000047;
	s21 =	sshll.u32 s4, $0x6;
	s8 =	ssub.s32 $0x2, s4  }
0xc: {  	s4 =	sshll.u32 s4, $0x1;
	s13 =	sor.u32 $0x1C09, s26;
	s26 =	simm.s32 $0x5  }
0xd: {  	s1 =	sadd.s32 s1, s0;
	s7 =	sor.u32 s21, s6;
	s9 =	sshrl.u32 s8, $0x1  }
0xe: {  	s24 =	sshrl.u32 s6, $0x2;
	s21 =	simm.s32 $0xF800;
	v0 =	vmov s4;
	s4 =	simm.s32 $0x10  }
0xf: {  	s6 =	simm.s32 $0x0;
	s7 =	sshrl.u32 s7, $0x3;
	s23 =	sadd.s32 $0x14600, s1  }
0x10: {  	s22 =	ssub.s32 s8, s9;
	s1 =	sadd.s32 $0x7E00, s1;
	[dreg:$0x4] =	wrdreg s23  }
0x11: {  	s0 =	sadd.s32 s7, s0;
	[dreg:$0x5] =	wrdreg s1;
	s1 =	sadd.s32 s24, s3  }
0x12: {  	s10 =	smax.u32 s22, $0x1;
	s22 =	simm.s32 $0x1;
	s23 =	simm.s32 $0x2  }
0x13: {  	s24 =	simm.s32 $0x3;
	s25 =	sadd.s32 $0x22800, s0;
	s0 =	sadd.s32 $0x22804, s0  }
0x14: {  	s14 =	sshrl.u32 s1, $0x3;
	s1 =	simm.s32 $0xC700;
	[dreg:$0x6] =	wrdreg s25  }
0x15: {  	[dreg:$0x7] =	wrdreg s0;
	s25 =	simm.s32 $0x4;
	s0 =	simm.s32 $0xC680  }
.LBB2_1:
0x16: {  	s7 =	simm.s32 $0x0;
	s8 =	rddreg [dreg:$0x4]  }
0x17: {  	[tilespmem:s7], [sflag:$0x9] =	stream.linear.gather [hbm4b:s8+s7], $0x6400, $0x38;
	[tilespmem:$0x1D000] =	vst v63  }
0x18: {  	_ =	swait.ge [sflag:s11], $0x6400  }
0x19: {  	[sflag:s11] =	ssyncset.done $0x0  }
0x1a: {  	s9 =	simm.s32 $0x6400;
	s8 =	rddreg [dreg:$0x5];
	[sflag:s11] =	ssyncadd.s32 $0xFFFF9C00  }
0x1b: {  	[tilespmem:s9], [sflag:$0x9] =	stream.linear.gather [hbm4b:s8+s7], $0x6400, $0x38;
	[tilespmem:$0x1D000] =	vst v63  }
0x1c: {  	_ =	swait.ge [sflag:s11], $0x6400  }
0x1d: {  	[sflag:s11] =	ssyncset.done $0x0  }
0x1e: {  	s8 =	simm.s32 $0x70;
	[sflag:s11] =	ssyncadd.s32 $0xFFFF9C00  }
0x1f: {  	v1 =	vld [tilespmem:s8+$0xFFFFFF90];
	_ =	sdelay $0x1  }
0x20: {  	v2 =	vld [tilespmem:s8+$0xFFFFFFA0]  }
0x21: {  	v3 =	vld [tilespmem:s8+$0xFFFFFFB0]  }
0x22: {  	v5 =	vld [tilespmem:s8+$0xFFFFFFC0]  }
0x23: {  	v6 =	vld [tilespmem:s8+$0xFFFFFFD0];
	v1 =	vshll.u32 v1, $0x2  }
0x24: {  	v7 =	vld [tilespmem:s8+$0xFFFFFFE0];
	v1 =	vor.u32 v0, v1  }
0x25: {  	v8 =	vld [tilespmem:s8+$0x0];
	[tilespmem:s8+$0xFFFFFF90] =	vst v1;
	v1 =	vshll.u32 v2, $0x2  }
0x26: {  	s7 =	simm.s32 $0xF0;
	v9 =	vld [tilespmem:s8+$0xFFFFFFF0];
	v2 =	vshll.u32 v3, $0x2;
	v1 =	vor.u32 v0, v1  }
0x27: {  	v10 =	vld [tilespmem:s7+$0xFFFFFF90];
	[tilespmem:s8+$0xFFFFFFA0] =	vst v1;
	v1 =	vor.u32 v0, v2;
	v2 =	vshll.u32 v5, $0x2  }
0x28: {  	v3 =	vshll.u32 v6, $0x2;
	v4 =	vld [tilespmem:s7+$0xFFFFFFA0];
	[tilespmem:s8+$0xFFFFFFB0] =	vst v1;
	v1 =	vor.u32 v0, v2  }
0x29: {  	v3 =	vor.u32 v0, v3;
	v5 =	vshll.u32 v7, $0x2;
	v2 =	vld [tilespmem:s7+$0xFFFFFFB0];
	[tilespmem:s8+$0xFFFFFFC0] =	vst v1  }
0x2a: {  	v6 =	vshll.u32 v8, $0x2;
	v5 =	vor.u32 v0, v5;
	v1 =	vld [tilespmem:s7+$0xFFFFFFC0];
	[tilespmem:s8+$0xFFFFFFD0] =	vst v3  }
0x2b: {  	v8 =	vor.u32 v0, v6;
	v7 =	vshll.u32 v9, $0x2;
	v3 =	vld [tilespmem:s7+$0xFFFFFFD0];
	[tilespmem:s8+$0xFFFFFFE0] =	vst v5  }
0x2c: {  	s9 =	simm.s32 $0x5C0;
	v7 =	vor.u32 v0, v7;
	v6 =	vshll.u32 v10, $0x2;
	v5 =	vld [tilespmem:s7+$0xFFFFFFE0];
	[tilespmem:s8+$0x0] =	vst v8  }
.LBB2_2:
0x2d: {  	p0 =	sne.s32 s9, $0x18FC0;
	v6 =	vor.u32 v0, v6;
	v4 =	vshll.u32 v4, $0x2;
	v8 =	vld [tilespmem:s7+$0x0];
	[tilespmem:s8+$0xFFFFFFF0] =	vst v7;
	s8 =	smov.u32 s7  }
0x2e: {  	s7 =	sshra.s32 s9, $0x2;
	[tilespmem:s8+$0xFFFFFF90] =	vst v6;
	v4 =	vor.u32 v0, v4;
	v2 =	vshll.u32 v2, $0x2;
	v6 =	vld [tilespmem:s8+$0xFFFFFFF0]  }
0x2f: {  	v7 =	vld [tilespmem:s7+$0xFFFFFF90];
	[tilespmem:s8+$0xFFFFFFA0] =	vst v4;
	v2 =	vor.u32 v0, v2;
	v1 =	vshll.u32 v1, $0x2  }
.Ltmp0:
0x30: {  	v4 =	vld [tilespmem:s7+$0xFFFFFFA0];
	[tilespmem:s8+$0xFFFFFFB0] =	vst v2;
	v1 =	vor.u32 v0, v1;
	v3 =	vshll.u32 v3, $0x2;
	(pc) =	sbr.rel @p0 .LBB2_2-.Ltmp0, $4  }
0x31: {  	v2 =	vld [tilespmem:s7+$0xFFFFFFB0];
	[tilespmem:s8+$0xFFFFFFC0] =	vst v1;
	v3 =	vor.u32 v0, v3;
	v5 =	vshll.u32 v5, $0x2  }
0x32: {  	v1 =	vld [tilespmem:s7+$0xFFFFFFC0];
	[tilespmem:s8+$0xFFFFFFD0] =	vst v3;
	v5 =	vor.u32 v0, v5;
	v8 =	vshll.u32 v8, $0x2  }
0x33: {  	v3 =	vld [tilespmem:s7+$0xFFFFFFD0];
	[tilespmem:s8+$0xFFFFFFE0] =	vst v5;
	v9 =	vshll.u32 v6, $0x2;
	v8 =	vor.u32 v0, v8  }
0x34: {  	s9 =	sadd.s32 $0x200, s9;
	v6 =	vshll.u32 v7, $0x2;
	v5 =	vld [tilespmem:s7+$0xFFFFFFE0];
	v7 =	vor.u32 v0, v9;
	[tilespmem:s8+$0x0] =	vst v8  }
0x35: {  	v8 =	vld [tilespmem:s7+$0x0];
	v6 =	vor.u32 v0, v6;
	[tilespmem:s8+$0xFFFFFFF0] =	vst v7;
	v4 =	vshll.u32 v4, $0x2  }
0x36: {  	[tilespmem:s7+$0xFFFFFF90] =	vst v6;
	v4 =	vor.u32 v0, v4;
	v2 =	vshll.u32 v2, $0x2;
	v63 =	vld [tilespmem:s7+$0xFFFFFFF0]  }
0x37: {  	[tilespmem:s7+$0xFFFFFFA0] =	vst v4;
	v2 =	vor.u32 v0, v2;
	v1 =	vshll.u32 v1, $0x2  }
0x38: {  	[tilespmem:s7+$0xFFFFFFB0] =	vst v2;
	v1 =	vor.u32 v0, v1;
	v2 =	vshll.u32 v3, $0x2  }
0x39: {  	[tilespmem:s7+$0xFFFFFFC0] =	vst v1;
	v1 =	vor.u32 v0, v2;
	v2 =	vshll.u32 v5, $0x2  }
0x3a: {  	[tilespmem:s7+$0xFFFFFFD0] =	vst v1;
	v1 =	vor.u32 v0, v2;
	v2 =	vshll.u32 v8, $0x2  }
0x3b: {  	[tilespmem:s7+$0xFFFFFFE0] =	vst v1;
	v1 =	vshll.u32 v63, $0x2;
	v2 =	vor.u32 v0, v2  }
0x3c: {  	v1 =	vor.u32 v0, v1;
	[tilespmem:s7+$0x0] =	vst v2  }
0x3d: {  	[tilespmem:s7+$0xFFFFFFF0] =	vst v1  }
0x3e: {  	[spmem:s14], [sflag:s13] =	dma.local [hbm:s5], $0x1900  }
0x3f: {  	_ =	swait.ge [sflag:s11], $0x1900  }
0x40: {  	[sflag:s11] =	ssyncset.done $0x0  }
0x41: {  	[sflag:s11] =	ssyncadd.s32 $0xFFFFE700  }
0x42: {  	s8 =	simm.s32 $0x0;
	[bflag:$0x0] =	sbarrier.arrive $0xFFFF  }
0x43: {  	[tilespmem:s16], [sflag:$0x1] =	stream.indirect.gather [hbm4b:s2+s15], $0x20, s8, s15, $0xb8;
	[tilespmem:$0x1D000] =	vst v63  }
0x44: {  	_ = 	snop  }
0x45: {  	[tilespmem:s17], [sflag:$0x2] =	stream.indirect.gather [hbm4b:s2+s15], $0x20, s15, s15, $0xb8;
	[tilespmem:$0x1D000] =	vst v63  }
0x46: {  	_ = 	snop  }
0x47: {  	[tilespmem:s19], [sflag:$0x3] =	stream.indirect.gather [hbm4b:s2+s15], $0x20, s18, s15, $0xb8;
	[tilespmem:$0x1D000] =	vst v63  }
0x48: {  	_ = 	snop  }
0x49: {  	[tilespmem:s21], [sflag:$0x4] =	stream.indirect.gather [hbm4b:s2+s15], $0x20, s20, s15, $0xb8;
	[tilespmem:$0x1D000] =	vst v63  }
0x4a: {  	_ =	swait.ge [sflag:s22], $0x1000  }
0x4b: {  	[sflag:s22] =	ssyncset.done $0x0  }
0x4c: {  	s9 =	simm.s32 $0x6400;
	[sflag:s22] =	ssyncadd.s32 $0xFFFFF000  }
0x4d: {  	[spmem:s3] =	stream.indirect.scatter.add.f32 [tilespmem:s16], [sflag:$0x5], $0x20, s9, s15, $0xb8;
	[tilespmem:$0x1D000] =	vst v63  }
0x4e: {  	_ =	swait.ge [sflag:s23], $0x1000  }
0x4f: {  	[sflag:s23] =	ssyncset.done $0x0  }
0x50: {  	s8 =	simm.s32 $0x6480;
	[sflag:s23] =	ssyncadd.s32 $0xFFFFF000  }
0x51: {  	[spmem:s3] =	stream.indirect.scatter.add.f32 [tilespmem:s17], [sflag:$0x6], $0x20, s8, s15, $0xb8;
	[tilespmem:$0x1D000] =	vst v63  }
0x52: {  	_ =	swait.ge [sflag:s24], $0x1000  }
0x53: {  	[sflag:s24] =	ssyncset.done $0x0  }
0x54: {  	s9 =	simm.s32 $0x6500;
	[sflag:s24] =	ssyncadd.s32 $0xFFFFF000  }
0x55: {  	[spmem:s3] =	stream.indirect.scatter.add.f32 [tilespmem:s19], [sflag:$0x7], $0x20, s9, s15, $0xb8;
	[tilespmem:$0x1D000] =	vst v63  }
0x56: {  	_ =	swait.ge [sflag:s25], $0x1000  }
0x57: {  	[sflag:s25] =	ssyncset.done $0x0  }
0x58: {  	s8 =	simm.s32 $0x6580;
	[sflag:s25] =	ssyncadd.s32 $0xFFFFF000  }
0x59: {  	[spmem:s3] =	stream.indirect.scatter.add.f32 [tilespmem:s21], [sflag:$0x8], $0x20, s8, s15, $0xb8;
	[tilespmem:$0x1D000] =	vst v63  }
0x5a: {  	_ =	swait.ge [sflag:s26], $0x1000  }
0x5b: {  	[sflag:s26] =	ssyncset.done $0x0  }
0x5c: {  	s9 =	simm.s32 $0x200;
	[sflag:s26] =	ssyncadd.s32 $0xFFFFF000  }
0x5d: {  	[tilespmem:s16], [sflag:$0x1] =	stream.indirect.gather [hbm4b:s2+s15], $0x20, s9, s15, $0xb8;
	[tilespmem:$0x1D000] =	vst v63  }
0x5e: {  	_ =	swait.ge [sflag:s28], $0x1000  }
0x5f: {  	[sflag:s28] =	ssyncset.done $0x0  }
0x60: {  	s8 =	simm.s32 $0x280;
	[sflag:s28] =	ssyncadd.s32 $0xFFFFF000  }
0x61: {  	[tilespmem:s17], [sflag:$0x2] =	stream.indirect.gather [hbm4b:s2+s15], $0x20, s8, s15, $0xb8;
	[tilespmem:$0x1D000] =	vst v63  }
0x62: {  	_ =	swait.ge [sflag:s29], $0x1000  }
0x63: {  	[sflag:s29] =	ssyncset.done $0x0  }
0x64: {  	s9 =	simm.s32 $0x300;
	[sflag:s29] =	ssyncadd.s32 $0xFFFFF000  }
0x65: {  	[tilespmem:s19], [sflag:$0x3] =	stream.indirect.gather [hbm4b:s2+s15], $0x20, s9, s15, $0xb8;
	[tilespmem:$0x1D000] =	vst v63  }
0x66: {  	_ =	swait.ge [sflag:s30], $0x1000  }
0x67: {  	[sflag:s30] =	ssyncset.done $0x0  }
0x68: {  	s7 =	simm.s32 $0x800;
	s8 =	simm.s32 $0x380;
	[sflag:s30] =	ssyncadd.s32 $0xFFFFF000  }
.LBB2_4:
0x69: {  	[tilespmem:s21], [sflag:$0x4] =	stream.indirect.gather [hbm4b:s2+s15], $0x20, s8, s15, $0xb8;
	[tilespmem:$0x1D000] =	vst v63  }
0x6a: {  	s8 =	smov.u32 s7  }
0x6b: {  	p0 =	sne.s32 s7, $0x18000;
	s7 =	sadd.s32 $0x800, s7;
	_ =	swait.ge [sflag:s22], $0x1000  }
0x6c: {  	s8 =	sshra.s32 s8, $0x2;
	[sflag:s22] =	ssyncset.done $0x0  }
0x6d: {  	s9 =	sadd.s32 $0x6400, s8;
	[sflag:s22] =	ssyncadd.s32 $0xFFFFF000  }
0x6e: {  	[spmem:s3] =	stream.indirect.scatter.add.f32 [tilespmem:s16], [sflag:$0x5], $0x20, s9, s15, $0xb8;
	[tilespmem:$0x1D000] =	vst v63  }
0x6f: {  	_ =	swait.ge [sflag:s23], $0x1000  }
0x70: {  	[sflag:s23] =	ssyncset.done $0x0  }
0x71: {  	s9 =	sadd.s32 $0x6480, s8;
	[sflag:s23] =	ssyncadd.s32 $0xFFFFF000  }
0x72: {  	[spmem:s3] =	stream.indirect.scatter.add.f32 [tilespmem:s17], [sflag:$0x6], $0x20, s9, s15, $0xb8;
	[tilespmem:$0x1D000] =	vst v63  }
0x73: {  	_ =	swait.ge [sflag:s24], $0x1000  }
0x74: {  	[sflag:s24] =	ssyncset.done $0x0  }
0x75: {  	s9 =	sadd.s32 $0x6500, s8;
	[sflag:s24] =	ssyncadd.s32 $0xFFFFF000  }
0x76: {  	[spmem:s3] =	stream.indirect.scatter.add.f32 [tilespmem:s19], [sflag:$0x7], $0x20, s9, s15, $0xb8;
	[tilespmem:$0x1D000] =	vst v63  }
0x77: {  	_ =	swait.ge [sflag:s25], $0x1000  }
0x78: {  	[sflag:s25] =	ssyncset.done $0x0  }
0x79: {  	s9 =	sadd.s32 $0x6580, s8;
	[sflag:s25] =	ssyncadd.s32 $0xFFFFF000  }
0x7a: {  	[spmem:s3] =	stream.indirect.scatter.add.f32 [tilespmem:s21], [sflag:$0x8], $0x20, s9, s15, $0xb8;
	[tilespmem:$0x1D000] =	vst v63  }
0x7b: {  	_ =	swait.ge [sflag:s26], $0x1000  }
0x7c: {  	[sflag:s26] =	ssyncset.done $0x0  }
0x7d: {  	s9 =	sadd.s32 $0x200, s8;
	[sflag:s26] =	ssyncadd.s32 $0xFFFFF000  }
0x7e: {  	[tilespmem:s16], [sflag:$0x1] =	stream.indirect.gather [hbm4b:s2+s15], $0x20, s9, s15, $0xb8;
	[tilespmem:$0x1D000] =	vst v63  }
0x7f: {  	_ =	swait.ge [sflag:s28], $0x1000  }
0x80: {  	[sflag:s28] =	ssyncset.done $0x0  }
0x81: {  	s9 =	sadd.s32 $0x280, s8;
	[sflag:s28] =	ssyncadd.s32 $0xFFFFF000  }
0x82: {  	[tilespmem:s17], [sflag:$0x2] =	stream.indirect.gather [hbm4b:s2+s15], $0x20, s9, s15, $0xb8;
	[tilespmem:$0x1D000] =	vst v63  }
0x83: {  	_ =	swait.ge [sflag:s29], $0x1000  }
0x84: {  	[sflag:s29] =	ssyncset.done $0x0  }
.Ltmp1:
0x85: {  	s9 =	sadd.s32 $0x300, s8;
	[sflag:s29] =	ssyncadd.s32 $0xFFFFF000;
	(pc) =	sbr.rel @p0 .LBB2_4-.Ltmp1, $4  }
0x86: {  	[tilespmem:s19], [sflag:$0x3] =	stream.indirect.gather [hbm4b:s2+s15], $0x20, s9, s15, $0xb8;
	[tilespmem:$0x1D000] =	vst v63  }
0x87: {  	_ =	swait.ge [sflag:s30], $0x1000  }
0x88: {  	[sflag:s30] =	ssyncset.done $0x0  }
0x89: {  	s8 =	sadd.s32 $0x380, s8;
	[sflag:s30] =	ssyncadd.s32 $0xFFFFF000  }
0x8a: {  	[tilespmem:s21], [sflag:$0x4] =	stream.indirect.gather [hbm4b:s2+s15], $0x20, s8, s15, $0xb8;
	[tilespmem:$0x1D000] =	vst v63  }
0x8b: {  	_ =	swait.ge [sflag:s22], $0x1000  }
0x8c: {  	[sflag:s22] =	ssyncset.done $0x0  }
0x8d: {  	[sflag:s22] =	ssyncadd.s32 $0xFFFFF000  }
0x8e: {  	[spmem:s3] =	stream.indirect.scatter.add.f32 [tilespmem:s16], [sflag:$0x5], $0x20, s31, s15, $0xb8;
	[tilespmem:$0x1D000] =	vst v63  }
0x8f: {  	_ =	swait.ge [sflag:s23], $0x1000  }
0x90: {  	[sflag:s23] =	ssyncset.done $0x0  }
0x91: {  	[sflag:s23] =	ssyncadd.s32 $0xFFFFF000  }
0x92: {  	[spmem:s3] =	stream.indirect.scatter.add.f32 [tilespmem:s17], [sflag:$0x6], $0x20, s0, s15, $0xb8;
	[tilespmem:$0x1D000] =	vst v63  }
0x93: {  	_ =	swait.ge [sflag:s24], $0x1000  }
0x94: {  	[sflag:s24] =	ssyncset.done $0x0  }
0x95: {  	[sflag:s24] =	ssyncadd.s32 $0xFFFFF000  }
0x96: {  	[spmem:s3] =	stream.indirect.scatter.add.f32 [tilespmem:s19], [sflag:$0x7], $0x20, s1, s15, $0xb8;
	[tilespmem:$0x1D000] =	vst v63  }
0x97: {  	_ =	swait.ge [sflag:s25], $0x1000  }
0x98: {  	[sflag:s25] =	ssyncset.done $0x0  }
0x99: {  	[sflag:s25] =	ssyncadd.s32 $0xFFFFF000  }
0x9a: {  	[spmem:s3] =	stream.indirect.scatter.add.f32 [tilespmem:s21], [sflag:$0x8], $0x20, s12, s15, $0xb8;
	[tilespmem:$0x1D000] =	vst v63  }
0x9b: {  	_ =	swait.ge [sflag:s26], $0x1000  }
0x9c: {  	[sflag:s26] =	ssyncset.done $0x0  }
0x9d: {  	[sflag:s26] =	ssyncadd.s32 $0xFFFFF000  }
0x9e: {  	_ =	swait.ge [sflag:s28], $0x1000  }
0x9f: {  	[sflag:s28] =	ssyncset.done $0x0  }
0xa0: {  	[sflag:s28] =	ssyncadd.s32 $0xFFFFF000  }
0xa1: {  	_ =	swait.ge [sflag:s29], $0x1000  }
0xa2: {  	[sflag:s29] =	ssyncset.done $0x0  }
0xa3: {  	[sflag:s29] =	ssyncadd.s32 $0xFFFFF000  }
0xa4: {  	_ =	swait.ge [sflag:s30], $0x1000  }
0xa5: {  	[sflag:s30] =	ssyncset.done $0x0  }
0xa6: {  	[sflag:s30] =	ssyncadd.s32 $0xFFFFF000  }
0xa7: {  	[bflag:$0x0] =	sbarrier.arrive $0xFFFF  }
0xa8: {  	s7 =	rddreg [dreg:$0x6]  }
0xa9: {  	[hbm:s7@s4], [sflag:s13] =	dma.strided [spmem:s14@s25], $0x1900, s22, $0x4   }
0xaa: {  	_ =	swait.ge [sflag:s11], $0x1900  }
0xab: {  	[sflag:s11] =	ssyncset.done $0x0  }
0xac: {  	[sflag:s11] =	ssyncadd.s32 $0xFFFFE700  }
0xad: {  	s7 =	simm.s32 $0x70;
	[bflag:$0x0] =	sbarrier.arrive $0xFFFF  }
0xae: {  	v3 =	vld [tilespmem:s7+$0xFFFFFF90]  }
0xaf: {  	v5 =	vld [tilespmem:s7+$0xFFFFFFA0]  }
0xb0: {  	v4 =	vld [tilespmem:s7+$0xFFFFFFB0]  }
0xb1: {  	v2 =	vld [tilespmem:s7+$0xFFFFFFC0]  }
0xb2: {  	v1 =	vld [tilespmem:s7+$0xFFFFFFD0]  }
0xb3: {  	s8 =	simm.s32 $0x3C0;
	v6 =	vadd.s32 $0x1, v3;
	v3 =	vld [tilespmem:s7+$0xFFFFFFE0]  }
.LBB2_6:
0xb4: {  	p0 =	sne.s32 s8, $0x18FC0;
	[tilespmem:s7+$0xFFFFFF90] =	vst v6;
	v5 =	vadd.s32 $0x1, v5;
	v6 =	vld [tilespmem:s7+$0x0]  }
0xb5: {  	s9 =	sshra.s32 s8, $0x2;
	[tilespmem:s7+$0xFFFFFFA0] =	vst v5;
	v4 =	vadd.s32 $0x1, v4;
	v7 =	vld [tilespmem:s7+$0xFFFFFFF0]  }
0xb6: {  	v8 =	vld [tilespmem:s9+$0xFFFFFF90];
	[tilespmem:s7+$0xFFFFFFB0] =	vst v4;
	v2 =	vadd.s32 $0x1, v2  }
.Ltmp2:
0xb7: {  	v5 =	vld [tilespmem:s9+$0xFFFFFFA0];
	[tilespmem:s7+$0xFFFFFFC0] =	vst v2;
	v1 =	vadd.s32 $0x1, v1;
	(pc) =	sbr.rel @p0 .LBB2_6-.Ltmp2, $4  }
0xb8: {  	v4 =	vld [tilespmem:s9+$0xFFFFFFB0];
	[tilespmem:s7+$0xFFFFFFD0] =	vst v1;
	v1 =	vadd.s32 $0x1, v3  }
0xb9: {  	v2 =	vld [tilespmem:s9+$0xFFFFFFC0];
	[tilespmem:s7+$0xFFFFFFE0] =	vst v1;
	v3 =	vadd.s32 $0x1, v6  }
0xba: {  	v1 =	vld [tilespmem:s9+$0xFFFFFFD0];
	v7 =	vadd.s32 $0x1, v7;
	[tilespmem:s7+$0x0] =	vst v3  }
0xbb: {  	s8 =	sadd.s32 $0x200, s8;
	v6 =	vadd.s32 $0x1, v8;
	v3 =	vld [tilespmem:s9+$0xFFFFFFE0];
	[tilespmem:s7+$0xFFFFFFF0] =	vst v7;
	s7 =	smov.u32 s9  }
0xbc: {  	[tilespmem:s7+$0xFFFFFF90] =	vst v6;
	v5 =	vadd.s32 $0x1, v5;
	v62 =	vld [tilespmem:s7+$0x0]  }
0xbd: {  	v63 =	vld [tilespmem:s7+$0xFFFFFFF0];
	[tilespmem:s7+$0xFFFFFFA0] =	vst v5;
	v4 =	vadd.s32 $0x1, v4  }
0xbe: {  	[tilespmem:s7+$0xFFFFFFB0] =	vst v4;
	v2 =	vadd.s32 $0x1, v2  }
0xbf: {  	[tilespmem:s7+$0xFFFFFFC0] =	vst v2;
	v1 =	vadd.s32 $0x1, v1  }
0xc0: {  	[tilespmem:s7+$0xFFFFFFD0] =	vst v1;
	v1 =	vadd.s32 $0x1, v3  }
0xc1: {  	[tilespmem:s7+$0xFFFFFFE0] =	vst v1;
	v1 =	vadd.s32 $0x1, v62  }
0xc2: {  	v2 =	vadd.s32 $0x1, v63;
	[tilespmem:s7+$0x0] =	vst v1  }
0xc3: {  	[tilespmem:s7+$0xFFFFFFF0] =	vst v2  }
0xc4: {  	[spmem:s14], [sflag:s13] =	dma.local [hbm:s5], $0x1900  }
0xc5: {  	_ =	swait.ge [sflag:s11], $0x1900  }
0xc6: {  	[sflag:s11] =	ssyncset.done $0x0  }
0xc7: {  	[sflag:s11] =	ssyncadd.s32 $0xFFFFE700  }
0xc8: {  	s8 =	simm.s32 $0x0;
	[bflag:$0x0] =	sbarrier.arrive $0xFFFF  }
0xc9: {  	[tilespmem:s16], [sflag:$0x1] =	stream.indirect.gather [hbm4b:s2+s15], $0x20, s8, s15, $0xb8;
	[tilespmem:$0x1D000] =	vst v63  }
0xca: {  	_ = 	snop  }
0xcb: {  	[tilespmem:s17], [sflag:$0x2] =	stream.indirect.gather [hbm4b:s2+s15], $0x20, s15, s15, $0xb8;
	[tilespmem:$0x1D000] =	vst v63  }
0xcc: {  	_ = 	snop  }
0xcd: {  	[tilespmem:s19], [sflag:$0x3] =	stream.indirect.gather [hbm4b:s2+s15], $0x20, s18, s15, $0xb8;
	[tilespmem:$0x1D000] =	vst v63  }
0xce: {  	_ = 	snop  }
0xcf: {  	[tilespmem:s21], [sflag:$0x4] =	stream.indirect.gather [hbm4b:s2+s15], $0x20, s20, s15, $0xb8;
	[tilespmem:$0x1D000] =	vst v63  }
0xd0: {  	_ =	swait.ge [sflag:s22], $0x1000  }
0xd1: {  	[sflag:s22] =	ssyncset.done $0x0  }
0xd2: {  	s9 =	simm.s32 $0x6400;
	[sflag:s22] =	ssyncadd.s32 $0xFFFFF000  }
0xd3: {  	[spmem:s3] =	stream.indirect.scatter.add.f32 [tilespmem:s16], [sflag:$0x5], $0x20, s9, s15, $0xb8;
	[tilespmem:$0x1D000] =	vst v63  }
0xd4: {  	_ =	swait.ge [sflag:s23], $0x1000  }
0xd5: {  	[sflag:s23] =	ssyncset.done $0x0  }
0xd6: {  	s8 =	simm.s32 $0x6480;
	[sflag:s23] =	ssyncadd.s32 $0xFFFFF000  }
0xd7: {  	[spmem:s3] =	stream.indirect.scatter.add.f32 [tilespmem:s17], [sflag:$0x6], $0x20, s8, s15, $0xb8;
	[tilespmem:$0x1D000] =	vst v63  }
0xd8: {  	_ =	swait.ge [sflag:s24], $0x1000  }
0xd9: {  	[sflag:s24] =	ssyncset.done $0x0  }
0xda: {  	s9 =	simm.s32 $0x6500;
	[sflag:s24] =	ssyncadd.s32 $0xFFFFF000  }
0xdb: {  	[spmem:s3] =	stream.indirect.scatter.add.f32 [tilespmem:s19], [sflag:$0x7], $0x20, s9, s15, $0xb8;
	[tilespmem:$0x1D000] =	vst v63  }
0xdc: {  	_ =	swait.ge [sflag:s25], $0x1000  }
0xdd: {  	[sflag:s25] =	ssyncset.done $0x0  }
0xde: {  	s8 =	simm.s32 $0x6580;
	[sflag:s25] =	ssyncadd.s32 $0xFFFFF000  }
0xdf: {  	[spmem:s3] =	stream.indirect.scatter.add.f32 [tilespmem:s21], [sflag:$0x8], $0x20, s8, s15, $0xb8;
	[tilespmem:$0x1D000] =	vst v63  }
0xe0: {  	_ =	swait.ge [sflag:s26], $0x1000  }
0xe1: {  	[sflag:s26] =	ssyncset.done $0x0  }
0xe2: {  	s9 =	simm.s32 $0x200;
	[sflag:s26] =	ssyncadd.s32 $0xFFFFF000  }
0xe3: {  	[tilespmem:s16], [sflag:$0x1] =	stream.indirect.gather [hbm4b:s2+s15], $0x20, s9, s15, $0xb8;
	[tilespmem:$0x1D000] =	vst v63  }
0xe4: {  	_ =	swait.ge [sflag:s28], $0x1000  }
0xe5: {  	[sflag:s28] =	ssyncset.done $0x0  }
0xe6: {  	s8 =	simm.s32 $0x280;
	[sflag:s28] =	ssyncadd.s32 $0xFFFFF000  }
0xe7: {  	[tilespmem:s17], [sflag:$0x2] =	stream.indirect.gather [hbm4b:s2+s15], $0x20, s8, s15, $0xb8;
	[tilespmem:$0x1D000] =	vst v63  }
0xe8: {  	_ =	swait.ge [sflag:s29], $0x1000  }
0xe9: {  	[sflag:s29] =	ssyncset.done $0x0  }
0xea: {  	s9 =	simm.s32 $0x300;
	[sflag:s29] =	ssyncadd.s32 $0xFFFFF000  }
0xeb: {  	[tilespmem:s19], [sflag:$0x3] =	stream.indirect.gather [hbm4b:s2+s15], $0x20, s9, s15, $0xb8;
	[tilespmem:$0x1D000] =	vst v63  }
0xec: {  	_ =	swait.ge [sflag:s30], $0x1000  }
0xed: {  	[sflag:s30] =	ssyncset.done $0x0  }
0xee: {  	s7 =	simm.s32 $0x800;
	s8 =	simm.s32 $0x380;
	[sflag:s30] =	ssyncadd.s32 $0xFFFFF000  }
.LBB2_8:
0xef: {  	[tilespmem:s21], [sflag:$0x4] =	stream.indirect.gather [hbm4b:s2+s15], $0x20, s8, s15, $0xb8;
	[tilespmem:$0x1D000] =	vst v63  }
0xf0: {  	s8 =	smov.u32 s7  }
0xf1: {  	p0 =	sne.s32 s7, $0x18000;
	s7 =	sadd.s32 $0x800, s7;
	_ =	swait.ge [sflag:s22], $0x1000  }
0xf2: {  	s8 =	sshra.s32 s8, $0x2;
	[sflag:s22] =	ssyncset.done $0x0  }
0xf3: {  	s9 =	sadd.s32 $0x6400, s8;
	[sflag:s22] =	ssyncadd.s32 $0xFFFFF000  }
0xf4: {  	[spmem:s3] =	stream.indirect.scatter.add.f32 [tilespmem:s16], [sflag:$0x5], $0x20, s9, s15, $0xb8;
	[tilespmem:$0x1D000] =	vst v63  }
0xf5: {  	_ =	swait.ge [sflag:s23], $0x1000  }
0xf6: {  	[sflag:s23] =	ssyncset.done $0x0  }
0xf7: {  	s9 =	sadd.s32 $0x6480, s8;
	[sflag:s23] =	ssyncadd.s32 $0xFFFFF000  }
0xf8: {  	[spmem:s3] =	stream.indirect.scatter.add.f32 [tilespmem:s17], [sflag:$0x6], $0x20, s9, s15, $0xb8;
	[tilespmem:$0x1D000] =	vst v63  }
0xf9: {  	_ =	swait.ge [sflag:s24], $0x1000  }
0xfa: {  	[sflag:s24] =	ssyncset.done $0x0  }
0xfb: {  	s9 =	sadd.s32 $0x6500, s8;
	[sflag:s24] =	ssyncadd.s32 $0xFFFFF000  }
0xfc: {  	[spmem:s3] =	stream.indirect.scatter.add.f32 [tilespmem:s19], [sflag:$0x7], $0x20, s9, s15, $0xb8;
	[tilespmem:$0x1D000] =	vst v63  }
0xfd: {  	_ =	swait.ge [sflag:s25], $0x1000  }
0xfe: {  	[sflag:s25] =	ssyncset.done $0x0  }
0xff: {  	s9 =	sadd.s32 $0x6580, s8;
	[sflag:s25] =	ssyncadd.s32 $0xFFFFF000  }
0x100: {  	[spmem:s3] =	stream.indirect.scatter.add.f32 [tilespmem:s21], [sflag:$0x8], $0x20, s9, s15, $0xb8;
	[tilespmem:$0x1D000] =	vst v63  }
0x101: {  	_ =	swait.ge [sflag:s26], $0x1000  }
0x102: {  	[sflag:s26] =	ssyncset.done $0x0  }
0x103: {  	s9 =	sadd.s32 $0x200, s8;
	[sflag:s26] =	ssyncadd.s32 $0xFFFFF000  }
0x104: {  	[tilespmem:s16], [sflag:$0x1] =	stream.indirect.gather [hbm4b:s2+s15], $0x20, s9, s15, $0xb8;
	[tilespmem:$0x1D000] =	vst v63  }
0x105: {  	_ =	swait.ge [sflag:s28], $0x1000  }
0x106: {  	[sflag:s28] =	ssyncset.done $0x0  }
0x107: {  	s9 =	sadd.s32 $0x280, s8;
	[sflag:s28] =	ssyncadd.s32 $0xFFFFF000  }
0x108: {  	[tilespmem:s17], [sflag:$0x2] =	stream.indirect.gather [hbm4b:s2+s15], $0x20, s9, s15, $0xb8;
	[tilespmem:$0x1D000] =	vst v63  }
0x109: {  	_ =	swait.ge [sflag:s29], $0x1000  }
0x10a: {  	[sflag:s29] =	ssyncset.done $0x0  }
.Ltmp3:
0x10b: {  	s9 =	sadd.s32 $0x300, s8;
	[sflag:s29] =	ssyncadd.s32 $0xFFFFF000;
	(pc) =	sbr.rel @p0 .LBB2_8-.Ltmp3, $4  }
0x10c: {  	[tilespmem:s19], [sflag:$0x3] =	stream.indirect.gather [hbm4b:s2+s15], $0x20, s9, s15, $0xb8;
	[tilespmem:$0x1D000] =	vst v63  }
0x10d: {  	_ =	swait.ge [sflag:s30], $0x1000  }
0x10e: {  	[sflag:s30] =	ssyncset.done $0x0  }
0x10f: {  	s8 =	sadd.s32 $0x380, s8;
	[sflag:s30] =	ssyncadd.s32 $0xFFFFF000  }
0x110: {  	[tilespmem:s21], [sflag:$0x4] =	stream.indirect.gather [hbm4b:s2+s15], $0x20, s8, s15, $0xb8;
	[tilespmem:$0x1D000] =	vst v63  }
0x111: {  	_ =	swait.ge [sflag:s22], $0x1000  }
0x112: {  	[sflag:s22] =	ssyncset.done $0x0  }
0x113: {  	[sflag:s22] =	ssyncadd.s32 $0xFFFFF000  }
0x114: {  	[spmem:s3] =	stream.indirect.scatter.add.f32 [tilespmem:s16], [sflag:$0x5], $0x20, s31, s15, $0xb8;
	[tilespmem:$0x1D000] =	vst v63  }
0x115: {  	_ =	swait.ge [sflag:s23], $0x1000  }
0x116: {  	[sflag:s23] =	ssyncset.done $0x0  }
0x117: {  	[sflag:s23] =	ssyncadd.s32 $0xFFFFF000  }
0x118: {  	[spmem:s3] =	stream.indirect.scatter.add.f32 [tilespmem:s17], [sflag:$0x6], $0x20, s0, s15, $0xb8;
	[tilespmem:$0x1D000] =	vst v63  }
0x119: {  	_ =	swait.ge [sflag:s24], $0x1000  }
0x11a: {  	[sflag:s24] =	ssyncset.done $0x0  }
0x11b: {  	[sflag:s24] =	ssyncadd.s32 $0xFFFFF000  }
0x11c: {  	[spmem:s3] =	stream.indirect.scatter.add.f32 [tilespmem:s19], [sflag:$0x7], $0x20, s1, s15, $0xb8;
	[tilespmem:$0x1D000] =	vst v63  }
0x11d: {  	_ =	swait.ge [sflag:s25], $0x1000  }
0x11e: {  	[sflag:s25] =	ssyncset.done $0x0  }
0x11f: {  	[sflag:s25] =	ssyncadd.s32 $0xFFFFF000  }
0x120: {  	[spmem:s3] =	stream.indirect.scatter.add.f32 [tilespmem:s21], [sflag:$0x8], $0x20, s12, s15, $0xb8;
	[tilespmem:$0x1D000] =	vst v63  }
0x121: {  	_ =	swait.ge [sflag:s26], $0x1000  }
0x122: {  	[sflag:s26] =	ssyncset.done $0x0  }
0x123: {  	[sflag:s26] =	ssyncadd.s32 $0xFFFFF000  }
0x124: {  	_ =	swait.ge [sflag:s28], $0x1000  }
0x125: {  	[sflag:s28] =	ssyncset.done $0x0  }
0x126: {  	[sflag:s28] =	ssyncadd.s32 $0xFFFFF000  }
0x127: {  	_ =	swait.ge [sflag:s29], $0x1000  }
0x128: {  	[sflag:s29] =	ssyncset.done $0x0  }
0x129: {  	[sflag:s29] =	ssyncadd.s32 $0xFFFFF000  }
0x12a: {  	_ =	swait.ge [sflag:s30], $0x1000  }
0x12b: {  	[sflag:s30] =	ssyncset.done $0x0  }
0x12c: {  	s6 =	sadd.s32 $0x1, s6;
	[sflag:s30] =	ssyncadd.s32 $0xFFFFF000  }
0x12d: {  	p0 =	sne.s32 s6, s10;
	[bflag:$0x0] =	sbarrier.arrive $0xFFFF  }
.Ltmp4:
0x12e: {  	s7 =	rddreg [dreg:$0x7];
	(pc) =	sbr.rel @p0 .LBB2_1-.Ltmp4, $4  }
0x12f: {  	[hbm:s7@s4], [sflag:s13] =	dma.strided [spmem:s14@s25], $0x1900, s22, $0x4   }
0x130: {  	_ =	swait.ge [sflag:s11], $0x1900  }
0x131: {  	[sflag:s11] =	ssyncset.done $0x0  }
0x132: {  	[sflag:s11] =	ssyncadd.s32 $0xFFFFE700  }
0x133: {  	_ =	sfence.sel $0x180000  }
0x134: {  	[bflag:$0x0] =	sbarrier.arrive $0xFFFF  }
0x135: {  	_ =	strace $0x90000047  }
0x136: {  	s0 =	stileid.u32;
	[bflag:$0x2] =	sbarrier.arrive $0xFFFF  }
0x137: {  	p0 =	sne.s32 s0, $0x0;
	s0 =	rddreg [dreg:$0x3]  }
0x138: {  	s0 =	sadd.s32 @!p0 $0x100000, s0  }
0x139: {  	[sflag:s0] =	ssyncadd.tile.s32 @!p0 $0x1;
	_ =	shalt  }
.Lfunc_end2:
_tile_overlayer_lowered:
.L_overlay_start_2:
0x13a: {  	(tag) =	ssettag $0x2  }
0x13b: {  	s0 =	rddreg [dreg:$0x0];
	s2 =	stileid.u32  }
0x13c: {  	s1 =	rddreg [dreg:$0x1];
	p0 =	sne.s32 s2, $0x0  }
0x13d: {  	s3 =	rddreg [dreg:$0x2];
	[bflag:$0x3] =	sbarrier.arrive $0xFFFF;
	s2 =	simm.s32 @!p0 $0x1C09  }
0x13e: {  	[timem:s3], [sflag:s2] =	dma.local @!p0 [hbm:s0], s1  }
0x13f: {  	s0 =	simm.s32 @!p0 $0x9  }
0x140: {  	_ =	swait.ge @!p0 [sflag:s0], s1  }
0x141: {  	s1 =	ssub.s32 @!p0 $0x0, s1;
	[sflag:s0] =	ssyncset.done @!p0 $0x0  }
0x142: {  	[sflag:s0] =	ssyncadd.s32 @!p0 s1  }
0x143: {  	[bflag:$0x3] =	sbarrier.arrive $0xFFFF  }
0x144: {  	_ =	shalt  }

// kernel: kernel.17.cloned.1.call-start
scs
__scs_entry_jumppad:
0x0: {  	(pc) =	sbr.rel $0x88, $3  }
0x1: {  	(tag) =	ssettag $0x0;
	lr =	simm.s32 $0x1  }
0x2: {  	[smem:$0x3F8C] =	sst lr;
	_ =	strace $0xD0000000  }
0x3: {  	_ = 	snop  }
0x4: {  	_ = 	snop  }
0x5: {  	_ = 	snop  }
0x6: {  	_ = 	snop  }
0x7: {  	_ = 	snop  }
__scs_overlays_trampoline_lowered:
0x8: {  	[smem:$0x3F9B] =	sst s0  }
0x9: {  	[smem:$0x3F9C] =	sst s1  }
0xa: {  	[smem:$0x3F9D] =	sst s2  }
0xb: {  	[smem:$0x3F9E] =	sst s3  }
0xc: {  	[smem:$0x3F9F] =	sst s4  }
0xd: {  	[smem:$0x3FA0] =	sst s5  }
0xe: {  	[smem:$0x3FA1] =	sst s6  }
0xf: {  	[smem:$0x3FA2] =	sst s7  }
0x10: {  	[smem:$0x3FA3] =	sst s8  }
0x11: {  	[smem:$0x3FA4] =	sst s9;
	s0 =	simm.s32 @!p0 $0x0  }
0x12: {  	s1 =	sld [smem:$0x3F8A];
	s0 =	simm.s32 @p0 $0x1  }
0x13: {  	[smem:$0x3FA5] =	sst s0;
	s0 =	simm.s32 @!p1 $0x0  }
0x14: {  	s2 =	sld [smem:$0x3F89];
	s0 =	simm.s32 @p1 $0x1  }
0x15: {  	[smem:$0x3FA6] =	sst s0;
	s0 =	simm.s32 @!p2 $0x0  }
0x16: {  	s3 =	sld [smem:$0x3FDB];
	s0 =	simm.s32 @p2 $0x1  }
0x17: {  	s4 =	simm.s32 $0x1BF5;
	[smem:$0x3FA8] =	sst s0  }
0x18: {  	s0 =	sld [smem:$0x3F8B];
	_ =	swait.ge [sflag:s4], $0x0  }
0x19: {  	s7 =	sld [smem:$0x3F8C]  }
0x1a: {  	s8 =	sadd.s32 $0xFFFFE003, lr  }
0x1b: {  	s9 =	sadd.s32 $0xFFFFFEF7, lr;
	s5 =	simm.s32 $0xFFFFFFFF;
	p2 =	slt.u32 s8, $0xFFFFF086  }
0x1c: {  	p1 =	slt.u32 s9, $0xF7A;
	s5 =	simm.s32 @!p2 $0x0  }
0x1d: {  	s5 =	simm.s32 @p1 $0x1;
	p0 =	seq.s32 s7, s2  }
0x1e: {  	s7 =	smul.u32 @!p0 $0xF7A, s2;
	p2 =	seq.s32 @!p0 s5, $0x0  }
0x1f: {  	s9 =	smul.u32 $0xF7A, s1;
	s8 =	simm.s32 @!p0 $0x1BF5;
	p2 =	por !p2, p0  }
0x20: {  	[sflag:s8] =	ssyncset.s32 @!p0 $0xFFFFF086;
	s6 =	sadd.s32 @!p0 s3, s7;
	s7 =	simm.s32 @!p0 $0x108  }
0x21: {  	s3 =	sadd.s32 s3, s9;
	s6 =	sadd.s32 @!p0 $0x88, s6;
	s7 =	simm.s32 @p2 $0x1082  }
0x22: {  	[simem:s7], [sflag:s8] =	dma.local @!p0 [hbm:s6], $0xF7A  }
0x23: {  	s9 =	sor.u32 $0xD0000000, s2;
	s6 =	simm.s32 $0x108;
	_ =	swait.ge @!p0 [sflag:s8], $0x0  }
0x24: {  	s3 =	sadd.s32 $0x88, s3;
	s6 =	simm.s32 @!p1 $0x1082;
	[sflag:s4] =	ssyncset.s32 $0xFFFFF086  }
0x25: {  	[simem:s6], [sflag:s4] =	dma.local [hbm:s3], $0xF7A  }
0x26: {  	[smem:$0x3F8C] =	sst s1;
	(tag) =	ssettag s2;
	_ =	strace s9  }
0x27: {  	s1 =	sld [smem:$0x3F9C]  }
0x28: {  	s2 =	sld [smem:$0x3F9D]  }
0x29: {  	s4 =	sld [smem:$0x3F9F]  }
0x2a: {  	p0 =	seq.s32 s5, $0x0;
	s5 =	sld [smem:$0x3FA0]  }
0x2b: {  	s6 =	sld [smem:$0x3FA1]  }
0x2c: {  	s7 =	sld [smem:$0x3FA2]  }
0x2d: {  	s3 =	simm.s32 $0x108;
	s8 =	sld [smem:$0x3FA3]  }
0x2e: {  	s3 =	simm.s32 @!p0 $0x1082;
	s9 =	sld [smem:$0x3FA4]  }
0x2f: {  	lr =	sadd.s32 s0, s3;
	s0 =	sld [smem:$0x3F9B]  }
0x30: {  	s3 =	sld [smem:$0x3F9E]  }
0x31: {  	[smem:$0x3FA7] =	sst s10  }
0x32: {  	s10 =	sld [smem:$0x3FA5];
	_ =	sdelay $0x3  }
0x33: {  	p0 =	seq.s32 s10, $0x1;
	s10 =	sld [smem:$0x3FA7];
	_ =	sdelay $0x3  }
0x34: {  	[smem:$0x3FA7] =	sst s10  }
0x35: {  	s10 =	sld [smem:$0x3FA6];
	_ =	sdelay $0x3  }
0x36: {  	p1 =	seq.s32 s10, $0x1;
	s10 =	sld [smem:$0x3FA7];
	_ =	sdelay $0x3  }
0x37: {  	[smem:$0x3FA7] =	sst s10  }
0x38: {  	s10 =	sld [smem:$0x3FA8]  }
0x39: {  	_ = 	snop;
	(pc) =	sbr.ind lr, $3  }
0x3a: {  	_ = 	snop  }
0x3b: {  	_ = 	snop  }
0x3c: {  	p2 =	seq.s32 s10, $0x1;
	s10 =	sld [smem:$0x3FA7]  }
0x3d: {  	_ =	shalt  }
0x3e: {  	_ =	shalt  }
0x3f: {  	_ =	shalt  }
0x40: {  	_ =	shalt  }
0x41: {  	_ =	shalt  }
0x42: {  	_ =	shalt  }
0x43: {  	_ =	shalt  }
0x44: {  	_ =	shalt  }
0x45: {  	_ =	shalt  }
0x46: {  	_ =	shalt  }
0x47: {  	_ =	shalt  }
0x48: {  	_ =	shalt  }
0x49: {  	_ =	shalt  }
0x4a: {  	_ =	shalt  }
0x4b: {  	_ =	shalt  }
0x4c: {  	_ =	shalt  }
0x4d: {  	_ =	shalt  }
0x4e: {  	_ =	shalt  }
0x4f: {  	_ =	shalt  }
0x50: {  	_ =	shalt  }
0x51: {  	_ =	shalt  }
0x52: {  	_ =	shalt  }
0x53: {  	_ =	shalt  }
0x54: {  	_ =	shalt  }
0x55: {  	_ =	shalt  }
0x56: {  	_ =	shalt  }
0x57: {  	_ =	shalt  }
0x58: {  	_ =	shalt  }
0x59: {  	_ =	shalt  }
0x5a: {  	_ =	shalt  }
0x5b: {  	_ =	shalt  }
0x5c: {  	_ =	shalt  }
0x5d: {  	_ =	shalt  }
0x5e: {  	_ =	shalt  }
0x5f: {  	_ =	shalt  }
0x60: {  	_ =	shalt  }
0x61: {  	_ =	shalt  }
0x62: {  	_ =	shalt  }
0x63: {  	_ =	shalt  }
0x64: {  	_ =	shalt  }
0x65: {  	_ =	shalt  }
0x66: {  	_ =	shalt  }
0x67: {  	_ =	shalt  }
0x68: {  	_ =	shalt  }
0x69: {  	_ =	shalt  }
0x6a: {  	_ =	shalt  }
0x6b: {  	_ =	shalt  }
0x6c: {  	_ =	shalt  }
0x6d: {  	_ =	shalt  }
0x6e: {  	_ =	shalt  }
0x6f: {  	_ =	shalt  }
0x70: {  	_ =	shalt  }
0x71: {  	_ =	shalt  }
0x72: {  	_ =	shalt  }
0x73: {  	_ =	shalt  }
0x74: {  	_ =	shalt  }
0x75: {  	_ =	shalt  }
0x76: {  	_ =	shalt  }
0x77: {  	_ =	shalt  }
0x78: {  	_ =	shalt  }
0x79: {  	_ =	shalt  }
0x7a: {  	_ =	shalt  }
0x7b: {  	_ =	shalt  }
0x7c: {  	_ =	shalt  }
0x7d: {  	_ =	shalt  }
0x7e: {  	_ =	shalt  }
0x7f: {  	_ =	shalt  }
0x80: {  	_ =	shalt  }
0x81: {  	_ =	shalt  }
0x82: {  	_ =	shalt  }
0x83: {  	_ =	shalt  }
0x84: {  	_ =	shalt  }
0x85: {  	_ =	shalt  }
0x86: {  	_ =	shalt  }
0x87: {  	_ =	shalt  }
.Lfunc_end0:
.L_simem_size_0:
called_computation.1_lowered:
.L_overlay_start_0:
0x88: {  	s2 =	sld [smem:$0x3FD9]  }
0x89: {  	s3 =	sld [smem:$0x3FFE];
	_ =	sdelay $0x1  }
0x8a: {  	s1 =	srdreg.scid  }
0x8b: {  	s0 =	sand.u32 $0x1, s1  }
0x8c: {  	s16 =	sshll.u32 s0, $0xA;
	s2 =	sadd.s32 s3, s2  }
0x8d: {  	s2 =	sadd.s32 s2, s16  }
0x8e: {  	[smem:$0x3FB3] =	sst s2  }
0x8f: {  	_ = 	snop  }
0x90: {  	(tm) =	ssettm $0x1  }
0x91: {  	s17 =	sld [smem:$0x3FFB];
	_ =	sdelay $0x3  }
0x92: {  	_ =	strace s17  }
0x93: {  	s2 =	sld [smem:$0x3FFC];
	_ =	sdelay $0x3  }
0x94: {  	_ =	strace s2  }
0x95: {  	s2 =	sld [smem:$0x3FFD];
	_ =	sdelay $0x3  }
0x96: {  	_ =	strace s2  }
0x97: {  	_ =	strace $0x8FFFFFFF  }
0x98: {  	s18 =	sld [smem:$0x3FDB];
	_ =	sdelay $0x1  }
0x99: {  	s19 =	simm.s32 $_scs_section_size  }
0x9a: {  	s4 =	simm.s32 $_size__tile_overlayer_lowered;
	s5 =	simm.s32 $_tile_overlayer_lowered  }
0x9b: {  	s22 =	simm.s32 $0x1BFF;
	s21 =	sshll.u32 s5, $0x1;
	s2 =	sadd.s32 s19, s18  }
0x9c: {  	s6 =	simm.s32 $0x0;
	s20 =	sshll.u32 s4, $0x1;
	s4 =	sadd.s32 s21, s2  }
0x9d: {  	[timem:s6], [sflag:s22] =	dma.local [hbm:s4], s20  }
0x9e: {  	_ =	swait.ge [sflag:s22], s20  }
0x9f: {  	s3 =	ssub.s32 $0x0, s20;
	[sflag:s22] =	ssyncset.done $0x0  }
0xa0: {  	[sflag:s22] =	ssyncadd.s32 s3;
	_ =	sdelay $0x1  }
0xa1: {  	s23 =	simm.s32 $0x1B8B  }
0xa2: {  	_ =	swait.ge [sflag:s23], $0x1  }
0xa3: {  	[sflag:s23] =	ssyncset.done $0x0  }
0xa4: {  	s25 =	simm.s32 $0x1B8E;
	s24 =	sld [smem:$0x3FFE];
	[sflag:s23] =	ssyncadd.s32 $0xFFFFFFFF  }
0xa5: {  	s26 =	simm.s32 $execute0_lowered;
	[smem:$0x3FD2] =	sst s25  }
0xa6: {  	s4 =	sshll.u32 s26, $0x1;
	_ =	strace $0x80000049;
	[dreg:$0x1] =	wrdreg $0xFFFFFFFF  }
0xa7: {  	s28 =	simm.s32 $_size_execute0_lowered;
	s2 =	sadd.s32 s2, s4;
	[dreg:$0x0] =	wrdreg $0x0  }
0xa8: {  	s4 =	sshll.u32 s28, $0x1;
	[dreg:$0x2] =	wrdreg s2  }
0xa9: {  	[dreg:$0x3] =	wrdreg s4  }
0xaa: {  	[dreg:$0x4] =	wrdreg $0xC0  }
0xab: {  	_ =	task [dreg:s6], $0x5FFFF  }
0xac: {  	[dreg:$0x1] =	wrdreg $0xFFFFFFFF  }
0xad: {  	[dreg:$0x0] =	wrdreg $0x60  }
0xae: {  	[dreg:$0x2] =	wrdreg s24  }
0xaf: {  	[dreg:$0x3] =	wrdreg $0x108000  }
0xb0: {  	[dreg:$0x4] =	wrdreg $0x9  }
0xb1: {  	_ =	task.clear_ibuf [dreg:s6], $0x5FFFF;
	_ =	strace $0x90000049  }
0xb2: {  	s29 =	simm.s32 $0x9;
	_ =	strace $0x8000004B  }
0xb3: {  	_ =	swait.ge [sflag:s29], $0x1  }
0xb4: {  	[sflag:s29] =	ssyncadd.s32 $0xFFFFFFFF  }
0xb5: {  	_ =	strace $0x9000004B  }
0xb6: {  	_ =	sfence  }
0xb7: {  	s30 =	sld [smem:$0x0];
	_ =	sdelay $0x2  }
0xb8: {  	s31 =	sshll.u32 s1, $0xD;
	s1 =	sshrl.u32 s1, $0x2  }
0xb9: {  	s3 =	sand.u32 $0x4000, s31;
	s1 =	sadd.s32 s1, s30  }
0xba: {  	s0 =	sor.u32 s3, s0;
	s1 =	sshll.u32 s1, $0x11  }
0xbb: {  	s0 =	sor.u32 s1, s0  }
0xbc: {  	s0 =	sadd.s32 $0x8F2B, s0  }
0xbd: {  	[sflag:s0] =	ssyncadd.remote.s32 $0x1  }
0xbe: {  	_ =	sfence.sel $0xFFFF  }
0xbf: {  	[dreg:$0x0] =	wrdreg $0xFFFFFFFF;
	(pc) =	sbr.abs _section_cstart, $3  }
0xc0: {  	[dreg:$0x1] =	wrdreg $0xFFFFFFFF  }
0xc1: {  	_ =	task.clear_ibuf [dreg:s6], $0x2FFFF;
	_ =	strace $0x9FFFFFFF  }
0xc2: {  	(tm) =	ssettm $0x7FFFFFFF  }
0xc3: {  	_ =	shalt  }
tec
execute0_lowered:
.L_overlay_start_1:
0x0: {  	(tag) =	ssettag $0x1  }
0x1: {  	s0 =	rddreg [dreg:$0x0]  }
0x2: {  	s2 =	rddreg [dreg:$0x1];
	s12 =	stileid.u32  }
0x3: {  	s4 =	simm.s32 $0x0;
	s3 =	srdreg.scid;
	s11 =	simm.s32 $0x9  }
0x4: {  	s15 =	simm.s32 $0x80;
	s16 =	simm.s32 $0xC800;
	s17 =	simm.s32 $0xD800  }
0x5: {  	s18 =	simm.s32 $0x100;
	s19 =	simm.s32 $0xE800;
	s20 =	simm.s32 $0x180  }
0x6: {  	s21 =	simm.s32 $0xF800;
	s28 =	simm.s32 $0x6;
	s29 =	simm.s32 $0x7  }
0x7: {  	s30 =	simm.s32 $0x8;
	s31 =	simm.s32 $0xC600;
	s1 =	smul.u32 $0xC80, s12  }
0x8: {  	[smem:$0x7FF] =	sst s4;
	s3 =	sand.u32 $0x1, s3;
	s6 =	smul.u32 $0x32000, s12  }
0x9: {  	s4 =	sadd.s32 $0x22800, s0;
	s26 =	sshll.u32 s12, $0x6;
	s12 =	simm.s32 $0xC780  }
0xa: {  	_ =	strace $0x8000004A;
	s5 =	sshll.u32 s3, $0x6;
	s8 =	ssub.s32 $0x2, s3  }
0xb: {  	s3 =	sshll.u32 s3, $0x1;
	s13 =	sor.u32 $0x1C09, s26;
	s26 =	simm.s32 $0x5  }
0xc: {  	s1 =	sadd.s32 s1, s0;
	s7 =	sor.u32 s5, s6;
	s5 =	sadd.s32 $0x20E00, s0  }
0xd: {  	s9 =	sshrl.u32 s8, $0x1;
	s24 =	sshrl.u32 s6, $0x2;
	v0 =	vmov s3;
	s3 =	simm.s32 $0x10  }
0xe: {  	s6 =	simm.s32 $0x0;
	s7 =	sshrl.u32 s7, $0x3;
	s23 =	sadd.s32 $0x14600, s1  }
0xf: {  	s22 =	ssub.s32 s8, s9;
	s1 =	sadd.s32 $0x7E00, s1;
	[dreg:$0x3] =	wrdreg s23  }
0x10: {  	s0 =	sadd.s32 s7, s0;
	[dreg:$0x4] =	wrdreg s1;
	s1 =	sadd.s32 s24, s2  }
0x11: {  	s10 =	smax.u32 s22, $0x1;
	s22 =	simm.s32 $0x1;
	s23 =	simm.s32 $0x2  }
0x12: {  	s24 =	simm.s32 $0x3;
	s25 =	sadd.s32 $0x86800, s0;
	s0 =	sadd.s32 $0x86804, s0  }
0x13: {  	s14 =	sshrl.u32 s1, $0x3;
	s1 =	simm.s32 $0xC700;
	[dreg:$0x5] =	wrdreg s25  }
0x14: {  	[dreg:$0x6] =	wrdreg s0;
	s25 =	simm.s32 $0x4;
	s0 =	simm.s32 $0xC680  }
.LBB2_1:
0x15: {  	s7 =	simm.s32 $0x0;
	s8 =	rddreg [dreg:$0x3]  }
0x16: {  	[tilespmem:s7], [sflag:$0x9] =	stream.linear.gather [hbm4b:s8+s7], $0x6400, $0x38;
	[tilespmem:$0x1D000] =	vst v63  }
0x17: {  	_ =	swait.ge [sflag:s11], $0x6400  }
0x18: {  	[sflag:s11] =	ssyncset.done $0x0  }
0x19: {  	s9 =	simm.s32 $0x6400;
	s8 =	rddreg [dreg:$0x4];
	[sflag:s11] =	ssyncadd.s32 $0xFFFF9C00  }
0x1a: {  	[tilespmem:s9], [sflag:$0x9] =	stream.linear.gather [hbm4b:s8+s7], $0x6400, $0x38;
	[tilespmem:$0x1D000] =	vst v63  }
0x1b: {  	_ =	swait.ge [sflag:s11], $0x6400  }
0x1c: {  	[sflag:s11] =	ssyncset.done $0x0  }
0x1d: {  	s8 =	simm.s32 $0x70;
	[sflag:s11] =	ssyncadd.s32 $0xFFFF9C00  }
0x1e: {  	v1 =	vld [tilespmem:s8+$0xFFFFFF90];
	_ =	sdelay $0x1  }
0x1f: {  	v2 =	vld [tilespmem:s8+$0xFFFFFFA0]  }
0x20: {  	v3 =	vld [tilespmem:s8+$0xFFFFFFB0]  }
0x21: {  	v5 =	vld [tilespmem:s8+$0xFFFFFFC0]  }
0x22: {  	v6 =	vld [tilespmem:s8+$0xFFFFFFD0];
	v1 =	vshll.u32 v1, $0x2  }
0x23: {  	v7 =	vld [tilespmem:s8+$0xFFFFFFE0];
	v1 =	vor.u32 v0, v1  }
0x24: {  	v8 =	vld [tilespmem:s8+$0x0];
	[tilespmem:s8+$0xFFFFFF90] =	vst v1;
	v1 =	vshll.u32 v2, $0x2  }
0x25: {  	s7 =	simm.s32 $0xF0;
	v9 =	vld [tilespmem:s8+$0xFFFFFFF0];
	v2 =	vshll.u32 v3, $0x2;
	v1 =	vor.u32 v0, v1  }
0x26: {  	v10 =	vld [tilespmem:s7+$0xFFFFFF90];
	[tilespmem:s8+$0xFFFFFFA0] =	vst v1;
	v1 =	vor.u32 v0, v2;
	v2 =	vshll.u32 v5, $0x2  }
0x27: {  	v3 =	vshll.u32 v6, $0x2;
	v4 =	vld [tilespmem:s7+$0xFFFFFFA0];
	[tilespmem:s8+$0xFFFFFFB0] =	vst v1;
	v1 =	vor.u32 v0, v2  }
0x28: {  	v3 =	vor.u32 v0, v3;
	v5 =	vshll.u32 v7, $0x2;
	v2 =	vld [tilespmem:s7+$0xFFFFFFB0];
	[tilespmem:s8+$0xFFFFFFC0] =	vst v1  }
0x29: {  	v6 =	vshll.u32 v8, $0x2;
	v5 =	vor.u32 v0, v5;
	v1 =	vld [tilespmem:s7+$0xFFFFFFC0];
	[tilespmem:s8+$0xFFFFFFD0] =	vst v3  }
0x2a: {  	v8 =	vor.u32 v0, v6;
	v7 =	vshll.u32 v9, $0x2;
	v3 =	vld [tilespmem:s7+$0xFFFFFFD0];
	[tilespmem:s8+$0xFFFFFFE0] =	vst v5  }
0x2b: {  	s9 =	simm.s32 $0x5C0;
	v7 =	vor.u32 v0, v7;
	v6 =	vshll.u32 v10, $0x2;
	v5 =	vld [tilespmem:s7+$0xFFFFFFE0];
	[tilespmem:s8+$0x0] =	vst v8  }
.LBB2_2:
0x2c: {  	p0 =	sne.s32 s9, $0x18FC0;
	v6 =	vor.u32 v0, v6;
	v4 =	vshll.u32 v4, $0x2;
	v8 =	vld [tilespmem:s7+$0x0];
	[tilespmem:s8+$0xFFFFFFF0] =	vst v7;
	s8 =	smov.u32 s7  }
0x2d: {  	s7 =	sshra.s32 s9, $0x2;
	[tilespmem:s8+$0xFFFFFF90] =	vst v6;
	v4 =	vor.u32 v0, v4;
	v2 =	vshll.u32 v2, $0x2;
	v6 =	vld [tilespmem:s8+$0xFFFFFFF0]  }
0x2e: {  	v7 =	vld [tilespmem:s7+$0xFFFFFF90];
	[tilespmem:s8+$0xFFFFFFA0] =	vst v4;
	v2 =	vor.u32 v0, v2;
	v1 =	vshll.u32 v1, $0x2  }
.Ltmp0:
0x2f: {  	v4 =	vld [tilespmem:s7+$0xFFFFFFA0];
	[tilespmem:s8+$0xFFFFFFB0] =	vst v2;
	v1 =	vor.u32 v0, v1;
	v3 =	vshll.u32 v3, $0x2;
	(pc) =	sbr.rel @p0 .LBB2_2-.Ltmp0, $4  }
0x30: {  	v2 =	vld [tilespmem:s7+$0xFFFFFFB0];
	[tilespmem:s8+$0xFFFFFFC0] =	vst v1;
	v3 =	vor.u32 v0, v3;
	v5 =	vshll.u32 v5, $0x2  }
0x31: {  	v1 =	vld [tilespmem:s7+$0xFFFFFFC0];
	[tilespmem:s8+$0xFFFFFFD0] =	vst v3;
	v5 =	vor.u32 v0, v5;
	v8 =	vshll.u32 v8, $0x2  }
0x32: {  	v3 =	vld [tilespmem:s7+$0xFFFFFFD0];
	[tilespmem:s8+$0xFFFFFFE0] =	vst v5;
	v9 =	vshll.u32 v6, $0x2;
	v8 =	vor.u32 v0, v8  }
0x33: {  	s9 =	sadd.s32 $0x200, s9;
	v6 =	vshll.u32 v7, $0x2;
	v5 =	vld [tilespmem:s7+$0xFFFFFFE0];
	v7 =	vor.u32 v0, v9;
	[tilespmem:s8+$0x0] =	vst v8  }
0x34: {  	v8 =	vld [tilespmem:s7+$0x0];
	v6 =	vor.u32 v0, v6;
	[tilespmem:s8+$0xFFFFFFF0] =	vst v7;
	v4 =	vshll.u32 v4, $0x2  }
0x35: {  	[tilespmem:s7+$0xFFFFFF90] =	vst v6;
	v4 =	vor.u32 v0, v4;
	v2 =	vshll.u32 v2, $0x2;
	v63 =	vld [tilespmem:s7+$0xFFFFFFF0]  }
0x36: {  	[tilespmem:s7+$0xFFFFFFA0] =	vst v4;
	v2 =	vor.u32 v0, v2;
	v1 =	vshll.u32 v1, $0x2  }
0x37: {  	[tilespmem:s7+$0xFFFFFFB0] =	vst v2;
	v1 =	vor.u32 v0, v1;
	v2 =	vshll.u32 v3, $0x2  }
0x38: {  	[tilespmem:s7+$0xFFFFFFC0] =	vst v1;
	v1 =	vor.u32 v0, v2;
	v2 =	vshll.u32 v5, $0x2  }
0x39: {  	[tilespmem:s7+$0xFFFFFFD0] =	vst v1;
	v1 =	vor.u32 v0, v2;
	v2 =	vshll.u32 v8, $0x2  }
0x3a: {  	[tilespmem:s7+$0xFFFFFFE0] =	vst v1;
	v1 =	vshll.u32 v63, $0x2;
	v2 =	vor.u32 v0, v2  }
0x3b: {  	v1 =	vor.u32 v0, v1;
	[tilespmem:s7+$0x0] =	vst v2  }
0x3c: {  	[tilespmem:s7+$0xFFFFFFF0] =	vst v1  }
0x3d: {  	[spmem:s14], [sflag:s13] =	dma.local [hbm:s5], $0x1900  }
0x3e: {  	_ =	swait.ge [sflag:s11], $0x1900  }
0x3f: {  	[sflag:s11] =	ssyncset.done $0x0  }
0x40: {  	[sflag:s11] =	ssyncadd.s32 $0xFFFFE700  }
0x41: {  	s8 =	simm.s32 $0x0;
	[bflag:$0x0] =	sbarrier.arrive $0xFFFF  }
0x42: {  	[tilespmem:s16], [sflag:$0x1] =	stream.indirect.gather [hbm4b:s4+s15], $0x20, s8, s15, $0xb8;
	[tilespmem:$0x1D000] =	vst v63  }
0x43: {  	_ = 	snop  }
0x44: {  	[tilespmem:s17], [sflag:$0x2] =	stream.indirect.gather [hbm4b:s4+s15], $0x20, s15, s15, $0xb8;
	[tilespmem:$0x1D000] =	vst v63  }
0x45: {  	_ = 	snop  }
0x46: {  	[tilespmem:s19], [sflag:$0x3] =	stream.indirect.gather [hbm4b:s4+s15], $0x20, s18, s15, $0xb8;
	[tilespmem:$0x1D000] =	vst v63  }
0x47: {  	_ = 	snop  }
0x48: {  	[tilespmem:s21], [sflag:$0x4] =	stream.indirect.gather [hbm4b:s4+s15], $0x20, s20, s15, $0xb8;
	[tilespmem:$0x1D000] =	vst v63  }
0x49: {  	_ =	swait.ge [sflag:s22], $0x1000  }
0x4a: {  	[sflag:s22] =	ssyncset.done $0x0  }
0x4b: {  	s9 =	simm.s32 $0x6400;
	[sflag:s22] =	ssyncadd.s32 $0xFFFFF000  }
0x4c: {  	[spmem:s2] =	stream.indirect.scatter.add.f32 [tilespmem:s16], [sflag:$0x5], $0x20, s9, s15, $0xb8;
	[tilespmem:$0x1D000] =	vst v63  }
0x4d: {  	_ =	swait.ge [sflag:s23], $0x1000  }
0x4e: {  	[sflag:s23] =	ssyncset.done $0x0  }
0x4f: {  	s8 =	simm.s32 $0x6480;
	[sflag:s23] =	ssyncadd.s32 $0xFFFFF000  }
0x50: {  	[spmem:s2] =	stream.indirect.scatter.add.f32 [tilespmem:s17], [sflag:$0x6], $0x20, s8, s15, $0xb8;
	[tilespmem:$0x1D000] =	vst v63  }
0x51: {  	_ =	swait.ge [sflag:s24], $0x1000  }
0x52: {  	[sflag:s24] =	ssyncset.done $0x0  }
0x53: {  	s9 =	simm.s32 $0x6500;
	[sflag:s24] =	ssyncadd.s32 $0xFFFFF000  }
0x54: {  	[spmem:s2] =	stream.indirect.scatter.add.f32 [tilespmem:s19], [sflag:$0x7], $0x20, s9, s15, $0xb8;
	[tilespmem:$0x1D000] =	vst v63  }
0x55: {  	_ =	swait.ge [sflag:s25], $0x1000  }
0x56: {  	[sflag:s25] =	ssyncset.done $0x0  }
0x57: {  	s8 =	simm.s32 $0x6580;
	[sflag:s25] =	ssyncadd.s32 $0xFFFFF000  }
0x58: {  	[spmem:s2] =	stream.indirect.scatter.add.f32 [tilespmem:s21], [sflag:$0x8], $0x20, s8, s15, $0xb8;
	[tilespmem:$0x1D000] =	vst v63  }
0x59: {  	_ =	swait.ge [sflag:s26], $0x1000  }
0x5a: {  	[sflag:s26] =	ssyncset.done $0x0  }
0x5b: {  	s9 =	simm.s32 $0x200;
	[sflag:s26] =	ssyncadd.s32 $0xFFFFF000  }
0x5c: {  	[tilespmem:s16], [sflag:$0x1] =	stream.indirect.gather [hbm4b:s4+s15], $0x20, s9, s15, $0xb8;
	[tilespmem:$0x1D000] =	vst v63  }
0x5d: {  	_ =	swait.ge [sflag:s28], $0x1000  }
0x5e: {  	[sflag:s28] =	ssyncset.done $0x0  }
0x5f: {  	s8 =	simm.s32 $0x280;
	[sflag:s28] =	ssyncadd.s32 $0xFFFFF000  }
0x60: {  	[tilespmem:s17], [sflag:$0x2] =	stream.indirect.gather [hbm4b:s4+s15], $0x20, s8, s15, $0xb8;
	[tilespmem:$0x1D000] =	vst v63  }
0x61: {  	_ =	swait.ge [sflag:s29], $0x1000  }
0x62: {  	[sflag:s29] =	ssyncset.done $0x0  }
0x63: {  	s9 =	simm.s32 $0x300;
	[sflag:s29] =	ssyncadd.s32 $0xFFFFF000  }
0x64: {  	[tilespmem:s19], [sflag:$0x3] =	stream.indirect.gather [hbm4b:s4+s15], $0x20, s9, s15, $0xb8;
	[tilespmem:$0x1D000] =	vst v63  }
0x65: {  	_ =	swait.ge [sflag:s30], $0x1000  }
0x66: {  	[sflag:s30] =	ssyncset.done $0x0  }
0x67: {  	s7 =	simm.s32 $0x800;
	s8 =	simm.s32 $0x380;
	[sflag:s30] =	ssyncadd.s32 $0xFFFFF000  }
.LBB2_4:
0x68: {  	[tilespmem:s21], [sflag:$0x4] =	stream.indirect.gather [hbm4b:s4+s15], $0x20, s8, s15, $0xb8;
	[tilespmem:$0x1D000] =	vst v63  }
0x69: {  	s8 =	smov.u32 s7  }
0x6a: {  	p0 =	sne.s32 s7, $0x18000;
	s7 =	sadd.s32 $0x800, s7;
	_ =	swait.ge [sflag:s22], $0x1000  }
0x6b: {  	s8 =	sshra.s32 s8, $0x2;
	[sflag:s22] =	ssyncset.done $0x0  }
0x6c: {  	s9 =	sadd.s32 $0x6400, s8;
	[sflag:s22] =	ssyncadd.s32 $0xFFFFF000  }
0x6d: {  	[spmem:s2] =	stream.indirect.scatter.add.f32 [tilespmem:s16], [sflag:$0x5], $0x20, s9, s15, $0xb8;
	[tilespmem:$0x1D000] =	vst v63  }
0x6e: {  	_ =	swait.ge [sflag:s23], $0x1000  }
0x6f: {  	[sflag:s23] =	ssyncset.done $0x0  }
0x70: {  	s9 =	sadd.s32 $0x6480, s8;
	[sflag:s23] =	ssyncadd.s32 $0xFFFFF000  }
0x71: {  	[spmem:s2] =	stream.indirect.scatter.add.f32 [tilespmem:s17], [sflag:$0x6], $0x20, s9, s15, $0xb8;
	[tilespmem:$0x1D000] =	vst v63  }
0x72: {  	_ =	swait.ge [sflag:s24], $0x1000  }
0x73: {  	[sflag:s24] =	ssyncset.done $0x0  }
0x74: {  	s9 =	sadd.s32 $0x6500, s8;
	[sflag:s24] =	ssyncadd.s32 $0xFFFFF000  }
0x75: {  	[spmem:s2] =	stream.indirect.scatter.add.f32 [tilespmem:s19], [sflag:$0x7], $0x20, s9, s15, $0xb8;
	[tilespmem:$0x1D000] =	vst v63  }
0x76: {  	_ =	swait.ge [sflag:s25], $0x1000  }
0x77: {  	[sflag:s25] =	ssyncset.done $0x0  }
0x78: {  	s9 =	sadd.s32 $0x6580, s8;
	[sflag:s25] =	ssyncadd.s32 $0xFFFFF000  }
0x79: {  	[spmem:s2] =	stream.indirect.scatter.add.f32 [tilespmem:s21], [sflag:$0x8], $0x20, s9, s15, $0xb8;
	[tilespmem:$0x1D000] =	vst v63  }
0x7a: {  	_ =	swait.ge [sflag:s26], $0x1000  }
0x7b: {  	[sflag:s26] =	ssyncset.done $0x0  }
0x7c: {  	s9 =	sadd.s32 $0x200, s8;
	[sflag:s26] =	ssyncadd.s32 $0xFFFFF000  }
0x7d: {  	[tilespmem:s16], [sflag:$0x1] =	stream.indirect.gather [hbm4b:s4+s15], $0x20, s9, s15, $0xb8;
	[tilespmem:$0x1D000] =	vst v63  }
0x7e: {  	_ =	swait.ge [sflag:s28], $0x1000  }
0x7f: {  	[sflag:s28] =	ssyncset.done $0x0  }
0x80: {  	s9 =	sadd.s32 $0x280, s8;
	[sflag:s28] =	ssyncadd.s32 $0xFFFFF000  }
0x81: {  	[tilespmem:s17], [sflag:$0x2] =	stream.indirect.gather [hbm4b:s4+s15], $0x20, s9, s15, $0xb8;
	[tilespmem:$0x1D000] =	vst v63  }
0x82: {  	_ =	swait.ge [sflag:s29], $0x1000  }
0x83: {  	[sflag:s29] =	ssyncset.done $0x0  }
.Ltmp1:
0x84: {  	s9 =	sadd.s32 $0x300, s8;
	[sflag:s29] =	ssyncadd.s32 $0xFFFFF000;
	(pc) =	sbr.rel @p0 .LBB2_4-.Ltmp1, $4  }
0x85: {  	[tilespmem:s19], [sflag:$0x3] =	stream.indirect.gather [hbm4b:s4+s15], $0x20, s9, s15, $0xb8;
	[tilespmem:$0x1D000] =	vst v63  }
0x86: {  	_ =	swait.ge [sflag:s30], $0x1000  }
0x87: {  	[sflag:s30] =	ssyncset.done $0x0  }
0x88: {  	s8 =	sadd.s32 $0x380, s8;
	[sflag:s30] =	ssyncadd.s32 $0xFFFFF000  }
0x89: {  	[tilespmem:s21], [sflag:$0x4] =	stream.indirect.gather [hbm4b:s4+s15], $0x20, s8, s15, $0xb8;
	[tilespmem:$0x1D000] =	vst v63  }
0x8a: {  	_ =	swait.ge [sflag:s22], $0x1000  }
0x8b: {  	[sflag:s22] =	ssyncset.done $0x0  }
0x8c: {  	[sflag:s22] =	ssyncadd.s32 $0xFFFFF000  }
0x8d: {  	[spmem:s2] =	stream.indirect.scatter.add.f32 [tilespmem:s16], [sflag:$0x5], $0x20, s31, s15, $0xb8;
	[tilespmem:$0x1D000] =	vst v63  }
0x8e: {  	_ =	swait.ge [sflag:s23], $0x1000  }
0x8f: {  	[sflag:s23] =	ssyncset.done $0x0  }
0x90: {  	[sflag:s23] =	ssyncadd.s32 $0xFFFFF000  }
0x91: {  	[spmem:s2] =	stream.indirect.scatter.add.f32 [tilespmem:s17], [sflag:$0x6], $0x20, s0, s15, $0xb8;
	[tilespmem:$0x1D000] =	vst v63  }
0x92: {  	_ =	swait.ge [sflag:s24], $0x1000  }
0x93: {  	[sflag:s24] =	ssyncset.done $0x0  }
0x94: {  	[sflag:s24] =	ssyncadd.s32 $0xFFFFF000  }
0x95: {  	[spmem:s2] =	stream.indirect.scatter.add.f32 [tilespmem:s19], [sflag:$0x7], $0x20, s1, s15, $0xb8;
	[tilespmem:$0x1D000] =	vst v63  }
0x96: {  	_ =	swait.ge [sflag:s25], $0x1000  }
0x97: {  	[sflag:s25] =	ssyncset.done $0x0  }
0x98: {  	[sflag:s25] =	ssyncadd.s32 $0xFFFFF000  }
0x99: {  	[spmem:s2] =	stream.indirect.scatter.add.f32 [tilespmem:s21], [sflag:$0x8], $0x20, s12, s15, $0xb8;
	[tilespmem:$0x1D000] =	vst v63  }
0x9a: {  	_ =	swait.ge [sflag:s26], $0x1000  }
0x9b: {  	[sflag:s26] =	ssyncset.done $0x0  }
0x9c: {  	[sflag:s26] =	ssyncadd.s32 $0xFFFFF000  }
0x9d: {  	_ =	swait.ge [sflag:s28], $0x1000  }
0x9e: {  	[sflag:s28] =	ssyncset.done $0x0  }
0x9f: {  	[sflag:s28] =	ssyncadd.s32 $0xFFFFF000  }
0xa0: {  	_ =	swait.ge [sflag:s29], $0x1000  }
0xa1: {  	[sflag:s29] =	ssyncset.done $0x0  }
0xa2: {  	[sflag:s29] =	ssyncadd.s32 $0xFFFFF000  }
0xa3: {  	_ =	swait.ge [sflag:s30], $0x1000  }
0xa4: {  	[sflag:s30] =	ssyncset.done $0x0  }
0xa5: {  	[sflag:s30] =	ssyncadd.s32 $0xFFFFF000  }
0xa6: {  	[bflag:$0x0] =	sbarrier.arrive $0xFFFF  }
0xa7: {  	s7 =	rddreg [dreg:$0x5]  }
0xa8: {  	[hbm:s7@s3], [sflag:s13] =	dma.strided [spmem:s14@s25], $0x1900, s22, $0x4   }
0xa9: {  	_ =	swait.ge [sflag:s11], $0x1900  }
0xaa: {  	[sflag:s11] =	ssyncset.done $0x0  }
0xab: {  	[sflag:s11] =	ssyncadd.s32 $0xFFFFE700  }
0xac: {  	s7 =	simm.s32 $0x70;
	[bflag:$0x0] =	sbarrier.arrive $0xFFFF  }
0xad: {  	v3 =	vld [tilespmem:s7+$0xFFFFFF90]  }
0xae: {  	v5 =	vld [tilespmem:s7+$0xFFFFFFA0]  }
0xaf: {  	v4 =	vld [tilespmem:s7+$0xFFFFFFB0]  }
0xb0: {  	v2 =	vld [tilespmem:s7+$0xFFFFFFC0]  }
0xb1: {  	v1 =	vld [tilespmem:s7+$0xFFFFFFD0]  }
0xb2: {  	s8 =	simm.s32 $0x3C0;
	v6 =	vadd.s32 $0x1, v3;
	v3 =	vld [tilespmem:s7+$0xFFFFFFE0]  }
.LBB2_6:
0xb3: {  	p0 =	sne.s32 s8, $0x18FC0;
	[tilespmem:s7+$0xFFFFFF90] =	vst v6;
	v5 =	vadd.s32 $0x1, v5;
	v6 =	vld [tilespmem:s7+$0x0]  }
0xb4: {  	s9 =	sshra.s32 s8, $0x2;
	[tilespmem:s7+$0xFFFFFFA0] =	vst v5;
	v4 =	vadd.s32 $0x1, v4;
	v7 =	vld [tilespmem:s7+$0xFFFFFFF0]  }
0xb5: {  	v8 =	vld [tilespmem:s9+$0xFFFFFF90];
	[tilespmem:s7+$0xFFFFFFB0] =	vst v4;
	v2 =	vadd.s32 $0x1, v2  }
.Ltmp2:
0xb6: {  	v5 =	vld [tilespmem:s9+$0xFFFFFFA0];
	[tilespmem:s7+$0xFFFFFFC0] =	vst v2;
	v1 =	vadd.s32 $0x1, v1;
	(pc) =	sbr.rel @p0 .LBB2_6-.Ltmp2, $4  }
0xb7: {  	v4 =	vld [tilespmem:s9+$0xFFFFFFB0];
	[tilespmem:s7+$0xFFFFFFD0] =	vst v1;
	v1 =	vadd.s32 $0x1, v3  }
0xb8: {  	v2 =	vld [tilespmem:s9+$0xFFFFFFC0];
	[tilespmem:s7+$0xFFFFFFE0] =	vst v1;
	v3 =	vadd.s32 $0x1, v6  }
0xb9: {  	v1 =	vld [tilespmem:s9+$0xFFFFFFD0];
	v7 =	vadd.s32 $0x1, v7;
	[tilespmem:s7+$0x0] =	vst v3  }
0xba: {  	s8 =	sadd.s32 $0x200, s8;
	v6 =	vadd.s32 $0x1, v8;
	v3 =	vld [tilespmem:s9+$0xFFFFFFE0];
	[tilespmem:s7+$0xFFFFFFF0] =	vst v7;
	s7 =	smov.u32 s9  }
0xbb: {  	[tilespmem:s7+$0xFFFFFF90] =	vst v6;
	v5 =	vadd.s32 $0x1, v5;
	v62 =	vld [tilespmem:s7+$0x0]  }
0xbc: {  	v63 =	vld [tilespmem:s7+$0xFFFFFFF0];
	[tilespmem:s7+$0xFFFFFFA0] =	vst v5;
	v4 =	vadd.s32 $0x1, v4  }
0xbd: {  	[tilespmem:s7+$0xFFFFFFB0] =	vst v4;
	v2 =	vadd.s32 $0x1, v2  }
0xbe: {  	[tilespmem:s7+$0xFFFFFFC0] =	vst v2;
	v1 =	vadd.s32 $0x1, v1  }
0xbf: {  	[tilespmem:s7+$0xFFFFFFD0] =	vst v1;
	v1 =	vadd.s32 $0x1, v3  }
0xc0: {  	[tilespmem:s7+$0xFFFFFFE0] =	vst v1;
	v1 =	vadd.s32 $0x1, v62  }
0xc1: {  	v2 =	vadd.s32 $0x1, v63;
	[tilespmem:s7+$0x0] =	vst v1  }
0xc2: {  	[tilespmem:s7+$0xFFFFFFF0] =	vst v2  }
0xc3: {  	[spmem:s14], [sflag:s13] =	dma.local [hbm:s5], $0x1900  }
0xc4: {  	_ =	swait.ge [sflag:s11], $0x1900  }
0xc5: {  	[sflag:s11] =	ssyncset.done $0x0  }
0xc6: {  	[sflag:s11] =	ssyncadd.s32 $0xFFFFE700  }
0xc7: {  	s8 =	simm.s32 $0x0;
	[bflag:$0x0] =	sbarrier.arrive $0xFFFF  }
0xc8: {  	[tilespmem:s16], [sflag:$0x1] =	stream.indirect.gather [hbm4b:s4+s15], $0x20, s8, s15, $0xb8;
	[tilespmem:$0x1D000] =	vst v63  }
0xc9: {  	_ = 	snop  }
0xca: {  	[tilespmem:s17], [sflag:$0x2] =	stream.indirect.gather [hbm4b:s4+s15], $0x20, s15, s15, $0xb8;
	[tilespmem:$0x1D000] =	vst v63  }
0xcb: {  	_ = 	snop  }
0xcc: {  	[tilespmem:s19], [sflag:$0x3] =	stream.indirect.gather [hbm4b:s4+s15], $0x20, s18, s15, $0xb8;
	[tilespmem:$0x1D000] =	vst v63  }
0xcd: {  	_ = 	snop  }
0xce: {  	[tilespmem:s21], [sflag:$0x4] =	stream.indirect.gather [hbm4b:s4+s15], $0x20, s20, s15, $0xb8;
	[tilespmem:$0x1D000] =	vst v63  }
0xcf: {  	_ =	swait.ge [sflag:s22], $0x1000  }
0xd0: {  	[sflag:s22] =	ssyncset.done $0x0  }
0xd1: {  	s9 =	simm.s32 $0x6400;
	[sflag:s22] =	ssyncadd.s32 $0xFFFFF000  }
0xd2: {  	[spmem:s2] =	stream.indirect.scatter.add.f32 [tilespmem:s16], [sflag:$0x5], $0x20, s9, s15, $0xb8;
	[tilespmem:$0x1D000] =	vst v63  }
0xd3: {  	_ =	swait.ge [sflag:s23], $0x1000  }
0xd4: {  	[sflag:s23] =	ssyncset.done $0x0  }
0xd5: {  	s8 =	simm.s32 $0x6480;
	[sflag:s23] =	ssyncadd.s32 $0xFFFFF000  }
0xd6: {  	[spmem:s2] =	stream.indirect.scatter.add.f32 [tilespmem:s17], [sflag:$0x6], $0x20, s8, s15, $0xb8;
	[tilespmem:$0x1D000] =	vst v63  }
0xd7: {  	_ =	swait.ge [sflag:s24], $0x1000  }
0xd8: {  	[sflag:s24] =	ssyncset.done $0x0  }
0xd9: {  	s9 =	simm.s32 $0x6500;
	[sflag:s24] =	ssyncadd.s32 $0xFFFFF000  }
0xda: {  	[spmem:s2] =	stream.indirect.scatter.add.f32 [tilespmem:s19], [sflag:$0x7], $0x20, s9, s15, $0xb8;
	[tilespmem:$0x1D000] =	vst v63  }
0xdb: {  	_ =	swait.ge [sflag:s25], $0x1000  }
0xdc: {  	[sflag:s25] =	ssyncset.done $0x0  }
0xdd: {  	s8 =	simm.s32 $0x6580;
	[sflag:s25] =	ssyncadd.s32 $0xFFFFF000  }
0xde: {  	[spmem:s2] =	stream.indirect.scatter.add.f32 [tilespmem:s21], [sflag:$0x8], $0x20, s8, s15, $0xb8;
	[tilespmem:$0x1D000] =	vst v63  }
0xdf: {  	_ =	swait.ge [sflag:s26], $0x1000  }
0xe0: {  	[sflag:s26] =	ssyncset.done $0x0  }
0xe1: {  	s9 =	simm.s32 $0x200;
	[sflag:s26] =	ssyncadd.s32 $0xFFFFF000  }
0xe2: {  	[tilespmem:s16], [sflag:$0x1] =	stream.indirect.gather [hbm4b:s4+s15], $0x20, s9, s15, $0xb8;
	[tilespmem:$0x1D000] =	vst v63  }
0xe3: {  	_ =	swait.ge [sflag:s28], $0x1000  }
0xe4: {  	[sflag:s28] =	ssyncset.done $0x0  }
0xe5: {  	s8 =	simm.s32 $0x280;
	[sflag:s28] =	ssyncadd.s32 $0xFFFFF000  }
0xe6: {  	[tilespmem:s17], [sflag:$0x2] =	stream.indirect.gather [hbm4b:s4+s15], $0x20, s8, s15, $0xb8;
	[tilespmem:$0x1D000] =	vst v63  }
0xe7: {  	_ =	swait.ge [sflag:s29], $0x1000  }
0xe8: {  	[sflag:s29] =	ssyncset.done $0x0  }
0xe9: {  	s9 =	simm.s32 $0x300;
	[sflag:s29] =	ssyncadd.s32 $0xFFFFF000  }
0xea: {  	[tilespmem:s19], [sflag:$0x3] =	stream.indirect.gather [hbm4b:s4+s15], $0x20, s9, s15, $0xb8;
	[tilespmem:$0x1D000] =	vst v63  }
0xeb: {  	_ =	swait.ge [sflag:s30], $0x1000  }
0xec: {  	[sflag:s30] =	ssyncset.done $0x0  }
0xed: {  	s7 =	simm.s32 $0x800;
	s8 =	simm.s32 $0x380;
	[sflag:s30] =	ssyncadd.s32 $0xFFFFF000  }
.LBB2_8:
0xee: {  	[tilespmem:s21], [sflag:$0x4] =	stream.indirect.gather [hbm4b:s4+s15], $0x20, s8, s15, $0xb8;
	[tilespmem:$0x1D000] =	vst v63  }
0xef: {  	s8 =	smov.u32 s7  }
0xf0: {  	p0 =	sne.s32 s7, $0x18000;
	s7 =	sadd.s32 $0x800, s7;
	_ =	swait.ge [sflag:s22], $0x1000  }
0xf1: {  	s8 =	sshra.s32 s8, $0x2;
	[sflag:s22] =	ssyncset.done $0x0  }
0xf2: {  	s9 =	sadd.s32 $0x6400, s8;
	[sflag:s22] =	ssyncadd.s32 $0xFFFFF000  }
0xf3: {  	[spmem:s2] =	stream.indirect.scatter.add.f32 [tilespmem:s16], [sflag:$0x5], $0x20, s9, s15, $0xb8;
	[tilespmem:$0x1D000] =	vst v63  }
0xf4: {  	_ =	swait.ge [sflag:s23], $0x1000  }
0xf5: {  	[sflag:s23] =	ssyncset.done $0x0  }
0xf6: {  	s9 =	sadd.s32 $0x6480, s8;
	[sflag:s23] =	ssyncadd.s32 $0xFFFFF000  }
0xf7: {  	[spmem:s2] =	stream.indirect.scatter.add.f32 [tilespmem:s17], [sflag:$0x6], $0x20, s9, s15, $0xb8;
	[tilespmem:$0x1D000] =	vst v63  }
0xf8: {  	_ =	swait.ge [sflag:s24], $0x1000  }
0xf9: {  	[sflag:s24] =	ssyncset.done $0x0  }
0xfa: {  	s9 =	sadd.s32 $0x6500, s8;
	[sflag:s24] =	ssyncadd.s32 $0xFFFFF000  }
0xfb: {  	[spmem:s2] =	stream.indirect.scatter.add.f32 [tilespmem:s19], [sflag:$0x7], $0x20, s9, s15, $0xb8;
	[tilespmem:$0x1D000] =	vst v63  }
0xfc: {  	_ =	swait.ge [sflag:s25], $0x1000  }
0xfd: {  	[sflag:s25] =	ssyncset.done $0x0  }
0xfe: {  	s9 =	sadd.s32 $0x6580, s8;
	[sflag:s25] =	ssyncadd.s32 $0xFFFFF000  }
0xff: {  	[spmem:s2] =	stream.indirect.scatter.add.f32 [tilespmem:s21], [sflag:$0x8], $0x20, s9, s15, $0xb8;
	[tilespmem:$0x1D000] =	vst v63  }
0x100: {  	_ =	swait.ge [sflag:s26], $0x1000  }
0x101: {  	[sflag:s26] =	ssyncset.done $0x0  }
0x102: {  	s9 =	sadd.s32 $0x200, s8;
	[sflag:s26] =	ssyncadd.s32 $0xFFFFF000  }
0x103: {  	[tilespmem:s16], [sflag:$0x1] =	stream.indirect.gather [hbm4b:s4+s15], $0x20, s9, s15, $0xb8;
	[tilespmem:$0x1D000] =	vst v63  }
0x104: {  	_ =	swait.ge [sflag:s28], $0x1000  }
0x105: {  	[sflag:s28] =	ssyncset.done $0x0  }
0x106: {  	s9 =	sadd.s32 $0x280, s8;
	[sflag:s28] =	ssyncadd.s32 $0xFFFFF000  }
0x107: {  	[tilespmem:s17], [sflag:$0x2] =	stream.indirect.gather [hbm4b:s4+s15], $0x20, s9, s15, $0xb8;
	[tilespmem:$0x1D000] =	vst v63  }
0x108: {  	_ =	swait.ge [sflag:s29], $0x1000  }
0x109: {  	[sflag:s29] =	ssyncset.done $0x0  }
.Ltmp3:
0x10a: {  	s9 =	sadd.s32 $0x300, s8;
	[sflag:s29] =	ssyncadd.s32 $0xFFFFF000;
	(pc) =	sbr.rel @p0 .LBB2_8-.Ltmp3, $4  }
0x10b: {  	[tilespmem:s19], [sflag:$0x3] =	stream.indirect.gather [hbm4b:s4+s15], $0x20, s9, s15, $0xb8;
	[tilespmem:$0x1D000] =	vst v63  }
0x10c: {  	_ =	swait.ge [sflag:s30], $0x1000  }
0x10d: {  	[sflag:s30] =	ssyncset.done $0x0  }
0x10e: {  	s8 =	sadd.s32 $0x380, s8;
	[sflag:s30] =	ssyncadd.s32 $0xFFFFF000  }
0x10f: {  	[tilespmem:s21], [sflag:$0x4] =	stream.indirect.gather [hbm4b:s4+s15], $0x20, s8, s15, $0xb8;
	[tilespmem:$0x1D000] =	vst v63  }
0x110: {  	_ =	swait.ge [sflag:s22], $0x1000  }
0x111: {  	[sflag:s22] =	ssyncset.done $0x0  }
0x112: {  	[sflag:s22] =	ssyncadd.s32 $0xFFFFF000  }
0x113: {  	[spmem:s2] =	stream.indirect.scatter.add.f32 [tilespmem:s16], [sflag:$0x5], $0x20, s31, s15, $0xb8;
	[tilespmem:$0x1D000] =	vst v63  }
0x114: {  	_ =	swait.ge [sflag:s23], $0x1000  }
0x115: {  	[sflag:s23] =	ssyncset.done $0x0  }
0x116: {  	[sflag:s23] =	ssyncadd.s32 $0xFFFFF000  }
0x117: {  	[spmem:s2] =	stream.indirect.scatter.add.f32 [tilespmem:s17], [sflag:$0x6], $0x20, s0, s15, $0xb8;
	[tilespmem:$0x1D000] =	vst v63  }
0x118: {  	_ =	swait.ge [sflag:s24], $0x1000  }
0x119: {  	[sflag:s24] =	ssyncset.done $0x0  }
0x11a: {  	[sflag:s24] =	ssyncadd.s32 $0xFFFFF000  }
0x11b: {  	[spmem:s2] =	stream.indirect.scatter.add.f32 [tilespmem:s19], [sflag:$0x7], $0x20, s1, s15, $0xb8;
	[tilespmem:$0x1D000] =	vst v63  }
0x11c: {  	_ =	swait.ge [sflag:s25], $0x1000  }
0x11d: {  	[sflag:s25] =	ssyncset.done $0x0  }
0x11e: {  	[sflag:s25] =	ssyncadd.s32 $0xFFFFF000  }
0x11f: {  	[spmem:s2] =	stream.indirect.scatter.add.f32 [tilespmem:s21], [sflag:$0x8], $0x20, s12, s15, $0xb8;
	[tilespmem:$0x1D000] =	vst v63  }
0x120: {  	_ =	swait.ge [sflag:s26], $0x1000  }
0x121: {  	[sflag:s26] =	ssyncset.done $0x0  }
0x122: {  	[sflag:s26] =	ssyncadd.s32 $0xFFFFF000  }
0x123: {  	_ =	swait.ge [sflag:s28], $0x1000  }
0x124: {  	[sflag:s28] =	ssyncset.done $0x0  }
0x125: {  	[sflag:s28] =	ssyncadd.s32 $0xFFFFF000  }
0x126: {  	_ =	swait.ge [sflag:s29], $0x1000  }
0x127: {  	[sflag:s29] =	ssyncset.done $0x0  }
0x128: {  	[sflag:s29] =	ssyncadd.s32 $0xFFFFF000  }
0x129: {  	_ =	swait.ge [sflag:s30], $0x1000  }
0x12a: {  	[sflag:s30] =	ssyncset.done $0x0  }
0x12b: {  	s6 =	sadd.s32 $0x1, s6;
	[sflag:s30] =	ssyncadd.s32 $0xFFFFF000  }
0x12c: {  	p0 =	sne.s32 s6, s10;
	[bflag:$0x0] =	sbarrier.arrive $0xFFFF  }
.Ltmp4:
0x12d: {  	s7 =	rddreg [dreg:$0x6];
	(pc) =	sbr.rel @p0 .LBB2_1-.Ltmp4, $4  }
0x12e: {  	[hbm:s7@s3], [sflag:s13] =	dma.strided [spmem:s14@s25], $0x1900, s22, $0x4   }
0x12f: {  	_ =	swait.ge [sflag:s11], $0x1900  }
0x130: {  	[sflag:s11] =	ssyncset.done $0x0  }
0x131: {  	[sflag:s11] =	ssyncadd.s32 $0xFFFFE700  }
0x132: {  	_ =	sfence.sel $0x180000  }
0x133: {  	[bflag:$0x0] =	sbarrier.arrive $0xFFFF  }
0x134: {  	_ =	strace $0x9000004A  }
0x135: {  	s0 =	stileid.u32;
	[bflag:$0x2] =	sbarrier.arrive $0xFFFF  }
0x136: {  	p0 =	sne.s32 s0, $0x0;
	s0 =	rddreg [dreg:$0x2]  }
0x137: {  	s0 =	sadd.s32 @!p0 $0x100000, s0  }
0x138: {  	[sflag:s0] =	ssyncadd.tile.s32 @!p0 $0x1;
	_ =	shalt  }
.Lfunc_end2:
_tile_overlayer_lowered:
.L_overlay_start_2:
0x139: {  	(tag) =	ssettag $0x2  }
0x13a: {  	s0 =	rddreg [dreg:$0x0];
	s2 =	stileid.u32  }
0x13b: {  	s1 =	rddreg [dreg:$0x1];
	p0 =	sne.s32 s2, $0x0  }
0x13c: {  	s3 =	rddreg [dreg:$0x2];
	[bflag:$0x3] =	sbarrier.arrive $0xFFFF;
	s2 =	simm.s32 @!p0 $0x1C09  }
0x13d: {  	[timem:s3], [sflag:s2] =	dma.local @!p0 [hbm:s0], s1  }
0x13e: {  	s0 =	simm.s32 @!p0 $0x9  }
0x13f: {  	_ =	swait.ge @!p0 [sflag:s0], s1  }
0x140: {  	s1 =	ssub.s32 @!p0 $0x0, s1;
	[sflag:s0] =	ssyncset.done @!p0 $0x0  }
0x141: {  	[sflag:s0] =	ssyncadd.s32 @!p0 s1  }
0x142: {  	[bflag:$0x3] =	sbarrier.arrive $0xFFFF  }
0x143: {  	_ =	shalt  }

</sc_bundles>
